<compile_context>
chip_gen: v7x
topology: tpu7x:2x2x1
jax: 0.10.2.dev20260603
libtpu: 0.0.44.dev20260713+nightly
codegen_flags: <defaults>
</compile_context>

<pallas_src>
import functools

import jax
import jax.numpy as jnp
from jax import lax
from jax.experimental import pallas as pl
from jax.experimental.pallas import tpu as pltpu
from jax.experimental.pallas import tpu_sc as plsc

TL = 0.5
TH = 2.0
MIN_E = 1
BLK = 512
BLKR = 512

def _router_body(bd2_ref, x_ref, wd1_ref, bd1_ref, wd2_ref, wg_ref, bg_ref,
                 w_ref, mask_ref, pos_ref, carry_ref):
    E = w_ref.shape[1]

    @pl.when(pl.program_id(0) == 0)
    def _():
        carry_ref[...] = jnp.zeros_like(carry_ref)

    xb = x_ref[...]
    h = jnp.dot(xb, wd1_ref[...], preferred_element_type=jnp.float32)
    h = jnp.maximum(h + bd1_ref[...], 0.0)
    zent = jnp.dot(h, wd2_ref[...],
                   preferred_element_type=jnp.float32)[:, :1] + bd2_ref[0]
    ent = jnp.maximum(zent, 0.0) + jnp.log1p(jnp.exp(-jnp.abs(zent)))
    ne = jnp.clip((ent - TL) / (TH - TL), 0.0, 1.0)
    kk = jnp.clip(jnp.round(MIN_E + ne * (E - MIN_E)), float(MIN_E), float(E))

    logits = jnp.dot(xb, wg_ref[...], preferred_element_type=jnp.float32)
    logits = logits + bg_ref[...]
    lane = jax.lax.broadcasted_iota(jnp.int32, logits.shape, 1)
    rank = jnp.zeros_like(logits)
    for ep in range(E):
        lep = logits[:, ep:ep + 1]
        rank += (lep > logits).astype(jnp.float32)
        rank += jnp.logical_and(lep == logits, ep < lane).astype(jnp.float32)
    mask = rank < kk
    z = jnp.where(mask, logits, -1e30)
    zmax = jnp.max(z, axis=1, keepdims=True)
    p = jnp.exp(z - zmax)
    w = jnp.where(mask, p / jnp.sum(p, axis=1, keepdims=True), 0.0)

    maskf = mask.astype(jnp.float32)
    n = xb.shape[0]
    r_iota = jax.lax.broadcasted_iota(jnp.int32, (n, n), 0)
    c_iota = jax.lax.broadcasted_iota(jnp.int32, (n, n), 1)
    tri = (c_iota < r_iota).astype(jnp.float32)
    pos_excl = jnp.dot(tri, maskf, preferred_element_type=jnp.float32)
    pos = carry_ref[...] + pos_excl
    carry_ref[...] += jnp.sum(maskf, axis=0, keepdims=True)

    w_ref[...] = w
    mask_ref[...] = mask.astype(jnp.int32)
    pos_ref[...] = pos.astype(jnp.int32)


def _router(xf, Wd1, bd1, Wd2, bd2, Wg, bg):
    T, D = xf.shape
    D2 = Wd1.shape[1]
    E = Wg.shape[1]
    grid = (T // BLK,)
    call = pl.pallas_call(
        _router_body,
        grid_spec=pltpu.PrefetchScalarGridSpec(
            num_scalar_prefetch=1,
            grid=grid,
            in_specs=[
                pl.BlockSpec((BLK, D), lambda i, s: (i, 0)),
                pl.BlockSpec((D, D2), lambda i, s: (0, 0)),
                pl.BlockSpec((1, D2), lambda i, s: (0, 0)),
                pl.BlockSpec((D2, 128), lambda i, s: (0, 0)),
                pl.BlockSpec((D, E), lambda i, s: (0, 0)),
                pl.BlockSpec((1, E), lambda i, s: (0, 0)),
            ],
            out_specs=[
                pl.BlockSpec((BLK, E), lambda i, s: (i, 0)),
                pl.BlockSpec((BLK, E), lambda i, s: (i, 0)),
                pl.BlockSpec((BLK, E), lambda i, s: (i, 0)),
            ],
            scratch_shapes=[pltpu.VMEM((1, E), jnp.float32)],
        ),
        out_shape=[
            jax.ShapeDtypeStruct((T, E), jnp.float32),
            jax.ShapeDtypeStruct((T, E), jnp.int32),
            jax.ShapeDtypeStruct((T, E), jnp.int32),
        ],
    )
    wd2p = jnp.pad(Wd2.reshape(D2, 1), ((0, 0), (0, 127)))
    return call(bd2, xf, Wd1, bd1.reshape(1, D2), wd2p, Wg, bg.reshape(1, E))


def _ffn_body(nb_ref, xs_ref, we1_ref, be1_ref, we2_ref, be2_ref, ys_ref):
    b = pl.program_id(1)

    @pl.when(b < nb_ref[pl.program_id(0)])
    def _():
        xb = xs_ref[...].astype(jnp.bfloat16)
        h = jnp.dot(xb, we1_ref[0], preferred_element_type=jnp.float32)
        h = jnp.maximum(h + be1_ref[0], 0.0).astype(jnp.bfloat16)
        o = jnp.dot(h, we2_ref[0], preferred_element_type=jnp.float32)
        ys_ref[...] = o + be2_ref[0]


def _ffn(xs, We1b, be1, We2b, be2, nb, T):
    E, D, F = We1b.shape
    nbmax = T // BLKR

    def xs_map(e, b, nb):
        blk = jnp.maximum(jnp.minimum(b, nb[e] - 1), 0)
        return (e * nbmax + blk, 0)

    return pl.pallas_call(
        _ffn_body,
        grid_spec=pltpu.PrefetchScalarGridSpec(
            num_scalar_prefetch=1,
            grid=(E, nbmax),
            in_specs=[
                pl.BlockSpec((BLKR, D), xs_map),
                pl.BlockSpec((1, D, F), lambda e, b, nb: (e, 0, 0)),
                pl.BlockSpec((1, 1, F), lambda e, b, nb: (e, 0, 0)),
                pl.BlockSpec((1, F, D), lambda e, b, nb: (e, 0, 0)),
                pl.BlockSpec((1, 1, D), lambda e, b, nb: (e, 0, 0)),
            ],
            out_specs=pl.BlockSpec((BLKR, D), xs_map),
        ),
        out_shape=jax.ShapeDtypeStruct((E * T, D), jnp.float32),
    )(nb, xs, We1b, be1.reshape(E, 1, F), We2b, be2.reshape(E, 1, D))


def _dispatch_sc(x, mask8, pos8, bounds, T, E, D):
    QT = T // 4
    CH = 32
    mesh = plsc.VectorSubcoreMesh(core_axis_name="c", subcore_axis_name="s")

    @functools.partial(
        pl.kernel,
        out_type=jax.ShapeDtypeStruct((E * T + 16, D), jnp.float32),
        mesh=mesh,
        compiler_params=pltpu.CompilerParams(needs_layout_passes=False),
        scratch_types=[
            pltpu.VMEM((QT * E,), jnp.int32),
            pltpu.VMEM((QT * E,), jnp.int32),
            pltpu.VMEM((QT + CH,), jnp.int32),
            pltpu.VMEM((80,), jnp.int32),
            pltpu.VMEM((2, 1, CH), jnp.int32),
            pltpu.VMEM((2, CH, D), jnp.float32),
            pltpu.SemaphoreType.DMA,
            pltpu.SemaphoreType.DMA,
            pltpu.SemaphoreType.DMA,
            pltpu.SemaphoreType.DMA,
        ],
    )
    def body(mask8_hbm, pos8_hbm, bounds_hbm, x_hbm, xs_hbm,
             mslab, pslab, ids, bnd, dstv, rows, gs0, gs1, ss0, ss1):
        wid = lax.axis_index("s") * 2 + lax.axis_index("c")
        e = wid % E
        q = wid // E
        lanes = lax.iota(jnp.int32, 16)

        pltpu.sync_copy(bounds_hbm, bnd)
        lo = bnd[pl.ds(wid, 16)][0]
        cnt = bnd[pl.ds(32 + wid, 16)][0] - lo

        pltpu.sync_copy(mask8_hbm.at[pl.ds(q * QT * E, QT * E)], mslab)
        pltpu.sync_copy(pos8_hbm.at[pl.ds(q * QT * E, QT * E)], pslab)

        def scan_body(i, _):
            gidx = (i * 16 + lanes) * E + e
            mv = plsc.load_gather(mslab, [gidx]) != 0
            pv = plsc.load_gather(pslab, [gidx]) - lo
            tv = q * QT + i * 16 + lanes
            plsc.store_scatter(ids, [pv], tv, mask=mv)
            return 0

        lax.fori_loop(0, QT // 16, scan_body, 0)

        for k in range(CH // 16):
            ids[pl.ds(cnt + k * 16, 16)] = q * QT + k * 16 + lanes

        gsems = (gs0, gs1)
        ssems = (ss0, ss1)
        nch = (cnt + CH - 1) // CH

        def fire_gather(c, buf):
            pltpu.async_copy(x_hbm.at[ids.at[pl.ds(c * CH, CH)]],
                             rows.at[buf], gsems[buf])

        def wait_scatter(buf):
            pltpu.make_async_copy(rows.at[buf], xs_hbm.at[dstv.at[buf].at[0]],
                                  ssems[buf]).wait()

        @pl.when(nch > 0)
        def _():
            fire_gather(0, 0)

        def process(c, buf):
            @pl.when(c >= 1)
            def _():
                wait_scatter(1 - buf)

            @pl.when(c + 1 < nch)
            def _():
                fire_gather(c + 1, 1 - buf)

            pltpu.make_async_copy(x_hbm.at[ids.at[pl.ds(c * CH, CH)]],
                                  rows.at[buf], gsems[buf]).wait()
            for k in range(CH // 16):
                j = c * CH + k * 16 + lanes
                dst = jnp.where(j < cnt, e * T + lo + j, E * T + lanes)
                dstv[buf, 0, pl.ds(k * 16, 16)] = dst
            pltpu.async_copy(rows.at[buf], xs_hbm.at[dstv.at[buf].at[0]],
                             ssems[buf])

        def pair_body(p, _):
            for b in (0, 1):
                c = p * 2 + b

                @pl.when(c < nch)
                def _(c=c, b=b):
                    process(c, b)
            return 0

        lax.fori_loop(0, (nch + 1) // 2, pair_body, 0)

        @pl.when(jnp.logical_and(nch > 0, (nch - 1) % 2 == 0))
        def _():
            wait_scatter(0)

        @pl.when(jnp.logical_and(nch > 0, (nch - 1) % 2 == 1))
        def _():
            wait_scatter(1)

    return body(mask8, pos8, bounds, x)


def _combine_sc(ys, w8, mask8, pos8, T, E, D):
    NW = 32
    G = 4
    PT = T // NW
    mesh = plsc.VectorSubcoreMesh(core_axis_name="c", subcore_axis_name="s")

    @functools.partial(
        pl.kernel,
        out_type=jax.ShapeDtypeStruct((T, D), jnp.float32),
        mesh=mesh,
        compiler_params=pltpu.CompilerParams(needs_layout_passes=False),
        scratch_types=[
            pltpu.VMEM((PT * E,), jnp.float32),
            pltpu.VMEM((PT * E,), jnp.int32),
            pltpu.VMEM((PT * E,), jnp.int32),
            pltpu.VMEM((2, 1, G * E), jnp.int32),
            pltpu.VMEM((2, G * E, D), jnp.float32),
            pltpu.VMEM((G, D), jnp.float32),
            pltpu.SemaphoreType.DMA,
            pltpu.SemaphoreType.DMA,
        ],
    )
    def body(ys_hbm, w8_hbm, mask8_hbm, pos8_hbm, out_hbm,
             wbuf, mbuf, pbuf, idxv, rows, obuf, sem0, sem1):
        wid = lax.axis_index("s") * 2 + lax.axis_index("c")
        t0w = wid * PT
        lanes = lax.iota(jnp.int32, 16)
        e16 = lanes & (E - 1)
        sems = (sem0, sem1)
        ngrp = PT // G

        pltpu.sync_copy(w8_hbm.at[pl.ds(t0w * E, PT * E)], wbuf)
        pltpu.sync_copy(mask8_hbm.at[pl.ds(t0w * E, PT * E)], mbuf)
        pltpu.sync_copy(pos8_hbm.at[pl.ds(t0w * E, PT * E)], pbuf)

        def fire(g, buf):
            for c in range(G * E // 16):
                p16 = pbuf[pl.ds(g * G * E + c * 16, 16)]
                slot = e16 * T + jnp.minimum(p16, T - 1)
                idxv[buf, 0, pl.ds(c * 16, 16)] = slot
            pltpu.async_copy(ys_hbm.at[idxv.at[buf].at[0]], rows.at[buf],
                             sems[buf])

        def consume(g, buf):
            pltpu.make_async_copy(ys_hbm.at[idxv.at[buf].at[0]],
                                  rows.at[buf], sems[buf]).wait()
            for i in range(G):
                wsel = []
                for e in range(E):
                    m_s = mbuf[pl.ds((g * G + i) * E + e, 16)][0]
                    w_s = wbuf[pl.ds((g * G + i) * E + e, 16)][0]
                    wsel.append((jnp.broadcast_to(m_s != 0, (16,)), w_s))

                def acc_body(k, _, i=i, buf=buf, wsel=wsel):
                    acc = jnp.zeros((16,), jnp.float32)
                    for e in range(E):
                        v = rows[buf, i * E + e, pl.ds(k * 16, 16)]
                        acc = acc + jnp.where(wsel[e][0], wsel[e][1] * v, 0.0)
                    obuf[i, pl.ds(k * 16, 16)] = acc
                    return 0

                lax.fori_loop(0, D // 16, acc_body, 0)
            pltpu.sync_copy(obuf, out_hbm.at[pl.ds(t0w + g * G, G)])

        fire(0, 0)

        def pair_body(p, _):
            g0 = p * 2

            @pl.when(g0 + 1 < ngrp)
            def _():
                fire(g0 + 1, 1)

            consume(g0, 0)

            @pl.when(g0 + 2 < ngrp)
            def _():
                fire(g0 + 2, 0)

            @pl.when(g0 + 1 < ngrp)
            def _():
                consume(g0 + 1, 1)

            return 0

        lax.fori_loop(0, (ngrp + 1) // 2, pair_body, 0)

    return body(ys, w8, mask8, pos8)


def kernel(x, Wd1, bd1, Wd2, bd2, Wg, bg, We1, be1, We2, be2):
    B, N, D = x.shape
    T = B * N
    E = Wg.shape[1]
    xf = x.reshape(T, D)

    w, mask, pos = _router(xf, Wd1, bd1, Wd2, bd2, Wg, bg)

    counts = pos[-1] + mask[-1]
    nb = (counts + BLKR - 1) // BLKR

    qlo = pos[::T // 4, :]
    qhi = jnp.concatenate([qlo[1:], counts[None, :]], axis=0)
    bounds = jnp.concatenate(
        [qlo.reshape(-1), qhi.reshape(-1),
         jnp.zeros((16,), jnp.int32)]).astype(jnp.int32)
    xs = _dispatch_sc(xf, mask.reshape(-1), pos.reshape(-1), bounds, T, E, D)

    ys = _ffn(xs, We1.astype(jnp.bfloat16), be1,
              We2.astype(jnp.bfloat16), be2, nb, T)

    out = _combine_sc(ys, w.reshape(-1), mask.reshape(-1), pos.reshape(-1),
                      T, E, D)
    return out.reshape(B, N, D)

# --- scband reference (transcript-rebuilt; emitter-appended) ---
"""Pipeline reference for scband-conditional-mo-ewith-load-balancing-48421461295382 (READ-ONLY COPY).

The authoritative reference and input builder live on the scoring server;
editing this copy changes nothing except your own understanding.
"""

import jax, jax.numpy as jnp
import numpy as np

D = 1024
E = 8
MIN_E = 1
TL = 0.5
TH = 2.0
B = 2
N = 2048


def setup_inputs(seed: int = 0) -> dict:
    key = jax.random.key(seed)
    ks = jax.random.split(key, 8)
    x = jax.random.normal(ks[0], (B, N, D), dtype=jnp.float32)
    # difficulty predictor: Linear(D, D//2) -> ReLU -> Linear(D//2, 1) -> Softplus
    Wd1 = jax.random.normal(ks[1], (D, D // 2), dtype=jnp.float32) * (1.0 / np.sqrt(D))
    bd1 = jnp.zeros((D // 2,), dtype=jnp.float32)
    Wd2 = jax.random.normal(ks[2], (D // 2, 1), dtype=jnp.float32) * (1.0 / np.sqrt(D // 2))
    bd2 = jnp.zeros((1,), dtype=jnp.float32)
    # gating network: Linear(D, E)
    Wg = jax.random.normal(ks[3], (D, E), dtype=jnp.float32) * (1.0 / np.sqrt(D))
    bg = jnp.zeros((E,), dtype=jnp.float32)
    # experts: per expert Linear(D, 2D) -> ReLU -> Linear(2D, D) (dropout_p=0.0 -> identity)
    We1 = jax.random.normal(ks[4], (E, D, 2 * D), dtype=jnp.float32) * (1.0 / np.sqrt(D))
    be1 = jnp.zeros((E, 2 * D), dtype=jnp.float32)
    We2 = jax.random.normal(ks[5], (E, 2 * D, D), dtype=jnp.float32) * (1.0 / np.sqrt(2 * D))
    be2 = jnp.zeros((E, D), dtype=jnp.float32)
    return {"x": x, "Wd1": Wd1, "bd1": bd1, "Wd2": Wd2, "bd2": bd2,
            "Wg": Wg, "bg": bg, "We1": We1, "be1": be1, "We2": We2, "be2": be2}


def reference(x, Wd1, bd1, Wd2, bd2, Wg, bg, We1, be1, We2, be2):
    Bb, Nn, Dm = x.shape
    T = Bb * Nn
    xf = x.reshape(T, Dm)
    # entropy proxy via difficulty predictor
    h = jax.nn.relu(xf @ Wd1 + bd1)
    entropy = jax.nn.softplus(h @ Wd2 + bd2)[:, 0]
    # determine num experts per token (round -> integer, no gradient, matches torch .long())
    ne = jnp.clip((entropy - TL) / (TH - TL), 0.0, 1.0)
    kf = MIN_E + ne * (E - MIN_E)
    kk = jnp.clip(jnp.round(kf), MIN_E, E).astype(jnp.int32)
    kk = jax.lax.stop_gradient(kk)
    # router logits
    logits = xf @ Wg + bg
    # dense equivalent of per-k grouped routing:
    # sort logits descending, keep top kk[t] per token, softmax over the kept ones.
    # For kk==1 the masked softmax over a single logit equals 1.0, matching the torch
    # argmax branch (weight 1 on the argmax expert).
    vals, idx = jax.lax.top_k(logits, E)
    pos = jnp.arange(E)[None, :]
    m = pos < kk[:, None]
    z = jnp.where(m, vals, -1e30)
    p = jax.nn.softmax(z, axis=-1)
    p = jnp.where(m, p, 0.0)
    # scatter weights back to expert-index order (idx rows are permutations of 0..E-1)
    w = jnp.zeros_like(logits).at[jnp.arange(T)[:, None], idx].set(p)
    # weighted sum of expert outputs (tokens with zero weight contribute nothing)
    out = jnp.zeros_like(xf)
    for e in range(E):
        he = jax.nn.relu(xf @ We1[e] + be1[e])
        oe = he @ We2[e] + be2[e]
        out = out + w[:, e:e + 1] * oe
    return out.reshape(Bb, Nn, Dm)

if __name__ == "__main__":
    import jax
    _d = setup_inputs()
    print(jax.jit(kernel)(*tuple(_d.values())))

</pallas_src>

<mosaic_0001>
#map = affine_map<(d0, d1) -> (0, 0)>
#map1 = affine_map<(d0, d1) -> (0)>
module attributes {stable_mosaic.version = 14 : i64} {
  func.func @body(%arg0: i32, %arg1: i32, %arg2: memref<32768x1024xf32, #tpu.memory_space<hbm>>, %arg3: memref<32768xf32, #tpu.memory_space<hbm>>, %arg4: memref<32768xi32, #tpu.memory_space<hbm>>, %arg5: memref<32768xi32, #tpu.memory_space<hbm>>, %arg6: memref<4096x1024xf32, #tpu.memory_space<hbm>>, %arg7: memref<1024xf32, #tpu.memory_space<vmem>>, %arg8: memref<1024xi32, #tpu.memory_space<vmem>>, %arg9: memref<1024xi32, #tpu.memory_space<vmem>>, %arg10: memref<2x1x32xi32, #tpu.memory_space<vmem>>, %arg11: memref<2x32x1024xf32, #tpu.memory_space<vmem>>, %arg12: memref<4x1024xf32, #tpu.memory_space<vmem>>, %arg13: memref<!tpu.dma_semaphore, #tpu.memory_space<semaphore_mem>>, %arg14: memref<!tpu.dma_semaphore, #tpu.memory_space<semaphore_mem>>) attributes {dimension_semantics = [#tpu.dimension_semantics<core_parallel>, #tpu.dimension_semantics<subcore_parallel>], iteration_bounds = array<i64: 2, 16>, scalar_prefetch = 0 : i64, scratch_operands = 8 : i64, tpu.core_type = #tpu.core_type<sc_vector_subcore>, window_params = [{transform_indices = #map}, {transform_indices = #map1}, {transform_indices = #map1}, {transform_indices = #map1}, {transform_indices = #map}]} {
    %mul3A = arith.constant 2 : i32
    %mul3A_0 = arith.muli %arg1, %mul3A : i32
    %add3A = arith.addi %mul3A_0, %arg0 : i32
    %mul3A_1 = arith.constant 128 : i32
    %mul3A_2 = arith.muli %add3A, %mul3A_1 : i32
    %iota3A = tpu.iota {dimensions = array<i32: 0>} : vector<16xi32>
    %and3A = arith.constant 7 : i32
    %and3A_3 = vector.broadcast %and3A : i32 to vector<16xi32>
    %and3A_4 = arith.andi %iota3A, %and3A_3 : vector<16xi32>
    %mul3A_5 = arith.constant 8 : i32
    %mul3A_6 = arith.muli %mul3A_2, %mul3A_5 : i32
    "tpu.region"() ({
      %run_scoped3A = tpu.sem_alloc : memref<!tpu.dma_semaphore, #tpu.memory_space<semaphore_mem>>
      %dma_start3A_60 = tpu.memref_slice %arg3[%mul3A_6] : memref<32768xf32, #tpu.memory_space<hbm>> -> memref<1024xf32, #tpu.memory_space<hbm>>
      %dma_start3A_61 = tpu.memref_slice %arg3[%mul3A_6] : memref<32768xf32, #tpu.memory_space<hbm>> -> memref<1024xf32, #tpu.memory_space<hbm>>
      tpu.enqueue_dma source(%dma_start3A_61 : memref<1024xf32, #tpu.memory_space<hbm>>) target(%arg7 : memref<1024xf32, #tpu.memory_space<vmem>>) target_semaphore(%run_scoped3A : memref<!tpu.dma_semaphore, #tpu.memory_space<semaphore_mem>>)
      %dma_wait3A = tpu.memref_slice %arg3[%mul3A_6] : memref<32768xf32, #tpu.memory_space<hbm>> -> memref<1024xf32, #tpu.memory_space<hbm>>
      %dma_wait3A_62 = tpu.memref_slice %arg3[%mul3A_6] : memref<32768xf32, #tpu.memory_space<hbm>> -> memref<1024xf32, #tpu.memory_space<hbm>>
      tpu.wait_dma2 semaphore(%run_scoped3A : memref<!tpu.dma_semaphore, #tpu.memory_space<semaphore_mem>>) src(%dma_wait3A_62 : memref<1024xf32, #tpu.memory_space<hbm>>) dst(%arg7 : memref<1024xf32, #tpu.memory_space<vmem>>)
      tpu.yield
    }) : () -> ()
    %mul3A_7 = arith.constant 8 : i32
    %mul3A_8 = arith.muli %mul3A_2, %mul3A_7 : i32
    "tpu.region"() ({
      %run_scoped3A = tpu.sem_alloc : memref<!tpu.dma_semaphore, #tpu.memory_space<semaphore_mem>>
      %dma_start3A_60 = tpu.memref_slice %arg4[%mul3A_8] : memref<32768xi32, #tpu.memory_space<hbm>> -> memref<1024xi32, #tpu.memory_space<hbm>>
      %dma_start3A_61 = tpu.memref_slice %arg4[%mul3A_8] : memref<32768xi32, #tpu.memory_space<hbm>> -> memref<1024xi32, #tpu.memory_space<hbm>>
      tpu.enqueue_dma source(%dma_start3A_61 : memref<1024xi32, #tpu.memory_space<hbm>>) target(%arg8 : memref<1024xi32, #tpu.memory_space<vmem>>) target_semaphore(%run_scoped3A : memref<!tpu.dma_semaphore, #tpu.memory_space<semaphore_mem>>)
      %dma_wait3A = tpu.memref_slice %arg4[%mul3A_8] : memref<32768xi32, #tpu.memory_space<hbm>> -> memref<1024xi32, #tpu.memory_space<hbm>>
      %dma_wait3A_62 = tpu.memref_slice %arg4[%mul3A_8] : memref<32768xi32, #tpu.memory_space<hbm>> -> memref<1024xi32, #tpu.memory_space<hbm>>
      tpu.wait_dma2 semaphore(%run_scoped3A : memref<!tpu.dma_semaphore, #tpu.memory_space<semaphore_mem>>) src(%dma_wait3A_62 : memref<1024xi32, #tpu.memory_space<hbm>>) dst(%arg8 : memref<1024xi32, #tpu.memory_space<vmem>>)
      tpu.yield
    }) : () -> ()
    %mul3A_9 = arith.constant 8 : i32
    %mul3A_10 = arith.muli %mul3A_2, %mul3A_9 : i32
    "tpu.region"() ({
      %run_scoped3A = tpu.sem_alloc : memref<!tpu.dma_semaphore, #tpu.memory_space<semaphore_mem>>
      %dma_start3A_60 = tpu.memref_slice %arg5[%mul3A_10] : memref<32768xi32, #tpu.memory_space<hbm>> -> memref<1024xi32, #tpu.memory_space<hbm>>
      %dma_start3A_61 = tpu.memref_slice %arg5[%mul3A_10] : memref<32768xi32, #tpu.memory_space<hbm>> -> memref<1024xi32, #tpu.memory_space<hbm>>
      tpu.enqueue_dma source(%dma_start3A_61 : memref<1024xi32, #tpu.memory_space<hbm>>) target(%arg9 : memref<1024xi32, #tpu.memory_space<vmem>>) target_semaphore(%run_scoped3A : memref<!tpu.dma_semaphore, #tpu.memory_space<semaphore_mem>>)
      %dma_wait3A = tpu.memref_slice %arg5[%mul3A_10] : memref<32768xi32, #tpu.memory_space<hbm>> -> memref<1024xi32, #tpu.memory_space<hbm>>
      %dma_wait3A_62 = tpu.memref_slice %arg5[%mul3A_10] : memref<32768xi32, #tpu.memory_space<hbm>> -> memref<1024xi32, #tpu.memory_space<hbm>>
      tpu.wait_dma2 semaphore(%run_scoped3A : memref<!tpu.dma_semaphore, #tpu.memory_space<semaphore_mem>>) src(%dma_wait3A_62 : memref<1024xi32, #tpu.memory_space<hbm>>) dst(%arg9 : memref<1024xi32, #tpu.memory_space<vmem>>)
      tpu.yield
    }) : () -> ()
    %get3A = arith.constant 0 : index
    %get3A_11 = tpu.vector_load %arg9[%get3A] {strides = array<i32>} : memref<1024xi32, #tpu.memory_space<vmem>>, vector<16xi32>,
    %mul3A_12 = arith.constant 4096 : i32
    %mul3A_13 = vector.broadcast %mul3A_12 : i32 to vector<16xi32>
    %mul3A_14 = arith.muli %and3A_4, %mul3A_13 : vector<16xi32>
    %min3A = arith.constant 4095 : i32
    %min3A_15 = vector.broadcast %min3A : i32 to vector<16xi32>
    %min3A_16 = arith.minsi %get3A_11, %min3A_15 : vector<16xi32>
    %add3A_17 = arith.addi %mul3A_14, %min3A_16 : vector<16xi32>
    %swap3A = arith.constant 0 : i32
    %swap3A_18 = arith.constant 0 : i32
    %swap3A_19 = arith.index_cast %swap3A : i32 to index
    %swap3A_20 = arith.index_cast %swap3A_18 : i32 to index
    %swap3A_21 = arith.constant 0 : index
    %swap3A_22 = tpu.vector_load %arg10[%swap3A_19, %swap3A_20, %swap3A_21] {strides = array<i32>} : memref<2x1x32xi32, #tpu.memory_space<vmem>>, vector<16xi32>,
    tpu.vector_store %arg10[%swap3A_19, %swap3A_20, %swap3A_21], %add3A_17 {strides = array<i32>} : memref<2x1x32xi32, #tpu.memory_space<vmem>>, vector<16xi32>,
    %get3A_23 = arith.constant 16 : index
    %get3A_24 = tpu.vector_load %arg9[%get3A_23] {strides = array<i32>} : memref<1024xi32, #tpu.memory_space<vmem>>, vector<16xi32>,
    %mul3A_25 = arith.constant 4096 : i32
    %mul3A_26 = vector.broadcast %mul3A_25 : i32 to vector<16xi32>
    %mul3A_27 = arith.muli %and3A_4, %mul3A_26 : vector<16xi32>
    %min3A_28 = arith.constant 4095 : i32
    %min3A_29 = vector.broadcast %min3A_28 : i32 to vector<16xi32>
    %min3A_30 = arith.minsi %get3A_24, %min3A_29 : vector<16xi32>
    %add3A_31 = arith.addi %mul3A_27, %min3A_30 : vector<16xi32>
    %swap3A_32 = arith.constant 0 : i32
    %swap3A_33 = arith.constant 0 : i32
    %swap3A_34 = arith.index_cast %swap3A_32 : i32 to index
    %swap3A_35 = arith.index_cast %swap3A_33 : i32 to index
    %swap3A_36 = arith.constant 16 : index
    %swap3A_37 = tpu.vector_load %arg10[%swap3A_34, %swap3A_35, %swap3A_36] {strides = array<i32>} : memref<2x1x32xi32, #tpu.memory_space<vmem>>, vector<16xi32>,
    tpu.vector_store %arg10[%swap3A_34, %swap3A_35, %swap3A_36], %add3A_31 {strides = array<i32>} : memref<2x1x32xi32, #tpu.memory_space<vmem>>, vector<16xi32>,
    %dma_start3A = arith.constant 0 : i32
    %dma_start3A_38 = arith.constant 0 : i32
    %dma_start3A_39 = arith.constant 0 : i32
    %dma_start3A_40 = arith.constant 0 : i32
    %dma_start3A_41 = arith.constant 0 : i32
    %dma_start3A_42 = tpu.memref_slice %arg11[%dma_start3A_39, %dma_start3A_40, %dma_start3A_41] : memref<2x32x1024xf32, #tpu.memory_space<vmem>> -> memref<1x32x1024xf32, #tpu.memory_space<vmem>>
    %dma_start3A_43 = tpu.memref_squeeze %dma_start3A_42 : memref<1x32x1024xf32, #tpu.memory_space<vmem>> -> memref<32x1024xf32, #tpu.memory_space<vmem>>
    %dma_start3A_44 = arith.constant 0 : i32
    %dma_start3A_45 = arith.constant 0 : i32
    %dma_start3A_46 = tpu.memref_slice %arg10[%dma_start3A, %dma_start3A_44, %dma_start3A_45] : memref<2x1x32xi32, #tpu.memory_space<vmem>> -> memref<1x1x32xi32, #tpu.memory_space<vmem>>
    %dma_start3A_47 = tpu.memref_squeeze %dma_start3A_46 : memref<1x1x32xi32, #tpu.memory_space<vmem>> -> memref<1x32xi32, #tpu.memory_space<vmem>>
    %dma_start3A_48 = arith.constant 0 : i32
    %dma_start3A_49 = tpu.memref_slice %dma_start3A_47[%dma_start3A_38, %dma_start3A_48] : memref<1x32xi32, #tpu.memory_space<vmem>> -> memref<1x32xi32, #tpu.memory_space<vmem>>
    %dma_start3A_50 = tpu.memref_squeeze %dma_start3A_49 : memref<1x32xi32, #tpu.memory_space<vmem>> -> memref<32xi32, #tpu.memory_space<vmem>>
    %dma_start3A_51 = arith.constant 0 : i32
    %dma_start3A_52 = arith.constant 0 : i32
    %dma_start3A_53 = tpu.memref_slice %arg2[%dma_start3A_51, %dma_start3A_52] : memref<32768x1024xf32, #tpu.memory_space<hbm>> -> memref<32768x1024xf32, #tpu.memory_space<hbm>>
    tpu.enqueue_indirect_dma source(%dma_start3A_53 : memref<32768x1024xf32, #tpu.memory_space<hbm>>) target(%dma_start3A_43 : memref<32x1024xf32, #tpu.memory_space<vmem>>) offsets(%dma_start3A_50 : memref<32xi32, #tpu.memory_space<vmem>>) semaphore(%arg13 : memref<!tpu.dma_semaphore, #tpu.memory_space<semaphore_mem>>)
    %scan3A = arith.constant 0 : i32
    %scan3A_54 = arith.constant 0 : i32
    %scan3A_55 = arith.constant 16 : i32
    %scan3A_56 = arith.addi %scan3A_54, %scan3A_55 : i32
    %scan3A_57 = arith.constant 1 : i32
    %scan3A_58 = scf.for %scan3A_60 = %scan3A_54 to %scan3A_56 step %scan3A_57 iter_args(%scan3A_61 = %scan3A) -> (i32)  : i32 {
      %mul3A_62 = arith.constant 2 : i32
      %mul3A_63 = arith.muli %scan3A_60, %mul3A_62 : i32
      %add3A_64 = arith.constant 1 : i32
      %add3A_65 = arith.addi %mul3A_63, %add3A_64 : i32
      %lt3A = arith.constant 32 : i32
      %lt3A_66 = arith.cmpi slt, %add3A_65, %lt3A : i32
      %convert_element_type3A = arith.extui %lt3A_66 : i1 to i32
      %cond3A = arith.constant 0 : i32
      %cond3A_67 = arith.cmpi ne, %convert_element_type3A, %cond3A : i32
      scf.if %cond3A_67 {
        %add3A_990 = arith.constant 1 : i32
        %add3A_991 = arith.addi %mul3A_63, %add3A_990 : i32
        %mul3A_992 = arith.constant 4 : i32
        %mul3A_993 = arith.muli %add3A_991, %mul3A_992 : i32
        %mul3A_994 = arith.constant 8 : i32
        %mul3A_995 = arith.muli %mul3A_993, %mul3A_994 : i32
        %add3A_996 = arith.constant 0 : i32
        %add3A_997 = arith.addi %mul3A_995, %add3A_996 : i32
        %get3A_998 = arith.index_cast %add3A_997 : i32 to index
        %get3A_999 = tpu.vector_load %arg9[%get3A_998] {strides = array<i32>} : memref<1024xi32, #tpu.memory_space<vmem>>, vector<16xi32>,
        %mul3A_1000 = arith.constant 4096 : i32
        %mul3A_1001 = vector.broadcast %mul3A_1000 : i32 to vector<16xi32>
        %mul3A_1002 = arith.muli %and3A_4, %mul3A_1001 : vector<16xi32>
        %min3A_1003 = arith.constant 4095 : i32
        %min3A_1004 = vector.broadcast %min3A_1003 : i32 to vector<16xi32>
        %min3A_1005 = arith.minsi %get3A_999, %min3A_1004 : vector<16xi32>
        %add3A_1006 = arith.addi %mul3A_1002, %min3A_1005 : vector<16xi32>
        %swap3A_1007 = arith.constant 1 : i32
        %swap3A_1008 = arith.constant 0 : i32
        %swap3A_1009 = arith.index_cast %swap3A_1007 : i32 to index
        %swap3A_1010 = arith.index_cast %swap3A_1008 : i32 to index
        %swap3A_1011 = arith.constant 0 : index
        %swap3A_1012 = tpu.vector_load %arg10[%swap3A_1009, %swap3A_1010, %swap3A_1011] {strides = array<i32>} : memref<2x1x32xi32, #tpu.memory_space<vmem>>, vector<16xi32>,
        tpu.vector_store %arg10[%swap3A_1009, %swap3A_1010, %swap3A_1011], %add3A_1006 {strides = array<i32>} : memref<2x1x32xi32, #tpu.memory_space<vmem>>, vector<16xi32>,
        %mul3A_1013 = arith.constant 4 : i32
        %mul3A_1014 = arith.muli %add3A_991, %mul3A_1013 : i32
        %mul3A_1015 = arith.constant 8 : i32
        %mul3A_1016 = arith.muli %mul3A_1014, %mul3A_1015 : i32
        %add3A_1017 = arith.constant 16 : i32
        %add3A_1018 = arith.addi %mul3A_1016, %add3A_1017 : i32
        %get3A_1019 = arith.index_cast %add3A_1018 : i32 to index
        %get3A_1020 = tpu.vector_load %arg9[%get3A_1019] {strides = array<i32>} : memref<1024xi32, #tpu.memory_space<vmem>>, vector<16xi32>,
        %mul3A_1021 = arith.constant 4096 : i32
        %mul3A_1022 = vector.broadcast %mul3A_1021 : i32 to vector<16xi32>
        %mul3A_1023 = arith.muli %and3A_4, %mul3A_1022 : vector<16xi32>
        %min3A_1024 = arith.constant 4095 : i32
        %min3A_1025 = vector.broadcast %min3A_1024 : i32 to vector<16xi32>
        %min3A_1026 = arith.minsi %get3A_1020, %min3A_1025 : vector<16xi32>
        %add3A_1027 = arith.addi %mul3A_1023, %min3A_1026 : vector<16xi32>
        %swap3A_1028 = arith.constant 1 : i32
        %swap3A_1029 = arith.constant 0 : i32
        %swap3A_1030 = arith.index_cast %swap3A_1028 : i32 to index
        %swap3A_1031 = arith.index_cast %swap3A_1029 : i32 to index
        %swap3A_1032 = arith.constant 16 : index
        %swap3A_1033 = tpu.vector_load %arg10[%swap3A_1030, %swap3A_1031, %swap3A_1032] {strides = array<i32>} : memref<2x1x32xi32, #tpu.memory_space<vmem>>, vector<16xi32>,
        tpu.vector_store %arg10[%swap3A_1030, %swap3A_1031, %swap3A_1032], %add3A_1027 {strides = array<i32>} : memref<2x1x32xi32, #tpu.memory_space<vmem>>, vector<16xi32>,
        %dma_start3A_1034 = arith.constant 1 : i32
        %dma_start3A_1035 = arith.constant 0 : i32
        %dma_start3A_1036 = arith.constant 1 : i32
        %dma_start3A_1037 = arith.constant 0 : i32
        %dma_start3A_1038 = arith.constant 0 : i32
        %dma_start3A_1039 = tpu.memref_slice %arg11[%dma_start3A_1036, %dma_start3A_1037, %dma_start3A_1038] : memref<2x32x1024xf32, #tpu.memory_space<vmem>> -> memref<1x32x1024xf32, #tpu.memory_space<vmem>>
        %dma_start3A_1040 = tpu.memref_squeeze %dma_start3A_1039 : memref<1x32x1024xf32, #tpu.memory_space<vmem>> -> memref<32x1024xf32, #tpu.memory_space<vmem>>
        %dma_start3A_1041 = arith.constant 0 : i32
        %dma_start3A_1042 = arith.constant 0 : i32
        %dma_start3A_1043 = tpu.memref_slice %arg10[%dma_start3A_1034, %dma_start3A_1041, %dma_start3A_1042] : memref<2x1x32xi32, #tpu.memory_space<vmem>> -> memref<1x1x32xi32, #tpu.memory_space<vmem>>
        %dma_start3A_1044 = tpu.memref_squeeze %dma_start3A_1043 : memref<1x1x32xi32, #tpu.memory_space<vmem>> -> memref<1x32xi32, #tpu.memory_space<vmem>>
        %dma_start3A_1045 = arith.constant 0 : i32
        %dma_start3A_1046 = tpu.memref_slice %dma_start3A_1044[%dma_start3A_1035, %dma_start3A_1045] : memref<1x32xi32, #tpu.memory_space<vmem>> -> memref<1x32xi32, #tpu.memory_space<vmem>>
        %dma_start3A_1047 = tpu.memref_squeeze %dma_start3A_1046 : memref<1x32xi32, #tpu.memory_space<vmem>> -> memref<32xi32, #tpu.memory_space<vmem>>
        %dma_start3A_1048 = arith.constant 0 : i32
        %dma_start3A_1049 = arith.constant 0 : i32
        %dma_start3A_1050 = tpu.memref_slice %arg2[%dma_start3A_1048, %dma_start3A_1049] : memref<32768x1024xf32, #tpu.memory_space<hbm>> -> memref<32768x1024xf32, #tpu.memory_space<hbm>>
        tpu.enqueue_indirect_dma source(%dma_start3A_1050 : memref<32768x1024xf32, #tpu.memory_space<hbm>>) target(%dma_start3A_1040 : memref<32x1024xf32, #tpu.memory_space<vmem>>) offsets(%dma_start3A_1047 : memref<32xi32, #tpu.memory_space<vmem>>) semaphore(%arg14 : memref<!tpu.dma_semaphore, #tpu.memory_space<semaphore_mem>>)
      } else {
      }
      %dma_wait3A = arith.constant 0 : i32
      %dma_wait3A_68 = arith.constant 0 : i32
      %dma_wait3A_69 = arith.constant 0 : i32
      %dma_wait3A_70 = arith.constant 0 : i32
      %dma_wait3A_71 = arith.constant 0 : i32
      %dma_wait3A_72 = tpu.memref_slice %arg11[%dma_wait3A_69, %dma_wait3A_70, %dma_wait3A_71] : memref<2x32x1024xf32, #tpu.memory_space<vmem>> -> memref<1x32x1024xf32, #tpu.memory_space<vmem>>
      %dma_wait3A_73 = tpu.memref_squeeze %dma_wait3A_72 : memref<1x32x1024xf32, #tpu.memory_space<vmem>> -> memref<32x1024xf32, #tpu.memory_space<vmem>>
      %dma_wait3A_74 = arith.constant 0 : i32
      %dma_wait3A_75 = arith.constant 0 : i32
      %dma_wait3A_76 = tpu.memref_slice %arg10[%dma_wait3A, %dma_wait3A_74, %dma_wait3A_75] : memref<2x1x32xi32, #tpu.memory_space<vmem>> -> memref<1x1x32xi32, #tpu.memory_space<vmem>>
      %dma_wait3A_77 = tpu.memref_squeeze %dma_wait3A_76 : memref<1x1x32xi32, #tpu.memory_space<vmem>> -> memref<1x32xi32, #tpu.memory_space<vmem>>
      %dma_wait3A_78 = arith.constant 0 : i32
      %dma_wait3A_79 = tpu.memref_slice %dma_wait3A_77[%dma_wait3A_68, %dma_wait3A_78] : memref<1x32xi32, #tpu.memory_space<vmem>> -> memref<1x32xi32, #tpu.memory_space<vmem>>
      %dma_wait3A_80 = tpu.memref_squeeze %dma_wait3A_79 : memref<1x32xi32, #tpu.memory_space<vmem>> -> memref<32xi32, #tpu.memory_space<vmem>>
      %dma_wait3A_81 = arith.constant 0 : i32
      %dma_wait3A_82 = arith.constant 0 : i32
      %dma_wait3A_83 = tpu.memref_slice %arg2[%dma_wait3A_81, %dma_wait3A_82] : memref<32768x1024xf32, #tpu.memory_space<hbm>> -> memref<32768x1024xf32, #tpu.memory_space<hbm>>
      tpu.wait_indirect_dma semaphore(%arg13 : memref<!tpu.dma_semaphore, #tpu.memory_space<semaphore_mem>>) src(%dma_wait3A_83 : memref<32768x1024xf32, #tpu.memory_space<hbm>>) dst(%dma_wait3A_73 : memref<32x1024xf32, #tpu.memory_space<vmem>>)
      %mul3A_84 = arith.constant 4 : i32
      %mul3A_85 = arith.muli %mul3A_63, %mul3A_84 : i32
      %add3A_86 = arith.constant 0 : i32
      %add3A_87 = arith.addi %mul3A_85, %add3A_86 : i32
      %mul3A_88 = arith.constant 8 : i32
      %mul3A_89 = arith.muli %add3A_87, %mul3A_88 : i32
      %add3A_90 = arith.constant 0 : i32
      %add3A_91 = arith.addi %mul3A_89, %add3A_90 : i32
      %get3A_92 = arith.index_cast %add3A_91 : i32 to index
      %get3A_93 = tpu.vector_load %arg8[%get3A_92] {strides = array<i32>} : memref<1024xi32, #tpu.memory_space<vmem>>, vector<16xi32>,
      %slice3A = vector.extract_strided_slice %get3A_93 {offsets = [0], sizes = [1], strides = [1]} : vector<16xi32> to vector<1xi32>
      %squeeze3A = vector.extract %slice3A[0] : i32 from vector<1xi32>
      %mul3A_94 = arith.constant 4 : i32
      %mul3A_95 = arith.muli %mul3A_63, %mul3A_94 : i32
      %add3A_96 = arith.constant 0 : i32
      %add3A_97 = arith.addi %mul3A_95, %add3A_96 : i32
      %mul3A_98 = arith.constant 8 : i32
      %mul3A_99 = arith.muli %add3A_97, %mul3A_98 : i32
      %add3A_100 = arith.constant 0 : i32
      %add3A_101 = arith.addi %mul3A_99, %add3A_100 : i32
      %get3A_102 = arith.index_cast %add3A_101 : i32 to index
      %get3A_103 = tpu.vector_load %arg7[%get3A_102] {strides = array<i32>} : memref<1024xf32, #tpu.memory_space<vmem>>, vector<16xf32>,
      %slice3A_104 = vector.extract_strided_slice %get3A_103 {offsets = [0], sizes = [1], strides = [1]} : vector<16xf32> to vector<1xf32>
      %squeeze3A_105 = vector.extract %slice3A_104[0] : f32 from vector<1xf32>
      %ne3A = arith.constant 0 : i32
      %ne3A_106 = arith.cmpi ne, %squeeze3A, %ne3A : i32
      %broadcast_in_dim3A = vector.broadcast %ne3A_106 : i1 to vector<16xi1>
      %mul3A_107 = arith.constant 4 : i32
      %mul3A_108 = arith.muli %mul3A_63, %mul3A_107 : i32
      %add3A_109 = arith.constant 0 : i32
      %add3A_110 = arith.addi %mul3A_108, %add3A_109 : i32
      %mul3A_111 = arith.constant 8 : i32
      %mul3A_112 = arith.muli %add3A_110, %mul3A_111 : i32
      %add3A_113 = arith.constant 1 : i32
      %add3A_114 = arith.addi %mul3A_112, %add3A_113 : i32
      %get3A_115 = arith.index_cast %add3A_114 : i32 to index
      %get3A_116 = tpu.vector_load %arg8[%get3A_115] {strides = array<i32>} : memref<1024xi32, #tpu.memory_space<vmem>>, vector<16xi32>,
      %slice3A_117 = vector.extract_strided_slice %get3A_116 {offsets = [0], sizes = [1], strides = [1]} : vector<16xi32> to vector<1xi32>
      %squeeze3A_118 = vector.extract %slice3A_117[0] : i32 from vector<1xi32>
      %mul3A_119 = arith.constant 4 : i32
      %mul3A_120 = arith.muli %mul3A_63, %mul3A_119 : i32
      %add3A_121 = arith.constant 0 : i32
      %add3A_122 = arith.addi %mul3A_120, %add3A_121 : i32
      %mul3A_123 = arith.constant 8 : i32
      %mul3A_124 = arith.muli %add3A_122, %mul3A_123 : i32
      %add3A_125 = arith.constant 1 : i32
      %add3A_126 = arith.addi %mul3A_124, %add3A_125 : i32
      %get3A_127 = arith.index_cast %add3A_126 : i32 to index
      %get3A_128 = tpu.vector_load %arg7[%get3A_127] {strides = array<i32>} : memref<1024xf32, #tpu.memory_space<vmem>>, vector<16xf32>,
      %slice3A_129 = vector.extract_strided_slice %get3A_128 {offsets = [0], sizes = [1], strides = [1]} : vector<16xf32> to vector<1xf32>
      %squeeze3A_130 = vector.extract %slice3A_129[0] : f32 from vector<1xf32>
      %ne3A_131 = arith.constant 0 : i32
      %ne3A_132 = arith.cmpi ne, %squeeze3A_118, %ne3A_131 : i32
      %broadcast_in_dim3A_133 = vector.broadcast %ne3A_132 : i1 to vector<16xi1>
      %mul3A_134 = arith.constant 4 : i32
      %mul3A_135 = arith.muli %mul3A_63, %mul3A_134 : i32
      %add3A_136 = arith.constant 0 : i32
      %add3A_137 = arith.addi %mul3A_135, %add3A_136 : i32
      %mul3A_138 = arith.constant 8 : i32
      %mul3A_139 = arith.muli %add3A_137, %mul3A_138 : i32
      %add3A_140 = arith.constant 2 : i32
      %add3A_141 = arith.addi %mul3A_139, %add3A_140 : i32
      %get3A_142 = arith.index_cast %add3A_141 : i32 to index
      %get3A_143 = tpu.vector_load %arg8[%get3A_142] {strides = array<i32>} : memref<1024xi32, #tpu.memory_space<vmem>>, vector<16xi32>,
      %slice3A_144 = vector.extract_strided_slice %get3A_143 {offsets = [0], sizes = [1], strides = [1]} : vector<16xi32> to vector<1xi32>
      %squeeze3A_145 = vector.extract %slice3A_144[0] : i32 from vector<1xi32>
      %mul3A_146 = arith.constant 4 : i32
      %mul3A_147 = arith.muli %mul3A_63, %mul3A_146 : i32
      %add3A_148 = arith.constant 0 : i32
      %add3A_149 = arith.addi %mul3A_147, %add3A_148 : i32
      %mul3A_150 = arith.constant 8 : i32
      %mul3A_151 = arith.muli %add3A_149, %mul3A_150 : i32
      %add3A_152 = arith.constant 2 : i32
      %add3A_153 = arith.addi %mul3A_151, %add3A_152 : i32
      %get3A_154 = arith.index_cast %add3A_153 : i32 to index
      %get3A_155 = tpu.vector_load %arg7[%get3A_154] {strides = array<i32>} : memref<1024xf32, #tpu.memory_space<vmem>>, vector<16xf32>,
      %slice3A_156 = vector.extract_strided_slice %get3A_155 {offsets = [0], sizes = [1], strides = [1]} : vector<16xf32> to vector<1xf32>
      %squeeze3A_157 = vector.extract %slice3A_156[0] : f32 from vector<1xf32>
      %ne3A_158 = arith.constant 0 : i32
      %ne3A_159 = arith.cmpi ne, %squeeze3A_145, %ne3A_158 : i32
      %broadcast_in_dim3A_160 = vector.broadcast %ne3A_159 : i1 to vector<16xi1>
      %mul3A_161 = arith.constant 4 : i32
      %mul3A_162 = arith.muli %mul3A_63, %mul3A_161 : i32
      %add3A_163 = arith.constant 0 : i32
      %add3A_164 = arith.addi %mul3A_162, %add3A_163 : i32
      %mul3A_165 = arith.constant 8 : i32
      %mul3A_166 = arith.muli %add3A_164, %mul3A_165 : i32
      %add3A_167 = arith.constant 3 : i32
      %add3A_168 = arith.addi %mul3A_166, %add3A_167 : i32
      %get3A_169 = arith.index_cast %add3A_168 : i32 to index
      %get3A_170 = tpu.vector_load %arg8[%get3A_169] {strides = array<i32>} : memref<1024xi32, #tpu.memory_space<vmem>>, vector<16xi32>,
      %slice3A_171 = vector.extract_strided_slice %get3A_170 {offsets = [0], sizes = [1], strides = [1]} : vector<16xi32> to vector<1xi32>
      %squeeze3A_172 = vector.extract %slice3A_171[0] : i32 from vector<1xi32>
      %mul3A_173 = arith.constant 4 : i32
      %mul3A_174 = arith.muli %mul3A_63, %mul3A_173 : i32
      %add3A_175 = arith.constant 0 : i32
      %add3A_176 = arith.addi %mul3A_174, %add3A_175 : i32
      %mul3A_177 = arith.constant 8 : i32
      %mul3A_178 = arith.muli %add3A_176, %mul3A_177 : i32
      %add3A_179 = arith.constant 3 : i32
      %add3A_180 = arith.addi %mul3A_178, %add3A_179 : i32
      %get3A_181 = arith.index_cast %add3A_180 : i32 to index
      %get3A_182 = tpu.vector_load %arg7[%get3A_181] {strides = array<i32>} : memref<1024xf32, #tpu.memory_space<vmem>>, vector<16xf32>,
      %slice3A_183 = vector.extract_strided_slice %get3A_182 {offsets = [0], sizes = [1], strides = [1]} : vector<16xf32> to vector<1xf32>
      %squeeze3A_184 = vector.extract %slice3A_183[0] : f32 from vector<1xf32>
      %ne3A_185 = arith.constant 0 : i32
      %ne3A_186 = arith.cmpi ne, %squeeze3A_172, %ne3A_185 : i32
      %broadcast_in_dim3A_187 = vector.broadcast %ne3A_186 : i1 to vector<16xi1>
      %mul3A_188 = arith.constant 4 : i32
      %mul3A_189 = arith.muli %mul3A_63, %mul3A_188 : i32
      %add3A_190 = arith.constant 0 : i32
      %add3A_191 = arith.addi %mul3A_189, %add3A_190 : i32
      %mul3A_192 = arith.constant 8 : i32
      %mul3A_193 = arith.muli %add3A_191, %mul3A_192 : i32
      %add3A_194 = arith.constant 4 : i32
      %add3A_195 = arith.addi %mul3A_193, %add3A_194 : i32
      %get3A_196 = arith.index_cast %add3A_195 : i32 to index
      %get3A_197 = tpu.vector_load %arg8[%get3A_196] {strides = array<i32>} : memref<1024xi32, #tpu.memory_space<vmem>>, vector<16xi32>,
      %slice3A_198 = vector.extract_strided_slice %get3A_197 {offsets = [0], sizes = [1], strides = [1]} : vector<16xi32> to vector<1xi32>
      %squeeze3A_199 = vector.extract %slice3A_198[0] : i32 from vector<1xi32>
      %mul3A_200 = arith.constant 4 : i32
      %mul3A_201 = arith.muli %mul3A_63, %mul3A_200 : i32
      %add3A_202 = arith.constant 0 : i32
      %add3A_203 = arith.addi %mul3A_201, %add3A_202 : i32
      %mul3A_204 = arith.constant 8 : i32
      %mul3A_205 = arith.muli %add3A_203, %mul3A_204 : i32
      %add3A_206 = arith.constant 4 : i32
      %add3A_207 = arith.addi %mul3A_205, %add3A_206 : i32
      %get3A_208 = arith.index_cast %add3A_207 : i32 to index
      %get3A_209 = tpu.vector_load %arg7[%get3A_208] {strides = array<i32>} : memref<1024xf32, #tpu.memory_space<vmem>>, vector<16xf32>,
      %slice3A_210 = vector.extract_strided_slice %get3A_209 {offsets = [0], sizes = [1], strides = [1]} : vector<16xf32> to vector<1xf32>
      %squeeze3A_211 = vector.extract %slice3A_210[0] : f32 from vector<1xf32>
      %ne3A_212 = arith.constant 0 : i32
      %ne3A_213 = arith.cmpi ne, %squeeze3A_199, %ne3A_212 : i32
      %broadcast_in_dim3A_214 = vector.broadcast %ne3A_213 : i1 to vector<16xi1>
      %mul3A_215 = arith.constant 4 : i32
      %mul3A_216 = arith.muli %mul3A_63, %mul3A_215 : i32
      %add3A_217 = arith.constant 0 : i32
      %add3A_218 = arith.addi %mul3A_216, %add3A_217 : i32
      %mul3A_219 = arith.constant 8 : i32
      %mul3A_220 = arith.muli %add3A_218, %mul3A_219 : i32
      %add3A_221 = arith.constant 5 : i32
      %add3A_222 = arith.addi %mul3A_220, %add3A_221 : i32
      %get3A_223 = arith.index_cast %add3A_222 : i32 to index
      %get3A_224 = tpu.vector_load %arg8[%get3A_223] {strides = array<i32>} : memref<1024xi32, #tpu.memory_space<vmem>>, vector<16xi32>,
      %slice3A_225 = vector.extract_strided_slice %get3A_224 {offsets = [0], sizes = [1], strides = [1]} : vector<16xi32> to vector<1xi32>
      %squeeze3A_226 = vector.extract %slice3A_225[0] : i32 from vector<1xi32>
      %mul3A_227 = arith.constant 4 : i32
      %mul3A_228 = arith.muli %mul3A_63, %mul3A_227 : i32
      %add3A_229 = arith.constant 0 : i32
      %add3A_230 = arith.addi %mul3A_228, %add3A_229 : i32
      %mul3A_231 = arith.constant 8 : i32
      %mul3A_232 = arith.muli %add3A_230, %mul3A_231 : i32
      %add3A_233 = arith.constant 5 : i32
      %add3A_234 = arith.addi %mul3A_232, %add3A_233 : i32
      %get3A_235 = arith.index_cast %add3A_234 : i32 to index
      %get3A_236 = tpu.vector_load %arg7[%get3A_235] {strides = array<i32>} : memref<1024xf32, #tpu.memory_space<vmem>>, vector<16xf32>,
      %slice3A_237 = vector.extract_strided_slice %get3A_236 {offsets = [0], sizes = [1], strides = [1]} : vector<16xf32> to vector<1xf32>
      %squeeze3A_238 = vector.extract %slice3A_237[0] : f32 from vector<1xf32>
      %ne3A_239 = arith.constant 0 : i32
      %ne3A_240 = arith.cmpi ne, %squeeze3A_226, %ne3A_239 : i32
      %broadcast_in_dim3A_241 = vector.broadcast %ne3A_240 : i1 to vector<16xi1>
      %mul3A_242 = arith.constant 4 : i32
      %mul3A_243 = arith.muli %mul3A_63, %mul3A_242 : i32
      %add3A_244 = arith.constant 0 : i32
      %add3A_245 = arith.addi %mul3A_243, %add3A_244 : i32
      %mul3A_246 = arith.constant 8 : i32
      %mul3A_247 = arith.muli %add3A_245, %mul3A_246 : i32
      %add3A_248 = arith.constant 6 : i32
      %add3A_249 = arith.addi %mul3A_247, %add3A_248 : i32
      %get3A_250 = arith.index_cast %add3A_249 : i32 to index
      %get3A_251 = tpu.vector_load %arg8[%get3A_250] {strides = array<i32>} : memref<1024xi32, #tpu.memory_space<vmem>>, vector<16xi32>,
      %slice3A_252 = vector.extract_strided_slice %get3A_251 {offsets = [0], sizes = [1], strides = [1]} : vector<16xi32> to vector<1xi32>
      %squeeze3A_253 = vector.extract %slice3A_252[0] : i32 from vector<1xi32>
      %mul3A_254 = arith.constant 4 : i32
      %mul3A_255 = arith.muli %mul3A_63, %mul3A_254 : i32
      %add3A_256 = arith.constant 0 : i32
      %add3A_257 = arith.addi %mul3A_255, %add3A_256 : i32
      %mul3A_258 = arith.constant 8 : i32
      %mul3A_259 = arith.muli %add3A_257, %mul3A_258 : i32
      %add3A_260 = arith.constant 6 : i32
      %add3A_261 = arith.addi %mul3A_259, %add3A_260 : i32
      %get3A_262 = arith.index_cast %add3A_261 : i32 to index
      %get3A_263 = tpu.vector_load %arg7[%get3A_262] {strides = array<i32>} : memref<1024xf32, #tpu.memory_space<vmem>>, vector<16xf32>,
      %slice3A_264 = vector.extract_strided_slice %get3A_263 {offsets = [0], sizes = [1], strides = [1]} : vector<16xf32> to vector<1xf32>
      %squeeze3A_265 = vector.extract %slice3A_264[0] : f32 from vector<1xf32>
      %ne3A_266 = arith.constant 0 : i32
      %ne3A_267 = arith.cmpi ne, %squeeze3A_253, %ne3A_266 : i32
      %broadcast_in_dim3A_268 = vector.broadcast %ne3A_267 : i1 to vector<16xi1>
      %mul3A_269 = arith.constant 4 : i32
      %mul3A_270 = arith.muli %mul3A_63, %mul3A_269 : i32
      %add3A_271 = arith.constant 0 : i32
      %add3A_272 = arith.addi %mul3A_270, %add3A_271 : i32
      %mul3A_273 = arith.constant 8 : i32
      %mul3A_274 = arith.muli %add3A_272, %mul3A_273 : i32
      %add3A_275 = arith.constant 7 : i32
      %add3A_276 = arith.addi %mul3A_274, %add3A_275 : i32
      %get3A_277 = arith.index_cast %add3A_276 : i32 to index
      %get3A_278 = tpu.vector_load %arg8[%get3A_277] {strides = array<i32>} : memref<1024xi32, #tpu.memory_space<vmem>>, vector<16xi32>,
      %slice3A_279 = vector.extract_strided_slice %get3A_278 {offsets = [0], sizes = [1], strides = [1]} : vector<16xi32> to vector<1xi32>
      %squeeze3A_280 = vector.extract %slice3A_279[0] : i32 from vector<1xi32>
      %mul3A_281 = arith.constant 4 : i32
      %mul3A_282 = arith.muli %mul3A_63, %mul3A_281 : i32
      %add3A_283 = arith.constant 0 : i32
      %add3A_284 = arith.addi %mul3A_282, %add3A_283 : i32
      %mul3A_285 = arith.constant 8 : i32
      %mul3A_286 = arith.muli %add3A_284, %mul3A_285 : i32
      %add3A_287 = arith.constant 7 : i32
      %add3A_288 = arith.addi %mul3A_286, %add3A_287 : i32
      %get3A_289 = arith.index_cast %add3A_288 : i32 to index
      %get3A_290 = tpu.vector_load %arg7[%get3A_289] {strides = array<i32>} : memref<1024xf32, #tpu.memory_space<vmem>>, vector<16xf32>,
      %slice3A_291 = vector.extract_strided_slice %get3A_290 {offsets = [0], sizes = [1], strides = [1]} : vector<16xf32> to vector<1xf32>
      %squeeze3A_292 = vector.extract %slice3A_291[0] : f32 from vector<1xf32>
      %ne3A_293 = arith.constant 0 : i32
      %ne3A_294 = arith.cmpi ne, %squeeze3A_280, %ne3A_293 : i32
      %broadcast_in_dim3A_295 = vector.broadcast %ne3A_294 : i1 to vector<16xi1>
      %scan3A_296 = arith.constant 0 : i32
      %scan3A_297 = arith.constant 0 : i32
      %scan3A_298 = arith.constant 64 : i32
      %scan3A_299 = arith.addi %scan3A_297, %scan3A_298 : i32
      %scan3A_300 = arith.constant 1 : i32
      %scan3A_301 = scf.for %scan3A_990 = %scan3A_297 to %scan3A_299 step %scan3A_300 iter_args(%scan3A_991 = %scan3A_296) -> (i32)  : i32 {
        %broadcast_in_dim3A_992 = arith.constant 0.000000e+00 : f32
        %broadcast_in_dim3A_993 = vector.broadcast %broadcast_in_dim3A_992 : f32 to vector<16xf32>
        %mul3A_994 = arith.constant 16 : i32
        %mul3A_995 = arith.muli %scan3A_990, %mul3A_994 : i32
        %get3A_996 = arith.constant 0 : i32
        %get3A_997 = arith.constant 0 : i32
        %get3A_998 = arith.index_cast %get3A_996 : i32 to index
        %get3A_999 = arith.index_cast %get3A_997 : i32 to index
        %get3A_1000 = arith.index_cast %mul3A_995 : i32 to index
        %get3A_1001 = tpu.vector_load %arg11[%get3A_998, %get3A_999, %get3A_1000] {strides = array<i32>} : memref<2x32x1024xf32, #tpu.memory_space<vmem>>, vector<16xf32>,
        %mul3A_1002 = vector.broadcast %squeeze3A_105 : f32 to vector<16xf32>
        %mul3A_1003 = arith.mulf %mul3A_1002, %get3A_1001 : vector<16xf32>
        %jit3A = arith.constant 0.000000e+00 : f32
        %broadcast_in_dim3A_1004 = vector.broadcast %jit3A : f32 to vector<16xf32>
        %select_n3A = arith.select %broadcast_in_dim3A, %mul3A_1003, %broadcast_in_dim3A_1004 : vector<16xi1>, vector<16xf32>
        %add3A_1005 = arith.addf %broadcast_in_dim3A_993, %select_n3A : vector<16xf32>
        %mul3A_1006 = arith.constant 16 : i32
        %mul3A_1007 = arith.muli %scan3A_990, %mul3A_1006 : i32
        %get3A_1008 = arith.constant 0 : i32
        %get3A_1009 = arith.constant 1 : i32
        %get3A_1010 = arith.index_cast %get3A_1008 : i32 to index
        %get3A_1011 = arith.index_cast %get3A_1009 : i32 to index
        %get3A_1012 = arith.index_cast %mul3A_1007 : i32 to index
        %get3A_1013 = tpu.vector_load %arg11[%get3A_1010, %get3A_1011, %get3A_1012] {strides = array<i32>} : memref<2x32x1024xf32, #tpu.memory_space<vmem>>, vector<16xf32>,
        %mul3A_1014 = vector.broadcast %squeeze3A_130 : f32 to vector<16xf32>
        %mul3A_1015 = arith.mulf %mul3A_1014, %get3A_1013 : vector<16xf32>
        %jit3A_1016 = arith.constant 0.000000e+00 : f32
        %broadcast_in_dim3A_1017 = vector.broadcast %jit3A_1016 : f32 to vector<16xf32>
        %select_n3A_1018 = arith.select %broadcast_in_dim3A_133, %mul3A_1015, %broadcast_in_dim3A_1017 : vector<16xi1>, vector<16xf32>
        %add3A_1019 = arith.addf %add3A_1005, %select_n3A_1018 : vector<16xf32>
        %mul3A_1020 = arith.constant 16 : i32
        %mul3A_1021 = arith.muli %scan3A_990, %mul3A_1020 : i32
        %get3A_1022 = arith.constant 0 : i32
        %get3A_1023 = arith.constant 2 : i32
        %get3A_1024 = arith.index_cast %get3A_1022 : i32 to index
        %get3A_1025 = arith.index_cast %get3A_1023 : i32 to index
        %get3A_1026 = arith.index_cast %mul3A_1021 : i32 to index
        %get3A_1027 = tpu.vector_load %arg11[%get3A_1024, %get3A_1025, %get3A_1026] {strides = array<i32>} : memref<2x32x1024xf32, #tpu.memory_space<vmem>>, vector<16xf32>,
        %mul3A_1028 = vector.broadcast %squeeze3A_157 : f32 to vector<16xf32>
        %mul3A_1029 = arith.mulf %mul3A_1028, %get3A_1027 : vector<16xf32>
        %jit3A_1030 = arith.constant 0.000000e+00 : f32
        %broadcast_in_dim3A_1031 = vector.broadcast %jit3A_1030 : f32 to vector<16xf32>
        %select_n3A_1032 = arith.select %broadcast_in_dim3A_160, %mul3A_1029, %broadcast_in_dim3A_1031 : vector<16xi1>, vector<16xf32>
        %add3A_1033 = arith.addf %add3A_1019, %select_n3A_1032 : vector<16xf32>
        %mul3A_1034 = arith.constant 16 : i32
        %mul3A_1035 = arith.muli %scan3A_990, %mul3A_1034 : i32
        %get3A_1036 = arith.constant 0 : i32
        %get3A_1037 = arith.constant 3 : i32
        %get3A_1038 = arith.index_cast %get3A_1036 : i32 to index
        %get3A_1039 = arith.index_cast %get3A_1037 : i32 to index
        %get3A_1040 = arith.index_cast %mul3A_1035 : i32 to index
        %get3A_1041 = tpu.vector_load %arg11[%get3A_1038, %get3A_1039, %get3A_1040] {strides = array<i32>} : memref<2x32x1024xf32, #tpu.memory_space<vmem>>, vector<16xf32>,
        %mul3A_1042 = vector.broadcast %squeeze3A_184 : f32 to vector<16xf32>
        %mul3A_1043 = arith.mulf %mul3A_1042, %get3A_1041 : vector<16xf32>
        %jit3A_1044 = arith.constant 0.000000e+00 : f32
        %broadcast_in_dim3A_1045 = vector.broadcast %jit3A_1044 : f32 to vector<16xf32>
        %select_n3A_1046 = arith.select %broadcast_in_dim3A_187, %mul3A_1043, %broadcast_in_dim3A_1045 : vector<16xi1>, vector<16xf32>
        %add3A_1047 = arith.addf %add3A_1033, %select_n3A_1046 : vector<16xf32>
        %mul3A_1048 = arith.constant 16 : i32
        %mul3A_1049 = arith.muli %scan3A_990, %mul3A_1048 : i32
        %get3A_1050 = arith.constant 0 : i32
        %get3A_1051 = arith.constant 4 : i32
        %get3A_1052 = arith.index_cast %get3A_1050 : i32 to index
        %get3A_1053 = arith.index_cast %get3A_1051 : i32 to index
        %get3A_1054 = arith.index_cast %mul3A_1049 : i32 to index
        %get3A_1055 = tpu.vector_load %arg11[%get3A_1052, %get3A_1053, %get3A_1054] {strides = array<i32>} : memref<2x32x1024xf32, #tpu.memory_space<vmem>>, vector<16xf32>,
        %mul3A_1056 = vector.broadcast %squeeze3A_211 : f32 to vector<16xf32>
        %mul3A_1057 = arith.mulf %mul3A_1056, %get3A_1055 : vector<16xf32>
        %jit3A_1058 = arith.constant 0.000000e+00 : f32
        %broadcast_in_dim3A_1059 = vector.broadcast %jit3A_1058 : f32 to vector<16xf32>
        %select_n3A_1060 = arith.select %broadcast_in_dim3A_214, %mul3A_1057, %broadcast_in_dim3A_1059 : vector<16xi1>, vector<16xf32>
        %add3A_1061 = arith.addf %add3A_1047, %select_n3A_1060 : vector<16xf32>
        %mul3A_1062 = arith.constant 16 : i32
        %mul3A_1063 = arith.muli %scan3A_990, %mul3A_1062 : i32
        %get3A_1064 = arith.constant 0 : i32
        %get3A_1065 = arith.constant 5 : i32
        %get3A_1066 = arith.index_cast %get3A_1064 : i32 to index
        %get3A_1067 = arith.index_cast %get3A_1065 : i32 to index
        %get3A_1068 = arith.index_cast %mul3A_1063 : i32 to index
        %get3A_1069 = tpu.vector_load %arg11[%get3A_1066, %get3A_1067, %get3A_1068] {strides = array<i32>} : memref<2x32x1024xf32, #tpu.memory_space<vmem>>, vector<16xf32>,
        %mul3A_1070 = vector.broadcast %squeeze3A_238 : f32 to vector<16xf32>
        %mul3A_1071 = arith.mulf %mul3A_1070, %get3A_1069 : vector<16xf32>
        %jit3A_1072 = arith.constant 0.000000e+00 : f32
        %broadcast_in_dim3A_1073 = vector.broadcast %jit3A_1072 : f32 to vector<16xf32>
        %select_n3A_1074 = arith.select %broadcast_in_dim3A_241, %mul3A_1071, %broadcast_in_dim3A_1073 : vector<16xi1>, vector<16xf32>
        %add3A_1075 = arith.addf %add3A_1061, %select_n3A_1074 : vector<16xf32>
        %mul3A_1076 = arith.constant 16 : i32
        %mul3A_1077 = arith.muli %scan3A_990, %mul3A_1076 : i32
        %get3A_1078 = arith.constant 0 : i32
        %get3A_1079 = arith.constant 6 : i32
        %get3A_1080 = arith.index_cast %get3A_1078 : i32 to index
        %get3A_1081 = arith.index_cast %get3A_1079 : i32 to index
        %get3A_1082 = arith.index_cast %mul3A_1077 : i32 to index
        %get3A_1083 = tpu.vector_load %arg11[%get3A_1080, %get3A_1081, %get3A_1082] {strides = array<i32>} : memref<2x32x1024xf32, #tpu.memory_space<vmem>>, vector<16xf32>,
        %mul3A_1084 = vector.broadcast %squeeze3A_265 : f32 to vector<16xf32>
        %mul3A_1085 = arith.mulf %mul3A_1084, %get3A_1083 : vector<16xf32>
        %jit3A_1086 = arith.constant 0.000000e+00 : f32
        %broadcast_in_dim3A_1087 = vector.broadcast %jit3A_1086 : f32 to vector<16xf32>
        %select_n3A_1088 = arith.select %broadcast_in_dim3A_268, %mul3A_1085, %broadcast_in_dim3A_1087 : vector<16xi1>, vector<16xf32>
        %add3A_1089 = arith.addf %add3A_1075, %select_n3A_1088 : vector<16xf32>
        %mul3A_1090 = arith.constant 16 : i32
        %mul3A_1091 = arith.muli %scan3A_990, %mul3A_1090 : i32
        %get3A_1092 = arith.constant 0 : i32
        %get3A_1093 = arith.constant 7 : i32
        %get3A_1094 = arith.index_cast %get3A_1092 : i32 to index
        %get3A_1095 = arith.index_cast %get3A_1093 : i32 to index
        %get3A_1096 = arith.index_cast %mul3A_1091 : i32 to index
        %get3A_1097 = tpu.vector_load %arg11[%get3A_1094, %get3A_1095, %get3A_1096] {strides = array<i32>} : memref<2x32x1024xf32, #tpu.memory_space<vmem>>, vector<16xf32>,
        %mul3A_1098 = vector.broadcast %squeeze3A_292 : f32 to vector<16xf32>
        %mul3A_1099 = arith.mulf %mul3A_1098, %get3A_1097 : vector<16xf32>
        %jit3A_1100 = arith.constant 0.000000e+00 : f32
        %broadcast_in_dim3A_1101 = vector.broadcast %jit3A_1100 : f32 to vector<16xf32>
        %select_n3A_1102 = arith.select %broadcast_in_dim3A_295, %mul3A_1099, %broadcast_in_dim3A_1101 : vector<16xi1>, vector<16xf32>
        %add3A_1103 = arith.addf %add3A_1089, %select_n3A_1102 : vector<16xf32>
        %mul3A_1104 = arith.constant 16 : i32
        %mul3A_1105 = arith.muli %scan3A_990, %mul3A_1104 : i32
        %swap3A_1106 = arith.constant 0 : i32
        %swap3A_1107 = arith.index_cast %swap3A_1106 : i32 to index
        %swap3A_1108 = arith.index_cast %mul3A_1105 : i32 to index
        %swap3A_1109 = tpu.vector_load %arg12[%swap3A_1107, %swap3A_1108] {strides = array<i32>} : memref<4x1024xf32, #tpu.memory_space<vmem>>, vector<16xf32>,
        tpu.vector_store %arg12[%swap3A_1107, %swap3A_1108], %add3A_1103 {strides = array<i32>} : memref<4x1024xf32, #tpu.memory_space<vmem>>, vector<16xf32>,
        %scan3A_1110 = arith.constant 0 : i32
        scf.yield %scan3A_1110 : i32
      }
      %scan3A_302 = arith.constant 64 : i32
      %mul3A_303 = arith.constant 4 : i32
      %mul3A_304 = arith.muli %mul3A_63, %mul3A_303 : i32
      %add3A_305 = arith.constant 1 : i32
      %add3A_306 = arith.addi %mul3A_304, %add3A_305 : i32
      %mul3A_307 = arith.constant 8 : i32
      %mul3A_308 = arith.muli %add3A_306, %mul3A_307 : i32
      %add3A_309 = arith.constant 0 : i32
      %add3A_310 = arith.addi %mul3A_308, %add3A_309 : i32
      %get3A_311 = arith.index_cast %add3A_310 : i32 to index
      %get3A_312 = tpu.vector_load %arg8[%get3A_311] {strides = array<i32>} : memref<1024xi32, #tpu.memory_space<vmem>>, vector<16xi32>,
      %slice3A_313 = vector.extract_strided_slice %get3A_312 {offsets = [0], sizes = [1], strides = [1]} : vector<16xi32> to vector<1xi32>
      %squeeze3A_314 = vector.extract %slice3A_313[0] : i32 from vector<1xi32>
      %mul3A_315 = arith.constant 4 : i32
      %mul3A_316 = arith.muli %mul3A_63, %mul3A_315 : i32
      %add3A_317 = arith.constant 1 : i32
      %add3A_318 = arith.addi %mul3A_316, %add3A_317 : i32
      %mul3A_319 = arith.constant 8 : i32
      %mul3A_320 = arith.muli %add3A_318, %mul3A_319 : i32
      %add3A_321 = arith.constant 0 : i32
      %add3A_322 = arith.addi %mul3A_320, %add3A_321 : i32
      %get3A_323 = arith.index_cast %add3A_322 : i32 to index
      %get3A_324 = tpu.vector_load %arg7[%get3A_323] {strides = array<i32>} : memref<1024xf32, #tpu.memory_space<vmem>>, vector<16xf32>,
      %slice3A_325 = vector.extract_strided_slice %get3A_324 {offsets = [0], sizes = [1], strides = [1]} : vector<16xf32> to vector<1xf32>
      %squeeze3A_326 = vector.extract %slice3A_325[0] : f32 from vector<1xf32>
      %ne3A_327 = arith.constant 0 : i32
      %ne3A_328 = arith.cmpi ne, %squeeze3A_314, %ne3A_327 : i32
      %broadcast_in_dim3A_329 = vector.broadcast %ne3A_328 : i1 to vector<16xi1>
      %mul3A_330 = arith.constant 4 : i32
      %mul3A_331 = arith.muli %mul3A_63, %mul3A_330 : i32
      %add3A_332 = arith.constant 1 : i32
      %add3A_333 = arith.addi %mul3A_331, %add3A_332 : i32
      %mul3A_334 = arith.constant 8 : i32
      %mul3A_335 = arith.muli %add3A_333, %mul3A_334 : i32
      %add3A_336 = arith.constant 1 : i32
      %add3A_337 = arith.addi %mul3A_335, %add3A_336 : i32
      %get3A_338 = arith.index_cast %add3A_337 : i32 to index
      %get3A_339 = tpu.vector_load %arg8[%get3A_338] {strides = array<i32>} : memref<1024xi32, #tpu.memory_space<vmem>>, vector<16xi32>,
      %slice3A_340 = vector.extract_strided_slice %get3A_339 {offsets = [0], sizes = [1], strides = [1]} : vector<16xi32> to vector<1xi32>
      %squeeze3A_341 = vector.extract %slice3A_340[0] : i32 from vector<1xi32>
      %mul3A_342 = arith.constant 4 : i32
      %mul3A_343 = arith.muli %mul3A_63, %mul3A_342 : i32
      %add3A_344 = arith.constant 1 : i32
      %add3A_345 = arith.addi %mul3A_343, %add3A_344 : i32
      %mul3A_346 = arith.constant 8 : i32
      %mul3A_347 = arith.muli %add3A_345, %mul3A_346 : i32
      %add3A_348 = arith.constant 1 : i32
      %add3A_349 = arith.addi %mul3A_347, %add3A_348 : i32
      %get3A_350 = arith.index_cast %add3A_349 : i32 to index
      %get3A_351 = tpu.vector_load %arg7[%get3A_350] {strides = array<i32>} : memref<1024xf32, #tpu.memory_space<vmem>>, vector<16xf32>,
      %slice3A_352 = vector.extract_strided_slice %get3A_351 {offsets = [0], sizes = [1], strides = [1]} : vector<16xf32> to vector<1xf32>
      %squeeze3A_353 = vector.extract %slice3A_352[0] : f32 from vector<1xf32>
      %ne3A_354 = arith.constant 0 : i32
      %ne3A_355 = arith.cmpi ne, %squeeze3A_341, %ne3A_354 : i32
      %broadcast_in_dim3A_356 = vector.broadcast %ne3A_355 : i1 to vector<16xi1>
      %mul3A_357 = arith.constant 4 : i32
      %mul3A_358 = arith.muli %mul3A_63, %mul3A_357 : i32
      %add3A_359 = arith.constant 1 : i32
      %add3A_360 = arith.addi %mul3A_358, %add3A_359 : i32
      %mul3A_361 = arith.constant 8 : i32
      %mul3A_362 = arith.muli %add3A_360, %mul3A_361 : i32
      %add3A_363 = arith.constant 2 : i32
      %add3A_364 = arith.addi %mul3A_362, %add3A_363 : i32
      %get3A_365 = arith.index_cast %add3A_364 : i32 to index
      %get3A_366 = tpu.vector_load %arg8[%get3A_365] {strides = array<i32>} : memref<1024xi32, #tpu.memory_space<vmem>>, vector<16xi32>,
      %slice3A_367 = vector.extract_strided_slice %get3A_366 {offsets = [0], sizes = [1], strides = [1]} : vector<16xi32> to vector<1xi32>
      %squeeze3A_368 = vector.extract %slice3A_367[0] : i32 from vector<1xi32>
      %mul3A_369 = arith.constant 4 : i32
      %mul3A_370 = arith.muli %mul3A_63, %mul3A_369 : i32
      %add3A_371 = arith.constant 1 : i32
      %add3A_372 = arith.addi %mul3A_370, %add3A_371 : i32
      %mul3A_373 = arith.constant 8 : i32
      %mul3A_374 = arith.muli %add3A_372, %mul3A_373 : i32
      %add3A_375 = arith.constant 2 : i32
      %add3A_376 = arith.addi %mul3A_374, %add3A_375 : i32
      %get3A_377 = arith.index_cast %add3A_376 : i32 to index
      %get3A_378 = tpu.vector_load %arg7[%get3A_377] {strides = array<i32>} : memref<1024xf32, #tpu.memory_space<vmem>>, vector<16xf32>,
      %slice3A_379 = vector.extract_strided_slice %get3A_378 {offsets = [0], sizes = [1], strides = [1]} : vector<16xf32> to vector<1xf32>
      %squeeze3A_380 = vector.extract %slice3A_379[0] : f32 from vector<1xf32>
      %ne3A_381 = arith.constant 0 : i32
      %ne3A_382 = arith.cmpi ne, %squeeze3A_368, %ne3A_381 : i32
      %broadcast_in_dim3A_383 = vector.broadcast %ne3A_382 : i1 to vector<16xi1>
      %mul3A_384 = arith.constant 4 : i32
      %mul3A_385 = arith.muli %mul3A_63, %mul3A_384 : i32
      %add3A_386 = arith.constant 1 : i32
      %add3A_387 = arith.addi %mul3A_385, %add3A_386 : i32
      %mul3A_388 = arith.constant 8 : i32
      %mul3A_389 = arith.muli %add3A_387, %mul3A_388 : i32
      %add3A_390 = arith.constant 3 : i32
      %add3A_391 = arith.addi %mul3A_389, %add3A_390 : i32
      %get3A_392 = arith.index_cast %add3A_391 : i32 to index
      %get3A_393 = tpu.vector_load %arg8[%get3A_392] {strides = array<i32>} : memref<1024xi32, #tpu.memory_space<vmem>>, vector<16xi32>,
      %slice3A_394 = vector.extract_strided_slice %get3A_393 {offsets = [0], sizes = [1], strides = [1]} : vector<16xi32> to vector<1xi32>
      %squeeze3A_395 = vector.extract %slice3A_394[0] : i32 from vector<1xi32>
      %mul3A_396 = arith.constant 4 : i32
      %mul3A_397 = arith.muli %mul3A_63, %mul3A_396 : i32
      %add3A_398 = arith.constant 1 : i32
      %add3A_399 = arith.addi %mul3A_397, %add3A_398 : i32
      %mul3A_400 = arith.constant 8 : i32
      %mul3A_401 = arith.muli %add3A_399, %mul3A_400 : i32
      %add3A_402 = arith.constant 3 : i32
      %add3A_403 = arith.addi %mul3A_401, %add3A_402 : i32
      %get3A_404 = arith.index_cast %add3A_403 : i32 to index
      %get3A_405 = tpu.vector_load %arg7[%get3A_404] {strides = array<i32>} : memref<1024xf32, #tpu.memory_space<vmem>>, vector<16xf32>,
      %slice3A_406 = vector.extract_strided_slice %get3A_405 {offsets = [0], sizes = [1], strides = [1]} : vector<16xf32> to vector<1xf32>
      %squeeze3A_407 = vector.extract %slice3A_406[0] : f32 from vector<1xf32>
      %ne3A_408 = arith.constant 0 : i32
      %ne3A_409 = arith.cmpi ne, %squeeze3A_395, %ne3A_408 : i32
      %broadcast_in_dim3A_410 = vector.broadcast %ne3A_409 : i1 to vector<16xi1>
      %mul3A_411 = arith.constant 4 : i32
      %mul3A_412 = arith.muli %mul3A_63, %mul3A_411 : i32
      %add3A_413 = arith.constant 1 : i32
      %add3A_414 = arith.addi %mul3A_412, %add3A_413 : i32
      %mul3A_415 = arith.constant 8 : i32
      %mul3A_416 = arith.muli %add3A_414, %mul3A_415 : i32
      %add3A_417 = arith.constant 4 : i32
      %add3A_418 = arith.addi %mul3A_416, %add3A_417 : i32
      %get3A_419 = arith.index_cast %add3A_418 : i32 to index
      %get3A_420 = tpu.vector_load %arg8[%get3A_419] {strides = array<i32>} : memref<1024xi32, #tpu.memory_space<vmem>>, vector<16xi32>,
      %slice3A_421 = vector.extract_strided_slice %get3A_420 {offsets = [0], sizes = [1], strides = [1]} : vector<16xi32> to vector<1xi32>
      %squeeze3A_422 = vector.extract %slice3A_421[0] : i32 from vector<1xi32>
      %mul3A_423 = arith.constant 4 : i32
      %mul3A_424 = arith.muli %mul3A_63, %mul3A_423 : i32
      %add3A_425 = arith.constant 1 : i32
      %add3A_426 = arith.addi %mul3A_424, %add3A_425 : i32
      %mul3A_427 = arith.constant 8 : i32
      %mul3A_428 = arith.muli %add3A_426, %mul3A_427 : i32
      %add3A_429 = arith.constant 4 : i32
      %add3A_430 = arith.addi %mul3A_428, %add3A_429 : i32
      %get3A_431 = arith.index_cast %add3A_430 : i32 to index
      %get3A_432 = tpu.vector_load %arg7[%get3A_431] {strides = array<i32>} : memref<1024xf32, #tpu.memory_space<vmem>>, vector<16xf32>,
      %slice3A_433 = vector.extract_strided_slice %get3A_432 {offsets = [0], sizes = [1], strides = [1]} : vector<16xf32> to vector<1xf32>
      %squeeze3A_434 = vector.extract %slice3A_433[0] : f32 from vector<1xf32>
      %ne3A_435 = arith.constant 0 : i32
      %ne3A_436 = arith.cmpi ne, %squeeze3A_422, %ne3A_435 : i32
      %broadcast_in_dim3A_437 = vector.broadcast %ne3A_436 : i1 to vector<16xi1>
      %mul3A_438 = arith.constant 4 : i32
      %mul3A_439 = arith.muli %mul3A_63, %mul3A_438 : i32
      %add3A_440 = arith.constant 1 : i32
      %add3A_441 = arith.addi %mul3A_439, %add3A_440 : i32
      %mul3A_442 = arith.constant 8 : i32
      %mul3A_443 = arith.muli %add3A_441, %mul3A_442 : i32
      %add3A_444 = arith.constant 5 : i32
      %add3A_445 = arith.addi %mul3A_443, %add3A_444 : i32
      %get3A_446 = arith.index_cast %add3A_445 : i32 to index
      %get3A_447 = tpu.vector_load %arg8[%get3A_446] {strides = array<i32>} : memref<1024xi32, #tpu.memory_space<vmem>>, vector<16xi32>,
      %slice3A_448 = vector.extract_strided_slice %get3A_447 {offsets = [0], sizes = [1], strides = [1]} : vector<16xi32> to vector<1xi32>
      %squeeze3A_449 = vector.extract %slice3A_448[0] : i32 from vector<1xi32>
      %mul3A_450 = arith.constant 4 : i32
      %mul3A_451 = arith.muli %mul3A_63, %mul3A_450 : i32
      %add3A_452 = arith.constant 1 : i32
      %add3A_453 = arith.addi %mul3A_451, %add3A_452 : i32
      %mul3A_454 = arith.constant 8 : i32
      %mul3A_455 = arith.muli %add3A_453, %mul3A_454 : i32
      %add3A_456 = arith.constant 5 : i32
      %add3A_457 = arith.addi %mul3A_455, %add3A_456 : i32
      %get3A_458 = arith.index_cast %add3A_457 : i32 to index
      %get3A_459 = tpu.vector_load %arg7[%get3A_458] {strides = array<i32>} : memref<1024xf32, #tpu.memory_space<vmem>>, vector<16xf32>,
      %slice3A_460 = vector.extract_strided_slice %get3A_459 {offsets = [0], sizes = [1], strides = [1]} : vector<16xf32> to vector<1xf32>
      %squeeze3A_461 = vector.extract %slice3A_460[0] : f32 from vector<1xf32>
      %ne3A_462 = arith.constant 0 : i32
      %ne3A_463 = arith.cmpi ne, %squeeze3A_449, %ne3A_462 : i32
      %broadcast_in_dim3A_464 = vector.broadcast %ne3A_463 : i1 to vector<16xi1>
      %mul3A_465 = arith.constant 4 : i32
      %mul3A_466 = arith.muli %mul3A_63, %mul3A_465 : i32
      %add3A_467 = arith.constant 1 : i32
      %add3A_468 = arith.addi %mul3A_466, %add3A_467 : i32
      %mul3A_469 = arith.constant 8 : i32
      %mul3A_470 = arith.muli %add3A_468, %mul3A_469 : i32
      %add3A_471 = arith.constant 6 : i32
      %add3A_472 = arith.addi %mul3A_470, %add3A_471 : i32
      %get3A_473 = arith.index_cast %add3A_472 : i32 to index
      %get3A_474 = tpu.vector_load %arg8[%get3A_473] {strides = array<i32>} : memref<1024xi32, #tpu.memory_space<vmem>>, vector<16xi32>,
      %slice3A_475 = vector.extract_strided_slice %get3A_474 {offsets = [0], sizes = [1], strides = [1]} : vector<16xi32> to vector<1xi32>
      %squeeze3A_476 = vector.extract %slice3A_475[0] : i32 from vector<1xi32>
      %mul3A_477 = arith.constant 4 : i32
      %mul3A_478 = arith.muli %mul3A_63, %mul3A_477 : i32
      %add3A_479 = arith.constant 1 : i32
      %add3A_480 = arith.addi %mul3A_478, %add3A_479 : i32
      %mul3A_481 = arith.constant 8 : i32
      %mul3A_482 = arith.muli %add3A_480, %mul3A_481 : i32
      %add3A_483 = arith.constant 6 : i32
      %add3A_484 = arith.addi %mul3A_482, %add3A_483 : i32
      %get3A_485 = arith.index_cast %add3A_484 : i32 to index
      %get3A_486 = tpu.vector_load %arg7[%get3A_485] {strides = array<i32>} : memref<1024xf32, #tpu.memory_space<vmem>>, vector<16xf32>,
      %slice3A_487 = vector.extract_strided_slice %get3A_486 {offsets = [0], sizes = [1], strides = [1]} : vector<16xf32> to vector<1xf32>
      %squeeze3A_488 = vector.extract %slice3A_487[0] : f32 from vector<1xf32>
      %ne3A_489 = arith.constant 0 : i32
      %ne3A_490 = arith.cmpi ne, %squeeze3A_476, %ne3A_489 : i32
      %broadcast_in_dim3A_491 = vector.broadcast %ne3A_490 : i1 to vector<16xi1>
      %mul3A_492 = arith.constant 4 : i32
      %mul3A_493 = arith.muli %mul3A_63, %mul3A_492 : i32
      %add3A_494 = arith.constant 1 : i32
      %add3A_495 = arith.addi %mul3A_493, %add3A_494 : i32
      %mul3A_496 = arith.constant 8 : i32
      %mul3A_497 = arith.muli %add3A_495, %mul3A_496 : i32
      %add3A_498 = arith.constant 7 : i32
      %add3A_499 = arith.addi %mul3A_497, %add3A_498 : i32
      %get3A_500 = arith.index_cast %add3A_499 : i32 to index
      %get3A_501 = tpu.vector_load %arg8[%get3A_500] {strides = array<i32>} : memref<1024xi32, #tpu.memory_space<vmem>>, vector<16xi32>,
      %slice3A_502 = vector.extract_strided_slice %get3A_501 {offsets = [0], sizes = [1], strides = [1]} : vector<16xi32> to vector<1xi32>
      %squeeze3A_503 = vector.extract %slice3A_502[0] : i32 from vector<1xi32>
      %mul3A_504 = arith.constant 4 : i32
      %mul3A_505 = arith.muli %mul3A_63, %mul3A_504 : i32
      %add3A_506 = arith.constant 1 : i32
      %add3A_507 = arith.addi %mul3A_505, %add3A_506 : i32
      %mul3A_508 = arith.constant 8 : i32
      %mul3A_509 = arith.muli %add3A_507, %mul3A_508 : i32
      %add3A_510 = arith.constant 7 : i32
      %add3A_511 = arith.addi %mul3A_509, %add3A_510 : i32
      %get3A_512 = arith.index_cast %add3A_511 : i32 to index
      %get3A_513 = tpu.vector_load %arg7[%get3A_512] {strides = array<i32>} : memref<1024xf32, #tpu.memory_space<vmem>>, vector<16xf32>,
      %slice3A_514 = vector.extract_strided_slice %get3A_513 {offsets = [0], sizes = [1], strides = [1]} : vector<16xf32> to vector<1xf32>
      %squeeze3A_515 = vector.extract %slice3A_514[0] : f32 from vector<1xf32>
      %ne3A_516 = arith.constant 0 : i32
      %ne3A_517 = arith.cmpi ne, %squeeze3A_503, %ne3A_516 : i32
      %broadcast_in_dim3A_518 = vector.broadcast %ne3A_517 : i1 to vector<16xi1>
      %scan3A_519 = arith.constant 0 : i32
      %scan3A_520 = arith.constant 0 : i32
      %scan3A_521 = arith.constant 64 : i32
      %scan3A_522 = arith.addi %scan3A_520, %scan3A_521 : i32
      %scan3A_523 = arith.constant 1 : i32
      %scan3A_524 = scf.for %scan3A_990 = %scan3A_520 to %scan3A_522 step %scan3A_523 iter_args(%scan3A_991 = %scan3A_519) -> (i32)  : i32 {
        %broadcast_in_dim3A_992 = arith.constant 0.000000e+00 : f32
        %broadcast_in_dim3A_993 = vector.broadcast %broadcast_in_dim3A_992 : f32 to vector<16xf32>
        %mul3A_994 = arith.constant 16 : i32
        %mul3A_995 = arith.muli %scan3A_990, %mul3A_994 : i32
        %get3A_996 = arith.constant 0 : i32
        %get3A_997 = arith.constant 8 : i32
        %get3A_998 = arith.index_cast %get3A_996 : i32 to index
        %get3A_999 = arith.index_cast %get3A_997 : i32 to index
        %get3A_1000 = arith.index_cast %mul3A_995 : i32 to index
        %get3A_1001 = tpu.vector_load %arg11[%get3A_998, %get3A_999, %get3A_1000] {strides = array<i32>} : memref<2x32x1024xf32, #tpu.memory_space<vmem>>, vector<16xf32>,
        %mul3A_1002 = vector.broadcast %squeeze3A_326 : f32 to vector<16xf32>
        %mul3A_1003 = arith.mulf %mul3A_1002, %get3A_1001 : vector<16xf32>
        %jit3A = arith.constant 0.000000e+00 : f32
        %broadcast_in_dim3A_1004 = vector.broadcast %jit3A : f32 to vector<16xf32>
        %select_n3A = arith.select %broadcast_in_dim3A_329, %mul3A_1003, %broadcast_in_dim3A_1004 : vector<16xi1>, vector<16xf32>
        %add3A_1005 = arith.addf %broadcast_in_dim3A_993, %select_n3A : vector<16xf32>
        %mul3A_1006 = arith.constant 16 : i32
        %mul3A_1007 = arith.muli %scan3A_990, %mul3A_1006 : i32
        %get3A_1008 = arith.constant 0 : i32
        %get3A_1009 = arith.constant 9 : i32
        %get3A_1010 = arith.index_cast %get3A_1008 : i32 to index
        %get3A_1011 = arith.index_cast %get3A_1009 : i32 to index
        %get3A_1012 = arith.index_cast %mul3A_1007 : i32 to index
        %get3A_1013 = tpu.vector_load %arg11[%get3A_1010, %get3A_1011, %get3A_1012] {strides = array<i32>} : memref<2x32x1024xf32, #tpu.memory_space<vmem>>, vector<16xf32>,
        %mul3A_1014 = vector.broadcast %squeeze3A_353 : f32 to vector<16xf32>
        %mul3A_1015 = arith.mulf %mul3A_1014, %get3A_1013 : vector<16xf32>
        %jit3A_1016 = arith.constant 0.000000e+00 : f32
        %broadcast_in_dim3A_1017 = vector.broadcast %jit3A_1016 : f32 to vector<16xf32>
        %select_n3A_1018 = arith.select %broadcast_in_dim3A_356, %mul3A_1015, %broadcast_in_dim3A_1017 : vector<16xi1>, vector<16xf32>
        %add3A_1019 = arith.addf %add3A_1005, %select_n3A_1018 : vector<16xf32>
        %mul3A_1020 = arith.constant 16 : i32
        %mul3A_1021 = arith.muli %scan3A_990, %mul3A_1020 : i32
        %get3A_1022 = arith.constant 0 : i32
        %get3A_1023 = arith.constant 10 : i32
        %get3A_1024 = arith.index_cast %get3A_1022 : i32 to index
        %get3A_1025 = arith.index_cast %get3A_1023 : i32 to index
        %get3A_1026 = arith.index_cast %mul3A_1021 : i32 to index
        %get3A_1027 = tpu.vector_load %arg11[%get3A_1024, %get3A_1025, %get3A_1026] {strides = array<i32>} : memref<2x32x1024xf32, #tpu.memory_space<vmem>>, vector<16xf32>,
        %mul3A_1028 = vector.broadcast %squeeze3A_380 : f32 to vector<16xf32>
        %mul3A_1029 = arith.mulf %mul3A_1028, %get3A_1027 : vector<16xf32>
        %jit3A_1030 = arith.constant 0.000000e+00 : f32
        %broadcast_in_dim3A_1031 = vector.broadcast %jit3A_1030 : f32 to vector<16xf32>
        %select_n3A_1032 = arith.select %broadcast_in_dim3A_383, %mul3A_1029, %broadcast_in_dim3A_1031 : vector<16xi1>, vector<16xf32>
        %add3A_1033 = arith.addf %add3A_1019, %select_n3A_1032 : vector<16xf32>
        %mul3A_1034 = arith.constant 16 : i32
        %mul3A_1035 = arith.muli %scan3A_990, %mul3A_1034 : i32
        %get3A_1036 = arith.constant 0 : i32
        %get3A_1037 = arith.constant 11 : i32
        %get3A_1038 = arith.index_cast %get3A_1036 : i32 to index
        %get3A_1039 = arith.index_cast %get3A_1037 : i32 to index
        %get3A_1040 = arith.index_cast %mul3A_1035 : i32 to index
        %get3A_1041 = tpu.vector_load %arg11[%get3A_1038, %get3A_1039, %get3A_1040] {strides = array<i32>} : memref<2x32x1024xf32, #tpu.memory_space<vmem>>, vector<16xf32>,
        %mul3A_1042 = vector.broadcast %squeeze3A_407 : f32 to vector<16xf32>
        %mul3A_1043 = arith.mulf %mul3A_1042, %get3A_1041 : vector<16xf32>
        %jit3A_1044 = arith.constant 0.000000e+00 : f32
        %broadcast_in_dim3A_1045 = vector.broadcast %jit3A_1044 : f32 to vector<16xf32>
        %select_n3A_1046 = arith.select %broadcast_in_dim3A_410, %mul3A_1043, %broadcast_in_dim3A_1045 : vector<16xi1>, vector<16xf32>
        %add3A_1047 = arith.addf %add3A_1033, %select_n3A_1046 : vector<16xf32>
        %mul3A_1048 = arith.constant 16 : i32
        %mul3A_1049 = arith.muli %scan3A_990, %mul3A_1048 : i32
        %get3A_1050 = arith.constant 0 : i32
        %get3A_1051 = arith.constant 12 : i32
        %get3A_1052 = arith.index_cast %get3A_1050 : i32 to index
        %get3A_1053 = arith.index_cast %get3A_1051 : i32 to index
        %get3A_1054 = arith.index_cast %mul3A_1049 : i32 to index
        %get3A_1055 = tpu.vector_load %arg11[%get3A_1052, %get3A_1053, %get3A_1054] {strides = array<i32>} : memref<2x32x1024xf32, #tpu.memory_space<vmem>>, vector<16xf32>,
        %mul3A_1056 = vector.broadcast %squeeze3A_434 : f32 to vector<16xf32>
        %mul3A_1057 = arith.mulf %mul3A_1056, %get3A_1055 : vector<16xf32>
        %jit3A_1058 = arith.constant 0.000000e+00 : f32
        %broadcast_in_dim3A_1059 = vector.broadcast %jit3A_1058 : f32 to vector<16xf32>
        %select_n3A_1060 = arith.select %broadcast_in_dim3A_437, %mul3A_1057, %broadcast_in_dim3A_1059 : vector<16xi1>, vector<16xf32>
        %add3A_1061 = arith.addf %add3A_1047, %select_n3A_1060 : vector<16xf32>
        %mul3A_1062 = arith.constant 16 : i32
        %mul3A_1063 = arith.muli %scan3A_990, %mul3A_1062 : i32
        %get3A_1064 = arith.constant 0 : i32
        %get3A_1065 = arith.constant 13 : i32
        %get3A_1066 = arith.index_cast %get3A_1064 : i32 to index
        %get3A_1067 = arith.index_cast %get3A_1065 : i32 to index
        %get3A_1068 = arith.index_cast %mul3A_1063 : i32 to index
        %get3A_1069 = tpu.vector_load %arg11[%get3A_1066, %get3A_1067, %get3A_1068] {strides = array<i32>} : memref<2x32x1024xf32, #tpu.memory_space<vmem>>, vector<16xf32>,
        %mul3A_1070 = vector.broadcast %squeeze3A_461 : f32 to vector<16xf32>
        %mul3A_1071 = arith.mulf %mul3A_1070, %get3A_1069 : vector<16xf32>
        %jit3A_1072 = arith.constant 0.000000e+00 : f32
        %broadcast_in_dim3A_1073 = vector.broadcast %jit3A_1072 : f32 to vector<16xf32>
        %select_n3A_1074 = arith.select %broadcast_in_dim3A_464, %mul3A_1071, %broadcast_in_dim3A_1073 : vector<16xi1>, vector<16xf32>
        %add3A_1075 = arith.addf %add3A_1061, %select_n3A_1074 : vector<16xf32>
        %mul3A_1076 = arith.constant 16 : i32
        %mul3A_1077 = arith.muli %scan3A_990, %mul3A_1076 : i32
        %get3A_1078 = arith.constant 0 : i32
        %get3A_1079 = arith.constant 14 : i32
        %get3A_1080 = arith.index_cast %get3A_1078 : i32 to index
        %get3A_1081 = arith.index_cast %get3A_1079 : i32 to index
        %get3A_1082 = arith.index_cast %mul3A_1077 : i32 to index
        %get3A_1083 = tpu.vector_load %arg11[%get3A_1080, %get3A_1081, %get3A_1082] {strides = array<i32>} : memref<2x32x1024xf32, #tpu.memory_space<vmem>>, vector<16xf32>,
        %mul3A_1084 = vector.broadcast %squeeze3A_488 : f32 to vector<16xf32>
        %mul3A_1085 = arith.mulf %mul3A_1084, %get3A_1083 : vector<16xf32>
        %jit3A_1086 = arith.constant 0.000000e+00 : f32
        %broadcast_in_dim3A_1087 = vector.broadcast %jit3A_1086 : f32 to vector<16xf32>
        %select_n3A_1088 = arith.select %broadcast_in_dim3A_491, %mul3A_1085, %broadcast_in_dim3A_1087 : vector<16xi1>, vector<16xf32>
        %add3A_1089 = arith.addf %add3A_1075, %select_n3A_1088 : vector<16xf32>
        %mul3A_1090 = arith.constant 16 : i32
        %mul3A_1091 = arith.muli %scan3A_990, %mul3A_1090 : i32
        %get3A_1092 = arith.constant 0 : i32
        %get3A_1093 = arith.constant 15 : i32
        %get3A_1094 = arith.index_cast %get3A_1092 : i32 to index
        %get3A_1095 = arith.index_cast %get3A_1093 : i32 to index
        %get3A_1096 = arith.index_cast %mul3A_1091 : i32 to index
        %get3A_1097 = tpu.vector_load %arg11[%get3A_1094, %get3A_1095, %get3A_1096] {strides = array<i32>} : memref<2x32x1024xf32, #tpu.memory_space<vmem>>, vector<16xf32>,
        %mul3A_1098 = vector.broadcast %squeeze3A_515 : f32 to vector<16xf32>
        %mul3A_1099 = arith.mulf %mul3A_1098, %get3A_1097 : vector<16xf32>
        %jit3A_1100 = arith.constant 0.000000e+00 : f32
        %broadcast_in_dim3A_1101 = vector.broadcast %jit3A_1100 : f32 to vector<16xf32>
        %select_n3A_1102 = arith.select %broadcast_in_dim3A_518, %mul3A_1099, %broadcast_in_dim3A_1101 : vector<16xi1>, vector<16xf32>
        %add3A_1103 = arith.addf %add3A_1089, %select_n3A_1102 : vector<16xf32>
        %mul3A_1104 = arith.constant 16 : i32
        %mul3A_1105 = arith.muli %scan3A_990, %mul3A_1104 : i32
        %swap3A_1106 = arith.constant 1 : i32
        %swap3A_1107 = arith.index_cast %swap3A_1106 : i32 to index
        %swap3A_1108 = arith.index_cast %mul3A_1105 : i32 to index
        %swap3A_1109 = tpu.vector_load %arg12[%swap3A_1107, %swap3A_1108] {strides = array<i32>} : memref<4x1024xf32, #tpu.memory_space<vmem>>, vector<16xf32>,
        tpu.vector_store %arg12[%swap3A_1107, %swap3A_1108], %add3A_1103 {strides = array<i32>} : memref<4x1024xf32, #tpu.memory_space<vmem>>, vector<16xf32>,
        %scan3A_1110 = arith.constant 0 : i32
        scf.yield %scan3A_1110 : i32
      }
      %scan3A_525 = arith.constant 64 : i32
      %mul3A_526 = arith.constant 4 : i32
      %mul3A_527 = arith.muli %mul3A_63, %mul3A_526 : i32
      %add3A_528 = arith.constant 2 : i32
      %add3A_529 = arith.addi %mul3A_527, %add3A_528 : i32
      %mul3A_530 = arith.constant 8 : i32
      %mul3A_531 = arith.muli %add3A_529, %mul3A_530 : i32
      %add3A_532 = arith.constant 0 : i32
      %add3A_533 = arith.addi %mul3A_531, %add3A_532 : i32
      %get3A_534 = arith.index_cast %add3A_533 : i32 to index
      %get3A_535 = tpu.vector_load %arg8[%get3A_534] {strides = array<i32>} : memref<1024xi32, #tpu.memory_space<vmem>>, vector<16xi32>,
      %slice3A_536 = vector.extract_strided_slice %get3A_535 {offsets = [0], sizes = [1], strides = [1]} : vector<16xi32> to vector<1xi32>
      %squeeze3A_537 = vector.extract %slice3A_536[0] : i32 from vector<1xi32>
      %mul3A_538 = arith.constant 4 : i32
      %mul3A_539 = arith.muli %mul3A_63, %mul3A_538 : i32
      %add3A_540 = arith.constant 2 : i32
      %add3A_541 = arith.addi %mul3A_539, %add3A_540 : i32
      %mul3A_542 = arith.constant 8 : i32
      %mul3A_543 = arith.muli %add3A_541, %mul3A_542 : i32
      %add3A_544 = arith.constant 0 : i32
      %add3A_545 = arith.addi %mul3A_543, %add3A_544 : i32
      %get3A_546 = arith.index_cast %add3A_545 : i32 to index
      %get3A_547 = tpu.vector_load %arg7[%get3A_546] {strides = array<i32>} : memref<1024xf32, #tpu.memory_space<vmem>>, vector<16xf32>,
      %slice3A_548 = vector.extract_strided_slice %get3A_547 {offsets = [0], sizes = [1], strides = [1]} : vector<16xf32> to vector<1xf32>
      %squeeze3A_549 = vector.extract %slice3A_548[0] : f32 from vector<1xf32>
      %ne3A_550 = arith.constant 0 : i32
      %ne3A_551 = arith.cmpi ne, %squeeze3A_537, %ne3A_550 : i32
      %broadcast_in_dim3A_552 = vector.broadcast %ne3A_551 : i1 to vector<16xi1>
      %mul3A_553 = arith.constant 4 : i32
      %mul3A_554 = arith.muli %mul3A_63, %mul3A_553 : i32
      %add3A_555 = arith.constant 2 : i32
      %add3A_556 = arith.addi %mul3A_554, %add3A_555 : i32
      %mul3A_557 = arith.constant 8 : i32
      %mul3A_558 = arith.muli %add3A_556, %mul3A_557 : i32
      %add3A_559 = arith.constant 1 : i32
      %add3A_560 = arith.addi %mul3A_558, %add3A_559 : i32
      %get3A_561 = arith.index_cast %add3A_560 : i32 to index
      %get3A_562 = tpu.vector_load %arg8[%get3A_561] {strides = array<i32>} : memref<1024xi32, #tpu.memory_space<vmem>>, vector<16xi32>,
      %slice3A_563 = vector.extract_strided_slice %get3A_562 {offsets = [0], sizes = [1], strides = [1]} : vector<16xi32> to vector<1xi32>
      %squeeze3A_564 = vector.extract %slice3A_563[0] : i32 from vector<1xi32>
      %mul3A_565 = arith.constant 4 : i32
      %mul3A_566 = arith.muli %mul3A_63, %mul3A_565 : i32
      %add3A_567 = arith.constant 2 : i32
      %add3A_568 = arith.addi %mul3A_566, %add3A_567 : i32
      %mul3A_569 = arith.constant 8 : i32
      %mul3A_570 = arith.muli %add3A_568, %mul3A_569 : i32
      %add3A_571 = arith.constant 1 : i32
      %add3A_572 = arith.addi %mul3A_570, %add3A_571 : i32
      %get3A_573 = arith.index_cast %add3A_572 : i32 to index
      %get3A_574 = tpu.vector_load %arg7[%get3A_573] {strides = array<i32>} : memref<1024xf32, #tpu.memory_space<vmem>>, vector<16xf32>,
      %slice3A_575 = vector.extract_strided_slice %get3A_574 {offsets = [0], sizes = [1], strides = [1]} : vector<16xf32> to vector<1xf32>
      %squeeze3A_576 = vector.extract %slice3A_575[0] : f32 from vector<1xf32>
      %ne3A_577 = arith.constant 0 : i32
      %ne3A_578 = arith.cmpi ne, %squeeze3A_564, %ne3A_577 : i32
      %broadcast_in_dim3A_579 = vector.broadcast %ne3A_578 : i1 to vector<16xi1>
      %mul3A_580 = arith.constant 4 : i32
      %mul3A_581 = arith.muli %mul3A_63, %mul3A_580 : i32
      %add3A_582 = arith.constant 2 : i32
      %add3A_583 = arith.addi %mul3A_581, %add3A_582 : i32
      %mul3A_584 = arith.constant 8 : i32
      %mul3A_585 = arith.muli %add3A_583, %mul3A_584 : i32
      %add3A_586 = arith.constant 2 : i32
      %add3A_587 = arith.addi %mul3A_585, %add3A_586 : i32
      %get3A_588 = arith.index_cast %add3A_587 : i32 to index
      %get3A_589 = tpu.vector_load %arg8[%get3A_588] {strides = array<i32>} : memref<1024xi32, #tpu.memory_space<vmem>>, vector<16xi32>,
      %slice3A_590 = vector.extract_strided_slice %get3A_589 {offsets = [0], sizes = [1], strides = [1]} : vector<16xi32> to vector<1xi32>
      %squeeze3A_591 = vector.extract %slice3A_590[0] : i32 from vector<1xi32>
      %mul3A_592 = arith.constant 4 : i32
      %mul3A_593 = arith.muli %mul3A_63, %mul3A_592 : i32
      %add3A_594 = arith.constant 2 : i32
      %add3A_595 = arith.addi %mul3A_593, %add3A_594 : i32
      %mul3A_596 = arith.constant 8 : i32
      %mul3A_597 = arith.muli %add3A_595, %mul3A_596 : i32
      %add3A_598 = arith.constant 2 : i32
      %add3A_599 = arith.addi %mul3A_597, %add3A_598 : i32
      %get3A_600 = arith.index_cast %add3A_599 : i32 to index
      %get3A_601 = tpu.vector_load %arg7[%get3A_600] {strides = array<i32>} : memref<1024xf32, #tpu.memory_space<vmem>>, vector<16xf32>,
      %slice3A_602 = vector.extract_strided_slice %get3A_601 {offsets = [0], sizes = [1], strides = [1]} : vector<16xf32> to vector<1xf32>
      %squeeze3A_603 = vector.extract %slice3A_602[0] : f32 from vector<1xf32>
      %ne3A_604 = arith.constant 0 : i32
      %ne3A_605 = arith.cmpi ne, %squeeze3A_591, %ne3A_604 : i32
      %broadcast_in_dim3A_606 = vector.broadcast %ne3A_605 : i1 to vector<16xi1>
      %mul3A_607 = arith.constant 4 : i32
      %mul3A_608 = arith.muli %mul3A_63, %mul3A_607 : i32
      %add3A_609 = arith.constant 2 : i32
      %add3A_610 = arith.addi %mul3A_608, %add3A_609 : i32
      %mul3A_611 = arith.constant 8 : i32
      %mul3A_612 = arith.muli %add3A_610, %mul3A_611 : i32
      %add3A_613 = arith.constant 3 : i32
      %add3A_614 = arith.addi %mul3A_612, %add3A_613 : i32
      %get3A_615 = arith.index_cast %add3A_614 : i32 to index
      %get3A_616 = tpu.vector_load %arg8[%get3A_615] {strides = array<i32>} : memref<1024xi32, #tpu.memory_space<vmem>>, vector<16xi32>,
      %slice3A_617 = vector.extract_strided_slice %get3A_616 {offsets = [0], sizes = [1], strides = [1]} : vector<16xi32> to vector<1xi32>
      %squeeze3A_618 = vector.extract %slice3A_617[0] : i32 from vector<1xi32>
      %mul3A_619 = arith.constant 4 : i32
      %mul3A_620 = arith.muli %mul3A_63, %mul3A_619 : i32
      %add3A_621 = arith.constant 2 : i32
      %add3A_622 = arith.addi %mul3A_620, %add3A_621 : i32
      %mul3A_623 = arith.constant 8 : i32
      %mul3A_624 = arith.muli %add3A_622, %mul3A_623 : i32
      %add3A_625 = arith.constant 3 : i32
      %add3A_626 = arith.addi %mul3A_624, %add3A_625 : i32
      %get3A_627 = arith.index_cast %add3A_626 : i32 to index
      %get3A_628 = tpu.vector_load %arg7[%get3A_627] {strides = array<i32>} : memref<1024xf32, #tpu.memory_space<vmem>>, vector<16xf32>,
      %slice3A_629 = vector.extract_strided_slice %get3A_628 {offsets = [0], sizes = [1], strides = [1]} : vector<16xf32> to vector<1xf32>
      %squeeze3A_630 = vector.extract %slice3A_629[0] : f32 from vector<1xf32>
      %ne3A_631 = arith.constant 0 : i32
      %ne3A_632 = arith.cmpi ne, %squeeze3A_618, %ne3A_631 : i32
      %broadcast_in_dim3A_633 = vector.broadcast %ne3A_632 : i1 to vector<16xi1>
      %mul3A_634 = arith.constant 4 : i32
      %mul3A_635 = arith.muli %mul3A_63, %mul3A_634 : i32
      %add3A_636 = arith.constant 2 : i32
      %add3A_637 = arith.addi %mul3A_635, %add3A_636 : i32
      %mul3A_638 = arith.constant 8 : i32
      %mul3A_639 = arith.muli %add3A_637, %mul3A_638 : i32
      %add3A_640 = arith.constant 4 : i32
      %add3A_641 = arith.addi %mul3A_639, %add3A_640 : i32
      %get3A_642 = arith.index_cast %add3A_641 : i32 to index
      %get3A_643 = tpu.vector_load %arg8[%get3A_642] {strides = array<i32>} : memref<1024xi32, #tpu.memory_space<vmem>>, vector<16xi32>,
      %slice3A_644 = vector.extract_strided_slice %get3A_643 {offsets = [0], sizes = [1], strides = [1]} : vector<16xi32> to vector<1xi32>
      %squeeze3A_645 = vector.extract %slice3A_644[0] : i32 from vector<1xi32>
      %mul3A_646 = arith.constant 4 : i32
      %mul3A_647 = arith.muli %mul3A_63, %mul3A_646 : i32
      %add3A_648 = arith.constant 2 : i32
      %add3A_649 = arith.addi %mul3A_647, %add3A_648 : i32
      %mul3A_650 = arith.constant 8 : i32
      %mul3A_651 = arith.muli %add3A_649, %mul3A_650 : i32
      %add3A_652 = arith.constant 4 : i32
      %add3A_653 = arith.addi %mul3A_651, %add3A_652 : i32
      %get3A_654 = arith.index_cast %add3A_653 : i32 to index
      %get3A_655 = tpu.vector_load %arg7[%get3A_654] {strides = array<i32>} : memref<1024xf32, #tpu.memory_space<vmem>>, vector<16xf32>,
      %slice3A_656 = vector.extract_strided_slice %get3A_655 {offsets = [0], sizes = [1], strides = [1]} : vector<16xf32> to vector<1xf32>
      %squeeze3A_657 = vector.extract %slice3A_656[0] : f32 from vector<1xf32>
      %ne3A_658 = arith.constant 0 : i32
      %ne3A_659 = arith.cmpi ne, %squeeze3A_645, %ne3A_658 : i32
      %broadcast_in_dim3A_660 = vector.broadcast %ne3A_659 : i1 to vector<16xi1>
      %mul3A_661 = arith.constant 4 : i32
      %mul3A_662 = arith.muli %mul3A_63, %mul3A_661 : i32
      %add3A_663 = arith.constant 2 : i32
      %add3A_664 = arith.addi %mul3A_662, %add3A_663 : i32
      %mul3A_665 = arith.constant 8 : i32
      %mul3A_666 = arith.muli %add3A_664, %mul3A_665 : i32
      %add3A_667 = arith.constant 5 : i32
      %add3A_668 = arith.addi %mul3A_666, %add3A_667 : i32
      %get3A_669 = arith.index_cast %add3A_668 : i32 to index
      %get3A_670 = tpu.vector_load %arg8[%get3A_669] {strides = array<i32>} : memref<1024xi32, #tpu.memory_space<vmem>>, vector<16xi32>,
      %slice3A_671 = vector.extract_strided_slice %get3A_670 {offsets = [0], sizes = [1], strides = [1]} : vector<16xi32> to vector<1xi32>
      %squeeze3A_672 = vector.extract %slice3A_671[0] : i32 from vector<1xi32>
      %mul3A_673 = arith.constant 4 : i32
      %mul3A_674 = arith.muli %mul3A_63, %mul3A_673 : i32
      %add3A_675 = arith.constant 2 : i32
      %add3A_676 = arith.addi %mul3A_674, %add3A_675 : i32
      %mul3A_677 = arith.constant 8 : i32
      %mul3A_678 = arith.muli %add3A_676, %mul3A_677 : i32
      %add3A_679 = arith.constant 5 : i32
      %add3A_680 = arith.addi %mul3A_678, %add3A_679 : i32
      %get3A_681 = arith.index_cast %add3A_680 : i32 to index
      %get3A_682 = tpu.vector_load %arg7[%get3A_681] {strides = array<i32>} : memref<1024xf32, #tpu.memory_space<vmem>>, vector<16xf32>,
      %slice3A_683 = vector.extract_strided_slice %get3A_682 {offsets = [0], sizes = [1], strides = [1]} : vector<16xf32> to vector<1xf32>
      %squeeze3A_684 = vector.extract %slice3A_683[0] : f32 from vector<1xf32>
      %ne3A_685 = arith.constant 0 : i32
      %ne3A_686 = arith.cmpi ne, %squeeze3A_672, %ne3A_685 : i32
      %broadcast_in_dim3A_687 = vector.broadcast %ne3A_686 : i1 to vector<16xi1>
      %mul3A_688 = arith.constant 4 : i32
      %mul3A_689 = arith.muli %mul3A_63, %mul3A_688 : i32
      %add3A_690 = arith.constant 2 : i32
      %add3A_691 = arith.addi %mul3A_689, %add3A_690 : i32
      %mul3A_692 = arith.constant 8 : i32
      %mul3A_693 = arith.muli %add3A_691, %mul3A_692 : i32
      %add3A_694 = arith.constant 6 : i32
      %add3A_695 = arith.addi %mul3A_693, %add3A_694 : i32
      %get3A_696 = arith.index_cast %add3A_695 : i32 to index
      %get3A_697 = tpu.vector_load %arg8[%get3A_696] {strides = array<i32>} : memref<1024xi32, #tpu.memory_space<vmem>>, vector<16xi32>,
      %slice3A_698 = vector.extract_strided_slice %get3A_697 {offsets = [0], sizes = [1], strides = [1]} : vector<16xi32> to vector<1xi32>
      %squeeze3A_699 = vector.extract %slice3A_698[0] : i32 from vector<1xi32>
      %mul3A_700 = arith.constant 4 : i32
      %mul3A_701 = arith.muli %mul3A_63, %mul3A_700 : i32
      %add3A_702 = arith.constant 2 : i32
      %add3A_703 = arith.addi %mul3A_701, %add3A_702 : i32
      %mul3A_704 = arith.constant 8 : i32
      %mul3A_705 = arith.muli %add3A_703, %mul3A_704 : i32
      %add3A_706 = arith.constant 6 : i32
      %add3A_707 = arith.addi %mul3A_705, %add3A_706 : i32
      %get3A_708 = arith.index_cast %add3A_707 : i32 to index
      %get3A_709 = tpu.vector_load %arg7[%get3A_708] {strides = array<i32>} : memref<1024xf32, #tpu.memory_space<vmem>>, vector<16xf32>,
      %slice3A_710 = vector.extract_strided_slice %get3A_709 {offsets = [0], sizes = [1], strides = [1]} : vector<16xf32> to vector<1xf32>
      %squeeze3A_711 = vector.extract %slice3A_710[0] : f32 from vector<1xf32>
      %ne3A_712 = arith.constant 0 : i32
      %ne3A_713 = arith.cmpi ne, %squeeze3A_699, %ne3A_712 : i32
      %broadcast_in_dim3A_714 = vector.broadcast %ne3A_713 : i1 to vector<16xi1>
      %mul3A_715 = arith.constant 4 : i32
      %mul3A_716 = arith.muli %mul3A_63, %mul3A_715 : i32
      %add3A_717 = arith.constant 2 : i32
      %add3A_718 = arith.addi %mul3A_716, %add3A_717 : i32
      %mul3A_719 = arith.constant 8 : i32
      %mul3A_720 = arith.muli %add3A_718, %mul3A_719 : i32
      %add3A_721 = arith.constant 7 : i32
      %add3A_722 = arith.addi %mul3A_720, %add3A_721 : i32
      %get3A_723 = arith.index_cast %add3A_722 : i32 to index
      %get3A_724 = tpu.vector_load %arg8[%get3A_723] {strides = array<i32>} : memref<1024xi32, #tpu.memory_space<vmem>>, vector<16xi32>,
      %slice3A_725 = vector.extract_strided_slice %get3A_724 {offsets = [0], sizes = [1], strides = [1]} : vector<16xi32> to vector<1xi32>
      %squeeze3A_726 = vector.extract %slice3A_725[0] : i32 from vector<1xi32>
      %mul3A_727 = arith.constant 4 : i32
      %mul3A_728 = arith.muli %mul3A_63, %mul3A_727 : i32
      %add3A_729 = arith.constant 2 : i32
      %add3A_730 = arith.addi %mul3A_728, %add3A_729 : i32
      %mul3A_731 = arith.constant 8 : i32
      %mul3A_732 = arith.muli %add3A_730, %mul3A_731 : i32
      %add3A_733 = arith.constant 7 : i32
      %add3A_734 = arith.addi %mul3A_732, %add3A_733 : i32
      %get3A_735 = arith.index_cast %add3A_734 : i32 to index
      %get3A_736 = tpu.vector_load %arg7[%get3A_735] {strides = array<i32>} : memref<1024xf32, #tpu.memory_space<vmem>>, vector<16xf32>,
      %slice3A_737 = vector.extract_strided_slice %get3A_736 {offsets = [0], sizes = [1], strides = [1]} : vector<16xf32> to vector<1xf32>
      %squeeze3A_738 = vector.extract %slice3A_737[0] : f32 from vector<1xf32>
      %ne3A_739 = arith.constant 0 : i32
      %ne3A_740 = arith.cmpi ne, %squeeze3A_726, %ne3A_739 : i32
      %broadcast_in_dim3A_741 = vector.broadcast %ne3A_740 : i1 to vector<16xi1>
      %scan3A_742 = arith.constant 0 : i32
      %scan3A_743 = arith.constant 0 : i32
      %scan3A_744 = arith.constant 64 : i32
      %scan3A_745 = arith.addi %scan3A_743, %scan3A_744 : i32
      %scan3A_746 = arith.constant 1 : i32
      %scan3A_747 = scf.for %scan3A_990 = %scan3A_743 to %scan3A_745 step %scan3A_746 iter_args(%scan3A_991 = %scan3A_742) -> (i32)  : i32 {
        %broadcast_in_dim3A_992 = arith.constant 0.000000e+00 : f32
        %broadcast_in_dim3A_993 = vector.broadcast %broadcast_in_dim3A_992 : f32 to vector<16xf32>
        %mul3A_994 = arith.constant 16 : i32
        %mul3A_995 = arith.muli %scan3A_990, %mul3A_994 : i32
        %get3A_996 = arith.constant 0 : i32
        %get3A_997 = arith.constant 16 : i32
        %get3A_998 = arith.index_cast %get3A_996 : i32 to index
        %get3A_999 = arith.index_cast %get3A_997 : i32 to index
        %get3A_1000 = arith.index_cast %mul3A_995 : i32 to index
        %get3A_1001 = tpu.vector_load %arg11[%get3A_998, %get3A_999, %get3A_1000] {strides = array<i32>} : memref<2x32x1024xf32, #tpu.memory_space<vmem>>, vector<16xf32>,
        %mul3A_1002 = vector.broadcast %squeeze3A_549 : f32 to vector<16xf32>
        %mul3A_1003 = arith.mulf %mul3A_1002, %get3A_1001 : vector<16xf32>
        %jit3A = arith.constant 0.000000e+00 : f32
        %broadcast_in_dim3A_1004 = vector.broadcast %jit3A : f32 to vector<16xf32>
        %select_n3A = arith.select %broadcast_in_dim3A_552, %mul3A_1003, %broadcast_in_dim3A_1004 : vector<16xi1>, vector<16xf32>
        %add3A_1005 = arith.addf %broadcast_in_dim3A_993, %select_n3A : vector<16xf32>
        %mul3A_1006 = arith.constant 16 : i32
        %mul3A_1007 = arith.muli %scan3A_990, %mul3A_1006 : i32
        %get3A_1008 = arith.constant 0 : i32
        %get3A_1009 = arith.constant 17 : i32
        %get3A_1010 = arith.index_cast %get3A_1008 : i32 to index
        %get3A_1011 = arith.index_cast %get3A_1009 : i32 to index
        %get3A_1012 = arith.index_cast %mul3A_1007 : i32 to index
        %get3A_1013 = tpu.vector_load %arg11[%get3A_1010, %get3A_1011, %get3A_1012] {strides = array<i32>} : memref<2x32x1024xf32, #tpu.memory_space<vmem>>, vector<16xf32>,
        %mul3A_1014 = vector.broadcast %squeeze3A_576 : f32 to vector<16xf32>
        %mul3A_1015 = arith.mulf %mul3A_1014, %get3A_1013 : vector<16xf32>
        %jit3A_1016 = arith.constant 0.000000e+00 : f32
        %broadcast_in_dim3A_1017 = vector.broadcast %jit3A_1016 : f32 to vector<16xf32>
        %select_n3A_1018 = arith.select %broadcast_in_dim3A_579, %mul3A_1015, %broadcast_in_dim3A_1017 : vector<16xi1>, vector<16xf32>
        %add3A_1019 = arith.addf %add3A_1005, %select_n3A_1018 : vector<16xf32>
        %mul3A_1020 = arith.constant 16 : i32
        %mul3A_1021 = arith.muli %scan3A_990, %mul3A_1020 : i32
        %get3A_1022 = arith.constant 0 : i32
        %get3A_1023 = arith.constant 18 : i32
        %get3A_1024 = arith.index_cast %get3A_1022 : i32 to index
        %get3A_1025 = arith.index_cast %get3A_1023 : i32 to index
        %get3A_1026 = arith.index_cast %mul3A_1021 : i32 to index
        %get3A_1027 = tpu.vector_load %arg11[%get3A_1024, %get3A_1025, %get3A_1026] {strides = array<i32>} : memref<2x32x1024xf32, #tpu.memory_space<vmem>>, vector<16xf32>,
        %mul3A_1028 = vector.broadcast %squeeze3A_603 : f32 to vector<16xf32>
        %mul3A_1029 = arith.mulf %mul3A_1028, %get3A_1027 : vector<16xf32>
        %jit3A_1030 = arith.constant 0.000000e+00 : f32
        %broadcast_in_dim3A_1031 = vector.broadcast %jit3A_1030 : f32 to vector<16xf32>
        %select_n3A_1032 = arith.select %broadcast_in_dim3A_606, %mul3A_1029, %broadcast_in_dim3A_1031 : vector<16xi1>, vector<16xf32>
        %add3A_1033 = arith.addf %add3A_1019, %select_n3A_1032 : vector<16xf32>
        %mul3A_1034 = arith.constant 16 : i32
        %mul3A_1035 = arith.muli %scan3A_990, %mul3A_1034 : i32
        %get3A_1036 = arith.constant 0 : i32
        %get3A_1037 = arith.constant 19 : i32
        %get3A_1038 = arith.index_cast %get3A_1036 : i32 to index
        %get3A_1039 = arith.index_cast %get3A_1037 : i32 to index
        %get3A_1040 = arith.index_cast %mul3A_1035 : i32 to index
        %get3A_1041 = tpu.vector_load %arg11[%get3A_1038, %get3A_1039, %get3A_1040] {strides = array<i32>} : memref<2x32x1024xf32, #tpu.memory_space<vmem>>, vector<16xf32>,
        %mul3A_1042 = vector.broadcast %squeeze3A_630 : f32 to vector<16xf32>
        %mul3A_1043 = arith.mulf %mul3A_1042, %get3A_1041 : vector<16xf32>
        %jit3A_1044 = arith.constant 0.000000e+00 : f32
        %broadcast_in_dim3A_1045 = vector.broadcast %jit3A_1044 : f32 to vector<16xf32>
        %select_n3A_1046 = arith.select %broadcast_in_dim3A_633, %mul3A_1043, %broadcast_in_dim3A_1045 : vector<16xi1>, vector<16xf32>
        %add3A_1047 = arith.addf %add3A_1033, %select_n3A_1046 : vector<16xf32>
        %mul3A_1048 = arith.constant 16 : i32
        %mul3A_1049 = arith.muli %scan3A_990, %mul3A_1048 : i32
        %get3A_1050 = arith.constant 0 : i32
        %get3A_1051 = arith.constant 20 : i32
        %get3A_1052 = arith.index_cast %get3A_1050 : i32 to index
        %get3A_1053 = arith.index_cast %get3A_1051 : i32 to index
        %get3A_1054 = arith.index_cast %mul3A_1049 : i32 to index
        %get3A_1055 = tpu.vector_load %arg11[%get3A_1052, %get3A_1053, %get3A_1054] {strides = array<i32>} : memref<2x32x1024xf32, #tpu.memory_space<vmem>>, vector<16xf32>,
        %mul3A_1056 = vector.broadcast %squeeze3A_657 : f32 to vector<16xf32>
        %mul3A_1057 = arith.mulf %mul3A_1056, %get3A_1055 : vector<16xf32>
        %jit3A_1058 = arith.constant 0.000000e+00 : f32
        %broadcast_in_dim3A_1059 = vector.broadcast %jit3A_1058 : f32 to vector<16xf32>
        %select_n3A_1060 = arith.select %broadcast_in_dim3A_660, %mul3A_1057, %broadcast_in_dim3A_1059 : vector<16xi1>, vector<16xf32>
        %add3A_1061 = arith.addf %add3A_1047, %select_n3A_1060 : vector<16xf32>
        %mul3A_1062 = arith.constant 16 : i32
        %mul3A_1063 = arith.muli %scan3A_990, %mul3A_1062 : i32
        %get3A_1064 = arith.constant 0 : i32
        %get3A_1065 = arith.constant 21 : i32
        %get3A_1066 = arith.index_cast %get3A_1064 : i32 to index
        %get3A_1067 = arith.index_cast %get3A_1065 : i32 to index
        %get3A_1068 = arith.index_cast %mul3A_1063 : i32 to index
        %get3A_1069 = tpu.vector_load %arg11[%get3A_1066, %get3A_1067, %get3A_1068] {strides = array<i32>} : memref<2x32x1024xf32, #tpu.memory_space<vmem>>, vector<16xf32>,
        %mul3A_1070 = vector.broadcast %squeeze3A_684 : f32 to vector<16xf32>
        %mul3A_1071 = arith.mulf %mul3A_1070, %get3A_1069 : vector<16xf32>
        %jit3A_1072 = arith.constant 0.000000e+00 : f32
        %broadcast_in_dim3A_1073 = vector.broadcast %jit3A_1072 : f32 to vector<16xf32>
        %select_n3A_1074 = arith.select %broadcast_in_dim3A_687, %mul3A_1071, %broadcast_in_dim3A_1073 : vector<16xi1>, vector<16xf32>
        %add3A_1075 = arith.addf %add3A_1061, %select_n3A_1074 : vector<16xf32>
        %mul3A_1076 = arith.constant 16 : i32
        %mul3A_1077 = arith.muli %scan3A_990, %mul3A_1076 : i32
        %get3A_1078 = arith.constant 0 : i32
        %get3A_1079 = arith.constant 22 : i32
        %get3A_1080 = arith.index_cast %get3A_1078 : i32 to index
        %get3A_1081 = arith.index_cast %get3A_1079 : i32 to index
        %get3A_1082 = arith.index_cast %mul3A_1077 : i32 to index
        %get3A_1083 = tpu.vector_load %arg11[%get3A_1080, %get3A_1081, %get3A_1082] {strides = array<i32>} : memref<2x32x1024xf32, #tpu.memory_space<vmem>>, vector<16xf32>,
        %mul3A_1084 = vector.broadcast %squeeze3A_711 : f32 to vector<16xf32>
        %mul3A_1085 = arith.mulf %mul3A_1084, %get3A_1083 : vector<16xf32>
        %jit3A_1086 = arith.constant 0.000000e+00 : f32
        %broadcast_in_dim3A_1087 = vector.broadcast %jit3A_1086 : f32 to vector<16xf32>
        %select_n3A_1088 = arith.select %broadcast_in_dim3A_714, %mul3A_1085, %broadcast_in_dim3A_1087 : vector<16xi1>, vector<16xf32>
        %add3A_1089 = arith.addf %add3A_1075, %select_n3A_1088 : vector<16xf32>
        %mul3A_1090 = arith.constant 16 : i32
        %mul3A_1091 = arith.muli %scan3A_990, %mul3A_1090 : i32
        %get3A_1092 = arith.constant 0 : i32
        %get3A_1093 = arith.constant 23 : i32
        %get3A_1094 = arith.index_cast %get3A_1092 : i32 to index
        %get3A_1095 = arith.index_cast %get3A_1093 : i32 to index
        %get3A_1096 = arith.index_cast %mul3A_1091 : i32 to index
        %get3A_1097 = tpu.vector_load %arg11[%get3A_1094, %get3A_1095, %get3A_1096] {strides = array<i32>} : memref<2x32x1024xf32, #tpu.memory_space<vmem>>, vector<16xf32>,
        %mul3A_1098 = vector.broadcast %squeeze3A_738 : f32 to vector<16xf32>
        %mul3A_1099 = arith.mulf %mul3A_1098, %get3A_1097 : vector<16xf32>
        %jit3A_1100 = arith.constant 0.000000e+00 : f32
        %broadcast_in_dim3A_1101 = vector.broadcast %jit3A_1100 : f32 to vector<16xf32>
        %select_n3A_1102 = arith.select %broadcast_in_dim3A_741, %mul3A_1099, %broadcast_in_dim3A_1101 : vector<16xi1>, vector<16xf32>
        %add3A_1103 = arith.addf %add3A_1089, %select_n3A_1102 : vector<16xf32>
        %mul3A_1104 = arith.constant 16 : i32
        %mul3A_1105 = arith.muli %scan3A_990, %mul3A_1104 : i32
        %swap3A_1106 = arith.constant 2 : i32
        %swap3A_1107 = arith.index_cast %swap3A_1106 : i32 to index
        %swap3A_1108 = arith.index_cast %mul3A_1105 : i32 to index
        %swap3A_1109 = tpu.vector_load %arg12[%swap3A_1107, %swap3A_1108] {strides = array<i32>} : memref<4x1024xf32, #tpu.memory_space<vmem>>, vector<16xf32>,
        tpu.vector_store %arg12[%swap3A_1107, %swap3A_1108], %add3A_1103 {strides = array<i32>} : memref<4x1024xf32, #tpu.memory_space<vmem>>, vector<16xf32>,
        %scan3A_1110 = arith.constant 0 : i32
        scf.yield %scan3A_1110 : i32
      }
      %scan3A_748 = arith.constant 64 : i32
      %mul3A_749 = arith.constant 4 : i32
      %mul3A_750 = arith.muli %mul3A_63, %mul3A_749 : i32
      %add3A_751 = arith.constant 3 : i32
      %add3A_752 = arith.addi %mul3A_750, %add3A_751 : i32
      %mul3A_753 = arith.constant 8 : i32
      %mul3A_754 = arith.muli %add3A_752, %mul3A_753 : i32
      %add3A_755 = arith.constant 0 : i32
      %add3A_756 = arith.addi %mul3A_754, %add3A_755 : i32
      %get3A_757 = arith.index_cast %add3A_756 : i32 to index
      %get3A_758 = tpu.vector_load %arg8[%get3A_757] {strides = array<i32>} : memref<1024xi32, #tpu.memory_space<vmem>>, vector<16xi32>,
      %slice3A_759 = vector.extract_strided_slice %get3A_758 {offsets = [0], sizes = [1], strides = [1]} : vector<16xi32> to vector<1xi32>
      %squeeze3A_760 = vector.extract %slice3A_759[0] : i32 from vector<1xi32>
      %mul3A_761 = arith.constant 4 : i32
      %mul3A_762 = arith.muli %mul3A_63, %mul3A_761 : i32
      %add3A_763 = arith.constant 3 : i32
      %add3A_764 = arith.addi %mul3A_762, %add3A_763 : i32
      %mul3A_765 = arith.constant 8 : i32
      %mul3A_766 = arith.muli %add3A_764, %mul3A_765 : i32
      %add3A_767 = arith.constant 0 : i32
      %add3A_768 = arith.addi %mul3A_766, %add3A_767 : i32
      %get3A_769 = arith.index_cast %add3A_768 : i32 to index
      %get3A_770 = tpu.vector_load %arg7[%get3A_769] {strides = array<i32>} : memref<1024xf32, #tpu.memory_space<vmem>>, vector<16xf32>,
      %slice3A_771 = vector.extract_strided_slice %get3A_770 {offsets = [0], sizes = [1], strides = [1]} : vector<16xf32> to vector<1xf32>
      %squeeze3A_772 = vector.extract %slice3A_771[0] : f32 from vector<1xf32>
      %ne3A_773 = arith.constant 0 : i32
      %ne3A_774 = arith.cmpi ne, %squeeze3A_760, %ne3A_773 : i32
      %broadcast_in_dim3A_775 = vector.broadcast %ne3A_774 : i1 to vector<16xi1>
      %mul3A_776 = arith.constant 4 : i32
      %mul3A_777 = arith.muli %mul3A_63, %mul3A_776 : i32
      %add3A_778 = arith.constant 3 : i32
      %add3A_779 = arith.addi %mul3A_777, %add3A_778 : i32
      %mul3A_780 = arith.constant 8 : i32
      %mul3A_781 = arith.muli %add3A_779, %mul3A_780 : i32
      %add3A_782 = arith.constant 1 : i32
      %add3A_783 = arith.addi %mul3A_781, %add3A_782 : i32
      %get3A_784 = arith.index_cast %add3A_783 : i32 to index
      %get3A_785 = tpu.vector_load %arg8[%get3A_784] {strides = array<i32>} : memref<1024xi32, #tpu.memory_space<vmem>>, vector<16xi32>,
      %slice3A_786 = vector.extract_strided_slice %get3A_785 {offsets = [0], sizes = [1], strides = [1]} : vector<16xi32> to vector<1xi32>
      %squeeze3A_787 = vector.extract %slice3A_786[0] : i32 from vector<1xi32>
      %mul3A_788 = arith.constant 4 : i32
      %mul3A_789 = arith.muli %mul3A_63, %mul3A_788 : i32
      %add3A_790 = arith.constant 3 : i32
      %add3A_791 = arith.addi %mul3A_789, %add3A_790 : i32
      %mul3A_792 = arith.constant 8 : i32
      %mul3A_793 = arith.muli %add3A_791, %mul3A_792 : i32
      %add3A_794 = arith.constant 1 : i32
      %add3A_795 = arith.addi %mul3A_793, %add3A_794 : i32
      %get3A_796 = arith.index_cast %add3A_795 : i32 to index
      %get3A_797 = tpu.vector_load %arg7[%get3A_796] {strides = array<i32>} : memref<1024xf32, #tpu.memory_space<vmem>>, vector<16xf32>,
      %slice3A_798 = vector.extract_strided_slice %get3A_797 {offsets = [0], sizes = [1], strides = [1]} : vector<16xf32> to vector<1xf32>
      %squeeze3A_799 = vector.extract %slice3A_798[0] : f32 from vector<1xf32>
      %ne3A_800 = arith.constant 0 : i32
      %ne3A_801 = arith.cmpi ne, %squeeze3A_787, %ne3A_800 : i32
      %broadcast_in_dim3A_802 = vector.broadcast %ne3A_801 : i1 to vector<16xi1>
      %mul3A_803 = arith.constant 4 : i32
      %mul3A_804 = arith.muli %mul3A_63, %mul3A_803 : i32
      %add3A_805 = arith.constant 3 : i32
      %add3A_806 = arith.addi %mul3A_804, %add3A_805 : i32
      %mul3A_807 = arith.constant 8 : i32
      %mul3A_808 = arith.muli %add3A_806, %mul3A_807 : i32
      %add3A_809 = arith.constant 2 : i32
      %add3A_810 = arith.addi %mul3A_808, %add3A_809 : i32
      %get3A_811 = arith.index_cast %add3A_810 : i32 to index
      %get3A_812 = tpu.vector_load %arg8[%get3A_811] {strides = array<i32>} : memref<1024xi32, #tpu.memory_space<vmem>>, vector<16xi32>,
      %slice3A_813 = vector.extract_strided_slice %get3A_812 {offsets = [0], sizes = [1], strides = [1]} : vector<16xi32> to vector<1xi32>
      %squeeze3A_814 = vector.extract %slice3A_813[0] : i32 from vector<1xi32>
      %mul3A_815 = arith.constant 4 : i32
      %mul3A_816 = arith.muli %mul3A_63, %mul3A_815 : i32
      %add3A_817 = arith.constant 3 : i32
      %add3A_818 = arith.addi %mul3A_816, %add3A_817 : i32
      %mul3A_819 = arith.constant 8 : i32
      %mul3A_820 = arith.muli %add3A_818, %mul3A_819 : i32
      %add3A_821 = arith.constant 2 : i32
      %add3A_822 = arith.addi %mul3A_820, %add3A_821 : i32
      %get3A_823 = arith.index_cast %add3A_822 : i32 to index
      %get3A_824 = tpu.vector_load %arg7[%get3A_823] {strides = array<i32>} : memref<1024xf32, #tpu.memory_space<vmem>>, vector<16xf32>,
      %slice3A_825 = vector.extract_strided_slice %get3A_824 {offsets = [0], sizes = [1], strides = [1]} : vector<16xf32> to vector<1xf32>
      %squeeze3A_826 = vector.extract %slice3A_825[0] : f32 from vector<1xf32>
      %ne3A_827 = arith.constant 0 : i32
      %ne3A_828 = arith.cmpi ne, %squeeze3A_814, %ne3A_827 : i32
      %broadcast_in_dim3A_829 = vector.broadcast %ne3A_828 : i1 to vector<16xi1>
      %mul3A_830 = arith.constant 4 : i32
      %mul3A_831 = arith.muli %mul3A_63, %mul3A_830 : i32
      %add3A_832 = arith.constant 3 : i32
      %add3A_833 = arith.addi %mul3A_831, %add3A_832 : i32
      %mul3A_834 = arith.constant 8 : i32
      %mul3A_835 = arith.muli %add3A_833, %mul3A_834 : i32
      %add3A_836 = arith.constant 3 : i32
      %add3A_837 = arith.addi %mul3A_835, %add3A_836 : i32
      %get3A_838 = arith.index_cast %add3A_837 : i32 to index
      %get3A_839 = tpu.vector_load %arg8[%get3A_838] {strides = array<i32>} : memref<1024xi32, #tpu.memory_space<vmem>>, vector<16xi32>,
      %slice3A_840 = vector.extract_strided_slice %get3A_839 {offsets = [0], sizes = [1], strides = [1]} : vector<16xi32> to vector<1xi32>
      %squeeze3A_841 = vector.extract %slice3A_840[0] : i32 from vector<1xi32>
      %mul3A_842 = arith.constant 4 : i32
      %mul3A_843 = arith.muli %mul3A_63, %mul3A_842 : i32
      %add3A_844 = arith.constant 3 : i32
      %add3A_845 = arith.addi %mul3A_843, %add3A_844 : i32
      %mul3A_846 = arith.constant 8 : i32
      %mul3A_847 = arith.muli %add3A_845, %mul3A_846 : i32
      %add3A_848 = arith.constant 3 : i32
      %add3A_849 = arith.addi %mul3A_847, %add3A_848 : i32
      %get3A_850 = arith.index_cast %add3A_849 : i32 to index
      %get3A_851 = tpu.vector_load %arg7[%get3A_850] {strides = array<i32>} : memref<1024xf32, #tpu.memory_space<vmem>>, vector<16xf32>,
      %slice3A_852 = vector.extract_strided_slice %get3A_851 {offsets = [0], sizes = [1], strides = [1]} : vector<16xf32> to vector<1xf32>
      %squeeze3A_853 = vector.extract %slice3A_852[0] : f32 from vector<1xf32>
      %ne3A_854 = arith.constant 0 : i32
      %ne3A_855 = arith.cmpi ne, %squeeze3A_841, %ne3A_854 : i32
      %broadcast_in_dim3A_856 = vector.broadcast %ne3A_855 : i1 to vector<16xi1>
      %mul3A_857 = arith.constant 4 : i32
      %mul3A_858 = arith.muli %mul3A_63, %mul3A_857 : i32
      %add3A_859 = arith.constant 3 : i32
      %add3A_860 = arith.addi %mul3A_858, %add3A_859 : i32
      %mul3A_861 = arith.constant 8 : i32
      %mul3A_862 = arith.muli %add3A_860, %mul3A_861 : i32
      %add3A_863 = arith.constant 4 : i32
      %add3A_864 = arith.addi %mul3A_862, %add3A_863 : i32
      %get3A_865 = arith.index_cast %add3A_864 : i32 to index
      %get3A_866 = tpu.vector_load %arg8[%get3A_865] {strides = array<i32>} : memref<1024xi32, #tpu.memory_space<vmem>>, vector<16xi32>,
      %slice3A_867 = vector.extract_strided_slice %get3A_866 {offsets = [0], sizes = [1], strides = [1]} : vector<16xi32> to vector<1xi32>
      %squeeze3A_868 = vector.extract %slice3A_867[0] : i32 from vector<1xi32>
      %mul3A_869 = arith.constant 4 : i32
      %mul3A_870 = arith.muli %mul3A_63, %mul3A_869 : i32
      %add3A_871 = arith.constant 3 : i32
      %add3A_872 = arith.addi %mul3A_870, %add3A_871 : i32
      %mul3A_873 = arith.constant 8 : i32
      %mul3A_874 = arith.muli %add3A_872, %mul3A_873 : i32
      %add3A_875 = arith.constant 4 : i32
      %add3A_876 = arith.addi %mul3A_874, %add3A_875 : i32
      %get3A_877 = arith.index_cast %add3A_876 : i32 to index
      %get3A_878 = tpu.vector_load %arg7[%get3A_877] {strides = array<i32>} : memref<1024xf32, #tpu.memory_space<vmem>>, vector<16xf32>,
      %slice3A_879 = vector.extract_strided_slice %get3A_878 {offsets = [0], sizes = [1], strides = [1]} : vector<16xf32> to vector<1xf32>
      %squeeze3A_880 = vector.extract %slice3A_879[0] : f32 from vector<1xf32>
      %ne3A_881 = arith.constant 0 : i32
      %ne3A_882 = arith.cmpi ne, %squeeze3A_868, %ne3A_881 : i32
      %broadcast_in_dim3A_883 = vector.broadcast %ne3A_882 : i1 to vector<16xi1>
      %mul3A_884 = arith.constant 4 : i32
      %mul3A_885 = arith.muli %mul3A_63, %mul3A_884 : i32
      %add3A_886 = arith.constant 3 : i32
      %add3A_887 = arith.addi %mul3A_885, %add3A_886 : i32
      %mul3A_888 = arith.constant 8 : i32
      %mul3A_889 = arith.muli %add3A_887, %mul3A_888 : i32
      %add3A_890 = arith.constant 5 : i32
      %add3A_891 = arith.addi %mul3A_889, %add3A_890 : i32
      %get3A_892 = arith.index_cast %add3A_891 : i32 to index
      %get3A_893 = tpu.vector_load %arg8[%get3A_892] {strides = array<i32>} : memref<1024xi32, #tpu.memory_space<vmem>>, vector<16xi32>,
      %slice3A_894 = vector.extract_strided_slice %get3A_893 {offsets = [0], sizes = [1], strides = [1]} : vector<16xi32> to vector<1xi32>
      %squeeze3A_895 = vector.extract %slice3A_894[0] : i32 from vector<1xi32>
      %mul3A_896 = arith.constant 4 : i32
      %mul3A_897 = arith.muli %mul3A_63, %mul3A_896 : i32
      %add3A_898 = arith.constant 3 : i32
      %add3A_899 = arith.addi %mul3A_897, %add3A_898 : i32
      %mul3A_900 = arith.constant 8 : i32
      %mul3A_901 = arith.muli %add3A_899, %mul3A_900 : i32
      %add3A_902 = arith.constant 5 : i32
      %add3A_903 = arith.addi %mul3A_901, %add3A_902 : i32
      %get3A_904 = arith.index_cast %add3A_903 : i32 to index
      %get3A_905 = tpu.vector_load %arg7[%get3A_904] {strides = array<i32>} : memref<1024xf32, #tpu.memory_space<vmem>>, vector<16xf32>,
      %slice3A_906 = vector.extract_strided_slice %get3A_905 {offsets = [0], sizes = [1], strides = [1]} : vector<16xf32> to vector<1xf32>
      %squeeze3A_907 = vector.extract %slice3A_906[0] : f32 from vector<1xf32>
      %ne3A_908 = arith.constant 0 : i32
      %ne3A_909 = arith.cmpi ne, %squeeze3A_895, %ne3A_908 : i32
      %broadcast_in_dim3A_910 = vector.broadcast %ne3A_909 : i1 to vector<16xi1>
      %mul3A_911 = arith.constant 4 : i32
      %mul3A_912 = arith.muli %mul3A_63, %mul3A_911 : i32
      %add3A_913 = arith.constant 3 : i32
      %add3A_914 = arith.addi %mul3A_912, %add3A_913 : i32
      %mul3A_915 = arith.constant 8 : i32
      %mul3A_916 = arith.muli %add3A_914, %mul3A_915 : i32
      %add3A_917 = arith.constant 6 : i32
      %add3A_918 = arith.addi %mul3A_916, %add3A_917 : i32
      %get3A_919 = arith.index_cast %add3A_918 : i32 to index
      %get3A_920 = tpu.vector_load %arg8[%get3A_919] {strides = array<i32>} : memref<1024xi32, #tpu.memory_space<vmem>>, vector<16xi32>,
      %slice3A_921 = vector.extract_strided_slice %get3A_920 {offsets = [0], sizes = [1], strides = [1]} : vector<16xi32> to vector<1xi32>
      %squeeze3A_922 = vector.extract %slice3A_921[0] : i32 from vector<1xi32>
      %mul3A_923 = arith.constant 4 : i32
      %mul3A_924 = arith.muli %mul3A_63, %mul3A_923 : i32
      %add3A_925 = arith.constant 3 : i32
      %add3A_926 = arith.addi %mul3A_924, %add3A_925 : i32
      %mul3A_927 = arith.constant 8 : i32
      %mul3A_928 = arith.muli %add3A_926, %mul3A_927 : i32
      %add3A_929 = arith.constant 6 : i32
      %add3A_930 = arith.addi %mul3A_928, %add3A_929 : i32
      %get3A_931 = arith.index_cast %add3A_930 : i32 to index
      %get3A_932 = tpu.vector_load %arg7[%get3A_931] {strides = array<i32>} : memref<1024xf32, #tpu.memory_space<vmem>>, vector<16xf32>,
      %slice3A_933 = vector.extract_strided_slice %get3A_932 {offsets = [0], sizes = [1], strides = [1]} : vector<16xf32> to vector<1xf32>
      %squeeze3A_934 = vector.extract %slice3A_933[0] : f32 from vector<1xf32>
      %ne3A_935 = arith.constant 0 : i32
      %ne3A_936 = arith.cmpi ne, %squeeze3A_922, %ne3A_935 : i32
      %broadcast_in_dim3A_937 = vector.broadcast %ne3A_936 : i1 to vector<16xi1>
      %mul3A_938 = arith.constant 4 : i32
      %mul3A_939 = arith.muli %mul3A_63, %mul3A_938 : i32
      %add3A_940 = arith.constant 3 : i32
      %add3A_941 = arith.addi %mul3A_939, %add3A_940 : i32
      %mul3A_942 = arith.constant 8 : i32
      %mul3A_943 = arith.muli %add3A_941, %mul3A_942 : i32
      %add3A_944 = arith.constant 7 : i32
      %add3A_945 = arith.addi %mul3A_943, %add3A_944 : i32
      %get3A_946 = arith.index_cast %add3A_945 : i32 to index
      %get3A_947 = tpu.vector_load %arg8[%get3A_946] {strides = array<i32>} : memref<1024xi32, #tpu.memory_space<vmem>>, vector<16xi32>,
      %slice3A_948 = vector.extract_strided_slice %get3A_947 {offsets = [0], sizes = [1], strides = [1]} : vector<16xi32> to vector<1xi32>
      %squeeze3A_949 = vector.extract %slice3A_948[0] : i32 from vector<1xi32>
      %mul3A_950 = arith.constant 4 : i32
      %mul3A_951 = arith.muli %mul3A_63, %mul3A_950 : i32
      %add3A_952 = arith.constant 3 : i32
      %add3A_953 = arith.addi %mul3A_951, %add3A_952 : i32
      %mul3A_954 = arith.constant 8 : i32
      %mul3A_955 = arith.muli %add3A_953, %mul3A_954 : i32
      %add3A_956 = arith.constant 7 : i32
      %add3A_957 = arith.addi %mul3A_955, %add3A_956 : i32
      %get3A_958 = arith.index_cast %add3A_957 : i32 to index
      %get3A_959 = tpu.vector_load %arg7[%get3A_958] {strides = array<i32>} : memref<1024xf32, #tpu.memory_space<vmem>>, vector<16xf32>,
      %slice3A_960 = vector.extract_strided_slice %get3A_959 {offsets = [0], sizes = [1], strides = [1]} : vector<16xf32> to vector<1xf32>
      %squeeze3A_961 = vector.extract %slice3A_960[0] : f32 from vector<1xf32>
      %ne3A_962 = arith.constant 0 : i32
      %ne3A_963 = arith.cmpi ne, %squeeze3A_949, %ne3A_962 : i32
      %broadcast_in_dim3A_964 = vector.broadcast %ne3A_963 : i1 to vector<16xi1>
      %scan3A_965 = arith.constant 0 : i32
      %scan3A_966 = arith.constant 0 : i32
      %scan3A_967 = arith.constant 64 : i32
      %scan3A_968 = arith.addi %scan3A_966, %scan3A_967 : i32
      %scan3A_969 = arith.constant 1 : i32
      %scan3A_970 = scf.for %scan3A_990 = %scan3A_966 to %scan3A_968 step %scan3A_969 iter_args(%scan3A_991 = %scan3A_965) -> (i32)  : i32 {
        %broadcast_in_dim3A_992 = arith.constant 0.000000e+00 : f32
        %broadcast_in_dim3A_993 = vector.broadcast %broadcast_in_dim3A_992 : f32 to vector<16xf32>
        %mul3A_994 = arith.constant 16 : i32
        %mul3A_995 = arith.muli %scan3A_990, %mul3A_994 : i32
        %get3A_996 = arith.constant 0 : i32
        %get3A_997 = arith.constant 24 : i32
        %get3A_998 = arith.index_cast %get3A_996 : i32 to index
        %get3A_999 = arith.index_cast %get3A_997 : i32 to index
        %get3A_1000 = arith.index_cast %mul3A_995 : i32 to index
        %get3A_1001 = tpu.vector_load %arg11[%get3A_998, %get3A_999, %get3A_1000] {strides = array<i32>} : memref<2x32x1024xf32, #tpu.memory_space<vmem>>, vector<16xf32>,
        %mul3A_1002 = vector.broadcast %squeeze3A_772 : f32 to vector<16xf32>
        %mul3A_1003 = arith.mulf %mul3A_1002, %get3A_1001 : vector<16xf32>
        %jit3A = arith.constant 0.000000e+00 : f32
        %broadcast_in_dim3A_1004 = vector.broadcast %jit3A : f32 to vector<16xf32>
        %select_n3A = arith.select %broadcast_in_dim3A_775, %mul3A_1003, %broadcast_in_dim3A_1004 : vector<16xi1>, vector<16xf32>
        %add3A_1005 = arith.addf %broadcast_in_dim3A_993, %select_n3A : vector<16xf32>
        %mul3A_1006 = arith.constant 16 : i32
        %mul3A_1007 = arith.muli %scan3A_990, %mul3A_1006 : i32
        %get3A_1008 = arith.constant 0 : i32
        %get3A_1009 = arith.constant 25 : i32
        %get3A_1010 = arith.index_cast %get3A_1008 : i32 to index
        %get3A_1011 = arith.index_cast %get3A_1009 : i32 to index
        %get3A_1012 = arith.index_cast %mul3A_1007 : i32 to index
        %get3A_1013 = tpu.vector_load %arg11[%get3A_1010, %get3A_1011, %get3A_1012] {strides = array<i32>} : memref<2x32x1024xf32, #tpu.memory_space<vmem>>, vector<16xf32>,
        %mul3A_1014 = vector.broadcast %squeeze3A_799 : f32 to vector<16xf32>
        %mul3A_1015 = arith.mulf %mul3A_1014, %get3A_1013 : vector<16xf32>
        %jit3A_1016 = arith.constant 0.000000e+00 : f32
        %broadcast_in_dim3A_1017 = vector.broadcast %jit3A_1016 : f32 to vector<16xf32>
        %select_n3A_1018 = arith.select %broadcast_in_dim3A_802, %mul3A_1015, %broadcast_in_dim3A_1017 : vector<16xi1>, vector<16xf32>
        %add3A_1019 = arith.addf %add3A_1005, %select_n3A_1018 : vector<16xf32>
        %mul3A_1020 = arith.constant 16 : i32
        %mul3A_1021 = arith.muli %scan3A_990, %mul3A_1020 : i32
        %get3A_1022 = arith.constant 0 : i32
        %get3A_1023 = arith.constant 26 : i32
        %get3A_1024 = arith.index_cast %get3A_1022 : i32 to index
        %get3A_1025 = arith.index_cast %get3A_1023 : i32 to index
        %get3A_1026 = arith.index_cast %mul3A_1021 : i32 to index
        %get3A_1027 = tpu.vector_load %arg11[%get3A_1024, %get3A_1025, %get3A_1026] {strides = array<i32>} : memref<2x32x1024xf32, #tpu.memory_space<vmem>>, vector<16xf32>,
        %mul3A_1028 = vector.broadcast %squeeze3A_826 : f32 to vector<16xf32>
        %mul3A_1029 = arith.mulf %mul3A_1028, %get3A_1027 : vector<16xf32>
        %jit3A_1030 = arith.constant 0.000000e+00 : f32
        %broadcast_in_dim3A_1031 = vector.broadcast %jit3A_1030 : f32 to vector<16xf32>
        %select_n3A_1032 = arith.select %broadcast_in_dim3A_829, %mul3A_1029, %broadcast_in_dim3A_1031 : vector<16xi1>, vector<16xf32>
        %add3A_1033 = arith.addf %add3A_1019, %select_n3A_1032 : vector<16xf32>
        %mul3A_1034 = arith.constant 16 : i32
        %mul3A_1035 = arith.muli %scan3A_990, %mul3A_1034 : i32
        %get3A_1036 = arith.constant 0 : i32
        %get3A_1037 = arith.constant 27 : i32
        %get3A_1038 = arith.index_cast %get3A_1036 : i32 to index
        %get3A_1039 = arith.index_cast %get3A_1037 : i32 to index
        %get3A_1040 = arith.index_cast %mul3A_1035 : i32 to index
        %get3A_1041 = tpu.vector_load %arg11[%get3A_1038, %get3A_1039, %get3A_1040] {strides = array<i32>} : memref<2x32x1024xf32, #tpu.memory_space<vmem>>, vector<16xf32>,
        %mul3A_1042 = vector.broadcast %squeeze3A_853 : f32 to vector<16xf32>
        %mul3A_1043 = arith.mulf %mul3A_1042, %get3A_1041 : vector<16xf32>
        %jit3A_1044 = arith.constant 0.000000e+00 : f32
        %broadcast_in_dim3A_1045 = vector.broadcast %jit3A_1044 : f32 to vector<16xf32>
        %select_n3A_1046 = arith.select %broadcast_in_dim3A_856, %mul3A_1043, %broadcast_in_dim3A_1045 : vector<16xi1>, vector<16xf32>
        %add3A_1047 = arith.addf %add3A_1033, %select_n3A_1046 : vector<16xf32>
        %mul3A_1048 = arith.constant 16 : i32
        %mul3A_1049 = arith.muli %scan3A_990, %mul3A_1048 : i32
        %get3A_1050 = arith.constant 0 : i32
        %get3A_1051 = arith.constant 28 : i32
        %get3A_1052 = arith.index_cast %get3A_1050 : i32 to index
        %get3A_1053 = arith.index_cast %get3A_1051 : i32 to index
        %get3A_1054 = arith.index_cast %mul3A_1049 : i32 to index
        %get3A_1055 = tpu.vector_load %arg11[%get3A_1052, %get3A_1053, %get3A_1054] {strides = array<i32>} : memref<2x32x1024xf32, #tpu.memory_space<vmem>>, vector<16xf32>,
        %mul3A_1056 = vector.broadcast %squeeze3A_880 : f32 to vector<16xf32>
        %mul3A_1057 = arith.mulf %mul3A_1056, %get3A_1055 : vector<16xf32>
        %jit3A_1058 = arith.constant 0.000000e+00 : f32
        %broadcast_in_dim3A_1059 = vector.broadcast %jit3A_1058 : f32 to vector<16xf32>
        %select_n3A_1060 = arith.select %broadcast_in_dim3A_883, %mul3A_1057, %broadcast_in_dim3A_1059 : vector<16xi1>, vector<16xf32>
        %add3A_1061 = arith.addf %add3A_1047, %select_n3A_1060 : vector<16xf32>
        %mul3A_1062 = arith.constant 16 : i32
        %mul3A_1063 = arith.muli %scan3A_990, %mul3A_1062 : i32
        %get3A_1064 = arith.constant 0 : i32
        %get3A_1065 = arith.constant 29 : i32
        %get3A_1066 = arith.index_cast %get3A_1064 : i32 to index
        %get3A_1067 = arith.index_cast %get3A_1065 : i32 to index
        %get3A_1068 = arith.index_cast %mul3A_1063 : i32 to index
        %get3A_1069 = tpu.vector_load %arg11[%get3A_1066, %get3A_1067, %get3A_1068] {strides = array<i32>} : memref<2x32x1024xf32, #tpu.memory_space<vmem>>, vector<16xf32>,
        %mul3A_1070 = vector.broadcast %squeeze3A_907 : f32 to vector<16xf32>
        %mul3A_1071 = arith.mulf %mul3A_1070, %get3A_1069 : vector<16xf32>
        %jit3A_1072 = arith.constant 0.000000e+00 : f32
        %broadcast_in_dim3A_1073 = vector.broadcast %jit3A_1072 : f32 to vector<16xf32>
        %select_n3A_1074 = arith.select %broadcast_in_dim3A_910, %mul3A_1071, %broadcast_in_dim3A_1073 : vector<16xi1>, vector<16xf32>
        %add3A_1075 = arith.addf %add3A_1061, %select_n3A_1074 : vector<16xf32>
        %mul3A_1076 = arith.constant 16 : i32
        %mul3A_1077 = arith.muli %scan3A_990, %mul3A_1076 : i32
        %get3A_1078 = arith.constant 0 : i32
        %get3A_1079 = arith.constant 30 : i32
        %get3A_1080 = arith.index_cast %get3A_1078 : i32 to index
        %get3A_1081 = arith.index_cast %get3A_1079 : i32 to index
        %get3A_1082 = arith.index_cast %mul3A_1077 : i32 to index
        %get3A_1083 = tpu.vector_load %arg11[%get3A_1080, %get3A_1081, %get3A_1082] {strides = array<i32>} : memref<2x32x1024xf32, #tpu.memory_space<vmem>>, vector<16xf32>,
        %mul3A_1084 = vector.broadcast %squeeze3A_934 : f32 to vector<16xf32>
        %mul3A_1085 = arith.mulf %mul3A_1084, %get3A_1083 : vector<16xf32>
        %jit3A_1086 = arith.constant 0.000000e+00 : f32
        %broadcast_in_dim3A_1087 = vector.broadcast %jit3A_1086 : f32 to vector<16xf32>
        %select_n3A_1088 = arith.select %broadcast_in_dim3A_937, %mul3A_1085, %broadcast_in_dim3A_1087 : vector<16xi1>, vector<16xf32>
        %add3A_1089 = arith.addf %add3A_1075, %select_n3A_1088 : vector<16xf32>
        %mul3A_1090 = arith.constant 16 : i32
        %mul3A_1091 = arith.muli %scan3A_990, %mul3A_1090 : i32
        %get3A_1092 = arith.constant 0 : i32
        %get3A_1093 = arith.constant 31 : i32
        %get3A_1094 = arith.index_cast %get3A_1092 : i32 to index
        %get3A_1095 = arith.index_cast %get3A_1093 : i32 to index
        %get3A_1096 = arith.index_cast %mul3A_1091 : i32 to index
        %get3A_1097 = tpu.vector_load %arg11[%get3A_1094, %get3A_1095, %get3A_1096] {strides = array<i32>} : memref<2x32x1024xf32, #tpu.memory_space<vmem>>, vector<16xf32>,
        %mul3A_1098 = vector.broadcast %squeeze3A_961 : f32 to vector<16xf32>
        %mul3A_1099 = arith.mulf %mul3A_1098, %get3A_1097 : vector<16xf32>
        %jit3A_1100 = arith.constant 0.000000e+00 : f32
        %broadcast_in_dim3A_1101 = vector.broadcast %jit3A_1100 : f32 to vector<16xf32>
        %select_n3A_1102 = arith.select %broadcast_in_dim3A_964, %mul3A_1099, %broadcast_in_dim3A_1101 : vector<16xi1>, vector<16xf32>
        %add3A_1103 = arith.addf %add3A_1089, %select_n3A_1102 : vector<16xf32>
        %mul3A_1104 = arith.constant 16 : i32
        %mul3A_1105 = arith.muli %scan3A_990, %mul3A_1104 : i32
        %swap3A_1106 = arith.constant 3 : i32
        %swap3A_1107 = arith.index_cast %swap3A_1106 : i32 to index
        %swap3A_1108 = arith.index_cast %mul3A_1105 : i32 to index
        %swap3A_1109 = tpu.vector_load %arg12[%swap3A_1107, %swap3A_1108] {strides = array<i32>} : memref<4x1024xf32, #tpu.memory_space<vmem>>, vector<16xf32>,
        tpu.vector_store %arg12[%swap3A_1107, %swap3A_1108], %add3A_1103 {strides = array<i32>} : memref<4x1024xf32, #tpu.memory_space<vmem>>, vector<16xf32>,
        %scan3A_1110 = arith.constant 0 : i32
        scf.yield %scan3A_1110 : i32
      }
      %scan3A_971 = arith.constant 64 : i32
      %mul3A_972 = arith.constant 4 : i32
      %mul3A_973 = arith.muli %mul3A_63, %mul3A_972 : i32
      %add3A_974 = arith.addi %mul3A_2, %mul3A_973 : i32
      "tpu.region"() ({
        %run_scoped3A = tpu.sem_alloc : memref<!tpu.dma_semaphore, #tpu.memory_space<semaphore_mem>>
        %dma_start3A_990 = arith.constant 0 : i32
        %dma_start3A_991 = tpu.memref_slice %arg6[%add3A_974, %dma_start3A_990] : memref<4096x1024xf32, #tpu.memory_space<hbm>> -> memref<4x1024xf32, #tpu.memory_space<hbm>>
        %dma_start3A_992 = arith.constant 0 : i32
        %dma_start3A_993 = tpu.memref_slice %arg6[%add3A_974, %dma_start3A_992] : memref<4096x1024xf32, #tpu.memory_space<hbm>> -> memref<4x1024xf32, #tpu.memory_space<hbm>>
        tpu.enqueue_dma source(%arg12 : memref<4x1024xf32, #tpu.memory_space<vmem>>) target(%dma_start3A_993 : memref<4x1024xf32, #tpu.memory_space<hbm>>) target_semaphore(%run_scoped3A : memref<!tpu.dma_semaphore, #tpu.memory_space<semaphore_mem>>)
        %dma_wait3A_994 = arith.constant 0 : i32
        %dma_wait3A_995 = tpu.memref_slice %arg6[%add3A_974, %dma_wait3A_994] : memref<4096x1024xf32, #tpu.memory_space<hbm>> -> memref<4x1024xf32, #tpu.memory_space<hbm>>
        %dma_wait3A_996 = arith.constant 0 : i32
        %dma_wait3A_997 = tpu.memref_slice %arg6[%add3A_974, %dma_wait3A_996] : memref<4096x1024xf32, #tpu.memory_space<hbm>> -> memref<4x1024xf32, #tpu.memory_space<hbm>>
        tpu.wait_dma2 semaphore(%run_scoped3A : memref<!tpu.dma_semaphore, #tpu.memory_space<semaphore_mem>>) src(%arg12 : memref<4x1024xf32, #tpu.memory_space<vmem>>) dst(%dma_wait3A_997 : memref<4x1024xf32, #tpu.memory_space<hbm>>)
        tpu.yield
      }) : () -> ()
      %add3A_975 = arith.constant 2 : i32
      %add3A_976 = arith.addi %mul3A_63, %add3A_975 : i32
      %lt3A_977 = arith.constant 32 : i32
      %lt3A_978 = arith.cmpi slt, %add3A_976, %lt3A_977 : i32
      %convert_element_type3A_979 = arith.extui %lt3A_978 : i1 to i32
      %cond3A_980 = arith.constant 0 : i32
      %cond3A_981 = arith.cmpi ne, %convert_element_type3A_979, %cond3A_980 : i32
      scf.if %cond3A_981 {
        %add3A_990 = arith.constant 2 : i32
        %add3A_991 = arith.addi %mul3A_63, %add3A_990 : i32
        %mul3A_992 = arith.constant 4 : i32
        %mul3A_993 = arith.muli %add3A_991, %mul3A_992 : i32
        %mul3A_994 = arith.constant 8 : i32
        %mul3A_995 = arith.muli %mul3A_993, %mul3A_994 : i32
        %add3A_996 = arith.constant 0 : i32
        %add3A_997 = arith.addi %mul3A_995, %add3A_996 : i32
        %get3A_998 = arith.index_cast %add3A_997 : i32 to index
        %get3A_999 = tpu.vector_load %arg9[%get3A_998] {strides = array<i32>} : memref<1024xi32, #tpu.memory_space<vmem>>, vector<16xi32>,
        %mul3A_1000 = arith.constant 4096 : i32
        %mul3A_1001 = vector.broadcast %mul3A_1000 : i32 to vector<16xi32>
        %mul3A_1002 = arith.muli %and3A_4, %mul3A_1001 : vector<16xi32>
        %min3A_1003 = arith.constant 4095 : i32
        %min3A_1004 = vector.broadcast %min3A_1003 : i32 to vector<16xi32>
        %min3A_1005 = arith.minsi %get3A_999, %min3A_1004 : vector<16xi32>
        %add3A_1006 = arith.addi %mul3A_1002, %min3A_1005 : vector<16xi32>
        %swap3A_1007 = arith.constant 0 : i32
        %swap3A_1008 = arith.constant 0 : i32
        %swap3A_1009 = arith.index_cast %swap3A_1007 : i32 to index
        %swap3A_1010 = arith.index_cast %swap3A_1008 : i32 to index
        %swap3A_1011 = arith.constant 0 : index
        %swap3A_1012 = tpu.vector_load %arg10[%swap3A_1009, %swap3A_1010, %swap3A_1011] {strides = array<i32>} : memref<2x1x32xi32, #tpu.memory_space<vmem>>, vector<16xi32>,
        tpu.vector_store %arg10[%swap3A_1009, %swap3A_1010, %swap3A_1011], %add3A_1006 {strides = array<i32>} : memref<2x1x32xi32, #tpu.memory_space<vmem>>, vector<16xi32>,
        %mul3A_1013 = arith.constant 4 : i32
        %mul3A_1014 = arith.muli %add3A_991, %mul3A_1013 : i32
        %mul3A_1015 = arith.constant 8 : i32
        %mul3A_1016 = arith.muli %mul3A_1014, %mul3A_1015 : i32
        %add3A_1017 = arith.constant 16 : i32
        %add3A_1018 = arith.addi %mul3A_1016, %add3A_1017 : i32
        %get3A_1019 = arith.index_cast %add3A_1018 : i32 to index
        %get3A_1020 = tpu.vector_load %arg9[%get3A_1019] {strides = array<i32>} : memref<1024xi32, #tpu.memory_space<vmem>>, vector<16xi32>,
        %mul3A_1021 = arith.constant 4096 : i32
        %mul3A_1022 = vector.broadcast %mul3A_1021 : i32 to vector<16xi32>
        %mul3A_1023 = arith.muli %and3A_4, %mul3A_1022 : vector<16xi32>
        %min3A_1024 = arith.constant 4095 : i32
        %min3A_1025 = vector.broadcast %min3A_1024 : i32 to vector<16xi32>
        %min3A_1026 = arith.minsi %get3A_1020, %min3A_1025 : vector<16xi32>
        %add3A_1027 = arith.addi %mul3A_1023, %min3A_1026 : vector<16xi32>
        %swap3A_1028 = arith.constant 0 : i32
        %swap3A_1029 = arith.constant 0 : i32
        %swap3A_1030 = arith.index_cast %swap3A_1028 : i32 to index
        %swap3A_1031 = arith.index_cast %swap3A_1029 : i32 to index
        %swap3A_1032 = arith.constant 16 : index
        %swap3A_1033 = tpu.vector_load %arg10[%swap3A_1030, %swap3A_1031, %swap3A_1032] {strides = array<i32>} : memref<2x1x32xi32, #tpu.memory_space<vmem>>, vector<16xi32>,
        tpu.vector_store %arg10[%swap3A_1030, %swap3A_1031, %swap3A_1032], %add3A_1027 {strides = array<i32>} : memref<2x1x32xi32, #tpu.memory_space<vmem>>, vector<16xi32>,
        %dma_start3A_1034 = arith.constant 0 : i32
        %dma_start3A_1035 = arith.constant 0 : i32
        %dma_start3A_1036 = arith.constant 0 : i32
        %dma_start3A_1037 = arith.constant 0 : i32
        %dma_start3A_1038 = arith.constant 0 : i32
        %dma_start3A_1039 = tpu.memref_slice %arg11[%dma_start3A_1036, %dma_start3A_1037, %dma_start3A_1038] : memref<2x32x1024xf32, #tpu.memory_space<vmem>> -> memref<1x32x1024xf32, #tpu.memory_space<vmem>>
        %dma_start3A_1040 = tpu.memref_squeeze %dma_start3A_1039 : memref<1x32x1024xf32, #tpu.memory_space<vmem>> -> memref<32x1024xf32, #tpu.memory_space<vmem>>
        %dma_start3A_1041 = arith.constant 0 : i32
        %dma_start3A_1042 = arith.constant 0 : i32
        %dma_start3A_1043 = tpu.memref_slice %arg10[%dma_start3A_1034, %dma_start3A_1041, %dma_start3A_1042] : memref<2x1x32xi32, #tpu.memory_space<vmem>> -> memref<1x1x32xi32, #tpu.memory_space<vmem>>
        %dma_start3A_1044 = tpu.memref_squeeze %dma_start3A_1043 : memref<1x1x32xi32, #tpu.memory_space<vmem>> -> memref<1x32xi32, #tpu.memory_space<vmem>>
        %dma_start3A_1045 = arith.constant 0 : i32
        %dma_start3A_1046 = tpu.memref_slice %dma_start3A_1044[%dma_start3A_1035, %dma_start3A_1045] : memref<1x32xi32, #tpu.memory_space<vmem>> -> memref<1x32xi32, #tpu.memory_space<vmem>>
        %dma_start3A_1047 = tpu.memref_squeeze %dma_start3A_1046 : memref<1x32xi32, #tpu.memory_space<vmem>> -> memref<32xi32, #tpu.memory_space<vmem>>
        %dma_start3A_1048 = arith.constant 0 : i32
        %dma_start3A_1049 = arith.constant 0 : i32
        %dma_start3A_1050 = tpu.memref_slice %arg2[%dma_start3A_1048, %dma_start3A_1049] : memref<32768x1024xf32, #tpu.memory_space<hbm>> -> memref<32768x1024xf32, #tpu.memory_space<hbm>>
        tpu.enqueue_indirect_dma source(%dma_start3A_1050 : memref<32768x1024xf32, #tpu.memory_space<hbm>>) target(%dma_start3A_1040 : memref<32x1024xf32, #tpu.memory_space<vmem>>) offsets(%dma_start3A_1047 : memref<32xi32, #tpu.memory_space<vmem>>) semaphore(%arg13 : memref<!tpu.dma_semaphore, #tpu.memory_space<semaphore_mem>>)
      } else {
      }
      %add3A_982 = arith.constant 1 : i32
      %add3A_983 = arith.addi %mul3A_63, %add3A_982 : i32
      %lt3A_984 = arith.constant 32 : i32
      %lt3A_985 = arith.cmpi slt, %add3A_983, %lt3A_984 : i32
      %convert_element_type3A_986 = arith.extui %lt3A_985 : i1 to i32
      %cond3A_987 = arith.constant 0 : i32
      %cond3A_988 = arith.cmpi ne, %convert_element_type3A_986, %cond3A_987 : i32
      scf.if %cond3A_988 {
        %add3A_990 = arith.constant 1 : i32
        %add3A_991 = arith.addi %mul3A_63, %add3A_990 : i32
        %dma_wait3A_992 = arith.constant 1 : i32
        %dma_wait3A_993 = arith.constant 0 : i32
        %dma_wait3A_994 = arith.constant 1 : i32
        %dma_wait3A_995 = arith.constant 0 : i32
        %dma_wait3A_996 = arith.constant 0 : i32
        %dma_wait3A_997 = tpu.memref_slice %arg11[%dma_wait3A_994, %dma_wait3A_995, %dma_wait3A_996] : memref<2x32x1024xf32, #tpu.memory_space<vmem>> -> memref<1x32x1024xf32, #tpu.memory_space<vmem>>
        %dma_wait3A_998 = tpu.memref_squeeze %dma_wait3A_997 : memref<1x32x1024xf32, #tpu.memory_space<vmem>> -> memref<32x1024xf32, #tpu.memory_space<vmem>>
        %dma_wait3A_999 = arith.constant 0 : i32
        %dma_wait3A_1000 = arith.constant 0 : i32
        %dma_wait3A_1001 = tpu.memref_slice %arg10[%dma_wait3A_992, %dma_wait3A_999, %dma_wait3A_1000] : memref<2x1x32xi32, #tpu.memory_space<vmem>> -> memref<1x1x32xi32, #tpu.memory_space<vmem>>
        %dma_wait3A_1002 = tpu.memref_squeeze %dma_wait3A_1001 : memref<1x1x32xi32, #tpu.memory_space<vmem>> -> memref<1x32xi32, #tpu.memory_space<vmem>>
        %dma_wait3A_1003 = arith.constant 0 : i32
        %dma_wait3A_1004 = tpu.memref_slice %dma_wait3A_1002[%dma_wait3A_993, %dma_wait3A_1003] : memref<1x32xi32, #tpu.memory_space<vmem>> -> memref<1x32xi32, #tpu.memory_space<vmem>>
        %dma_wait3A_1005 = tpu.memref_squeeze %dma_wait3A_1004 : memref<1x32xi32, #tpu.memory_space<vmem>> -> memref<32xi32, #tpu.memory_space<vmem>>
        %dma_wait3A_1006 = arith.constant 0 : i32
        %dma_wait3A_1007 = arith.constant 0 : i32
        %dma_wait3A_1008 = tpu.memref_slice %arg2[%dma_wait3A_1006, %dma_wait3A_1007] : memref<32768x1024xf32, #tpu.memory_space<hbm>> -> memref<32768x1024xf32, #tpu.memory_space<hbm>>
        tpu.wait_indirect_dma semaphore(%arg14 : memref<!tpu.dma_semaphore, #tpu.memory_space<semaphore_mem>>) src(%dma_wait3A_1008 : memref<32768x1024xf32, #tpu.memory_space<hbm>>) dst(%dma_wait3A_998 : memref<32x1024xf32, #tpu.memory_space<vmem>>)
        %mul3A_1009 = arith.constant 4 : i32
        %mul3A_1010 = arith.muli %add3A_991, %mul3A_1009 : i32
        %add3A_1011 = arith.constant 0 : i32
        %add3A_1012 = arith.addi %mul3A_1010, %add3A_1011 : i32
        %mul3A_1013 = arith.constant 8 : i32
        %mul3A_1014 = arith.muli %add3A_1012, %mul3A_1013 : i32
        %add3A_1015 = arith.constant 0 : i32
        %add3A_1016 = arith.addi %mul3A_1014, %add3A_1015 : i32
        %get3A_1017 = arith.index_cast %add3A_1016 : i32 to index
        %get3A_1018 = tpu.vector_load %arg8[%get3A_1017] {strides = array<i32>} : memref<1024xi32, #tpu.memory_space<vmem>>, vector<16xi32>,
        %slice3A_1019 = vector.extract_strided_slice %get3A_1018 {offsets = [0], sizes = [1], strides = [1]} : vector<16xi32> to vector<1xi32>
        %squeeze3A_1020 = vector.extract %slice3A_1019[0] : i32 from vector<1xi32>
        %mul3A_1021 = arith.constant 4 : i32
        %mul3A_1022 = arith.muli %add3A_991, %mul3A_1021 : i32
        %add3A_1023 = arith.constant 0 : i32
        %add3A_1024 = arith.addi %mul3A_1022, %add3A_1023 : i32
        %mul3A_1025 = arith.constant 8 : i32
        %mul3A_1026 = arith.muli %add3A_1024, %mul3A_1025 : i32
        %add3A_1027 = arith.constant 0 : i32
        %add3A_1028 = arith.addi %mul3A_1026, %add3A_1027 : i32
        %get3A_1029 = arith.index_cast %add3A_1028 : i32 to index
        %get3A_1030 = tpu.vector_load %arg7[%get3A_1029] {strides = array<i32>} : memref<1024xf32, #tpu.memory_space<vmem>>, vector<16xf32>,
        %slice3A_1031 = vector.extract_strided_slice %get3A_1030 {offsets = [0], sizes = [1], strides = [1]} : vector<16xf32> to vector<1xf32>
        %squeeze3A_1032 = vector.extract %slice3A_1031[0] : f32 from vector<1xf32>
        %ne3A_1033 = arith.constant 0 : i32
        %ne3A_1034 = arith.cmpi ne, %squeeze3A_1020, %ne3A_1033 : i32
        %broadcast_in_dim3A_1035 = vector.broadcast %ne3A_1034 : i1 to vector<16xi1>
        %mul3A_1036 = arith.constant 4 : i32
        %mul3A_1037 = arith.muli %add3A_991, %mul3A_1036 : i32
        %add3A_1038 = arith.constant 0 : i32
        %add3A_1039 = arith.addi %mul3A_1037, %add3A_1038 : i32
        %mul3A_1040 = arith.constant 8 : i32
        %mul3A_1041 = arith.muli %add3A_1039, %mul3A_1040 : i32
        %add3A_1042 = arith.constant 1 : i32
        %add3A_1043 = arith.addi %mul3A_1041, %add3A_1042 : i32
        %get3A_1044 = arith.index_cast %add3A_1043 : i32 to index
        %get3A_1045 = tpu.vector_load %arg8[%get3A_1044] {strides = array<i32>} : memref<1024xi32, #tpu.memory_space<vmem>>, vector<16xi32>,
        %slice3A_1046 = vector.extract_strided_slice %get3A_1045 {offsets = [0], sizes = [1], strides = [1]} : vector<16xi32> to vector<1xi32>
        %squeeze3A_1047 = vector.extract %slice3A_1046[0] : i32 from vector<1xi32>
        %mul3A_1048 = arith.constant 4 : i32
        %mul3A_1049 = arith.muli %add3A_991, %mul3A_1048 : i32
        %add3A_1050 = arith.constant 0 : i32
        %add3A_1051 = arith.addi %mul3A_1049, %add3A_1050 : i32
        %mul3A_1052 = arith.constant 8 : i32
        %mul3A_1053 = arith.muli %add3A_1051, %mul3A_1052 : i32
        %add3A_1054 = arith.constant 1 : i32
        %add3A_1055 = arith.addi %mul3A_1053, %add3A_1054 : i32
        %get3A_1056 = arith.index_cast %add3A_1055 : i32 to index
        %get3A_1057 = tpu.vector_load %arg7[%get3A_1056] {strides = array<i32>} : memref<1024xf32, #tpu.memory_space<vmem>>, vector<16xf32>,
        %slice3A_1058 = vector.extract_strided_slice %get3A_1057 {offsets = [0], sizes = [1], strides = [1]} : vector<16xf32> to vector<1xf32>
        %squeeze3A_1059 = vector.extract %slice3A_1058[0] : f32 from vector<1xf32>
        %ne3A_1060 = arith.constant 0 : i32
        %ne3A_1061 = arith.cmpi ne, %squeeze3A_1047, %ne3A_1060 : i32
        %broadcast_in_dim3A_1062 = vector.broadcast %ne3A_1061 : i1 to vector<16xi1>
        %mul3A_1063 = arith.constant 4 : i32
        %mul3A_1064 = arith.muli %add3A_991, %mul3A_1063 : i32
        %add3A_1065 = arith.constant 0 : i32
        %add3A_1066 = arith.addi %mul3A_1064, %add3A_1065 : i32
        %mul3A_1067 = arith.constant 8 : i32
        %mul3A_1068 = arith.muli %add3A_1066, %mul3A_1067 : i32
        %add3A_1069 = arith.constant 2 : i32
        %add3A_1070 = arith.addi %mul3A_1068, %add3A_1069 : i32
        %get3A_1071 = arith.index_cast %add3A_1070 : i32 to index
        %get3A_1072 = tpu.vector_load %arg8[%get3A_1071] {strides = array<i32>} : memref<1024xi32, #tpu.memory_space<vmem>>, vector<16xi32>,
        %slice3A_1073 = vector.extract_strided_slice %get3A_1072 {offsets = [0], sizes = [1], strides = [1]} : vector<16xi32> to vector<1xi32>
        %squeeze3A_1074 = vector.extract %slice3A_1073[0] : i32 from vector<1xi32>
        %mul3A_1075 = arith.constant 4 : i32
        %mul3A_1076 = arith.muli %add3A_991, %mul3A_1075 : i32
        %add3A_1077 = arith.constant 0 : i32
        %add3A_1078 = arith.addi %mul3A_1076, %add3A_1077 : i32
        %mul3A_1079 = arith.constant 8 : i32
        %mul3A_1080 = arith.muli %add3A_1078, %mul3A_1079 : i32
        %add3A_1081 = arith.constant 2 : i32
        %add3A_1082 = arith.addi %mul3A_1080, %add3A_1081 : i32
        %get3A_1083 = arith.index_cast %add3A_1082 : i32 to index
        %get3A_1084 = tpu.vector_load %arg7[%get3A_1083] {strides = array<i32>} : memref<1024xf32, #tpu.memory_space<vmem>>, vector<16xf32>,
        %slice3A_1085 = vector.extract_strided_slice %get3A_1084 {offsets = [0], sizes = [1], strides = [1]} : vector<16xf32> to vector<1xf32>
        %squeeze3A_1086 = vector.extract %slice3A_1085[0] : f32 from vector<1xf32>
        %ne3A_1087 = arith.constant 0 : i32
        %ne3A_1088 = arith.cmpi ne, %squeeze3A_1074, %ne3A_1087 : i32
        %broadcast_in_dim3A_1089 = vector.broadcast %ne3A_1088 : i1 to vector<16xi1>
        %mul3A_1090 = arith.constant 4 : i32
        %mul3A_1091 = arith.muli %add3A_991, %mul3A_1090 : i32
        %add3A_1092 = arith.constant 0 : i32
        %add3A_1093 = arith.addi %mul3A_1091, %add3A_1092 : i32
        %mul3A_1094 = arith.constant 8 : i32
        %mul3A_1095 = arith.muli %add3A_1093, %mul3A_1094 : i32
        %add3A_1096 = arith.constant 3 : i32
        %add3A_1097 = arith.addi %mul3A_1095, %add3A_1096 : i32
        %get3A_1098 = arith.index_cast %add3A_1097 : i32 to index
        %get3A_1099 = tpu.vector_load %arg8[%get3A_1098] {strides = array<i32>} : memref<1024xi32, #tpu.memory_space<vmem>>, vector<16xi32>,
        %slice3A_1100 = vector.extract_strided_slice %get3A_1099 {offsets = [0], sizes = [1], strides = [1]} : vector<16xi32> to vector<1xi32>
        %squeeze3A_1101 = vector.extract %slice3A_1100[0] : i32 from vector<1xi32>
        %mul3A_1102 = arith.constant 4 : i32
        %mul3A_1103 = arith.muli %add3A_991, %mul3A_1102 : i32
        %add3A_1104 = arith.constant 0 : i32
        %add3A_1105 = arith.addi %mul3A_1103, %add3A_1104 : i32
        %mul3A_1106 = arith.constant 8 : i32
        %mul3A_1107 = arith.muli %add3A_1105, %mul3A_1106 : i32
        %add3A_1108 = arith.constant 3 : i32
        %add3A_1109 = arith.addi %mul3A_1107, %add3A_1108 : i32
        %get3A_1110 = arith.index_cast %add3A_1109 : i32 to index
        %get3A_1111 = tpu.vector_load %arg7[%get3A_1110] {strides = array<i32>} : memref<1024xf32, #tpu.memory_space<vmem>>, vector<16xf32>,
        %slice3A_1112 = vector.extract_strided_slice %get3A_1111 {offsets = [0], sizes = [1], strides = [1]} : vector<16xf32> to vector<1xf32>
        %squeeze3A_1113 = vector.extract %slice3A_1112[0] : f32 from vector<1xf32>
        %ne3A_1114 = arith.constant 0 : i32
        %ne3A_1115 = arith.cmpi ne, %squeeze3A_1101, %ne3A_1114 : i32
        %broadcast_in_dim3A_1116 = vector.broadcast %ne3A_1115 : i1 to vector<16xi1>
        %mul3A_1117 = arith.constant 4 : i32
        %mul3A_1118 = arith.muli %add3A_991, %mul3A_1117 : i32
        %add3A_1119 = arith.constant 0 : i32
        %add3A_1120 = arith.addi %mul3A_1118, %add3A_1119 : i32
        %mul3A_1121 = arith.constant 8 : i32
        %mul3A_1122 = arith.muli %add3A_1120, %mul3A_1121 : i32
        %add3A_1123 = arith.constant 4 : i32
        %add3A_1124 = arith.addi %mul3A_1122, %add3A_1123 : i32
        %get3A_1125 = arith.index_cast %add3A_1124 : i32 to index
        %get3A_1126 = tpu.vector_load %arg8[%get3A_1125] {strides = array<i32>} : memref<1024xi32, #tpu.memory_space<vmem>>, vector<16xi32>,
        %slice3A_1127 = vector.extract_strided_slice %get3A_1126 {offsets = [0], sizes = [1], strides = [1]} : vector<16xi32> to vector<1xi32>
        %squeeze3A_1128 = vector.extract %slice3A_1127[0] : i32 from vector<1xi32>
        %mul3A_1129 = arith.constant 4 : i32
        %mul3A_1130 = arith.muli %add3A_991, %mul3A_1129 : i32
        %add3A_1131 = arith.constant 0 : i32
        %add3A_1132 = arith.addi %mul3A_1130, %add3A_1131 : i32
        %mul3A_1133 = arith.constant 8 : i32
        %mul3A_1134 = arith.muli %add3A_1132, %mul3A_1133 : i32
        %add3A_1135 = arith.constant 4 : i32
        %add3A_1136 = arith.addi %mul3A_1134, %add3A_1135 : i32
        %get3A_1137 = arith.index_cast %add3A_1136 : i32 to index
        %get3A_1138 = tpu.vector_load %arg7[%get3A_1137] {strides = array<i32>} : memref<1024xf32, #tpu.memory_space<vmem>>, vector<16xf32>,
        %slice3A_1139 = vector.extract_strided_slice %get3A_1138 {offsets = [0], sizes = [1], strides = [1]} : vector<16xf32> to vector<1xf32>
        %squeeze3A_1140 = vector.extract %slice3A_1139[0] : f32 from vector<1xf32>
        %ne3A_1141 = arith.constant 0 : i32
        %ne3A_1142 = arith.cmpi ne, %squeeze3A_1128, %ne3A_1141 : i32
        %broadcast_in_dim3A_1143 = vector.broadcast %ne3A_1142 : i1 to vector<16xi1>
        %mul3A_1144 = arith.constant 4 : i32
        %mul3A_1145 = arith.muli %add3A_991, %mul3A_1144 : i32
        %add3A_1146 = arith.constant 0 : i32
        %add3A_1147 = arith.addi %mul3A_1145, %add3A_1146 : i32
        %mul3A_1148 = arith.constant 8 : i32
        %mul3A_1149 = arith.muli %add3A_1147, %mul3A_1148 : i32
        %add3A_1150 = arith.constant 5 : i32
        %add3A_1151 = arith.addi %mul3A_1149, %add3A_1150 : i32
        %get3A_1152 = arith.index_cast %add3A_1151 : i32 to index
        %get3A_1153 = tpu.vector_load %arg8[%get3A_1152] {strides = array<i32>} : memref<1024xi32, #tpu.memory_space<vmem>>, vector<16xi32>,
        %slice3A_1154 = vector.extract_strided_slice %get3A_1153 {offsets = [0], sizes = [1], strides = [1]} : vector<16xi32> to vector<1xi32>
        %squeeze3A_1155 = vector.extract %slice3A_1154[0] : i32 from vector<1xi32>
        %mul3A_1156 = arith.constant 4 : i32
        %mul3A_1157 = arith.muli %add3A_991, %mul3A_1156 : i32
        %add3A_1158 = arith.constant 0 : i32
        %add3A_1159 = arith.addi %mul3A_1157, %add3A_1158 : i32
        %mul3A_1160 = arith.constant 8 : i32
        %mul3A_1161 = arith.muli %add3A_1159, %mul3A_1160 : i32
        %add3A_1162 = arith.constant 5 : i32
        %add3A_1163 = arith.addi %mul3A_1161, %add3A_1162 : i32
        %get3A_1164 = arith.index_cast %add3A_1163 : i32 to index
        %get3A_1165 = tpu.vector_load %arg7[%get3A_1164] {strides = array<i32>} : memref<1024xf32, #tpu.memory_space<vmem>>, vector<16xf32>,
        %slice3A_1166 = vector.extract_strided_slice %get3A_1165 {offsets = [0], sizes = [1], strides = [1]} : vector<16xf32> to vector<1xf32>
        %squeeze3A_1167 = vector.extract %slice3A_1166[0] : f32 from vector<1xf32>
        %ne3A_1168 = arith.constant 0 : i32
        %ne3A_1169 = arith.cmpi ne, %squeeze3A_1155, %ne3A_1168 : i32
        %broadcast_in_dim3A_1170 = vector.broadcast %ne3A_1169 : i1 to vector<16xi1>
        %mul3A_1171 = arith.constant 4 : i32
        %mul3A_1172 = arith.muli %add3A_991, %mul3A_1171 : i32
        %add3A_1173 = arith.constant 0 : i32
        %add3A_1174 = arith.addi %mul3A_1172, %add3A_1173 : i32
        %mul3A_1175 = arith.constant 8 : i32
        %mul3A_1176 = arith.muli %add3A_1174, %mul3A_1175 : i32
        %add3A_1177 = arith.constant 6 : i32
        %add3A_1178 = arith.addi %mul3A_1176, %add3A_1177 : i32
        %get3A_1179 = arith.index_cast %add3A_1178 : i32 to index
        %get3A_1180 = tpu.vector_load %arg8[%get3A_1179] {strides = array<i32>} : memref<1024xi32, #tpu.memory_space<vmem>>, vector<16xi32>,
        %slice3A_1181 = vector.extract_strided_slice %get3A_1180 {offsets = [0], sizes = [1], strides = [1]} : vector<16xi32> to vector<1xi32>
        %squeeze3A_1182 = vector.extract %slice3A_1181[0] : i32 from vector<1xi32>
        %mul3A_1183 = arith.constant 4 : i32
        %mul3A_1184 = arith.muli %add3A_991, %mul3A_1183 : i32
        %add3A_1185 = arith.constant 0 : i32
        %add3A_1186 = arith.addi %mul3A_1184, %add3A_1185 : i32
        %mul3A_1187 = arith.constant 8 : i32
        %mul3A_1188 = arith.muli %add3A_1186, %mul3A_1187 : i32
        %add3A_1189 = arith.constant 6 : i32
        %add3A_1190 = arith.addi %mul3A_1188, %add3A_1189 : i32
        %get3A_1191 = arith.index_cast %add3A_1190 : i32 to index
        %get3A_1192 = tpu.vector_load %arg7[%get3A_1191] {strides = array<i32>} : memref<1024xf32, #tpu.memory_space<vmem>>, vector<16xf32>,
        %slice3A_1193 = vector.extract_strided_slice %get3A_1192 {offsets = [0], sizes = [1], strides = [1]} : vector<16xf32> to vector<1xf32>
        %squeeze3A_1194 = vector.extract %slice3A_1193[0] : f32 from vector<1xf32>
        %ne3A_1195 = arith.constant 0 : i32
        %ne3A_1196 = arith.cmpi ne, %squeeze3A_1182, %ne3A_1195 : i32
        %broadcast_in_dim3A_1197 = vector.broadcast %ne3A_1196 : i1 to vector<16xi1>
        %mul3A_1198 = arith.constant 4 : i32
        %mul3A_1199 = arith.muli %add3A_991, %mul3A_1198 : i32
        %add3A_1200 = arith.constant 0 : i32
        %add3A_1201 = arith.addi %mul3A_1199, %add3A_1200 : i32
        %mul3A_1202 = arith.constant 8 : i32
        %mul3A_1203 = arith.muli %add3A_1201, %mul3A_1202 : i32
        %add3A_1204 = arith.constant 7 : i32
        %add3A_1205 = arith.addi %mul3A_1203, %add3A_1204 : i32
        %get3A_1206 = arith.index_cast %add3A_1205 : i32 to index
        %get3A_1207 = tpu.vector_load %arg8[%get3A_1206] {strides = array<i32>} : memref<1024xi32, #tpu.memory_space<vmem>>, vector<16xi32>,
        %slice3A_1208 = vector.extract_strided_slice %get3A_1207 {offsets = [0], sizes = [1], strides = [1]} : vector<16xi32> to vector<1xi32>
        %squeeze3A_1209 = vector.extract %slice3A_1208[0] : i32 from vector<1xi32>
        %mul3A_1210 = arith.constant 4 : i32
        %mul3A_1211 = arith.muli %add3A_991, %mul3A_1210 : i32
        %add3A_1212 = arith.constant 0 : i32
        %add3A_1213 = arith.addi %mul3A_1211, %add3A_1212 : i32
        %mul3A_1214 = arith.constant 8 : i32
        %mul3A_1215 = arith.muli %add3A_1213, %mul3A_1214 : i32
        %add3A_1216 = arith.constant 7 : i32
        %add3A_1217 = arith.addi %mul3A_1215, %add3A_1216 : i32
        %get3A_1218 = arith.index_cast %add3A_1217 : i32 to index
        %get3A_1219 = tpu.vector_load %arg7[%get3A_1218] {strides = array<i32>} : memref<1024xf32, #tpu.memory_space<vmem>>, vector<16xf32>,
        %slice3A_1220 = vector.extract_strided_slice %get3A_1219 {offsets = [0], sizes = [1], strides = [1]} : vector<16xf32> to vector<1xf32>
        %squeeze3A_1221 = vector.extract %slice3A_1220[0] : f32 from vector<1xf32>
        %ne3A_1222 = arith.constant 0 : i32
        %ne3A_1223 = arith.cmpi ne, %squeeze3A_1209, %ne3A_1222 : i32
        %broadcast_in_dim3A_1224 = vector.broadcast %ne3A_1223 : i1 to vector<16xi1>
        %scan3A_1225 = arith.constant 0 : i32
        %scan3A_1226 = arith.constant 0 : i32
        %scan3A_1227 = arith.constant 64 : i32
        %scan3A_1228 = arith.addi %scan3A_1226, %scan3A_1227 : i32
        %scan3A_1229 = arith.constant 1 : i32
        %scan3A_1230 = scf.for %scan3A_1904 = %scan3A_1226 to %scan3A_1228 step %scan3A_1229 iter_args(%scan3A_1905 = %scan3A_1225) -> (i32)  : i32 {
          %broadcast_in_dim3A_1906 = arith.constant 0.000000e+00 : f32
          %broadcast_in_dim3A_1907 = vector.broadcast %broadcast_in_dim3A_1906 : f32 to vector<16xf32>
          %mul3A_1908 = arith.constant 16 : i32
          %mul3A_1909 = arith.muli %scan3A_1904, %mul3A_1908 : i32
          %get3A_1910 = arith.constant 1 : i32
          %get3A_1911 = arith.constant 0 : i32
          %get3A_1912 = arith.index_cast %get3A_1910 : i32 to index
          %get3A_1913 = arith.index_cast %get3A_1911 : i32 to index
          %get3A_1914 = arith.index_cast %mul3A_1909 : i32 to index
          %get3A_1915 = tpu.vector_load %arg11[%get3A_1912, %get3A_1913, %get3A_1914] {strides = array<i32>} : memref<2x32x1024xf32, #tpu.memory_space<vmem>>, vector<16xf32>,
          %mul3A_1916 = vector.broadcast %squeeze3A_1032 : f32 to vector<16xf32>
          %mul3A_1917 = arith.mulf %mul3A_1916, %get3A_1915 : vector<16xf32>
          %jit3A = arith.constant 0.000000e+00 : f32
          %broadcast_in_dim3A_1918 = vector.broadcast %jit3A : f32 to vector<16xf32>
          %select_n3A = arith.select %broadcast_in_dim3A_1035, %mul3A_1917, %broadcast_in_dim3A_1918 : vector<16xi1>, vector<16xf32>
          %add3A_1919 = arith.addf %broadcast_in_dim3A_1907, %select_n3A : vector<16xf32>
          %mul3A_1920 = arith.constant 16 : i32
          %mul3A_1921 = arith.muli %scan3A_1904, %mul3A_1920 : i32
          %get3A_1922 = arith.constant 1 : i32
          %get3A_1923 = arith.constant 1 : i32
          %get3A_1924 = arith.index_cast %get3A_1922 : i32 to index
          %get3A_1925 = arith.index_cast %get3A_1923 : i32 to index
          %get3A_1926 = arith.index_cast %mul3A_1921 : i32 to index
          %get3A_1927 = tpu.vector_load %arg11[%get3A_1924, %get3A_1925, %get3A_1926] {strides = array<i32>} : memref<2x32x1024xf32, #tpu.memory_space<vmem>>, vector<16xf32>,
          %mul3A_1928 = vector.broadcast %squeeze3A_1059 : f32 to vector<16xf32>
          %mul3A_1929 = arith.mulf %mul3A_1928, %get3A_1927 : vector<16xf32>
          %jit3A_1930 = arith.constant 0.000000e+00 : f32
          %broadcast_in_dim3A_1931 = vector.broadcast %jit3A_1930 : f32 to vector<16xf32>
          %select_n3A_1932 = arith.select %broadcast_in_dim3A_1062, %mul3A_1929, %broadcast_in_dim3A_1931 : vector<16xi1>, vector<16xf32>
          %add3A_1933 = arith.addf %add3A_1919, %select_n3A_1932 : vector<16xf32>
          %mul3A_1934 = arith.constant 16 : i32
          %mul3A_1935 = arith.muli %scan3A_1904, %mul3A_1934 : i32
          %get3A_1936 = arith.constant 1 : i32
          %get3A_1937 = arith.constant 2 : i32
          %get3A_1938 = arith.index_cast %get3A_1936 : i32 to index
          %get3A_1939 = arith.index_cast %get3A_1937 : i32 to index
          %get3A_1940 = arith.index_cast %mul3A_1935 : i32 to index
          %get3A_1941 = tpu.vector_load %arg11[%get3A_1938, %get3A_1939, %get3A_1940] {strides = array<i32>} : memref<2x32x1024xf32, #tpu.memory_space<vmem>>, vector<16xf32>,
          %mul3A_1942 = vector.broadcast %squeeze3A_1086 : f32 to vector<16xf32>
          %mul3A_1943 = arith.mulf %mul3A_1942, %get3A_1941 : vector<16xf32>
          %jit3A_1944 = arith.constant 0.000000e+00 : f32
          %broadcast_in_dim3A_1945 = vector.broadcast %jit3A_1944 : f32 to vector<16xf32>
          %select_n3A_1946 = arith.select %broadcast_in_dim3A_1089, %mul3A_1943, %broadcast_in_dim3A_1945 : vector<16xi1>, vector<16xf32>
          %add3A_1947 = arith.addf %add3A_1933, %select_n3A_1946 : vector<16xf32>
          %mul3A_1948 = arith.constant 16 : i32
          %mul3A_1949 = arith.muli %scan3A_1904, %mul3A_1948 : i32
          %get3A_1950 = arith.constant 1 : i32
          %get3A_1951 = arith.constant 3 : i32
          %get3A_1952 = arith.index_cast %get3A_1950 : i32 to index
          %get3A_1953 = arith.index_cast %get3A_1951 : i32 to index
          %get3A_1954 = arith.index_cast %mul3A_1949 : i32 to index
          %get3A_1955 = tpu.vector_load %arg11[%get3A_1952, %get3A_1953, %get3A_1954] {strides = array<i32>} : memref<2x32x1024xf32, #tpu.memory_space<vmem>>, vector<16xf32>,
          %mul3A_1956 = vector.broadcast %squeeze3A_1113 : f32 to vector<16xf32>
          %mul3A_1957 = arith.mulf %mul3A_1956, %get3A_1955 : vector<16xf32>
          %jit3A_1958 = arith.constant 0.000000e+00 : f32
          %broadcast_in_dim3A_1959 = vector.broadcast %jit3A_1958 : f32 to vector<16xf32>
          %select_n3A_1960 = arith.select %broadcast_in_dim3A_1116, %mul3A_1957, %broadcast_in_dim3A_1959 : vector<16xi1>, vector<16xf32>
          %add3A_1961 = arith.addf %add3A_1947, %select_n3A_1960 : vector<16xf32>
          %mul3A_1962 = arith.constant 16 : i32
          %mul3A_1963 = arith.muli %scan3A_1904, %mul3A_1962 : i32
          %get3A_1964 = arith.constant 1 : i32
          %get3A_1965 = arith.constant 4 : i32
          %get3A_1966 = arith.index_cast %get3A_1964 : i32 to index
          %get3A_1967 = arith.index_cast %get3A_1965 : i32 to index
          %get3A_1968 = arith.index_cast %mul3A_1963 : i32 to index
          %get3A_1969 = tpu.vector_load %arg11[%get3A_1966, %get3A_1967, %get3A_1968] {strides = array<i32>} : memref<2x32x1024xf32, #tpu.memory_space<vmem>>, vector<16xf32>,
          %mul3A_1970 = vector.broadcast %squeeze3A_1140 : f32 to vector<16xf32>
          %mul3A_1971 = arith.mulf %mul3A_1970, %get3A_1969 : vector<16xf32>
          %jit3A_1972 = arith.constant 0.000000e+00 : f32
          %broadcast_in_dim3A_1973 = vector.broadcast %jit3A_1972 : f32 to vector<16xf32>
          %select_n3A_1974 = arith.select %broadcast_in_dim3A_1143, %mul3A_1971, %broadcast_in_dim3A_1973 : vector<16xi1>, vector<16xf32>
          %add3A_1975 = arith.addf %add3A_1961, %select_n3A_1974 : vector<16xf32>
          %mul3A_1976 = arith.constant 16 : i32
          %mul3A_1977 = arith.muli %scan3A_1904, %mul3A_1976 : i32
          %get3A_1978 = arith.constant 1 : i32
          %get3A_1979 = arith.constant 5 : i32
          %get3A_1980 = arith.index_cast %get3A_1978 : i32 to index
          %get3A_1981 = arith.index_cast %get3A_1979 : i32 to index
          %get3A_1982 = arith.index_cast %mul3A_1977 : i32 to index
          %get3A_1983 = tpu.vector_load %arg11[%get3A_1980, %get3A_1981, %get3A_1982] {strides = array<i32>} : memref<2x32x1024xf32, #tpu.memory_space<vmem>>, vector<16xf32>,
          %mul3A_1984 = vector.broadcast %squeeze3A_1167 : f32 to vector<16xf32>
          %mul3A_1985 = arith.mulf %mul3A_1984, %get3A_1983 : vector<16xf32>
          %jit3A_1986 = arith.constant 0.000000e+00 : f32
          %broadcast_in_dim3A_1987 = vector.broadcast %jit3A_1986 : f32 to vector<16xf32>
          %select_n3A_1988 = arith.select %broadcast_in_dim3A_1170, %mul3A_1985, %broadcast_in_dim3A_1987 : vector<16xi1>, vector<16xf32>
          %add3A_1989 = arith.addf %add3A_1975, %select_n3A_1988 : vector<16xf32>
          %mul3A_1990 = arith.constant 16 : i32
          %mul3A_1991 = arith.muli %scan3A_1904, %mul3A_1990 : i32
          %get3A_1992 = arith.constant 1 : i32
          %get3A_1993 = arith.constant 6 : i32
          %get3A_1994 = arith.index_cast %get3A_1992 : i32 to index
          %get3A_1995 = arith.index_cast %get3A_1993 : i32 to index
          %get3A_1996 = arith.index_cast %mul3A_1991 : i32 to index
          %get3A_1997 = tpu.vector_load %arg11[%get3A_1994, %get3A_1995, %get3A_1996] {strides = array<i32>} : memref<2x32x1024xf32, #tpu.memory_space<vmem>>, vector<16xf32>,
          %mul3A_1998 = vector.broadcast %squeeze3A_1194 : f32 to vector<16xf32>
          %mul3A_1999 = arith.mulf %mul3A_1998, %get3A_1997 : vector<16xf32>
          %jit3A_2000 = arith.constant 0.000000e+00 : f32
          %broadcast_in_dim3A_2001 = vector.broadcast %jit3A_2000 : f32 to vector<16xf32>
          %select_n3A_2002 = arith.select %broadcast_in_dim3A_1197, %mul3A_1999, %broadcast_in_dim3A_2001 : vector<16xi1>, vector<16xf32>
          %add3A_2003 = arith.addf %add3A_1989, %select_n3A_2002 : vector<16xf32>
          %mul3A_2004 = arith.constant 16 : i32
          %mul3A_2005 = arith.muli %scan3A_1904, %mul3A_2004 : i32
          %get3A_2006 = arith.constant 1 : i32
          %get3A_2007 = arith.constant 7 : i32
          %get3A_2008 = arith.index_cast %get3A_2006 : i32 to index
          %get3A_2009 = arith.index_cast %get3A_2007 : i32 to index
          %get3A_2010 = arith.index_cast %mul3A_2005 : i32 to index
          %get3A_2011 = tpu.vector_load %arg11[%get3A_2008, %get3A_2009, %get3A_2010] {strides = array<i32>} : memref<2x32x1024xf32, #tpu.memory_space<vmem>>, vector<16xf32>,
          %mul3A_2012 = vector.broadcast %squeeze3A_1221 : f32 to vector<16xf32>
          %mul3A_2013 = arith.mulf %mul3A_2012, %get3A_2011 : vector<16xf32>
          %jit3A_2014 = arith.constant 0.000000e+00 : f32
          %broadcast_in_dim3A_2015 = vector.broadcast %jit3A_2014 : f32 to vector<16xf32>
          %select_n3A_2016 = arith.select %broadcast_in_dim3A_1224, %mul3A_2013, %broadcast_in_dim3A_2015 : vector<16xi1>, vector<16xf32>
          %add3A_2017 = arith.addf %add3A_2003, %select_n3A_2016 : vector<16xf32>
          %mul3A_2018 = arith.constant 16 : i32
          %mul3A_2019 = arith.muli %scan3A_1904, %mul3A_2018 : i32
          %swap3A_2020 = arith.constant 0 : i32
          %swap3A_2021 = arith.index_cast %swap3A_2020 : i32 to index
          %swap3A_2022 = arith.index_cast %mul3A_2019 : i32 to index
          %swap3A_2023 = tpu.vector_load %arg12[%swap3A_2021, %swap3A_2022] {strides = array<i32>} : memref<4x1024xf32, #tpu.memory_space<vmem>>, vector<16xf32>,
          tpu.vector_store %arg12[%swap3A_2021, %swap3A_2022], %add3A_2017 {strides = array<i32>} : memref<4x1024xf32, #tpu.memory_space<vmem>>, vector<16xf32>,
          %scan3A_2024 = arith.constant 0 : i32
          scf.yield %scan3A_2024 : i32
        }
        %scan3A_1231 = arith.constant 64 : i32
        %mul3A_1232 = arith.constant 4 : i32
        %mul3A_1233 = arith.muli %add3A_991, %mul3A_1232 : i32
        %add3A_1234 = arith.constant 1 : i32
        %add3A_1235 = arith.addi %mul3A_1233, %add3A_1234 : i32
        %mul3A_1236 = arith.constant 8 : i32
        %mul3A_1237 = arith.muli %add3A_1235, %mul3A_1236 : i32
        %add3A_1238 = arith.constant 0 : i32
        %add3A_1239 = arith.addi %mul3A_1237, %add3A_1238 : i32
        %get3A_1240 = arith.index_cast %add3A_1239 : i32 to index
        %get3A_1241 = tpu.vector_load %arg8[%get3A_1240] {strides = array<i32>} : memref<1024xi32, #tpu.memory_space<vmem>>, vector<16xi32>,
        %slice3A_1242 = vector.extract_strided_slice %get3A_1241 {offsets = [0], sizes = [1], strides = [1]} : vector<16xi32> to vector<1xi32>
        %squeeze3A_1243 = vector.extract %slice3A_1242[0] : i32 from vector<1xi32>
        %mul3A_1244 = arith.constant 4 : i32
        %mul3A_1245 = arith.muli %add3A_991, %mul3A_1244 : i32
        %add3A_1246 = arith.constant 1 : i32
        %add3A_1247 = arith.addi %mul3A_1245, %add3A_1246 : i32
        %mul3A_1248 = arith.constant 8 : i32
        %mul3A_1249 = arith.muli %add3A_1247, %mul3A_1248 : i32
        %add3A_1250 = arith.constant 0 : i32
        %add3A_1251 = arith.addi %mul3A_1249, %add3A_1250 : i32
        %get3A_1252 = arith.index_cast %add3A_1251 : i32 to index
        %get3A_1253 = tpu.vector_load %arg7[%get3A_1252] {strides = array<i32>} : memref<1024xf32, #tpu.memory_space<vmem>>, vector<16xf32>,
        %slice3A_1254 = vector.extract_strided_slice %get3A_1253 {offsets = [0], sizes = [1], strides = [1]} : vector<16xf32> to vector<1xf32>
        %squeeze3A_1255 = vector.extract %slice3A_1254[0] : f32 from vector<1xf32>
        %ne3A_1256 = arith.constant 0 : i32
        %ne3A_1257 = arith.cmpi ne, %squeeze3A_1243, %ne3A_1256 : i32
        %broadcast_in_dim3A_1258 = vector.broadcast %ne3A_1257 : i1 to vector<16xi1>
        %mul3A_1259 = arith.constant 4 : i32
        %mul3A_1260 = arith.muli %add3A_991, %mul3A_1259 : i32
        %add3A_1261 = arith.constant 1 : i32
        %add3A_1262 = arith.addi %mul3A_1260, %add3A_1261 : i32
        %mul3A_1263 = arith.constant 8 : i32
        %mul3A_1264 = arith.muli %add3A_1262, %mul3A_1263 : i32
        %add3A_1265 = arith.constant 1 : i32
        %add3A_1266 = arith.addi %mul3A_1264, %add3A_1265 : i32
        %get3A_1267 = arith.index_cast %add3A_1266 : i32 to index
        %get3A_1268 = tpu.vector_load %arg8[%get3A_1267] {strides = array<i32>} : memref<1024xi32, #tpu.memory_space<vmem>>, vector<16xi32>,
        %slice3A_1269 = vector.extract_strided_slice %get3A_1268 {offsets = [0], sizes = [1], strides = [1]} : vector<16xi32> to vector<1xi32>
        %squeeze3A_1270 = vector.extract %slice3A_1269[0] : i32 from vector<1xi32>
        %mul3A_1271 = arith.constant 4 : i32
        %mul3A_1272 = arith.muli %add3A_991, %mul3A_1271 : i32
        %add3A_1273 = arith.constant 1 : i32
        %add3A_1274 = arith.addi %mul3A_1272, %add3A_1273 : i32
        %mul3A_1275 = arith.constant 8 : i32
        %mul3A_1276 = arith.muli %add3A_1274, %mul3A_1275 : i32
        %add3A_1277 = arith.constant 1 : i32
        %add3A_1278 = arith.addi %mul3A_1276, %add3A_1277 : i32
        %get3A_1279 = arith.index_cast %add3A_1278 : i32 to index
        %get3A_1280 = tpu.vector_load %arg7[%get3A_1279] {strides = array<i32>} : memref<1024xf32, #tpu.memory_space<vmem>>, vector<16xf32>,
        %slice3A_1281 = vector.extract_strided_slice %get3A_1280 {offsets = [0], sizes = [1], strides = [1]} : vector<16xf32> to vector<1xf32>
        %squeeze3A_1282 = vector.extract %slice3A_1281[0] : f32 from vector<1xf32>
        %ne3A_1283 = arith.constant 0 : i32
        %ne3A_1284 = arith.cmpi ne, %squeeze3A_1270, %ne3A_1283 : i32
        %broadcast_in_dim3A_1285 = vector.broadcast %ne3A_1284 : i1 to vector<16xi1>
        %mul3A_1286 = arith.constant 4 : i32
        %mul3A_1287 = arith.muli %add3A_991, %mul3A_1286 : i32
        %add3A_1288 = arith.constant 1 : i32
        %add3A_1289 = arith.addi %mul3A_1287, %add3A_1288 : i32
        %mul3A_1290 = arith.constant 8 : i32
        %mul3A_1291 = arith.muli %add3A_1289, %mul3A_1290 : i32
        %add3A_1292 = arith.constant 2 : i32
        %add3A_1293 = arith.addi %mul3A_1291, %add3A_1292 : i32
        %get3A_1294 = arith.index_cast %add3A_1293 : i32 to index
        %get3A_1295 = tpu.vector_load %arg8[%get3A_1294] {strides = array<i32>} : memref<1024xi32, #tpu.memory_space<vmem>>, vector<16xi32>,
        %slice3A_1296 = vector.extract_strided_slice %get3A_1295 {offsets = [0], sizes = [1], strides = [1]} : vector<16xi32> to vector<1xi32>
        %squeeze3A_1297 = vector.extract %slice3A_1296[0] : i32 from vector<1xi32>
        %mul3A_1298 = arith.constant 4 : i32
        %mul3A_1299 = arith.muli %add3A_991, %mul3A_1298 : i32
        %add3A_1300 = arith.constant 1 : i32
        %add3A_1301 = arith.addi %mul3A_1299, %add3A_1300 : i32
        %mul3A_1302 = arith.constant 8 : i32
        %mul3A_1303 = arith.muli %add3A_1301, %mul3A_1302 : i32
        %add3A_1304 = arith.constant 2 : i32
        %add3A_1305 = arith.addi %mul3A_1303, %add3A_1304 : i32
        %get3A_1306 = arith.index_cast %add3A_1305 : i32 to index
        %get3A_1307 = tpu.vector_load %arg7[%get3A_1306] {strides = array<i32>} : memref<1024xf32, #tpu.memory_space<vmem>>, vector<16xf32>,
        %slice3A_1308 = vector.extract_strided_slice %get3A_1307 {offsets = [0], sizes = [1], strides = [1]} : vector<16xf32> to vector<1xf32>
        %squeeze3A_1309 = vector.extract %slice3A_1308[0] : f32 from vector<1xf32>
        %ne3A_1310 = arith.constant 0 : i32
        %ne3A_1311 = arith.cmpi ne, %squeeze3A_1297, %ne3A_1310 : i32
        %broadcast_in_dim3A_1312 = vector.broadcast %ne3A_1311 : i1 to vector<16xi1>
        %mul3A_1313 = arith.constant 4 : i32
        %mul3A_1314 = arith.muli %add3A_991, %mul3A_1313 : i32
        %add3A_1315 = arith.constant 1 : i32
        %add3A_1316 = arith.addi %mul3A_1314, %add3A_1315 : i32
        %mul3A_1317 = arith.constant 8 : i32
        %mul3A_1318 = arith.muli %add3A_1316, %mul3A_1317 : i32
        %add3A_1319 = arith.constant 3 : i32
        %add3A_1320 = arith.addi %mul3A_1318, %add3A_1319 : i32
        %get3A_1321 = arith.index_cast %add3A_1320 : i32 to index
        %get3A_1322 = tpu.vector_load %arg8[%get3A_1321] {strides = array<i32>} : memref<1024xi32, #tpu.memory_space<vmem>>, vector<16xi32>,
        %slice3A_1323 = vector.extract_strided_slice %get3A_1322 {offsets = [0], sizes = [1], strides = [1]} : vector<16xi32> to vector<1xi32>
        %squeeze3A_1324 = vector.extract %slice3A_1323[0] : i32 from vector<1xi32>
        %mul3A_1325 = arith.constant 4 : i32
        %mul3A_1326 = arith.muli %add3A_991, %mul3A_1325 : i32
        %add3A_1327 = arith.constant 1 : i32
        %add3A_1328 = arith.addi %mul3A_1326, %add3A_1327 : i32
        %mul3A_1329 = arith.constant 8 : i32
        %mul3A_1330 = arith.muli %add3A_1328, %mul3A_1329 : i32
        %add3A_1331 = arith.constant 3 : i32
        %add3A_1332 = arith.addi %mul3A_1330, %add3A_1331 : i32
        %get3A_1333 = arith.index_cast %add3A_1332 : i32 to index
        %get3A_1334 = tpu.vector_load %arg7[%get3A_1333] {strides = array<i32>} : memref<1024xf32, #tpu.memory_space<vmem>>, vector<16xf32>,
        %slice3A_1335 = vector.extract_strided_slice %get3A_1334 {offsets = [0], sizes = [1], strides = [1]} : vector<16xf32> to vector<1xf32>
        %squeeze3A_1336 = vector.extract %slice3A_1335[0] : f32 from vector<1xf32>
        %ne3A_1337 = arith.constant 0 : i32
        %ne3A_1338 = arith.cmpi ne, %squeeze3A_1324, %ne3A_1337 : i32
        %broadcast_in_dim3A_1339 = vector.broadcast %ne3A_1338 : i1 to vector<16xi1>
        %mul3A_1340 = arith.constant 4 : i32
        %mul3A_1341 = arith.muli %add3A_991, %mul3A_1340 : i32
        %add3A_1342 = arith.constant 1 : i32
        %add3A_1343 = arith.addi %mul3A_1341, %add3A_1342 : i32
        %mul3A_1344 = arith.constant 8 : i32
        %mul3A_1345 = arith.muli %add3A_1343, %mul3A_1344 : i32
        %add3A_1346 = arith.constant 4 : i32
        %add3A_1347 = arith.addi %mul3A_1345, %add3A_1346 : i32
        %get3A_1348 = arith.index_cast %add3A_1347 : i32 to index
        %get3A_1349 = tpu.vector_load %arg8[%get3A_1348] {strides = array<i32>} : memref<1024xi32, #tpu.memory_space<vmem>>, vector<16xi32>,
        %slice3A_1350 = vector.extract_strided_slice %get3A_1349 {offsets = [0], sizes = [1], strides = [1]} : vector<16xi32> to vector<1xi32>
        %squeeze3A_1351 = vector.extract %slice3A_1350[0] : i32 from vector<1xi32>
        %mul3A_1352 = arith.constant 4 : i32
        %mul3A_1353 = arith.muli %add3A_991, %mul3A_1352 : i32
        %add3A_1354 = arith.constant 1 : i32
        %add3A_1355 = arith.addi %mul3A_1353, %add3A_1354 : i32
        %mul3A_1356 = arith.constant 8 : i32
        %mul3A_1357 = arith.muli %add3A_1355, %mul3A_1356 : i32
        %add3A_1358 = arith.constant 4 : i32
        %add3A_1359 = arith.addi %mul3A_1357, %add3A_1358 : i32
        %get3A_1360 = arith.index_cast %add3A_1359 : i32 to index
        %get3A_1361 = tpu.vector_load %arg7[%get3A_1360] {strides = array<i32>} : memref<1024xf32, #tpu.memory_space<vmem>>, vector<16xf32>,
        %slice3A_1362 = vector.extract_strided_slice %get3A_1361 {offsets = [0], sizes = [1], strides = [1]} : vector<16xf32> to vector<1xf32>
        %squeeze3A_1363 = vector.extract %slice3A_1362[0] : f32 from vector<1xf32>
        %ne3A_1364 = arith.constant 0 : i32
        %ne3A_1365 = arith.cmpi ne, %squeeze3A_1351, %ne3A_1364 : i32
        %broadcast_in_dim3A_1366 = vector.broadcast %ne3A_1365 : i1 to vector<16xi1>
        %mul3A_1367 = arith.constant 4 : i32
        %mul3A_1368 = arith.muli %add3A_991, %mul3A_1367 : i32
        %add3A_1369 = arith.constant 1 : i32
        %add3A_1370 = arith.addi %mul3A_1368, %add3A_1369 : i32
        %mul3A_1371 = arith.constant 8 : i32
        %mul3A_1372 = arith.muli %add3A_1370, %mul3A_1371 : i32
        %add3A_1373 = arith.constant 5 : i32
        %add3A_1374 = arith.addi %mul3A_1372, %add3A_1373 : i32
        %get3A_1375 = arith.index_cast %add3A_1374 : i32 to index
        %get3A_1376 = tpu.vector_load %arg8[%get3A_1375] {strides = array<i32>} : memref<1024xi32, #tpu.memory_space<vmem>>, vector<16xi32>,
        %slice3A_1377 = vector.extract_strided_slice %get3A_1376 {offsets = [0], sizes = [1], strides = [1]} : vector<16xi32> to vector<1xi32>
        %squeeze3A_1378 = vector.extract %slice3A_1377[0] : i32 from vector<1xi32>
        %mul3A_1379 = arith.constant 4 : i32
        %mul3A_1380 = arith.muli %add3A_991, %mul3A_1379 : i32
        %add3A_1381 = arith.constant 1 : i32
        %add3A_1382 = arith.addi %mul3A_1380, %add3A_1381 : i32
        %mul3A_1383 = arith.constant 8 : i32
        %mul3A_1384 = arith.muli %add3A_1382, %mul3A_1383 : i32
        %add3A_1385 = arith.constant 5 : i32
        %add3A_1386 = arith.addi %mul3A_1384, %add3A_1385 : i32
        %get3A_1387 = arith.index_cast %add3A_1386 : i32 to index
        %get3A_1388 = tpu.vector_load %arg7[%get3A_1387] {strides = array<i32>} : memref<1024xf32, #tpu.memory_space<vmem>>, vector<16xf32>,
        %slice3A_1389 = vector.extract_strided_slice %get3A_1388 {offsets = [0], sizes = [1], strides = [1]} : vector<16xf32> to vector<1xf32>
        %squeeze3A_1390 = vector.extract %slice3A_1389[0] : f32 from vector<1xf32>
        %ne3A_1391 = arith.constant 0 : i32
        %ne3A_1392 = arith.cmpi ne, %squeeze3A_1378, %ne3A_1391 : i32
        %broadcast_in_dim3A_1393 = vector.broadcast %ne3A_1392 : i1 to vector<16xi1>
        %mul3A_1394 = arith.constant 4 : i32
        %mul3A_1395 = arith.muli %add3A_991, %mul3A_1394 : i32
        %add3A_1396 = arith.constant 1 : i32
        %add3A_1397 = arith.addi %mul3A_1395, %add3A_1396 : i32
        %mul3A_1398 = arith.constant 8 : i32
        %mul3A_1399 = arith.muli %add3A_1397, %mul3A_1398 : i32
        %add3A_1400 = arith.constant 6 : i32
        %add3A_1401 = arith.addi %mul3A_1399, %add3A_1400 : i32
        %get3A_1402 = arith.index_cast %add3A_1401 : i32 to index
        %get3A_1403 = tpu.vector_load %arg8[%get3A_1402] {strides = array<i32>} : memref<1024xi32, #tpu.memory_space<vmem>>, vector<16xi32>,
        %slice3A_1404 = vector.extract_strided_slice %get3A_1403 {offsets = [0], sizes = [1], strides = [1]} : vector<16xi32> to vector<1xi32>
        %squeeze3A_1405 = vector.extract %slice3A_1404[0] : i32 from vector<1xi32>
        %mul3A_1406 = arith.constant 4 : i32
        %mul3A_1407 = arith.muli %add3A_991, %mul3A_1406 : i32
        %add3A_1408 = arith.constant 1 : i32
        %add3A_1409 = arith.addi %mul3A_1407, %add3A_1408 : i32
        %mul3A_1410 = arith.constant 8 : i32
        %mul3A_1411 = arith.muli %add3A_1409, %mul3A_1410 : i32
        %add3A_1412 = arith.constant 6 : i32
        %add3A_1413 = arith.addi %mul3A_1411, %add3A_1412 : i32
        %get3A_1414 = arith.index_cast %add3A_1413 : i32 to index
        %get3A_1415 = tpu.vector_load %arg7[%get3A_1414] {strides = array<i32>} : memref<1024xf32, #tpu.memory_space<vmem>>, vector<16xf32>,
        %slice3A_1416 = vector.extract_strided_slice %get3A_1415 {offsets = [0], sizes = [1], strides = [1]} : vector<16xf32> to vector<1xf32>
        %squeeze3A_1417 = vector.extract %slice3A_1416[0] : f32 from vector<1xf32>
        %ne3A_1418 = arith.constant 0 : i32
        %ne3A_1419 = arith.cmpi ne, %squeeze3A_1405, %ne3A_1418 : i32
        %broadcast_in_dim3A_1420 = vector.broadcast %ne3A_1419 : i1 to vector<16xi1>
        %mul3A_1421 = arith.constant 4 : i32
        %mul3A_1422 = arith.muli %add3A_991, %mul3A_1421 : i32
        %add3A_1423 = arith.constant 1 : i32
        %add3A_1424 = arith.addi %mul3A_1422, %add3A_1423 : i32
        %mul3A_1425 = arith.constant 8 : i32
        %mul3A_1426 = arith.muli %add3A_1424, %mul3A_1425 : i32
        %add3A_1427 = arith.constant 7 : i32
        %add3A_1428 = arith.addi %mul3A_1426, %add3A_1427 : i32
        %get3A_1429 = arith.index_cast %add3A_1428 : i32 to index
        %get3A_1430 = tpu.vector_load %arg8[%get3A_1429] {strides = array<i32>} : memref<1024xi32, #tpu.memory_space<vmem>>, vector<16xi32>,
        %slice3A_1431 = vector.extract_strided_slice %get3A_1430 {offsets = [0], sizes = [1], strides = [1]} : vector<16xi32> to vector<1xi32>
        %squeeze3A_1432 = vector.extract %slice3A_1431[0] : i32 from vector<1xi32>
        %mul3A_1433 = arith.constant 4 : i32
        %mul3A_1434 = arith.muli %add3A_991, %mul3A_1433 : i32
        %add3A_1435 = arith.constant 1 : i32
        %add3A_1436 = arith.addi %mul3A_1434, %add3A_1435 : i32
        %mul3A_1437 = arith.constant 8 : i32
        %mul3A_1438 = arith.muli %add3A_1436, %mul3A_1437 : i32
        %add3A_1439 = arith.constant 7 : i32
        %add3A_1440 = arith.addi %mul3A_1438, %add3A_1439 : i32
        %get3A_1441 = arith.index_cast %add3A_1440 : i32 to index
        %get3A_1442 = tpu.vector_load %arg7[%get3A_1441] {strides = array<i32>} : memref<1024xf32, #tpu.memory_space<vmem>>, vector<16xf32>,
        %slice3A_1443 = vector.extract_strided_slice %get3A_1442 {offsets = [0], sizes = [1], strides = [1]} : vector<16xf32> to vector<1xf32>
        %squeeze3A_1444 = vector.extract %slice3A_1443[0] : f32 from vector<1xf32>
        %ne3A_1445 = arith.constant 0 : i32
        %ne3A_1446 = arith.cmpi ne, %squeeze3A_1432, %ne3A_1445 : i32
        %broadcast_in_dim3A_1447 = vector.broadcast %ne3A_1446 : i1 to vector<16xi1>
        %scan3A_1448 = arith.constant 0 : i32
        %scan3A_1449 = arith.constant 0 : i32
        %scan3A_1450 = arith.constant 64 : i32
        %scan3A_1451 = arith.addi %scan3A_1449, %scan3A_1450 : i32
        %scan3A_1452 = arith.constant 1 : i32
        %scan3A_1453 = scf.for %scan3A_1904 = %scan3A_1449 to %scan3A_1451 step %scan3A_1452 iter_args(%scan3A_1905 = %scan3A_1448) -> (i32)  : i32 {
          %broadcast_in_dim3A_1906 = arith.constant 0.000000e+00 : f32
          %broadcast_in_dim3A_1907 = vector.broadcast %broadcast_in_dim3A_1906 : f32 to vector<16xf32>
          %mul3A_1908 = arith.constant 16 : i32
          %mul3A_1909 = arith.muli %scan3A_1904, %mul3A_1908 : i32
          %get3A_1910 = arith.constant 1 : i32
          %get3A_1911 = arith.constant 8 : i32
          %get3A_1912 = arith.index_cast %get3A_1910 : i32 to index
          %get3A_1913 = arith.index_cast %get3A_1911 : i32 to index
          %get3A_1914 = arith.index_cast %mul3A_1909 : i32 to index
          %get3A_1915 = tpu.vector_load %arg11[%get3A_1912, %get3A_1913, %get3A_1914] {strides = array<i32>} : memref<2x32x1024xf32, #tpu.memory_space<vmem>>, vector<16xf32>,
          %mul3A_1916 = vector.broadcast %squeeze3A_1255 : f32 to vector<16xf32>
          %mul3A_1917 = arith.mulf %mul3A_1916, %get3A_1915 : vector<16xf32>
          %jit3A = arith.constant 0.000000e+00 : f32
          %broadcast_in_dim3A_1918 = vector.broadcast %jit3A : f32 to vector<16xf32>
          %select_n3A = arith.select %broadcast_in_dim3A_1258, %mul3A_1917, %broadcast_in_dim3A_1918 : vector<16xi1>, vector<16xf32>
          %add3A_1919 = arith.addf %broadcast_in_dim3A_1907, %select_n3A : vector<16xf32>
          %mul3A_1920 = arith.constant 16 : i32
          %mul3A_1921 = arith.muli %scan3A_1904, %mul3A_1920 : i32
          %get3A_1922 = arith.constant 1 : i32
          %get3A_1923 = arith.constant 9 : i32
          %get3A_1924 = arith.index_cast %get3A_1922 : i32 to index
          %get3A_1925 = arith.index_cast %get3A_1923 : i32 to index
          %get3A_1926 = arith.index_cast %mul3A_1921 : i32 to index
          %get3A_1927 = tpu.vector_load %arg11[%get3A_1924, %get3A_1925, %get3A_1926] {strides = array<i32>} : memref<2x32x1024xf32, #tpu.memory_space<vmem>>, vector<16xf32>,
          %mul3A_1928 = vector.broadcast %squeeze3A_1282 : f32 to vector<16xf32>
          %mul3A_1929 = arith.mulf %mul3A_1928, %get3A_1927 : vector<16xf32>
          %jit3A_1930 = arith.constant 0.000000e+00 : f32
          %broadcast_in_dim3A_1931 = vector.broadcast %jit3A_1930 : f32 to vector<16xf32>
          %select_n3A_1932 = arith.select %broadcast_in_dim3A_1285, %mul3A_1929, %broadcast_in_dim3A_1931 : vector<16xi1>, vector<16xf32>
          %add3A_1933 = arith.addf %add3A_1919, %select_n3A_1932 : vector<16xf32>
          %mul3A_1934 = arith.constant 16 : i32
          %mul3A_1935 = arith.muli %scan3A_1904, %mul3A_1934 : i32
          %get3A_1936 = arith.constant 1 : i32
          %get3A_1937 = arith.constant 10 : i32
          %get3A_1938 = arith.index_cast %get3A_1936 : i32 to index
          %get3A_1939 = arith.index_cast %get3A_1937 : i32 to index
          %get3A_1940 = arith.index_cast %mul3A_1935 : i32 to index
          %get3A_1941 = tpu.vector_load %arg11[%get3A_1938, %get3A_1939, %get3A_1940] {strides = array<i32>} : memref<2x32x1024xf32, #tpu.memory_space<vmem>>, vector<16xf32>,
          %mul3A_1942 = vector.broadcast %squeeze3A_1309 : f32 to vector<16xf32>
          %mul3A_1943 = arith.mulf %mul3A_1942, %get3A_1941 : vector<16xf32>
          %jit3A_1944 = arith.constant 0.000000e+00 : f32
          %broadcast_in_dim3A_1945 = vector.broadcast %jit3A_1944 : f32 to vector<16xf32>
          %select_n3A_1946 = arith.select %broadcast_in_dim3A_1312, %mul3A_1943, %broadcast_in_dim3A_1945 : vector<16xi1>, vector<16xf32>
          %add3A_1947 = arith.addf %add3A_1933, %select_n3A_1946 : vector<16xf32>
          %mul3A_1948 = arith.constant 16 : i32
          %mul3A_1949 = arith.muli %scan3A_1904, %mul3A_1948 : i32
          %get3A_1950 = arith.constant 1 : i32
          %get3A_1951 = arith.constant 11 : i32
          %get3A_1952 = arith.index_cast %get3A_1950 : i32 to index
          %get3A_1953 = arith.index_cast %get3A_1951 : i32 to index
          %get3A_1954 = arith.index_cast %mul3A_1949 : i32 to index
          %get3A_1955 = tpu.vector_load %arg11[%get3A_1952, %get3A_1953, %get3A_1954] {strides = array<i32>} : memref<2x32x1024xf32, #tpu.memory_space<vmem>>, vector<16xf32>,
          %mul3A_1956 = vector.broadcast %squeeze3A_1336 : f32 to vector<16xf32>
          %mul3A_1957 = arith.mulf %mul3A_1956, %get3A_1955 : vector<16xf32>
          %jit3A_1958 = arith.constant 0.000000e+00 : f32
          %broadcast_in_dim3A_1959 = vector.broadcast %jit3A_1958 : f32 to vector<16xf32>
          %select_n3A_1960 = arith.select %broadcast_in_dim3A_1339, %mul3A_1957, %broadcast_in_dim3A_1959 : vector<16xi1>, vector<16xf32>
          %add3A_1961 = arith.addf %add3A_1947, %select_n3A_1960 : vector<16xf32>
          %mul3A_1962 = arith.constant 16 : i32
          %mul3A_1963 = arith.muli %scan3A_1904, %mul3A_1962 : i32
          %get3A_1964 = arith.constant 1 : i32
          %get3A_1965 = arith.constant 12 : i32
          %get3A_1966 = arith.index_cast %get3A_1964 : i32 to index
          %get3A_1967 = arith.index_cast %get3A_1965 : i32 to index
          %get3A_1968 = arith.index_cast %mul3A_1963 : i32 to index
          %get3A_1969 = tpu.vector_load %arg11[%get3A_1966, %get3A_1967, %get3A_1968] {strides = array<i32>} : memref<2x32x1024xf32, #tpu.memory_space<vmem>>, vector<16xf32>,
          %mul3A_1970 = vector.broadcast %squeeze3A_1363 : f32 to vector<16xf32>
          %mul3A_1971 = arith.mulf %mul3A_1970, %get3A_1969 : vector<16xf32>
          %jit3A_1972 = arith.constant 0.000000e+00 : f32
          %broadcast_in_dim3A_1973 = vector.broadcast %jit3A_1972 : f32 to vector<16xf32>
          %select_n3A_1974 = arith.select %broadcast_in_dim3A_1366, %mul3A_1971, %broadcast_in_dim3A_1973 : vector<16xi1>, vector<16xf32>
          %add3A_1975 = arith.addf %add3A_1961, %select_n3A_1974 : vector<16xf32>
          %mul3A_1976 = arith.constant 16 : i32
          %mul3A_1977 = arith.muli %scan3A_1904, %mul3A_1976 : i32
          %get3A_1978 = arith.constant 1 : i32
          %get3A_1979 = arith.constant 13 : i32
          %get3A_1980 = arith.index_cast %get3A_1978 : i32 to index
          %get3A_1981 = arith.index_cast %get3A_1979 : i32 to index
          %get3A_1982 = arith.index_cast %mul3A_1977 : i32 to index
          %get3A_1983 = tpu.vector_load %arg11[%get3A_1980, %get3A_1981, %get3A_1982] {strides = array<i32>} : memref<2x32x1024xf32, #tpu.memory_space<vmem>>, vector<16xf32>,
          %mul3A_1984 = vector.broadcast %squeeze3A_1390 : f32 to vector<16xf32>
          %mul3A_1985 = arith.mulf %mul3A_1984, %get3A_1983 : vector<16xf32>
          %jit3A_1986 = arith.constant 0.000000e+00 : f32
          %broadcast_in_dim3A_1987 = vector.broadcast %jit3A_1986 : f32 to vector<16xf32>
          %select_n3A_1988 = arith.select %broadcast_in_dim3A_1393, %mul3A_1985, %broadcast_in_dim3A_1987 : vector<16xi1>, vector<16xf32>
          %add3A_1989 = arith.addf %add3A_1975, %select_n3A_1988 : vector<16xf32>
          %mul3A_1990 = arith.constant 16 : i32
          %mul3A_1991 = arith.muli %scan3A_1904, %mul3A_1990 : i32
          %get3A_1992 = arith.constant 1 : i32
          %get3A_1993 = arith.constant 14 : i32
          %get3A_1994 = arith.index_cast %get3A_1992 : i32 to index
          %get3A_1995 = arith.index_cast %get3A_1993 : i32 to index
          %get3A_1996 = arith.index_cast %mul3A_1991 : i32 to index
          %get3A_1997 = tpu.vector_load %arg11[%get3A_1994, %get3A_1995, %get3A_1996] {strides = array<i32>} : memref<2x32x1024xf32, #tpu.memory_space<vmem>>, vector<16xf32>,
          %mul3A_1998 = vector.broadcast %squeeze3A_1417 : f32 to vector<16xf32>
          %mul3A_1999 = arith.mulf %mul3A_1998, %get3A_1997 : vector<16xf32>
          %jit3A_2000 = arith.constant 0.000000e+00 : f32
          %broadcast_in_dim3A_2001 = vector.broadcast %jit3A_2000 : f32 to vector<16xf32>
          %select_n3A_2002 = arith.select %broadcast_in_dim3A_1420, %mul3A_1999, %broadcast_in_dim3A_2001 : vector<16xi1>, vector<16xf32>
          %add3A_2003 = arith.addf %add3A_1989, %select_n3A_2002 : vector<16xf32>
          %mul3A_2004 = arith.constant 16 : i32
          %mul3A_2005 = arith.muli %scan3A_1904, %mul3A_2004 : i32
          %get3A_2006 = arith.constant 1 : i32
          %get3A_2007 = arith.constant 15 : i32
          %get3A_2008 = arith.index_cast %get3A_2006 : i32 to index
          %get3A_2009 = arith.index_cast %get3A_2007 : i32 to index
          %get3A_2010 = arith.index_cast %mul3A_2005 : i32 to index
          %get3A_2011 = tpu.vector_load %arg11[%get3A_2008, %get3A_2009, %get3A_2010] {strides = array<i32>} : memref<2x32x1024xf32, #tpu.memory_space<vmem>>, vector<16xf32>,
          %mul3A_2012 = vector.broadcast %squeeze3A_1444 : f32 to vector<16xf32>
          %mul3A_2013 = arith.mulf %mul3A_2012, %get3A_2011 : vector<16xf32>
          %jit3A_2014 = arith.constant 0.000000e+00 : f32
          %broadcast_in_dim3A_2015 = vector.broadcast %jit3A_2014 : f32 to vector<16xf32>
          %select_n3A_2016 = arith.select %broadcast_in_dim3A_1447, %mul3A_2013, %broadcast_in_dim3A_2015 : vector<16xi1>, vector<16xf32>
          %add3A_2017 = arith.addf %add3A_2003, %select_n3A_2016 : vector<16xf32>
          %mul3A_2018 = arith.constant 16 : i32
          %mul3A_2019 = arith.muli %scan3A_1904, %mul3A_2018 : i32
          %swap3A_2020 = arith.constant 1 : i32
          %swap3A_2021 = arith.index_cast %swap3A_2020 : i32 to index
          %swap3A_2022 = arith.index_cast %mul3A_2019 : i32 to index
          %swap3A_2023 = tpu.vector_load %arg12[%swap3A_2021, %swap3A_2022] {strides = array<i32>} : memref<4x1024xf32, #tpu.memory_space<vmem>>, vector<16xf32>,
          tpu.vector_store %arg12[%swap3A_2021, %swap3A_2022], %add3A_2017 {strides = array<i32>} : memref<4x1024xf32, #tpu.memory_space<vmem>>, vector<16xf32>,
          %scan3A_2024 = arith.constant 0 : i32
          scf.yield %scan3A_2024 : i32
        }
        %scan3A_1454 = arith.constant 64 : i32
        %mul3A_1455 = arith.constant 4 : i32
        %mul3A_1456 = arith.muli %add3A_991, %mul3A_1455 : i32
        %add3A_1457 = arith.constant 2 : i32
        %add3A_1458 = arith.addi %mul3A_1456, %add3A_1457 : i32
        %mul3A_1459 = arith.constant 8 : i32
        %mul3A_1460 = arith.muli %add3A_1458, %mul3A_1459 : i32
        %add3A_1461 = arith.constant 0 : i32
        %add3A_1462 = arith.addi %mul3A_1460, %add3A_1461 : i32
        %get3A_1463 = arith.index_cast %add3A_1462 : i32 to index
        %get3A_1464 = tpu.vector_load %arg8[%get3A_1463] {strides = array<i32>} : memref<1024xi32, #tpu.memory_space<vmem>>, vector<16xi32>,
        %slice3A_1465 = vector.extract_strided_slice %get3A_1464 {offsets = [0], sizes = [1], strides = [1]} : vector<16xi32> to vector<1xi32>
        %squeeze3A_1466 = vector.extract %slice3A_1465[0] : i32 from vector<1xi32>
        %mul3A_1467 = arith.constant 4 : i32
        %mul3A_1468 = arith.muli %add3A_991, %mul3A_1467 : i32
        %add3A_1469 = arith.constant 2 : i32
        %add3A_1470 = arith.addi %mul3A_1468, %add3A_1469 : i32
        %mul3A_1471 = arith.constant 8 : i32
        %mul3A_1472 = arith.muli %add3A_1470, %mul3A_1471 : i32
        %add3A_1473 = arith.constant 0 : i32
        %add3A_1474 = arith.addi %mul3A_1472, %add3A_1473 : i32
        %get3A_1475 = arith.index_cast %add3A_1474 : i32 to index
        %get3A_1476 = tpu.vector_load %arg7[%get3A_1475] {strides = array<i32>} : memref<1024xf32, #tpu.memory_space<vmem>>, vector<16xf32>,
        %slice3A_1477 = vector.extract_strided_slice %get3A_1476 {offsets = [0], sizes = [1], strides = [1]} : vector<16xf32> to vector<1xf32>
        %squeeze3A_1478 = vector.extract %slice3A_1477[0] : f32 from vector<1xf32>
        %ne3A_1479 = arith.constant 0 : i32
        %ne3A_1480 = arith.cmpi ne, %squeeze3A_1466, %ne3A_1479 : i32
        %broadcast_in_dim3A_1481 = vector.broadcast %ne3A_1480 : i1 to vector<16xi1>
        %mul3A_1482 = arith.constant 4 : i32
        %mul3A_1483 = arith.muli %add3A_991, %mul3A_1482 : i32
        %add3A_1484 = arith.constant 2 : i32
        %add3A_1485 = arith.addi %mul3A_1483, %add3A_1484 : i32
        %mul3A_1486 = arith.constant 8 : i32
        %mul3A_1487 = arith.muli %add3A_1485, %mul3A_1486 : i32
        %add3A_1488 = arith.constant 1 : i32
        %add3A_1489 = arith.addi %mul3A_1487, %add3A_1488 : i32
        %get3A_1490 = arith.index_cast %add3A_1489 : i32 to index
        %get3A_1491 = tpu.vector_load %arg8[%get3A_1490] {strides = array<i32>} : memref<1024xi32, #tpu.memory_space<vmem>>, vector<16xi32>,
        %slice3A_1492 = vector.extract_strided_slice %get3A_1491 {offsets = [0], sizes = [1], strides = [1]} : vector<16xi32> to vector<1xi32>
        %squeeze3A_1493 = vector.extract %slice3A_1492[0] : i32 from vector<1xi32>
        %mul3A_1494 = arith.constant 4 : i32
        %mul3A_1495 = arith.muli %add3A_991, %mul3A_1494 : i32
        %add3A_1496 = arith.constant 2 : i32
        %add3A_1497 = arith.addi %mul3A_1495, %add3A_1496 : i32
        %mul3A_1498 = arith.constant 8 : i32
        %mul3A_1499 = arith.muli %add3A_1497, %mul3A_1498 : i32
        %add3A_1500 = arith.constant 1 : i32
        %add3A_1501 = arith.addi %mul3A_1499, %add3A_1500 : i32
        %get3A_1502 = arith.index_cast %add3A_1501 : i32 to index
        %get3A_1503 = tpu.vector_load %arg7[%get3A_1502] {strides = array<i32>} : memref<1024xf32, #tpu.memory_space<vmem>>, vector<16xf32>,
        %slice3A_1504 = vector.extract_strided_slice %get3A_1503 {offsets = [0], sizes = [1], strides = [1]} : vector<16xf32> to vector<1xf32>
        %squeeze3A_1505 = vector.extract %slice3A_1504[0] : f32 from vector<1xf32>
        %ne3A_1506 = arith.constant 0 : i32
        %ne3A_1507 = arith.cmpi ne, %squeeze3A_1493, %ne3A_1506 : i32
        %broadcast_in_dim3A_1508 = vector.broadcast %ne3A_1507 : i1 to vector<16xi1>
        %mul3A_1509 = arith.constant 4 : i32
        %mul3A_1510 = arith.muli %add3A_991, %mul3A_1509 : i32
        %add3A_1511 = arith.constant 2 : i32
        %add3A_1512 = arith.addi %mul3A_1510, %add3A_1511 : i32
        %mul3A_1513 = arith.constant 8 : i32
        %mul3A_1514 = arith.muli %add3A_1512, %mul3A_1513 : i32
        %add3A_1515 = arith.constant 2 : i32
        %add3A_1516 = arith.addi %mul3A_1514, %add3A_1515 : i32
        %get3A_1517 = arith.index_cast %add3A_1516 : i32 to index
        %get3A_1518 = tpu.vector_load %arg8[%get3A_1517] {strides = array<i32>} : memref<1024xi32, #tpu.memory_space<vmem>>, vector<16xi32>,
        %slice3A_1519 = vector.extract_strided_slice %get3A_1518 {offsets = [0], sizes = [1], strides = [1]} : vector<16xi32> to vector<1xi32>
        %squeeze3A_1520 = vector.extract %slice3A_1519[0] : i32 from vector<1xi32>
        %mul3A_1521 = arith.constant 4 : i32
        %mul3A_1522 = arith.muli %add3A_991, %mul3A_1521 : i32
        %add3A_1523 = arith.constant 2 : i32
        %add3A_1524 = arith.addi %mul3A_1522, %add3A_1523 : i32
        %mul3A_1525 = arith.constant 8 : i32
        %mul3A_1526 = arith.muli %add3A_1524, %mul3A_1525 : i32
        %add3A_1527 = arith.constant 2 : i32
        %add3A_1528 = arith.addi %mul3A_1526, %add3A_1527 : i32
        %get3A_1529 = arith.index_cast %add3A_1528 : i32 to index
        %get3A_1530 = tpu.vector_load %arg7[%get3A_1529] {strides = array<i32>} : memref<1024xf32, #tpu.memory_space<vmem>>, vector<16xf32>,
        %slice3A_1531 = vector.extract_strided_slice %get3A_1530 {offsets = [0], sizes = [1], strides = [1]} : vector<16xf32> to vector<1xf32>
        %squeeze3A_1532 = vector.extract %slice3A_1531[0] : f32 from vector<1xf32>
        %ne3A_1533 = arith.constant 0 : i32
        %ne3A_1534 = arith.cmpi ne, %squeeze3A_1520, %ne3A_1533 : i32
        %broadcast_in_dim3A_1535 = vector.broadcast %ne3A_1534 : i1 to vector<16xi1>
        %mul3A_1536 = arith.constant 4 : i32
        %mul3A_1537 = arith.muli %add3A_991, %mul3A_1536 : i32
        %add3A_1538 = arith.constant 2 : i32
        %add3A_1539 = arith.addi %mul3A_1537, %add3A_1538 : i32
        %mul3A_1540 = arith.constant 8 : i32
        %mul3A_1541 = arith.muli %add3A_1539, %mul3A_1540 : i32
        %add3A_1542 = arith.constant 3 : i32
        %add3A_1543 = arith.addi %mul3A_1541, %add3A_1542 : i32
        %get3A_1544 = arith.index_cast %add3A_1543 : i32 to index
        %get3A_1545 = tpu.vector_load %arg8[%get3A_1544] {strides = array<i32>} : memref<1024xi32, #tpu.memory_space<vmem>>, vector<16xi32>,
        %slice3A_1546 = vector.extract_strided_slice %get3A_1545 {offsets = [0], sizes = [1], strides = [1]} : vector<16xi32> to vector<1xi32>
        %squeeze3A_1547 = vector.extract %slice3A_1546[0] : i32 from vector<1xi32>
        %mul3A_1548 = arith.constant 4 : i32
        %mul3A_1549 = arith.muli %add3A_991, %mul3A_1548 : i32
        %add3A_1550 = arith.constant 2 : i32
        %add3A_1551 = arith.addi %mul3A_1549, %add3A_1550 : i32
        %mul3A_1552 = arith.constant 8 : i32
        %mul3A_1553 = arith.muli %add3A_1551, %mul3A_1552 : i32
        %add3A_1554 = arith.constant 3 : i32
        %add3A_1555 = arith.addi %mul3A_1553, %add3A_1554 : i32
        %get3A_1556 = arith.index_cast %add3A_1555 : i32 to index
        %get3A_1557 = tpu.vector_load %arg7[%get3A_1556] {strides = array<i32>} : memref<1024xf32, #tpu.memory_space<vmem>>, vector<16xf32>,
        %slice3A_1558 = vector.extract_strided_slice %get3A_1557 {offsets = [0], sizes = [1], strides = [1]} : vector<16xf32> to vector<1xf32>
        %squeeze3A_1559 = vector.extract %slice3A_1558[0] : f32 from vector<1xf32>
        %ne3A_1560 = arith.constant 0 : i32
        %ne3A_1561 = arith.cmpi ne, %squeeze3A_1547, %ne3A_1560 : i32
        %broadcast_in_dim3A_1562 = vector.broadcast %ne3A_1561 : i1 to vector<16xi1>
        %mul3A_1563 = arith.constant 4 : i32
        %mul3A_1564 = arith.muli %add3A_991, %mul3A_1563 : i32
        %add3A_1565 = arith.constant 2 : i32
        %add3A_1566 = arith.addi %mul3A_1564, %add3A_1565 : i32
        %mul3A_1567 = arith.constant 8 : i32
        %mul3A_1568 = arith.muli %add3A_1566, %mul3A_1567 : i32
        %add3A_1569 = arith.constant 4 : i32
        %add3A_1570 = arith.addi %mul3A_1568, %add3A_1569 : i32
        %get3A_1571 = arith.index_cast %add3A_1570 : i32 to index
        %get3A_1572 = tpu.vector_load %arg8[%get3A_1571] {strides = array<i32>} : memref<1024xi32, #tpu.memory_space<vmem>>, vector<16xi32>,
        %slice3A_1573 = vector.extract_strided_slice %get3A_1572 {offsets = [0], sizes = [1], strides = [1]} : vector<16xi32> to vector<1xi32>
        %squeeze3A_1574 = vector.extract %slice3A_1573[0] : i32 from vector<1xi32>
        %mul3A_1575 = arith.constant 4 : i32
        %mul3A_1576 = arith.muli %add3A_991, %mul3A_1575 : i32
        %add3A_1577 = arith.constant 2 : i32
        %add3A_1578 = arith.addi %mul3A_1576, %add3A_1577 : i32
        %mul3A_1579 = arith.constant 8 : i32
        %mul3A_1580 = arith.muli %add3A_1578, %mul3A_1579 : i32
        %add3A_1581 = arith.constant 4 : i32
        %add3A_1582 = arith.addi %mul3A_1580, %add3A_1581 : i32
        %get3A_1583 = arith.index_cast %add3A_1582 : i32 to index
        %get3A_1584 = tpu.vector_load %arg7[%get3A_1583] {strides = array<i32>} : memref<1024xf32, #tpu.memory_space<vmem>>, vector<16xf32>,
        %slice3A_1585 = vector.extract_strided_slice %get3A_1584 {offsets = [0], sizes = [1], strides = [1]} : vector<16xf32> to vector<1xf32>
        %squeeze3A_1586 = vector.extract %slice3A_1585[0] : f32 from vector<1xf32>
        %ne3A_1587 = arith.constant 0 : i32
        %ne3A_1588 = arith.cmpi ne, %squeeze3A_1574, %ne3A_1587 : i32
        %broadcast_in_dim3A_1589 = vector.broadcast %ne3A_1588 : i1 to vector<16xi1>
        %mul3A_1590 = arith.constant 4 : i32
        %mul3A_1591 = arith.muli %add3A_991, %mul3A_1590 : i32
        %add3A_1592 = arith.constant 2 : i32
        %add3A_1593 = arith.addi %mul3A_1591, %add3A_1592 : i32
        %mul3A_1594 = arith.constant 8 : i32
        %mul3A_1595 = arith.muli %add3A_1593, %mul3A_1594 : i32
        %add3A_1596 = arith.constant 5 : i32
        %add3A_1597 = arith.addi %mul3A_1595, %add3A_1596 : i32
        %get3A_1598 = arith.index_cast %add3A_1597 : i32 to index
        %get3A_1599 = tpu.vector_load %arg8[%get3A_1598] {strides = array<i32>} : memref<1024xi32, #tpu.memory_space<vmem>>, vector<16xi32>,
        %slice3A_1600 = vector.extract_strided_slice %get3A_1599 {offsets = [0], sizes = [1], strides = [1]} : vector<16xi32> to vector<1xi32>
        %squeeze3A_1601 = vector.extract %slice3A_1600[0] : i32 from vector<1xi32>
        %mul3A_1602 = arith.constant 4 : i32
        %mul3A_1603 = arith.muli %add3A_991, %mul3A_1602 : i32
        %add3A_1604 = arith.constant 2 : i32
        %add3A_1605 = arith.addi %mul3A_1603, %add3A_1604 : i32
        %mul3A_1606 = arith.constant 8 : i32
        %mul3A_1607 = arith.muli %add3A_1605, %mul3A_1606 : i32
        %add3A_1608 = arith.constant 5 : i32
        %add3A_1609 = arith.addi %mul3A_1607, %add3A_1608 : i32
        %get3A_1610 = arith.index_cast %add3A_1609 : i32 to index
        %get3A_1611 = tpu.vector_load %arg7[%get3A_1610] {strides = array<i32>} : memref<1024xf32, #tpu.memory_space<vmem>>, vector<16xf32>,
        %slice3A_1612 = vector.extract_strided_slice %get3A_1611 {offsets = [0], sizes = [1], strides = [1]} : vector<16xf32> to vector<1xf32>
        %squeeze3A_1613 = vector.extract %slice3A_1612[0] : f32 from vector<1xf32>
        %ne3A_1614 = arith.constant 0 : i32
        %ne3A_1615 = arith.cmpi ne, %squeeze3A_1601, %ne3A_1614 : i32
        %broadcast_in_dim3A_1616 = vector.broadcast %ne3A_1615 : i1 to vector<16xi1>
        %mul3A_1617 = arith.constant 4 : i32
        %mul3A_1618 = arith.muli %add3A_991, %mul3A_1617 : i32
        %add3A_1619 = arith.constant 2 : i32
        %add3A_1620 = arith.addi %mul3A_1618, %add3A_1619 : i32
        %mul3A_1621 = arith.constant 8 : i32
        %mul3A_1622 = arith.muli %add3A_1620, %mul3A_1621 : i32
        %add3A_1623 = arith.constant 6 : i32
        %add3A_1624 = arith.addi %mul3A_1622, %add3A_1623 : i32
        %get3A_1625 = arith.index_cast %add3A_1624 : i32 to index
        %get3A_1626 = tpu.vector_load %arg8[%get3A_1625] {strides = array<i32>} : memref<1024xi32, #tpu.memory_space<vmem>>, vector<16xi32>,
        %slice3A_1627 = vector.extract_strided_slice %get3A_1626 {offsets = [0], sizes = [1], strides = [1]} : vector<16xi32> to vector<1xi32>
        %squeeze3A_1628 = vector.extract %slice3A_1627[0] : i32 from vector<1xi32>
        %mul3A_1629 = arith.constant 4 : i32
        %mul3A_1630 = arith.muli %add3A_991, %mul3A_1629 : i32
        %add3A_1631 = arith.constant 2 : i32
        %add3A_1632 = arith.addi %mul3A_1630, %add3A_1631 : i32
        %mul3A_1633 = arith.constant 8 : i32
        %mul3A_1634 = arith.muli %add3A_1632, %mul3A_1633 : i32
        %add3A_1635 = arith.constant 6 : i32
        %add3A_1636 = arith.addi %mul3A_1634, %add3A_1635 : i32
        %get3A_1637 = arith.index_cast %add3A_1636 : i32 to index
        %get3A_1638 = tpu.vector_load %arg7[%get3A_1637] {strides = array<i32>} : memref<1024xf32, #tpu.memory_space<vmem>>, vector<16xf32>,
        %slice3A_1639 = vector.extract_strided_slice %get3A_1638 {offsets = [0], sizes = [1], strides = [1]} : vector<16xf32> to vector<1xf32>
        %squeeze3A_1640 = vector.extract %slice3A_1639[0] : f32 from vector<1xf32>
        %ne3A_1641 = arith.constant 0 : i32
        %ne3A_1642 = arith.cmpi ne, %squeeze3A_1628, %ne3A_1641 : i32
        %broadcast_in_dim3A_1643 = vector.broadcast %ne3A_1642 : i1 to vector<16xi1>
        %mul3A_1644 = arith.constant 4 : i32
        %mul3A_1645 = arith.muli %add3A_991, %mul3A_1644 : i32
        %add3A_1646 = arith.constant 2 : i32
        %add3A_1647 = arith.addi %mul3A_1645, %add3A_1646 : i32
        %mul3A_1648 = arith.constant 8 : i32
        %mul3A_1649 = arith.muli %add3A_1647, %mul3A_1648 : i32
        %add3A_1650 = arith.constant 7 : i32
        %add3A_1651 = arith.addi %mul3A_1649, %add3A_1650 : i32
        %get3A_1652 = arith.index_cast %add3A_1651 : i32 to index
        %get3A_1653 = tpu.vector_load %arg8[%get3A_1652] {strides = array<i32>} : memref<1024xi32, #tpu.memory_space<vmem>>, vector<16xi32>,
        %slice3A_1654 = vector.extract_strided_slice %get3A_1653 {offsets = [0], sizes = [1], strides = [1]} : vector<16xi32> to vector<1xi32>
        %squeeze3A_1655 = vector.extract %slice3A_1654[0] : i32 from vector<1xi32>
        %mul3A_1656 = arith.constant 4 : i32
        %mul3A_1657 = arith.muli %add3A_991, %mul3A_1656 : i32
        %add3A_1658 = arith.constant 2 : i32
        %add3A_1659 = arith.addi %mul3A_1657, %add3A_1658 : i32
        %mul3A_1660 = arith.constant 8 : i32
        %mul3A_1661 = arith.muli %add3A_1659, %mul3A_1660 : i32
        %add3A_1662 = arith.constant 7 : i32
        %add3A_1663 = arith.addi %mul3A_1661, %add3A_1662 : i32
        %get3A_1664 = arith.index_cast %add3A_1663 : i32 to index
        %get3A_1665 = tpu.vector_load %arg7[%get3A_1664] {strides = array<i32>} : memref<1024xf32, #tpu.memory_space<vmem>>, vector<16xf32>,
        %slice3A_1666 = vector.extract_strided_slice %get3A_1665 {offsets = [0], sizes = [1], strides = [1]} : vector<16xf32> to vector<1xf32>
        %squeeze3A_1667 = vector.extract %slice3A_1666[0] : f32 from vector<1xf32>
        %ne3A_1668 = arith.constant 0 : i32
        %ne3A_1669 = arith.cmpi ne, %squeeze3A_1655, %ne3A_1668 : i32
        %broadcast_in_dim3A_1670 = vector.broadcast %ne3A_1669 : i1 to vector<16xi1>
        %scan3A_1671 = arith.constant 0 : i32
        %scan3A_1672 = arith.constant 0 : i32
        %scan3A_1673 = arith.constant 64 : i32
        %scan3A_1674 = arith.addi %scan3A_1672, %scan3A_1673 : i32
        %scan3A_1675 = arith.constant 1 : i32
        %scan3A_1676 = scf.for %scan3A_1904 = %scan3A_1672 to %scan3A_1674 step %scan3A_1675 iter_args(%scan3A_1905 = %scan3A_1671) -> (i32)  : i32 {
          %broadcast_in_dim3A_1906 = arith.constant 0.000000e+00 : f32
          %broadcast_in_dim3A_1907 = vector.broadcast %broadcast_in_dim3A_1906 : f32 to vector<16xf32>
          %mul3A_1908 = arith.constant 16 : i32
          %mul3A_1909 = arith.muli %scan3A_1904, %mul3A_1908 : i32
          %get3A_1910 = arith.constant 1 : i32
          %get3A_1911 = arith.constant 16 : i32
          %get3A_1912 = arith.index_cast %get3A_1910 : i32 to index
          %get3A_1913 = arith.index_cast %get3A_1911 : i32 to index
          %get3A_1914 = arith.index_cast %mul3A_1909 : i32 to index
          %get3A_1915 = tpu.vector_load %arg11[%get3A_1912, %get3A_1913, %get3A_1914] {strides = array<i32>} : memref<2x32x1024xf32, #tpu.memory_space<vmem>>, vector<16xf32>,
          %mul3A_1916 = vector.broadcast %squeeze3A_1478 : f32 to vector<16xf32>
          %mul3A_1917 = arith.mulf %mul3A_1916, %get3A_1915 : vector<16xf32>
          %jit3A = arith.constant 0.000000e+00 : f32
          %broadcast_in_dim3A_1918 = vector.broadcast %jit3A : f32 to vector<16xf32>
          %select_n3A = arith.select %broadcast_in_dim3A_1481, %mul3A_1917, %broadcast_in_dim3A_1918 : vector<16xi1>, vector<16xf32>
          %add3A_1919 = arith.addf %broadcast_in_dim3A_1907, %select_n3A : vector<16xf32>
          %mul3A_1920 = arith.constant 16 : i32
          %mul3A_1921 = arith.muli %scan3A_1904, %mul3A_1920 : i32
          %get3A_1922 = arith.constant 1 : i32
          %get3A_1923 = arith.constant 17 : i32
          %get3A_1924 = arith.index_cast %get3A_1922 : i32 to index
          %get3A_1925 = arith.index_cast %get3A_1923 : i32 to index
          %get3A_1926 = arith.index_cast %mul3A_1921 : i32 to index
          %get3A_1927 = tpu.vector_load %arg11[%get3A_1924, %get3A_1925, %get3A_1926] {strides = array<i32>} : memref<2x32x1024xf32, #tpu.memory_space<vmem>>, vector<16xf32>,
          %mul3A_1928 = vector.broadcast %squeeze3A_1505 : f32 to vector<16xf32>
          %mul3A_1929 = arith.mulf %mul3A_1928, %get3A_1927 : vector<16xf32>
          %jit3A_1930 = arith.constant 0.000000e+00 : f32
          %broadcast_in_dim3A_1931 = vector.broadcast %jit3A_1930 : f32 to vector<16xf32>
          %select_n3A_1932 = arith.select %broadcast_in_dim3A_1508, %mul3A_1929, %broadcast_in_dim3A_1931 : vector<16xi1>, vector<16xf32>
          %add3A_1933 = arith.addf %add3A_1919, %select_n3A_1932 : vector<16xf32>
          %mul3A_1934 = arith.constant 16 : i32
          %mul3A_1935 = arith.muli %scan3A_1904, %mul3A_1934 : i32
          %get3A_1936 = arith.constant 1 : i32
          %get3A_1937 = arith.constant 18 : i32
          %get3A_1938 = arith.index_cast %get3A_1936 : i32 to index
          %get3A_1939 = arith.index_cast %get3A_1937 : i32 to index
          %get3A_1940 = arith.index_cast %mul3A_1935 : i32 to index
          %get3A_1941 = tpu.vector_load %arg11[%get3A_1938, %get3A_1939, %get3A_1940] {strides = array<i32>} : memref<2x32x1024xf32, #tpu.memory_space<vmem>>, vector<16xf32>,
          %mul3A_1942 = vector.broadcast %squeeze3A_1532 : f32 to vector<16xf32>
          %mul3A_1943 = arith.mulf %mul3A_1942, %get3A_1941 : vector<16xf32>
          %jit3A_1944 = arith.constant 0.000000e+00 : f32
          %broadcast_in_dim3A_1945 = vector.broadcast %jit3A_1944 : f32 to vector<16xf32>
          %select_n3A_1946 = arith.select %broadcast_in_dim3A_1535, %mul3A_1943, %broadcast_in_dim3A_1945 : vector<16xi1>, vector<16xf32>
          %add3A_1947 = arith.addf %add3A_1933, %select_n3A_1946 : vector<16xf32>
          %mul3A_1948 = arith.constant 16 : i32
          %mul3A_1949 = arith.muli %scan3A_1904, %mul3A_1948 : i32
          %get3A_1950 = arith.constant 1 : i32
          %get3A_1951 = arith.constant 19 : i32
          %get3A_1952 = arith.index_cast %get3A_1950 : i32 to index
          %get3A_1953 = arith.index_cast %get3A_1951 : i32 to index
          %get3A_1954 = arith.index_cast %mul3A_1949 : i32 to index
          %get3A_1955 = tpu.vector_load %arg11[%get3A_1952, %get3A_1953, %get3A_1954] {strides = array<i32>} : memref<2x32x1024xf32, #tpu.memory_space<vmem>>, vector<16xf32>,
          %mul3A_1956 = vector.broadcast %squeeze3A_1559 : f32 to vector<16xf32>
          %mul3A_1957 = arith.mulf %mul3A_1956, %get3A_1955 : vector<16xf32>
          %jit3A_1958 = arith.constant 0.000000e+00 : f32
          %broadcast_in_dim3A_1959 = vector.broadcast %jit3A_1958 : f32 to vector<16xf32>
          %select_n3A_1960 = arith.select %broadcast_in_dim3A_1562, %mul3A_1957, %broadcast_in_dim3A_1959 : vector<16xi1>, vector<16xf32>
          %add3A_1961 = arith.addf %add3A_1947, %select_n3A_1960 : vector<16xf32>
          %mul3A_1962 = arith.constant 16 : i32
          %mul3A_1963 = arith.muli %scan3A_1904, %mul3A_1962 : i32
          %get3A_1964 = arith.constant 1 : i32
          %get3A_1965 = arith.constant 20 : i32
          %get3A_1966 = arith.index_cast %get3A_1964 : i32 to index
          %get3A_1967 = arith.index_cast %get3A_1965 : i32 to index
          %get3A_1968 = arith.index_cast %mul3A_1963 : i32 to index
          %get3A_1969 = tpu.vector_load %arg11[%get3A_1966, %get3A_1967, %get3A_1968] {strides = array<i32>} : memref<2x32x1024xf32, #tpu.memory_space<vmem>>, vector<16xf32>,
          %mul3A_1970 = vector.broadcast %squeeze3A_1586 : f32 to vector<16xf32>
          %mul3A_1971 = arith.mulf %mul3A_1970, %get3A_1969 : vector<16xf32>
          %jit3A_1972 = arith.constant 0.000000e+00 : f32
          %broadcast_in_dim3A_1973 = vector.broadcast %jit3A_1972 : f32 to vector<16xf32>
          %select_n3A_1974 = arith.select %broadcast_in_dim3A_1589, %mul3A_1971, %broadcast_in_dim3A_1973 : vector<16xi1>, vector<16xf32>
          %add3A_1975 = arith.addf %add3A_1961, %select_n3A_1974 : vector<16xf32>
          %mul3A_1976 = arith.constant 16 : i32
          %mul3A_1977 = arith.muli %scan3A_1904, %mul3A_1976 : i32
          %get3A_1978 = arith.constant 1 : i32
          %get3A_1979 = arith.constant 21 : i32
          %get3A_1980 = arith.index_cast %get3A_1978 : i32 to index
          %get3A_1981 = arith.index_cast %get3A_1979 : i32 to index
          %get3A_1982 = arith.index_cast %mul3A_1977 : i32 to index
          %get3A_1983 = tpu.vector_load %arg11[%get3A_1980, %get3A_1981, %get3A_1982] {strides = array<i32>} : memref<2x32x1024xf32, #tpu.memory_space<vmem>>, vector<16xf32>,
          %mul3A_1984 = vector.broadcast %squeeze3A_1613 : f32 to vector<16xf32>
          %mul3A_1985 = arith.mulf %mul3A_1984, %get3A_1983 : vector<16xf32>
          %jit3A_1986 = arith.constant 0.000000e+00 : f32
          %broadcast_in_dim3A_1987 = vector.broadcast %jit3A_1986 : f32 to vector<16xf32>
          %select_n3A_1988 = arith.select %broadcast_in_dim3A_1616, %mul3A_1985, %broadcast_in_dim3A_1987 : vector<16xi1>, vector<16xf32>
          %add3A_1989 = arith.addf %add3A_1975, %select_n3A_1988 : vector<16xf32>
          %mul3A_1990 = arith.constant 16 : i32
          %mul3A_1991 = arith.muli %scan3A_1904, %mul3A_1990 : i32
          %get3A_1992 = arith.constant 1 : i32
          %get3A_1993 = arith.constant 22 : i32
          %get3A_1994 = arith.index_cast %get3A_1992 : i32 to index
          %get3A_1995 = arith.index_cast %get3A_1993 : i32 to index
          %get3A_1996 = arith.index_cast %mul3A_1991 : i32 to index
          %get3A_1997 = tpu.vector_load %arg11[%get3A_1994, %get3A_1995, %get3A_1996] {strides = array<i32>} : memref<2x32x1024xf32, #tpu.memory_space<vmem>>, vector<16xf32>,
          %mul3A_1998 = vector.broadcast %squeeze3A_1640 : f32 to vector<16xf32>
          %mul3A_1999 = arith.mulf %mul3A_1998, %get3A_1997 : vector<16xf32>
          %jit3A_2000 = arith.constant 0.000000e+00 : f32
          %broadcast_in_dim3A_2001 = vector.broadcast %jit3A_2000 : f32 to vector<16xf32>
          %select_n3A_2002 = arith.select %broadcast_in_dim3A_1643, %mul3A_1999, %broadcast_in_dim3A_2001 : vector<16xi1>, vector<16xf32>
          %add3A_2003 = arith.addf %add3A_1989, %select_n3A_2002 : vector<16xf32>
          %mul3A_2004 = arith.constant 16 : i32
          %mul3A_2005 = arith.muli %scan3A_1904, %mul3A_2004 : i32
          %get3A_2006 = arith.constant 1 : i32
          %get3A_2007 = arith.constant 23 : i32
          %get3A_2008 = arith.index_cast %get3A_2006 : i32 to index
          %get3A_2009 = arith.index_cast %get3A_2007 : i32 to index
          %get3A_2010 = arith.index_cast %mul3A_2005 : i32 to index
          %get3A_2011 = tpu.vector_load %arg11[%get3A_2008, %get3A_2009, %get3A_2010] {strides = array<i32>} : memref<2x32x1024xf32, #tpu.memory_space<vmem>>, vector<16xf32>,
          %mul3A_2012 = vector.broadcast %squeeze3A_1667 : f32 to vector<16xf32>
          %mul3A_2013 = arith.mulf %mul3A_2012, %get3A_2011 : vector<16xf32>
          %jit3A_2014 = arith.constant 0.000000e+00 : f32
          %broadcast_in_dim3A_2015 = vector.broadcast %jit3A_2014 : f32 to vector<16xf32>
          %select_n3A_2016 = arith.select %broadcast_in_dim3A_1670, %mul3A_2013, %broadcast_in_dim3A_2015 : vector<16xi1>, vector<16xf32>
          %add3A_2017 = arith.addf %add3A_2003, %select_n3A_2016 : vector<16xf32>
          %mul3A_2018 = arith.constant 16 : i32
          %mul3A_2019 = arith.muli %scan3A_1904, %mul3A_2018 : i32
          %swap3A_2020 = arith.constant 2 : i32
          %swap3A_2021 = arith.index_cast %swap3A_2020 : i32 to index
          %swap3A_2022 = arith.index_cast %mul3A_2019 : i32 to index
          %swap3A_2023 = tpu.vector_load %arg12[%swap3A_2021, %swap3A_2022] {strides = array<i32>} : memref<4x1024xf32, #tpu.memory_space<vmem>>, vector<16xf32>,
          tpu.vector_store %arg12[%swap3A_2021, %swap3A_2022], %add3A_2017 {strides = array<i32>} : memref<4x1024xf32, #tpu.memory_space<vmem>>, vector<16xf32>,
          %scan3A_2024 = arith.constant 0 : i32
          scf.yield %scan3A_2024 : i32
        }
        %scan3A_1677 = arith.constant 64 : i32
        %mul3A_1678 = arith.constant 4 : i32
        %mul3A_1679 = arith.muli %add3A_991, %mul3A_1678 : i32
        %add3A_1680 = arith.constant 3 : i32
        %add3A_1681 = arith.addi %mul3A_1679, %add3A_1680 : i32
        %mul3A_1682 = arith.constant 8 : i32
        %mul3A_1683 = arith.muli %add3A_1681, %mul3A_1682 : i32
        %add3A_1684 = arith.constant 0 : i32
        %add3A_1685 = arith.addi %mul3A_1683, %add3A_1684 : i32
        %get3A_1686 = arith.index_cast %add3A_1685 : i32 to index
        %get3A_1687 = tpu.vector_load %arg8[%get3A_1686] {strides = array<i32>} : memref<1024xi32, #tpu.memory_space<vmem>>, vector<16xi32>,
        %slice3A_1688 = vector.extract_strided_slice %get3A_1687 {offsets = [0], sizes = [1], strides = [1]} : vector<16xi32> to vector<1xi32>
        %squeeze3A_1689 = vector.extract %slice3A_1688[0] : i32 from vector<1xi32>
        %mul3A_1690 = arith.constant 4 : i32
        %mul3A_1691 = arith.muli %add3A_991, %mul3A_1690 : i32
        %add3A_1692 = arith.constant 3 : i32
        %add3A_1693 = arith.addi %mul3A_1691, %add3A_1692 : i32
        %mul3A_1694 = arith.constant 8 : i32
        %mul3A_1695 = arith.muli %add3A_1693, %mul3A_1694 : i32
        %add3A_1696 = arith.constant 0 : i32
        %add3A_1697 = arith.addi %mul3A_1695, %add3A_1696 : i32
        %get3A_1698 = arith.index_cast %add3A_1697 : i32 to index
        %get3A_1699 = tpu.vector_load %arg7[%get3A_1698] {strides = array<i32>} : memref<1024xf32, #tpu.memory_space<vmem>>, vector<16xf32>,
        %slice3A_1700 = vector.extract_strided_slice %get3A_1699 {offsets = [0], sizes = [1], strides = [1]} : vector<16xf32> to vector<1xf32>
        %squeeze3A_1701 = vector.extract %slice3A_1700[0] : f32 from vector<1xf32>
        %ne3A_1702 = arith.constant 0 : i32
        %ne3A_1703 = arith.cmpi ne, %squeeze3A_1689, %ne3A_1702 : i32
        %broadcast_in_dim3A_1704 = vector.broadcast %ne3A_1703 : i1 to vector<16xi1>
        %mul3A_1705 = arith.constant 4 : i32
        %mul3A_1706 = arith.muli %add3A_991, %mul3A_1705 : i32
        %add3A_1707 = arith.constant 3 : i32
        %add3A_1708 = arith.addi %mul3A_1706, %add3A_1707 : i32
        %mul3A_1709 = arith.constant 8 : i32
        %mul3A_1710 = arith.muli %add3A_1708, %mul3A_1709 : i32
        %add3A_1711 = arith.constant 1 : i32
        %add3A_1712 = arith.addi %mul3A_1710, %add3A_1711 : i32
        %get3A_1713 = arith.index_cast %add3A_1712 : i32 to index
        %get3A_1714 = tpu.vector_load %arg8[%get3A_1713] {strides = array<i32>} : memref<1024xi32, #tpu.memory_space<vmem>>, vector<16xi32>,
        %slice3A_1715 = vector.extract_strided_slice %get3A_1714 {offsets = [0], sizes = [1], strides = [1]} : vector<16xi32> to vector<1xi32>
        %squeeze3A_1716 = vector.extract %slice3A_1715[0] : i32 from vector<1xi32>
        %mul3A_1717 = arith.constant 4 : i32
        %mul3A_1718 = arith.muli %add3A_991, %mul3A_1717 : i32
        %add3A_1719 = arith.constant 3 : i32
        %add3A_1720 = arith.addi %mul3A_1718, %add3A_1719 : i32
        %mul3A_1721 = arith.constant 8 : i32
        %mul3A_1722 = arith.muli %add3A_1720, %mul3A_1721 : i32
        %add3A_1723 = arith.constant 1 : i32
        %add3A_1724 = arith.addi %mul3A_1722, %add3A_1723 : i32
        %get3A_1725 = arith.index_cast %add3A_1724 : i32 to index
        %get3A_1726 = tpu.vector_load %arg7[%get3A_1725] {strides = array<i32>} : memref<1024xf32, #tpu.memory_space<vmem>>, vector<16xf32>,
        %slice3A_1727 = vector.extract_strided_slice %get3A_1726 {offsets = [0], sizes = [1], strides = [1]} : vector<16xf32> to vector<1xf32>
        %squeeze3A_1728 = vector.extract %slice3A_1727[0] : f32 from vector<1xf32>
        %ne3A_1729 = arith.constant 0 : i32
        %ne3A_1730 = arith.cmpi ne, %squeeze3A_1716, %ne3A_1729 : i32
        %broadcast_in_dim3A_1731 = vector.broadcast %ne3A_1730 : i1 to vector<16xi1>
        %mul3A_1732 = arith.constant 4 : i32
        %mul3A_1733 = arith.muli %add3A_991, %mul3A_1732 : i32
        %add3A_1734 = arith.constant 3 : i32
        %add3A_1735 = arith.addi %mul3A_1733, %add3A_1734 : i32
        %mul3A_1736 = arith.constant 8 : i32
        %mul3A_1737 = arith.muli %add3A_1735, %mul3A_1736 : i32
        %add3A_1738 = arith.constant 2 : i32
        %add3A_1739 = arith.addi %mul3A_1737, %add3A_1738 : i32
        %get3A_1740 = arith.index_cast %add3A_1739 : i32 to index
        %get3A_1741 = tpu.vector_load %arg8[%get3A_1740] {strides = array<i32>} : memref<1024xi32, #tpu.memory_space<vmem>>, vector<16xi32>,
        %slice3A_1742 = vector.extract_strided_slice %get3A_1741 {offsets = [0], sizes = [1], strides = [1]} : vector<16xi32> to vector<1xi32>
        %squeeze3A_1743 = vector.extract %slice3A_1742[0] : i32 from vector<1xi32>
        %mul3A_1744 = arith.constant 4 : i32
        %mul3A_1745 = arith.muli %add3A_991, %mul3A_1744 : i32
        %add3A_1746 = arith.constant 3 : i32
        %add3A_1747 = arith.addi %mul3A_1745, %add3A_1746 : i32
        %mul3A_1748 = arith.constant 8 : i32
        %mul3A_1749 = arith.muli %add3A_1747, %mul3A_1748 : i32
        %add3A_1750 = arith.constant 2 : i32
        %add3A_1751 = arith.addi %mul3A_1749, %add3A_1750 : i32
        %get3A_1752 = arith.index_cast %add3A_1751 : i32 to index
        %get3A_1753 = tpu.vector_load %arg7[%get3A_1752] {strides = array<i32>} : memref<1024xf32, #tpu.memory_space<vmem>>, vector<16xf32>,
        %slice3A_1754 = vector.extract_strided_slice %get3A_1753 {offsets = [0], sizes = [1], strides = [1]} : vector<16xf32> to vector<1xf32>
        %squeeze3A_1755 = vector.extract %slice3A_1754[0] : f32 from vector<1xf32>
        %ne3A_1756 = arith.constant 0 : i32
        %ne3A_1757 = arith.cmpi ne, %squeeze3A_1743, %ne3A_1756 : i32
        %broadcast_in_dim3A_1758 = vector.broadcast %ne3A_1757 : i1 to vector<16xi1>
        %mul3A_1759 = arith.constant 4 : i32
        %mul3A_1760 = arith.muli %add3A_991, %mul3A_1759 : i32
        %add3A_1761 = arith.constant 3 : i32
        %add3A_1762 = arith.addi %mul3A_1760, %add3A_1761 : i32
        %mul3A_1763 = arith.constant 8 : i32
        %mul3A_1764 = arith.muli %add3A_1762, %mul3A_1763 : i32
        %add3A_1765 = arith.constant 3 : i32
        %add3A_1766 = arith.addi %mul3A_1764, %add3A_1765 : i32
        %get3A_1767 = arith.index_cast %add3A_1766 : i32 to index
        %get3A_1768 = tpu.vector_load %arg8[%get3A_1767] {strides = array<i32>} : memref<1024xi32, #tpu.memory_space<vmem>>, vector<16xi32>,
        %slice3A_1769 = vector.extract_strided_slice %get3A_1768 {offsets = [0], sizes = [1], strides = [1]} : vector<16xi32> to vector<1xi32>
        %squeeze3A_1770 = vector.extract %slice3A_1769[0] : i32 from vector<1xi32>
        %mul3A_1771 = arith.constant 4 : i32
        %mul3A_1772 = arith.muli %add3A_991, %mul3A_1771 : i32
        %add3A_1773 = arith.constant 3 : i32
        %add3A_1774 = arith.addi %mul3A_1772, %add3A_1773 : i32
        %mul3A_1775 = arith.constant 8 : i32
        %mul3A_1776 = arith.muli %add3A_1774, %mul3A_1775 : i32
        %add3A_1777 = arith.constant 3 : i32
        %add3A_1778 = arith.addi %mul3A_1776, %add3A_1777 : i32
        %get3A_1779 = arith.index_cast %add3A_1778 : i32 to index
        %get3A_1780 = tpu.vector_load %arg7[%get3A_1779] {strides = array<i32>} : memref<1024xf32, #tpu.memory_space<vmem>>, vector<16xf32>,
        %slice3A_1781 = vector.extract_strided_slice %get3A_1780 {offsets = [0], sizes = [1], strides = [1]} : vector<16xf32> to vector<1xf32>
        %squeeze3A_1782 = vector.extract %slice3A_1781[0] : f32 from vector<1xf32>
        %ne3A_1783 = arith.constant 0 : i32
        %ne3A_1784 = arith.cmpi ne, %squeeze3A_1770, %ne3A_1783 : i32
        %broadcast_in_dim3A_1785 = vector.broadcast %ne3A_1784 : i1 to vector<16xi1>
        %mul3A_1786 = arith.constant 4 : i32
        %mul3A_1787 = arith.muli %add3A_991, %mul3A_1786 : i32
        %add3A_1788 = arith.constant 3 : i32
        %add3A_1789 = arith.addi %mul3A_1787, %add3A_1788 : i32
        %mul3A_1790 = arith.constant 8 : i32
        %mul3A_1791 = arith.muli %add3A_1789, %mul3A_1790 : i32
        %add3A_1792 = arith.constant 4 : i32
        %add3A_1793 = arith.addi %mul3A_1791, %add3A_1792 : i32
        %get3A_1794 = arith.index_cast %add3A_1793 : i32 to index
        %get3A_1795 = tpu.vector_load %arg8[%get3A_1794] {strides = array<i32>} : memref<1024xi32, #tpu.memory_space<vmem>>, vector<16xi32>,
        %slice3A_1796 = vector.extract_strided_slice %get3A_1795 {offsets = [0], sizes = [1], strides = [1]} : vector<16xi32> to vector<1xi32>
        %squeeze3A_1797 = vector.extract %slice3A_1796[0] : i32 from vector<1xi32>
        %mul3A_1798 = arith.constant 4 : i32
        %mul3A_1799 = arith.muli %add3A_991, %mul3A_1798 : i32
        %add3A_1800 = arith.constant 3 : i32
        %add3A_1801 = arith.addi %mul3A_1799, %add3A_1800 : i32
        %mul3A_1802 = arith.constant 8 : i32
        %mul3A_1803 = arith.muli %add3A_1801, %mul3A_1802 : i32
        %add3A_1804 = arith.constant 4 : i32
        %add3A_1805 = arith.addi %mul3A_1803, %add3A_1804 : i32
        %get3A_1806 = arith.index_cast %add3A_1805 : i32 to index
        %get3A_1807 = tpu.vector_load %arg7[%get3A_1806] {strides = array<i32>} : memref<1024xf32, #tpu.memory_space<vmem>>, vector<16xf32>,
        %slice3A_1808 = vector.extract_strided_slice %get3A_1807 {offsets = [0], sizes = [1], strides = [1]} : vector<16xf32> to vector<1xf32>
        %squeeze3A_1809 = vector.extract %slice3A_1808[0] : f32 from vector<1xf32>
        %ne3A_1810 = arith.constant 0 : i32
        %ne3A_1811 = arith.cmpi ne, %squeeze3A_1797, %ne3A_1810 : i32
        %broadcast_in_dim3A_1812 = vector.broadcast %ne3A_1811 : i1 to vector<16xi1>
        %mul3A_1813 = arith.constant 4 : i32
        %mul3A_1814 = arith.muli %add3A_991, %mul3A_1813 : i32
        %add3A_1815 = arith.constant 3 : i32
        %add3A_1816 = arith.addi %mul3A_1814, %add3A_1815 : i32
        %mul3A_1817 = arith.constant 8 : i32
        %mul3A_1818 = arith.muli %add3A_1816, %mul3A_1817 : i32
        %add3A_1819 = arith.constant 5 : i32
        %add3A_1820 = arith.addi %mul3A_1818, %add3A_1819 : i32
        %get3A_1821 = arith.index_cast %add3A_1820 : i32 to index
        %get3A_1822 = tpu.vector_load %arg8[%get3A_1821] {strides = array<i32>} : memref<1024xi32, #tpu.memory_space<vmem>>, vector<16xi32>,
        %slice3A_1823 = vector.extract_strided_slice %get3A_1822 {offsets = [0], sizes = [1], strides = [1]} : vector<16xi32> to vector<1xi32>
        %squeeze3A_1824 = vector.extract %slice3A_1823[0] : i32 from vector<1xi32>
        %mul3A_1825 = arith.constant 4 : i32
        %mul3A_1826 = arith.muli %add3A_991, %mul3A_1825 : i32
        %add3A_1827 = arith.constant 3 : i32
        %add3A_1828 = arith.addi %mul3A_1826, %add3A_1827 : i32
        %mul3A_1829 = arith.constant 8 : i32
        %mul3A_1830 = arith.muli %add3A_1828, %mul3A_1829 : i32
        %add3A_1831 = arith.constant 5 : i32
        %add3A_1832 = arith.addi %mul3A_1830, %add3A_1831 : i32
        %get3A_1833 = arith.index_cast %add3A_1832 : i32 to index
        %get3A_1834 = tpu.vector_load %arg7[%get3A_1833] {strides = array<i32>} : memref<1024xf32, #tpu.memory_space<vmem>>, vector<16xf32>,
        %slice3A_1835 = vector.extract_strided_slice %get3A_1834 {offsets = [0], sizes = [1], strides = [1]} : vector<16xf32> to vector<1xf32>
        %squeeze3A_1836 = vector.extract %slice3A_1835[0] : f32 from vector<1xf32>
        %ne3A_1837 = arith.constant 0 : i32
        %ne3A_1838 = arith.cmpi ne, %squeeze3A_1824, %ne3A_1837 : i32
        %broadcast_in_dim3A_1839 = vector.broadcast %ne3A_1838 : i1 to vector<16xi1>
        %mul3A_1840 = arith.constant 4 : i32
        %mul3A_1841 = arith.muli %add3A_991, %mul3A_1840 : i32
        %add3A_1842 = arith.constant 3 : i32
        %add3A_1843 = arith.addi %mul3A_1841, %add3A_1842 : i32
        %mul3A_1844 = arith.constant 8 : i32
        %mul3A_1845 = arith.muli %add3A_1843, %mul3A_1844 : i32
        %add3A_1846 = arith.constant 6 : i32
        %add3A_1847 = arith.addi %mul3A_1845, %add3A_1846 : i32
        %get3A_1848 = arith.index_cast %add3A_1847 : i32 to index
        %get3A_1849 = tpu.vector_load %arg8[%get3A_1848] {strides = array<i32>} : memref<1024xi32, #tpu.memory_space<vmem>>, vector<16xi32>,
        %slice3A_1850 = vector.extract_strided_slice %get3A_1849 {offsets = [0], sizes = [1], strides = [1]} : vector<16xi32> to vector<1xi32>
        %squeeze3A_1851 = vector.extract %slice3A_1850[0] : i32 from vector<1xi32>
        %mul3A_1852 = arith.constant 4 : i32
        %mul3A_1853 = arith.muli %add3A_991, %mul3A_1852 : i32
        %add3A_1854 = arith.constant 3 : i32
        %add3A_1855 = arith.addi %mul3A_1853, %add3A_1854 : i32
        %mul3A_1856 = arith.constant 8 : i32
        %mul3A_1857 = arith.muli %add3A_1855, %mul3A_1856 : i32
        %add3A_1858 = arith.constant 6 : i32
        %add3A_1859 = arith.addi %mul3A_1857, %add3A_1858 : i32
        %get3A_1860 = arith.index_cast %add3A_1859 : i32 to index
        %get3A_1861 = tpu.vector_load %arg7[%get3A_1860] {strides = array<i32>} : memref<1024xf32, #tpu.memory_space<vmem>>, vector<16xf32>,
        %slice3A_1862 = vector.extract_strided_slice %get3A_1861 {offsets = [0], sizes = [1], strides = [1]} : vector<16xf32> to vector<1xf32>
        %squeeze3A_1863 = vector.extract %slice3A_1862[0] : f32 from vector<1xf32>
        %ne3A_1864 = arith.constant 0 : i32
        %ne3A_1865 = arith.cmpi ne, %squeeze3A_1851, %ne3A_1864 : i32
        %broadcast_in_dim3A_1866 = vector.broadcast %ne3A_1865 : i1 to vector<16xi1>
        %mul3A_1867 = arith.constant 4 : i32
        %mul3A_1868 = arith.muli %add3A_991, %mul3A_1867 : i32
        %add3A_1869 = arith.constant 3 : i32
        %add3A_1870 = arith.addi %mul3A_1868, %add3A_1869 : i32
        %mul3A_1871 = arith.constant 8 : i32
        %mul3A_1872 = arith.muli %add3A_1870, %mul3A_1871 : i32
        %add3A_1873 = arith.constant 7 : i32
        %add3A_1874 = arith.addi %mul3A_1872, %add3A_1873 : i32
        %get3A_1875 = arith.index_cast %add3A_1874 : i32 to index
        %get3A_1876 = tpu.vector_load %arg8[%get3A_1875] {strides = array<i32>} : memref<1024xi32, #tpu.memory_space<vmem>>, vector<16xi32>,
        %slice3A_1877 = vector.extract_strided_slice %get3A_1876 {offsets = [0], sizes = [1], strides = [1]} : vector<16xi32> to vector<1xi32>
        %squeeze3A_1878 = vector.extract %slice3A_1877[0] : i32 from vector<1xi32>
        %mul3A_1879 = arith.constant 4 : i32
        %mul3A_1880 = arith.muli %add3A_991, %mul3A_1879 : i32
        %add3A_1881 = arith.constant 3 : i32
        %add3A_1882 = arith.addi %mul3A_1880, %add3A_1881 : i32
        %mul3A_1883 = arith.constant 8 : i32
        %mul3A_1884 = arith.muli %add3A_1882, %mul3A_1883 : i32
        %add3A_1885 = arith.constant 7 : i32
        %add3A_1886 = arith.addi %mul3A_1884, %add3A_1885 : i32
        %get3A_1887 = arith.index_cast %add3A_1886 : i32 to index
        %get3A_1888 = tpu.vector_load %arg7[%get3A_1887] {strides = array<i32>} : memref<1024xf32, #tpu.memory_space<vmem>>, vector<16xf32>,
        %slice3A_1889 = vector.extract_strided_slice %get3A_1888 {offsets = [0], sizes = [1], strides = [1]} : vector<16xf32> to vector<1xf32>
        %squeeze3A_1890 = vector.extract %slice3A_1889[0] : f32 from vector<1xf32>
        %ne3A_1891 = arith.constant 0 : i32
        %ne3A_1892 = arith.cmpi ne, %squeeze3A_1878, %ne3A_1891 : i32
        %broadcast_in_dim3A_1893 = vector.broadcast %ne3A_1892 : i1 to vector<16xi1>
        %scan3A_1894 = arith.constant 0 : i32
        %scan3A_1895 = arith.constant 0 : i32
        %scan3A_1896 = arith.constant 64 : i32
        %scan3A_1897 = arith.addi %scan3A_1895, %scan3A_1896 : i32
        %scan3A_1898 = arith.constant 1 : i32
        %scan3A_1899 = scf.for %scan3A_1904 = %scan3A_1895 to %scan3A_1897 step %scan3A_1898 iter_args(%scan3A_1905 = %scan3A_1894) -> (i32)  : i32 {
          %broadcast_in_dim3A_1906 = arith.constant 0.000000e+00 : f32
          %broadcast_in_dim3A_1907 = vector.broadcast %broadcast_in_dim3A_1906 : f32 to vector<16xf32>
          %mul3A_1908 = arith.constant 16 : i32
          %mul3A_1909 = arith.muli %scan3A_1904, %mul3A_1908 : i32
          %get3A_1910 = arith.constant 1 : i32
          %get3A_1911 = arith.constant 24 : i32
          %get3A_1912 = arith.index_cast %get3A_1910 : i32 to index
          %get3A_1913 = arith.index_cast %get3A_1911 : i32 to index
          %get3A_1914 = arith.index_cast %mul3A_1909 : i32 to index
          %get3A_1915 = tpu.vector_load %arg11[%get3A_1912, %get3A_1913, %get3A_1914] {strides = array<i32>} : memref<2x32x1024xf32, #tpu.memory_space<vmem>>, vector<16xf32>,
          %mul3A_1916 = vector.broadcast %squeeze3A_1701 : f32 to vector<16xf32>
          %mul3A_1917 = arith.mulf %mul3A_1916, %get3A_1915 : vector<16xf32>
          %jit3A = arith.constant 0.000000e+00 : f32
          %broadcast_in_dim3A_1918 = vector.broadcast %jit3A : f32 to vector<16xf32>
          %select_n3A = arith.select %broadcast_in_dim3A_1704, %mul3A_1917, %broadcast_in_dim3A_1918 : vector<16xi1>, vector<16xf32>
          %add3A_1919 = arith.addf %broadcast_in_dim3A_1907, %select_n3A : vector<16xf32>
          %mul3A_1920 = arith.constant 16 : i32
          %mul3A_1921 = arith.muli %scan3A_1904, %mul3A_1920 : i32
          %get3A_1922 = arith.constant 1 : i32
          %get3A_1923 = arith.constant 25 : i32
          %get3A_1924 = arith.index_cast %get3A_1922 : i32 to index
          %get3A_1925 = arith.index_cast %get3A_1923 : i32 to index
          %get3A_1926 = arith.index_cast %mul3A_1921 : i32 to index
          %get3A_1927 = tpu.vector_load %arg11[%get3A_1924, %get3A_1925, %get3A_1926] {strides = array<i32>} : memref<2x32x1024xf32, #tpu.memory_space<vmem>>, vector<16xf32>,
          %mul3A_1928 = vector.broadcast %squeeze3A_1728 : f32 to vector<16xf32>
          %mul3A_1929 = arith.mulf %mul3A_1928, %get3A_1927 : vector<16xf32>
          %jit3A_1930 = arith.constant 0.000000e+00 : f32
          %broadcast_in_dim3A_1931 = vector.broadcast %jit3A_1930 : f32 to vector<16xf32>
          %select_n3A_1932 = arith.select %broadcast_in_dim3A_1731, %mul3A_1929, %broadcast_in_dim3A_1931 : vector<16xi1>, vector<16xf32>
          %add3A_1933 = arith.addf %add3A_1919, %select_n3A_1932 : vector<16xf32>
          %mul3A_1934 = arith.constant 16 : i32
          %mul3A_1935 = arith.muli %scan3A_1904, %mul3A_1934 : i32
          %get3A_1936 = arith.constant 1 : i32
          %get3A_1937 = arith.constant 26 : i32
          %get3A_1938 = arith.index_cast %get3A_1936 : i32 to index
          %get3A_1939 = arith.index_cast %get3A_1937 : i32 to index
          %get3A_1940 = arith.index_cast %mul3A_1935 : i32 to index
          %get3A_1941 = tpu.vector_load %arg11[%get3A_1938, %get3A_1939, %get3A_1940] {strides = array<i32>} : memref<2x32x1024xf32, #tpu.memory_space<vmem>>, vector<16xf32>,
          %mul3A_1942 = vector.broadcast %squeeze3A_1755 : f32 to vector<16xf32>
          %mul3A_1943 = arith.mulf %mul3A_1942, %get3A_1941 : vector<16xf32>
          %jit3A_1944 = arith.constant 0.000000e+00 : f32
          %broadcast_in_dim3A_1945 = vector.broadcast %jit3A_1944 : f32 to vector<16xf32>
          %select_n3A_1946 = arith.select %broadcast_in_dim3A_1758, %mul3A_1943, %broadcast_in_dim3A_1945 : vector<16xi1>, vector<16xf32>
          %add3A_1947 = arith.addf %add3A_1933, %select_n3A_1946 : vector<16xf32>
          %mul3A_1948 = arith.constant 16 : i32
          %mul3A_1949 = arith.muli %scan3A_1904, %mul3A_1948 : i32
          %get3A_1950 = arith.constant 1 : i32
          %get3A_1951 = arith.constant 27 : i32
          %get3A_1952 = arith.index_cast %get3A_1950 : i32 to index
          %get3A_1953 = arith.index_cast %get3A_1951 : i32 to index
          %get3A_1954 = arith.index_cast %mul3A_1949 : i32 to index
          %get3A_1955 = tpu.vector_load %arg11[%get3A_1952, %get3A_1953, %get3A_1954] {strides = array<i32>} : memref<2x32x1024xf32, #tpu.memory_space<vmem>>, vector<16xf32>,
          %mul3A_1956 = vector.broadcast %squeeze3A_1782 : f32 to vector<16xf32>
          %mul3A_1957 = arith.mulf %mul3A_1956, %get3A_1955 : vector<16xf32>
          %jit3A_1958 = arith.constant 0.000000e+00 : f32
          %broadcast_in_dim3A_1959 = vector.broadcast %jit3A_1958 : f32 to vector<16xf32>
          %select_n3A_1960 = arith.select %broadcast_in_dim3A_1785, %mul3A_1957, %broadcast_in_dim3A_1959 : vector<16xi1>, vector<16xf32>
          %add3A_1961 = arith.addf %add3A_1947, %select_n3A_1960 : vector<16xf32>
          %mul3A_1962 = arith.constant 16 : i32
          %mul3A_1963 = arith.muli %scan3A_1904, %mul3A_1962 : i32
          %get3A_1964 = arith.constant 1 : i32
          %get3A_1965 = arith.constant 28 : i32
          %get3A_1966 = arith.index_cast %get3A_1964 : i32 to index
          %get3A_1967 = arith.index_cast %get3A_1965 : i32 to index
          %get3A_1968 = arith.index_cast %mul3A_1963 : i32 to index
          %get3A_1969 = tpu.vector_load %arg11[%get3A_1966, %get3A_1967, %get3A_1968] {strides = array<i32>} : memref<2x32x1024xf32, #tpu.memory_space<vmem>>, vector<16xf32>,
          %mul3A_1970 = vector.broadcast %squeeze3A_1809 : f32 to vector<16xf32>
          %mul3A_1971 = arith.mulf %mul3A_1970, %get3A_1969 : vector<16xf32>
          %jit3A_1972 = arith.constant 0.000000e+00 : f32
          %broadcast_in_dim3A_1973 = vector.broadcast %jit3A_1972 : f32 to vector<16xf32>
          %select_n3A_1974 = arith.select %broadcast_in_dim3A_1812, %mul3A_1971, %broadcast_in_dim3A_1973 : vector<16xi1>, vector<16xf32>
          %add3A_1975 = arith.addf %add3A_1961, %select_n3A_1974 : vector<16xf32>
          %mul3A_1976 = arith.constant 16 : i32
          %mul3A_1977 = arith.muli %scan3A_1904, %mul3A_1976 : i32
          %get3A_1978 = arith.constant 1 : i32
          %get3A_1979 = arith.constant 29 : i32
          %get3A_1980 = arith.index_cast %get3A_1978 : i32 to index
          %get3A_1981 = arith.index_cast %get3A_1979 : i32 to index
          %get3A_1982 = arith.index_cast %mul3A_1977 : i32 to index
          %get3A_1983 = tpu.vector_load %arg11[%get3A_1980, %get3A_1981, %get3A_1982] {strides = array<i32>} : memref<2x32x1024xf32, #tpu.memory_space<vmem>>, vector<16xf32>,
          %mul3A_1984 = vector.broadcast %squeeze3A_1836 : f32 to vector<16xf32>
          %mul3A_1985 = arith.mulf %mul3A_1984, %get3A_1983 : vector<16xf32>
          %jit3A_1986 = arith.constant 0.000000e+00 : f32
          %broadcast_in_dim3A_1987 = vector.broadcast %jit3A_1986 : f32 to vector<16xf32>
          %select_n3A_1988 = arith.select %broadcast_in_dim3A_1839, %mul3A_1985, %broadcast_in_dim3A_1987 : vector<16xi1>, vector<16xf32>
          %add3A_1989 = arith.addf %add3A_1975, %select_n3A_1988 : vector<16xf32>
          %mul3A_1990 = arith.constant 16 : i32
          %mul3A_1991 = arith.muli %scan3A_1904, %mul3A_1990 : i32
          %get3A_1992 = arith.constant 1 : i32
          %get3A_1993 = arith.constant 30 : i32
          %get3A_1994 = arith.index_cast %get3A_1992 : i32 to index
          %get3A_1995 = arith.index_cast %get3A_1993 : i32 to index
          %get3A_1996 = arith.index_cast %mul3A_1991 : i32 to index
          %get3A_1997 = tpu.vector_load %arg11[%get3A_1994, %get3A_1995, %get3A_1996] {strides = array<i32>} : memref<2x32x1024xf32, #tpu.memory_space<vmem>>, vector<16xf32>,
          %mul3A_1998 = vector.broadcast %squeeze3A_1863 : f32 to vector<16xf32>
          %mul3A_1999 = arith.mulf %mul3A_1998, %get3A_1997 : vector<16xf32>
          %jit3A_2000 = arith.constant 0.000000e+00 : f32
          %broadcast_in_dim3A_2001 = vector.broadcast %jit3A_2000 : f32 to vector<16xf32>
          %select_n3A_2002 = arith.select %broadcast_in_dim3A_1866, %mul3A_1999, %broadcast_in_dim3A_2001 : vector<16xi1>, vector<16xf32>
          %add3A_2003 = arith.addf %add3A_1989, %select_n3A_2002 : vector<16xf32>
          %mul3A_2004 = arith.constant 16 : i32
          %mul3A_2005 = arith.muli %scan3A_1904, %mul3A_2004 : i32
          %get3A_2006 = arith.constant 1 : i32
          %get3A_2007 = arith.constant 31 : i32
          %get3A_2008 = arith.index_cast %get3A_2006 : i32 to index
          %get3A_2009 = arith.index_cast %get3A_2007 : i32 to index
          %get3A_2010 = arith.index_cast %mul3A_2005 : i32 to index
          %get3A_2011 = tpu.vector_load %arg11[%get3A_2008, %get3A_2009, %get3A_2010] {strides = array<i32>} : memref<2x32x1024xf32, #tpu.memory_space<vmem>>, vector<16xf32>,
          %mul3A_2012 = vector.broadcast %squeeze3A_1890 : f32 to vector<16xf32>
          %mul3A_2013 = arith.mulf %mul3A_2012, %get3A_2011 : vector<16xf32>
          %jit3A_2014 = arith.constant 0.000000e+00 : f32
          %broadcast_in_dim3A_2015 = vector.broadcast %jit3A_2014 : f32 to vector<16xf32>
          %select_n3A_2016 = arith.select %broadcast_in_dim3A_1893, %mul3A_2013, %broadcast_in_dim3A_2015 : vector<16xi1>, vector<16xf32>
          %add3A_2017 = arith.addf %add3A_2003, %select_n3A_2016 : vector<16xf32>
          %mul3A_2018 = arith.constant 16 : i32
          %mul3A_2019 = arith.muli %scan3A_1904, %mul3A_2018 : i32
          %swap3A_2020 = arith.constant 3 : i32
          %swap3A_2021 = arith.index_cast %swap3A_2020 : i32 to index
          %swap3A_2022 = arith.index_cast %mul3A_2019 : i32 to index
          %swap3A_2023 = tpu.vector_load %arg12[%swap3A_2021, %swap3A_2022] {strides = array<i32>} : memref<4x1024xf32, #tpu.memory_space<vmem>>, vector<16xf32>,
          tpu.vector_store %arg12[%swap3A_2021, %swap3A_2022], %add3A_2017 {strides = array<i32>} : memref<4x1024xf32, #tpu.memory_space<vmem>>, vector<16xf32>,
          %scan3A_2024 = arith.constant 0 : i32
          scf.yield %scan3A_2024 : i32
        }
        %scan3A_1900 = arith.constant 64 : i32
        %mul3A_1901 = arith.constant 4 : i32
        %mul3A_1902 = arith.muli %add3A_991, %mul3A_1901 : i32
        %add3A_1903 = arith.addi %mul3A_2, %mul3A_1902 : i32
        "tpu.region"() ({
          %run_scoped3A = tpu.sem_alloc : memref<!tpu.dma_semaphore, #tpu.memory_space<semaphore_mem>>
          %dma_start3A_1904 = arith.constant 0 : i32
          %dma_start3A_1905 = tpu.memref_slice %arg6[%add3A_1903, %dma_start3A_1904] : memref<4096x1024xf32, #tpu.memory_space<hbm>> -> memref<4x1024xf32, #tpu.memory_space<hbm>>
          %dma_start3A_1906 = arith.constant 0 : i32
          %dma_start3A_1907 = tpu.memref_slice %arg6[%add3A_1903, %dma_start3A_1906] : memref<4096x1024xf32, #tpu.memory_space<hbm>> -> memref<4x1024xf32, #tpu.memory_space<hbm>>
          tpu.enqueue_dma source(%arg12 : memref<4x1024xf32, #tpu.memory_space<vmem>>) target(%dma_start3A_1907 : memref<4x1024xf32, #tpu.memory_space<hbm>>) target_semaphore(%run_scoped3A : memref<!tpu.dma_semaphore, #tpu.memory_space<semaphore_mem>>)
          %dma_wait3A_1908 = arith.constant 0 : i32
          %dma_wait3A_1909 = tpu.memref_slice %arg6[%add3A_1903, %dma_wait3A_1908] : memref<4096x1024xf32, #tpu.memory_space<hbm>> -> memref<4x1024xf32, #tpu.memory_space<hbm>>
          %dma_wait3A_1910 = arith.constant 0 : i32
          %dma_wait3A_1911 = tpu.memref_slice %arg6[%add3A_1903, %dma_wait3A_1910] : memref<4096x1024xf32, #tpu.memory_space<hbm>> -> memref<4x1024xf32, #tpu.memory_space<hbm>>
          tpu.wait_dma2 semaphore(%run_scoped3A : memref<!tpu.dma_semaphore, #tpu.memory_space<semaphore_mem>>) src(%arg12 : memref<4x1024xf32, #tpu.memory_space<vmem>>) dst(%dma_wait3A_1911 : memref<4x1024xf32, #tpu.memory_space<hbm>>)
          tpu.yield
        }) : () -> ()
      } else {
      }
      %scan3A_989 = arith.constant 0 : i32
      scf.yield %scan3A_989 : i32
    }
    %scan3A_59 = arith.constant 16 : i32
    return
  }
}

#map = affine_map<(d0, d1) -> (0)>
#map1 = affine_map<(d0, d1) -> (0, 0)>
module attributes {stable_mosaic.version = 14 : i64} {
  func.func @body(%arg0: i32, %arg1: i32, %arg2: memref<32768xi32, #tpu.memory_space<hbm>>, %arg3: memref<32768xi32, #tpu.memory_space<hbm>>, %arg4: memref<80xi32, #tpu.memory_space<hbm>>, %arg5: memref<4096x1024xf32, #tpu.memory_space<hbm>>, %arg6: memref<32784x1024xf32, #tpu.memory_space<hbm>>, %arg7: memref<8192xi32, #tpu.memory_space<vmem>>, %arg8: memref<8192xi32, #tpu.memory_space<vmem>>, %arg9: memref<1056xi32, #tpu.memory_space<vmem>>, %arg10: memref<80xi32, #tpu.memory_space<vmem>>, %arg11: memref<2x1x32xi32, #tpu.memory_space<vmem>>, %arg12: memref<2x32x1024xf32, #tpu.memory_space<vmem>>, %arg13: memref<!tpu.dma_semaphore, #tpu.memory_space<semaphore_mem>>, %arg14: memref<!tpu.dma_semaphore, #tpu.memory_space<semaphore_mem>>, %arg15: memref<!tpu.dma_semaphore, #tpu.memory_space<semaphore_mem>>, %arg16: memref<!tpu.dma_semaphore, #tpu.memory_space<semaphore_mem>>) attributes {dimension_semantics = [#tpu.dimension_semantics<core_parallel>, #tpu.dimension_semantics<subcore_parallel>], iteration_bounds = array<i64: 2, 16>, scalar_prefetch = 0 : i64, scratch_operands = 10 : i64, tpu.core_type = #tpu.core_type<sc_vector_subcore>, window_params = [{transform_indices = #map}, {transform_indices = #map}, {transform_indices = #map}, {transform_indices = #map1}, {transform_indices = #map1}]} {
    %mul3A = arith.constant 2 : i32
    %mul3A_0 = arith.muli %arg1, %mul3A : i32
    %add3A = arith.addi %mul3A_0, %arg0 : i32
    %jit3A = arith.constant 8 : i32
    %eq3A = arith.constant 0 : i32
    %eq3A_1 = arith.cmpi eq, %jit3A, %eq3A : i32
    %jit3A_2 = arith.constant 1 : i32
    %select_n3A = arith.select %eq3A_1, %jit3A_2, %jit3A : i32
    %rem3A = arith.remsi %add3A, %select_n3A : i32
    %ne3A = arith.constant 0 : i32
    %ne3A_3 = arith.cmpi ne, %rem3A, %ne3A : i32
    %lt3A = arith.constant 0 : i32
    %lt3A_4 = arith.cmpi slt, %rem3A, %lt3A : i32
    %lt3A_5 = arith.constant 0 : i32
    %lt3A_6 = arith.cmpi slt, %select_n3A, %lt3A_5 : i32
    %ne3A_7 = arith.xori %lt3A_4, %lt3A_6 : i1
    %and3A = arith.andi %ne3A_7, %ne3A_3 : i1
    %add3A_8 = arith.addi %rem3A, %select_n3A : i32
    %select_n3A_9 = arith.select %and3A, %add3A_8, %rem3A : i32
    %jit3A_10 = arith.constant 8 : i32
    %div3A = arith.divsi %add3A, %jit3A_10 : i32
    %sign3A = arith.constant 0 : i32
    %sign3A_11 = arith.cmpi sgt, %add3A, %sign3A : i32
    %sign3A_12 = arith.extui %sign3A_11 : i1 to i32
    %sign3A_13 = arith.constant 0 : i32
    %sign3A_14 = arith.cmpi slt, %add3A, %sign3A_13 : i32
    %sign3A_15 = arith.extui %sign3A_14 : i1 to i32
    %sign3A_16 = arith.subi %sign3A_12, %sign3A_15 : i32
    %sign3A_17 = arith.constant 0 : i32
    %sign3A_18 = arith.cmpi sgt, %jit3A_10, %sign3A_17 : i32
    %sign3A_19 = arith.extui %sign3A_18 : i1 to i32
    %sign3A_20 = arith.constant 0 : i32
    %sign3A_21 = arith.cmpi slt, %jit3A_10, %sign3A_20 : i32
    %sign3A_22 = arith.extui %sign3A_21 : i1 to i32
    %sign3A_23 = arith.subi %sign3A_19, %sign3A_22 : i32
    %ne3A_24 = arith.cmpi ne, %sign3A_16, %sign3A_23 : i32
    %rem3A_25 = arith.remsi %add3A, %jit3A_10 : i32
    %ne3A_26 = arith.constant 0 : i32
    %ne3A_27 = arith.cmpi ne, %rem3A_25, %ne3A_26 : i32
    %and3A_28 = arith.andi %ne3A_24, %ne3A_27 : i1
    %sub3A = arith.constant 1 : i32
    %sub3A_29 = arith.subi %div3A, %sub3A : i32
    %select_n3A_30 = arith.select %and3A_28, %sub3A_29, %div3A : i32
    %iota3A = tpu.iota {dimensions = array<i32: 0>} : vector<16xi32>
    "tpu.region"() ({
      %run_scoped3A = tpu.sem_alloc : memref<!tpu.dma_semaphore, #tpu.memory_space<semaphore_mem>>
      tpu.enqueue_dma source(%arg4 : memref<80xi32, #tpu.memory_space<hbm>>) target(%arg10 : memref<80xi32, #tpu.memory_space<vmem>>) target_semaphore(%run_scoped3A : memref<!tpu.dma_semaphore, #tpu.memory_space<semaphore_mem>>)
      tpu.wait_dma2 semaphore(%run_scoped3A : memref<!tpu.dma_semaphore, #tpu.memory_space<semaphore_mem>>) src(%arg4 : memref<80xi32, #tpu.memory_space<hbm>>) dst(%arg10 : memref<80xi32, #tpu.memory_space<vmem>>)
      tpu.yield
    }) : () -> ()
    %get3A = arith.index_cast %add3A : i32 to index
    %get3A_31 = tpu.vector_load %arg10[%get3A] {strides = array<i32>} : memref<80xi32, #tpu.memory_space<vmem>>, vector<16xi32>,
    %slice3A = vector.extract_strided_slice %get3A_31 {offsets = [0], sizes = [1], strides = [1]} : vector<16xi32> to vector<1xi32>
    %squeeze3A = vector.extract %slice3A[0] : i32 from vector<1xi32>
    %add3A_32 = arith.constant 32 : i32
    %add3A_33 = arith.addi %add3A_32, %add3A : i32
    %get3A_34 = arith.index_cast %add3A_33 : i32 to index
    %get3A_35 = tpu.vector_load %arg10[%get3A_34] {strides = array<i32>} : memref<80xi32, #tpu.memory_space<vmem>>, vector<16xi32>,
    %slice3A_36 = vector.extract_strided_slice %get3A_35 {offsets = [0], sizes = [1], strides = [1]} : vector<16xi32> to vector<1xi32>
    %squeeze3A_37 = vector.extract %slice3A_36[0] : i32 from vector<1xi32>
    %sub3A_38 = arith.subi %squeeze3A_37, %squeeze3A : i32
    %mul3A_39 = arith.constant 1024 : i32
    %mul3A_40 = arith.muli %select_n3A_30, %mul3A_39 : i32
    %mul3A_41 = arith.constant 8 : i32
    %mul3A_42 = arith.muli %mul3A_40, %mul3A_41 : i32
    "tpu.region"() ({
      %run_scoped3A = tpu.sem_alloc : memref<!tpu.dma_semaphore, #tpu.memory_space<semaphore_mem>>
      %dma_start3A = tpu.memref_slice %arg2[%mul3A_42] : memref<32768xi32, #tpu.memory_space<hbm>> -> memref<8192xi32, #tpu.memory_space<hbm>>
      %dma_start3A_191 = tpu.memref_slice %arg2[%mul3A_42] : memref<32768xi32, #tpu.memory_space<hbm>> -> memref<8192xi32, #tpu.memory_space<hbm>>
      tpu.enqueue_dma source(%dma_start3A_191 : memref<8192xi32, #tpu.memory_space<hbm>>) target(%arg7 : memref<8192xi32, #tpu.memory_space<vmem>>) target_semaphore(%run_scoped3A : memref<!tpu.dma_semaphore, #tpu.memory_space<semaphore_mem>>)
      %dma_wait3A = tpu.memref_slice %arg2[%mul3A_42] : memref<32768xi32, #tpu.memory_space<hbm>> -> memref<8192xi32, #tpu.memory_space<hbm>>
      %dma_wait3A_192 = tpu.memref_slice %arg2[%mul3A_42] : memref<32768xi32, #tpu.memory_space<hbm>> -> memref<8192xi32, #tpu.memory_space<hbm>>
      tpu.wait_dma2 semaphore(%run_scoped3A : memref<!tpu.dma_semaphore, #tpu.memory_space<semaphore_mem>>) src(%dma_wait3A_192 : memref<8192xi32, #tpu.memory_space<hbm>>) dst(%arg7 : memref<8192xi32, #tpu.memory_space<vmem>>)
      tpu.yield
    }) : () -> ()
    %mul3A_43 = arith.constant 1024 : i32
    %mul3A_44 = arith.muli %select_n3A_30, %mul3A_43 : i32
    %mul3A_45 = arith.constant 8 : i32
    %mul3A_46 = arith.muli %mul3A_44, %mul3A_45 : i32
    "tpu.region"() ({
      %run_scoped3A = tpu.sem_alloc : memref<!tpu.dma_semaphore, #tpu.memory_space<semaphore_mem>>
      %dma_start3A = tpu.memref_slice %arg3[%mul3A_46] : memref<32768xi32, #tpu.memory_space<hbm>> -> memref<8192xi32, #tpu.memory_space<hbm>>
      %dma_start3A_191 = tpu.memref_slice %arg3[%mul3A_46] : memref<32768xi32, #tpu.memory_space<hbm>> -> memref<8192xi32, #tpu.memory_space<hbm>>
      tpu.enqueue_dma source(%dma_start3A_191 : memref<8192xi32, #tpu.memory_space<hbm>>) target(%arg8 : memref<8192xi32, #tpu.memory_space<vmem>>) target_semaphore(%run_scoped3A : memref<!tpu.dma_semaphore, #tpu.memory_space<semaphore_mem>>)
      %dma_wait3A = tpu.memref_slice %arg3[%mul3A_46] : memref<32768xi32, #tpu.memory_space<hbm>> -> memref<8192xi32, #tpu.memory_space<hbm>>
      %dma_wait3A_192 = tpu.memref_slice %arg3[%mul3A_46] : memref<32768xi32, #tpu.memory_space<hbm>> -> memref<8192xi32, #tpu.memory_space<hbm>>
      tpu.wait_dma2 semaphore(%run_scoped3A : memref<!tpu.dma_semaphore, #tpu.memory_space<semaphore_mem>>) src(%dma_wait3A_192 : memref<8192xi32, #tpu.memory_space<hbm>>) dst(%arg8 : memref<8192xi32, #tpu.memory_space<vmem>>)
      tpu.yield
    }) : () -> ()
    %scan3A = arith.constant 0 : i32
    %scan3A_47 = arith.constant 0 : i32
    %scan3A_48 = arith.constant 64 : i32
    %scan3A_49 = arith.addi %scan3A_47, %scan3A_48 : i32
    %scan3A_50 = arith.constant 1 : i32
    %scan3A_51 = scf.for %scan3A_191 = %scan3A_47 to %scan3A_49 step %scan3A_50 iter_args(%scan3A_192 = %scan3A) -> (i32)  : i32 {
      %mul3A_193 = arith.constant 16 : i32
      %mul3A_194 = arith.muli %scan3A_191, %mul3A_193 : i32
      %add3A_195 = vector.broadcast %mul3A_194 : i32 to vector<16xi32>
      %add3A_196 = arith.addi %add3A_195, %iota3A : vector<16xi32>
      %mul3A_197 = arith.constant 8 : i32
      %mul3A_198 = vector.broadcast %mul3A_197 : i32 to vector<16xi32>
      %mul3A_199 = arith.muli %add3A_196, %mul3A_198 : vector<16xi32>
      %add3A_200 = vector.broadcast %select_n3A_9 : i32 to vector<16xi32>
      %add3A_201 = arith.addi %mul3A_199, %add3A_200 : vector<16xi32>
      %gather3A = tpu.vector_load_idx %arg7[%add3A_201] : memref<8192xi32, #tpu.memory_space<vmem>>[vector<16xi32>], vector<16xi32>,
      %ne3A_202 = arith.constant 0 : i32
      %ne3A_203 = vector.broadcast %ne3A_202 : i32 to vector<16xi32>
      %ne3A_204 = arith.cmpi ne, %gather3A, %ne3A_203 : vector<16xi32>
      %gather3A_205 = tpu.vector_load_idx %arg8[%add3A_201] : memref<8192xi32, #tpu.memory_space<vmem>>[vector<16xi32>], vector<16xi32>,
      %sub3A_206 = vector.broadcast %squeeze3A : i32 to vector<16xi32>
      %sub3A_207 = arith.subi %gather3A_205, %sub3A_206 : vector<16xi32>
      %mul3A_208 = arith.constant 1024 : i32
      %mul3A_209 = arith.muli %select_n3A_30, %mul3A_208 : i32
      %mul3A_210 = arith.constant 16 : i32
      %mul3A_211 = arith.muli %scan3A_191, %mul3A_210 : i32
      %add3A_212 = arith.addi %mul3A_209, %mul3A_211 : i32
      %add3A_213 = vector.broadcast %add3A_212 : i32 to vector<16xi32>
      %add3A_214 = arith.addi %add3A_213, %iota3A : vector<16xi32>
      tpu.vector_store_idx %arg9[%sub3A_207], %add3A_214 masked %ne3A_204 : memref<1056xi32, #tpu.memory_space<vmem>>[vector<16xi32>], vector<16xi32>, vector<16xi1>
      %scan3A_215 = arith.constant 0 : i32
      scf.yield %scan3A_215 : i32
    }
    %scan3A_52 = arith.constant 64 : i32
    %mul3A_53 = arith.constant 1024 : i32
    %mul3A_54 = arith.muli %select_n3A_30, %mul3A_53 : i32
    %add3A_55 = arith.constant 0 : i32
    %add3A_56 = arith.addi %mul3A_54, %add3A_55 : i32
    %add3A_57 = vector.broadcast %add3A_56 : i32 to vector<16xi32>
    %add3A_58 = arith.addi %add3A_57, %iota3A : vector<16xi32>
    %add3A_59 = arith.constant 0 : i32
    %add3A_60 = arith.addi %sub3A_38, %add3A_59 : i32
    %swap3A = arith.index_cast %add3A_60 : i32 to index
    %swap3A_61 = tpu.vector_load %arg9[%swap3A] {strides = array<i32>} : memref<1056xi32, #tpu.memory_space<vmem>>, vector<16xi32>,
    tpu.vector_store %arg9[%swap3A], %add3A_58 {strides = array<i32>} : memref<1056xi32, #tpu.memory_space<vmem>>, vector<16xi32>,
    %mul3A_62 = arith.constant 1024 : i32
    %mul3A_63 = arith.muli %select_n3A_30, %mul3A_62 : i32
    %add3A_64 = arith.constant 16 : i32
    %add3A_65 = arith.addi %mul3A_63, %add3A_64 : i32
    %add3A_66 = vector.broadcast %add3A_65 : i32 to vector<16xi32>
    %add3A_67 = arith.addi %add3A_66, %iota3A : vector<16xi32>
    %add3A_68 = arith.constant 16 : i32
    %add3A_69 = arith.addi %sub3A_38, %add3A_68 : i32
    %swap3A_70 = arith.index_cast %add3A_69 : i32 to index
    %swap3A_71 = tpu.vector_load %arg9[%swap3A_70] {strides = array<i32>} : memref<1056xi32, #tpu.memory_space<vmem>>, vector<16xi32>,
    tpu.vector_store %arg9[%swap3A_70], %add3A_67 {strides = array<i32>} : memref<1056xi32, #tpu.memory_space<vmem>>, vector<16xi32>,
    %add3A_72 = arith.constant 32 : i32
    %add3A_73 = arith.addi %sub3A_38, %add3A_72 : i32
    %sub3A_74 = arith.constant 1 : i32
    %sub3A_75 = arith.subi %add3A_73, %sub3A_74 : i32
    %jit3A_76 = arith.constant 32 : i32
    %div3A_77 = arith.divsi %sub3A_75, %jit3A_76 : i32
    %sign3A_78 = arith.constant 0 : i32
    %sign3A_79 = arith.cmpi sgt, %sub3A_75, %sign3A_78 : i32
    %sign3A_80 = arith.extui %sign3A_79 : i1 to i32
    %sign3A_81 = arith.constant 0 : i32
    %sign3A_82 = arith.cmpi slt, %sub3A_75, %sign3A_81 : i32
    %sign3A_83 = arith.extui %sign3A_82 : i1 to i32
    %sign3A_84 = arith.subi %sign3A_80, %sign3A_83 : i32
    %sign3A_85 = arith.constant 0 : i32
    %sign3A_86 = arith.cmpi sgt, %jit3A_76, %sign3A_85 : i32
    %sign3A_87 = arith.extui %sign3A_86 : i1 to i32
    %sign3A_88 = arith.constant 0 : i32
    %sign3A_89 = arith.cmpi slt, %jit3A_76, %sign3A_88 : i32
    %sign3A_90 = arith.extui %sign3A_89 : i1 to i32
    %sign3A_91 = arith.subi %sign3A_87, %sign3A_90 : i32
    %ne3A_92 = arith.cmpi ne, %sign3A_84, %sign3A_91 : i32
    %rem3A_93 = arith.remsi %sub3A_75, %jit3A_76 : i32
    %ne3A_94 = arith.constant 0 : i32
    %ne3A_95 = arith.cmpi ne, %rem3A_93, %ne3A_94 : i32
    %and3A_96 = arith.andi %ne3A_92, %ne3A_95 : i1
    %sub3A_97 = arith.constant 1 : i32
    %sub3A_98 = arith.subi %div3A_77, %sub3A_97 : i32
    %select_n3A_99 = arith.select %and3A_96, %sub3A_98, %div3A_77 : i32
    %gt3A = arith.constant 0 : i32
    %gt3A_100 = arith.cmpi sgt, %select_n3A_99, %gt3A : i32
    %convert_element_type3A = arith.extui %gt3A_100 : i1 to i32
    %cond3A = arith.constant 0 : i32
    %cond3A_101 = arith.cmpi ne, %convert_element_type3A, %cond3A : i32
    scf.if %cond3A_101 {
      %dma_start3A = arith.constant 0 : i32
      %dma_start3A_191 = arith.constant 0 : i32
      %dma_start3A_192 = arith.constant 0 : i32
      %dma_start3A_193 = tpu.memref_slice %arg12[%dma_start3A, %dma_start3A_191, %dma_start3A_192] : memref<2x32x1024xf32, #tpu.memory_space<vmem>> -> memref<1x32x1024xf32, #tpu.memory_space<vmem>>
      %dma_start3A_194 = tpu.memref_squeeze %dma_start3A_193 : memref<1x32x1024xf32, #tpu.memory_space<vmem>> -> memref<32x1024xf32, #tpu.memory_space<vmem>>
      %dma_start3A_195 = arith.constant 0 : i32
      %dma_start3A_196 = tpu.memref_slice %arg9[%dma_start3A_195] : memref<1056xi32, #tpu.memory_space<vmem>> -> memref<32xi32, #tpu.memory_space<vmem>>
      %dma_start3A_197 = arith.constant 0 : i32
      %dma_start3A_198 = arith.constant 0 : i32
      %dma_start3A_199 = tpu.memref_slice %arg5[%dma_start3A_197, %dma_start3A_198] : memref<4096x1024xf32, #tpu.memory_space<hbm>> -> memref<4096x1024xf32, #tpu.memory_space<hbm>>
      tpu.enqueue_indirect_dma source(%dma_start3A_199 : memref<4096x1024xf32, #tpu.memory_space<hbm>>) target(%dma_start3A_194 : memref<32x1024xf32, #tpu.memory_space<vmem>>) offsets(%dma_start3A_196 : memref<32xi32, #tpu.memory_space<vmem>>) semaphore(%arg13 : memref<!tpu.dma_semaphore, #tpu.memory_space<semaphore_mem>>)
    } else {
    }
    %add3A_102 = arith.constant 1 : i32
    %add3A_103 = arith.addi %select_n3A_99, %add3A_102 : i32
    %jit3A_104 = arith.constant 2 : i32
    %div3A_105 = arith.divsi %add3A_103, %jit3A_104 : i32
    %sign3A_106 = arith.constant 0 : i32
    %sign3A_107 = arith.cmpi sgt, %add3A_103, %sign3A_106 : i32
    %sign3A_108 = arith.extui %sign3A_107 : i1 to i32
    %sign3A_109 = arith.constant 0 : i32
    %sign3A_110 = arith.cmpi slt, %add3A_103, %sign3A_109 : i32
    %sign3A_111 = arith.extui %sign3A_110 : i1 to i32
    %sign3A_112 = arith.subi %sign3A_108, %sign3A_111 : i32
    %sign3A_113 = arith.constant 0 : i32
    %sign3A_114 = arith.cmpi sgt, %jit3A_104, %sign3A_113 : i32
    %sign3A_115 = arith.extui %sign3A_114 : i1 to i32
    %sign3A_116 = arith.constant 0 : i32
    %sign3A_117 = arith.cmpi slt, %jit3A_104, %sign3A_116 : i32
    %sign3A_118 = arith.extui %sign3A_117 : i1 to i32
    %sign3A_119 = arith.subi %sign3A_115, %sign3A_118 : i32
    %ne3A_120 = arith.cmpi ne, %sign3A_112, %sign3A_119 : i32
    %rem3A_121 = arith.remsi %add3A_103, %jit3A_104 : i32
    %ne3A_122 = arith.constant 0 : i32
    %ne3A_123 = arith.cmpi ne, %rem3A_121, %ne3A_122 : i32
    %and3A_124 = arith.andi %ne3A_120, %ne3A_123 : i1
    %sub3A_125 = arith.constant 1 : i32
    %sub3A_126 = arith.subi %div3A_105, %sub3A_125 : i32
    %select_n3A_127 = arith.select %and3A_124, %sub3A_126, %div3A_105 : i32
    %while3A = arith.constant 0 : i32
    %while3A_128 = arith.constant 0 : i32
    %while3A_129 = arith.subi %select_n3A_127, %while3A : i32
    %while3A_130 = arith.addi %while3A, %while3A_129 : i32
    %while3A_131 = arith.constant 1 : i32
    %while3A_132 = arith.divsi %while3A_129, %while3A_131 : i32
    %while3A_133 = arith.muli %while3A_132, %while3A_131 : i32
    %while3A_134 = arith.addi %while3A, %while3A_133 : i32
    %while3A_135 = arith.constant 1 : i32
    %while3A_136 = scf.for %while3A_191 = %while3A to %while3A_134 step %while3A_135 iter_args(%while3A_192 = %while3A_128) -> (i32)  : i32 {
      %mul3A_193 = arith.constant 2 : i32
      %mul3A_194 = arith.muli %while3A_191, %mul3A_193 : i32
      %add3A_195 = arith.constant 0 : i32
      %add3A_196 = arith.addi %mul3A_194, %add3A_195 : i32
      %lt3A_197 = arith.cmpi slt, %add3A_196, %select_n3A_99 : i32
      %convert_element_type3A_198 = arith.extui %lt3A_197 : i1 to i32
      %cond3A_199 = arith.constant 0 : i32
      %cond3A_200 = arith.cmpi ne, %convert_element_type3A_198, %cond3A_199 : i32
      scf.if %cond3A_200 {
        %ge3A = arith.constant 1 : i32
        %ge3A_210 = arith.cmpi sge, %add3A_196, %ge3A : i32
        %convert_element_type3A_211 = arith.extui %ge3A_210 : i1 to i32
        %cond3A_212 = arith.constant 0 : i32
        %cond3A_213 = arith.cmpi ne, %convert_element_type3A_211, %cond3A_212 : i32
        scf.if %cond3A_213 {
          %dma_wait3A_292 = arith.constant 1 : i32
          %dma_wait3A_293 = arith.constant 1 : i32
          %dma_wait3A_294 = arith.constant 0 : i32
          %dma_wait3A_295 = arith.constant 0 : i32
          %dma_wait3A_296 = arith.constant 0 : i32
          %dma_wait3A_297 = tpu.memref_slice %arg12[%dma_wait3A_292, %dma_wait3A_295, %dma_wait3A_296] : memref<2x32x1024xf32, #tpu.memory_space<vmem>> -> memref<1x32x1024xf32, #tpu.memory_space<vmem>>
          %dma_wait3A_298 = tpu.memref_squeeze %dma_wait3A_297 : memref<1x32x1024xf32, #tpu.memory_space<vmem>> -> memref<32x1024xf32, #tpu.memory_space<vmem>>
          %dma_wait3A_299 = arith.constant 0 : i32
          %dma_wait3A_300 = arith.constant 0 : i32
          %dma_wait3A_301 = tpu.memref_slice %arg11[%dma_wait3A_293, %dma_wait3A_299, %dma_wait3A_300] : memref<2x1x32xi32, #tpu.memory_space<vmem>> -> memref<1x1x32xi32, #tpu.memory_space<vmem>>
          %dma_wait3A_302 = tpu.memref_squeeze %dma_wait3A_301 : memref<1x1x32xi32, #tpu.memory_space<vmem>> -> memref<1x32xi32, #tpu.memory_space<vmem>>
          %dma_wait3A_303 = arith.constant 0 : i32
          %dma_wait3A_304 = tpu.memref_slice %dma_wait3A_302[%dma_wait3A_294, %dma_wait3A_303] : memref<1x32xi32, #tpu.memory_space<vmem>> -> memref<1x32xi32, #tpu.memory_space<vmem>>
          %dma_wait3A_305 = tpu.memref_squeeze %dma_wait3A_304 : memref<1x32xi32, #tpu.memory_space<vmem>> -> memref<32xi32, #tpu.memory_space<vmem>>
          %dma_wait3A_306 = arith.constant 0 : i32
          %dma_wait3A_307 = arith.constant 0 : i32
          %dma_wait3A_308 = tpu.memref_slice %arg6[%dma_wait3A_306, %dma_wait3A_307] : memref<32784x1024xf32, #tpu.memory_space<hbm>> -> memref<32784x1024xf32, #tpu.memory_space<hbm>>
          tpu.wait_indirect_dma semaphore(%arg16 : memref<!tpu.dma_semaphore, #tpu.memory_space<semaphore_mem>>) src(%dma_wait3A_298 : memref<32x1024xf32, #tpu.memory_space<vmem>>) dst(%dma_wait3A_308 : memref<32784x1024xf32, #tpu.memory_space<hbm>>)
        } else {
        }
        %add3A_214 = arith.constant 1 : i32
        %add3A_215 = arith.addi %add3A_196, %add3A_214 : i32
        %lt3A_216 = arith.cmpi slt, %add3A_215, %select_n3A_99 : i32
        %convert_element_type3A_217 = arith.extui %lt3A_216 : i1 to i32
        %cond3A_218 = arith.constant 0 : i32
        %cond3A_219 = arith.cmpi ne, %convert_element_type3A_217, %cond3A_218 : i32
        scf.if %cond3A_219 {
          %add3A_292 = arith.constant 1 : i32
          %add3A_293 = arith.addi %add3A_196, %add3A_292 : i32
          %mul3A_294 = arith.constant 32 : i32
          %mul3A_295 = arith.muli %add3A_293, %mul3A_294 : i32
          %dma_start3A_296 = arith.constant 1 : i32
          %dma_start3A_297 = arith.constant 0 : i32
          %dma_start3A_298 = arith.constant 0 : i32
          %dma_start3A_299 = tpu.memref_slice %arg12[%dma_start3A_296, %dma_start3A_297, %dma_start3A_298] : memref<2x32x1024xf32, #tpu.memory_space<vmem>> -> memref<1x32x1024xf32, #tpu.memory_space<vmem>>
          %dma_start3A_300 = tpu.memref_squeeze %dma_start3A_299 : memref<1x32x1024xf32, #tpu.memory_space<vmem>> -> memref<32x1024xf32, #tpu.memory_space<vmem>>
          %dma_start3A_301 = tpu.memref_slice %arg9[%mul3A_295] : memref<1056xi32, #tpu.memory_space<vmem>> -> memref<32xi32, #tpu.memory_space<vmem>>
          %dma_start3A_302 = arith.constant 0 : i32
          %dma_start3A_303 = arith.constant 0 : i32
          %dma_start3A_304 = tpu.memref_slice %arg5[%dma_start3A_302, %dma_start3A_303] : memref<4096x1024xf32, #tpu.memory_space<hbm>> -> memref<4096x1024xf32, #tpu.memory_space<hbm>>
          tpu.enqueue_indirect_dma source(%dma_start3A_304 : memref<4096x1024xf32, #tpu.memory_space<hbm>>) target(%dma_start3A_300 : memref<32x1024xf32, #tpu.memory_space<vmem>>) offsets(%dma_start3A_301 : memref<32xi32, #tpu.memory_space<vmem>>) semaphore(%arg14 : memref<!tpu.dma_semaphore, #tpu.memory_space<semaphore_mem>>)
        } else {
        }
        %mul3A_220 = arith.constant 32 : i32
        %mul3A_221 = arith.muli %add3A_196, %mul3A_220 : i32
        %dma_wait3A = arith.constant 0 : i32
        %dma_wait3A_222 = arith.constant 0 : i32
        %dma_wait3A_223 = arith.constant 0 : i32
        %dma_wait3A_224 = tpu.memref_slice %arg12[%dma_wait3A, %dma_wait3A_222, %dma_wait3A_223] : memref<2x32x1024xf32, #tpu.memory_space<vmem>> -> memref<1x32x1024xf32, #tpu.memory_space<vmem>>
        %dma_wait3A_225 = tpu.memref_squeeze %dma_wait3A_224 : memref<1x32x1024xf32, #tpu.memory_space<vmem>> -> memref<32x1024xf32, #tpu.memory_space<vmem>>
        %dma_wait3A_226 = tpu.memref_slice %arg9[%mul3A_221] : memref<1056xi32, #tpu.memory_space<vmem>> -> memref<32xi32, #tpu.memory_space<vmem>>
        %dma_wait3A_227 = arith.constant 0 : i32
        %dma_wait3A_228 = arith.constant 0 : i32
        %dma_wait3A_229 = tpu.memref_slice %arg5[%dma_wait3A_227, %dma_wait3A_228] : memref<4096x1024xf32, #tpu.memory_space<hbm>> -> memref<4096x1024xf32, #tpu.memory_space<hbm>>
        tpu.wait_indirect_dma semaphore(%arg13 : memref<!tpu.dma_semaphore, #tpu.memory_space<semaphore_mem>>) src(%dma_wait3A_229 : memref<4096x1024xf32, #tpu.memory_space<hbm>>) dst(%dma_wait3A_225 : memref<32x1024xf32, #tpu.memory_space<vmem>>)
        %mul3A_230 = arith.constant 32 : i32
        %mul3A_231 = arith.muli %add3A_196, %mul3A_230 : i32
        %add3A_232 = arith.constant 0 : i32
        %add3A_233 = arith.addi %mul3A_231, %add3A_232 : i32
        %add3A_234 = vector.broadcast %add3A_233 : i32 to vector<16xi32>
        %add3A_235 = arith.addi %add3A_234, %iota3A : vector<16xi32>
        %lt3A_236 = vector.broadcast %sub3A_38 : i32 to vector<16xi32>
        %lt3A_237 = arith.cmpi slt, %add3A_235, %lt3A_236 : vector<16xi32>
        %mul3A_238 = arith.constant 4096 : i32
        %mul3A_239 = arith.muli %select_n3A_9, %mul3A_238 : i32
        %add3A_240 = arith.addi %mul3A_239, %squeeze3A : i32
        %add3A_241 = vector.broadcast %add3A_240 : i32 to vector<16xi32>
        %add3A_242 = arith.addi %add3A_241, %add3A_235 : vector<16xi32>
        %add3A_243 = arith.constant 32768 : i32
        %add3A_244 = vector.broadcast %add3A_243 : i32 to vector<16xi32>
        %add3A_245 = arith.addi %add3A_244, %iota3A : vector<16xi32>
        %select_n3A_246 = arith.select %lt3A_237, %add3A_242, %add3A_245 : vector<16xi1>, vector<16xi32>
        %swap3A_247 = arith.constant 0 : i32
        %swap3A_248 = arith.constant 0 : i32
        %swap3A_249 = arith.index_cast %swap3A_247 : i32 to index
        %swap3A_250 = arith.index_cast %swap3A_248 : i32 to index
        %swap3A_251 = arith.constant 0 : index
        %swap3A_252 = tpu.vector_load %arg11[%swap3A_249, %swap3A_250, %swap3A_251] {strides = array<i32>} : memref<2x1x32xi32, #tpu.memory_space<vmem>>, vector<16xi32>,
        tpu.vector_store %arg11[%swap3A_249, %swap3A_250, %swap3A_251], %select_n3A_246 {strides = array<i32>} : memref<2x1x32xi32, #tpu.memory_space<vmem>>, vector<16xi32>,
        %mul3A_253 = arith.constant 32 : i32
        %mul3A_254 = arith.muli %add3A_196, %mul3A_253 : i32
        %add3A_255 = arith.constant 16 : i32
        %add3A_256 = arith.addi %mul3A_254, %add3A_255 : i32
        %add3A_257 = vector.broadcast %add3A_256 : i32 to vector<16xi32>
        %add3A_258 = arith.addi %add3A_257, %iota3A : vector<16xi32>
        %lt3A_259 = vector.broadcast %sub3A_38 : i32 to vector<16xi32>
        %lt3A_260 = arith.cmpi slt, %add3A_258, %lt3A_259 : vector<16xi32>
        %mul3A_261 = arith.constant 4096 : i32
        %mul3A_262 = arith.muli %select_n3A_9, %mul3A_261 : i32
        %add3A_263 = arith.addi %mul3A_262, %squeeze3A : i32
        %add3A_264 = vector.broadcast %add3A_263 : i32 to vector<16xi32>
        %add3A_265 = arith.addi %add3A_264, %add3A_258 : vector<16xi32>
        %add3A_266 = arith.constant 32768 : i32
        %add3A_267 = vector.broadcast %add3A_266 : i32 to vector<16xi32>
        %add3A_268 = arith.addi %add3A_267, %iota3A : vector<16xi32>
        %select_n3A_269 = arith.select %lt3A_260, %add3A_265, %add3A_268 : vector<16xi1>, vector<16xi32>
        %swap3A_270 = arith.constant 0 : i32
        %swap3A_271 = arith.constant 0 : i32
        %swap3A_272 = arith.index_cast %swap3A_270 : i32 to index
        %swap3A_273 = arith.index_cast %swap3A_271 : i32 to index
        %swap3A_274 = arith.constant 16 : index
        %swap3A_275 = tpu.vector_load %arg11[%swap3A_272, %swap3A_273, %swap3A_274] {strides = array<i32>} : memref<2x1x32xi32, #tpu.memory_space<vmem>>, vector<16xi32>,
        tpu.vector_store %arg11[%swap3A_272, %swap3A_273, %swap3A_274], %select_n3A_269 {strides = array<i32>} : memref<2x1x32xi32, #tpu.memory_space<vmem>>, vector<16xi32>,
        %dma_start3A = arith.constant 0 : i32
        %dma_start3A_276 = arith.constant 0 : i32
        %dma_start3A_277 = arith.constant 0 : i32
        %dma_start3A_278 = arith.constant 0 : i32
        %dma_start3A_279 = arith.constant 0 : i32
        %dma_start3A_280 = tpu.memref_slice %arg12[%dma_start3A, %dma_start3A_278, %dma_start3A_279] : memref<2x32x1024xf32, #tpu.memory_space<vmem>> -> memref<1x32x1024xf32, #tpu.memory_space<vmem>>
        %dma_start3A_281 = tpu.memref_squeeze %dma_start3A_280 : memref<1x32x1024xf32, #tpu.memory_space<vmem>> -> memref<32x1024xf32, #tpu.memory_space<vmem>>
        %dma_start3A_282 = arith.constant 0 : i32
        %dma_start3A_283 = arith.constant 0 : i32
        %dma_start3A_284 = tpu.memref_slice %arg11[%dma_start3A_276, %dma_start3A_282, %dma_start3A_283] : memref<2x1x32xi32, #tpu.memory_space<vmem>> -> memref<1x1x32xi32, #tpu.memory_space<vmem>>
        %dma_start3A_285 = tpu.memref_squeeze %dma_start3A_284 : memref<1x1x32xi32, #tpu.memory_space<vmem>> -> memref<1x32xi32, #tpu.memory_space<vmem>>
        %dma_start3A_286 = arith.constant 0 : i32
        %dma_start3A_287 = tpu.memref_slice %dma_start3A_285[%dma_start3A_277, %dma_start3A_286] : memref<1x32xi32, #tpu.memory_space<vmem>> -> memref<1x32xi32, #tpu.memory_space<vmem>>
        %dma_start3A_288 = tpu.memref_squeeze %dma_start3A_287 : memref<1x32xi32, #tpu.memory_space<vmem>> -> memref<32xi32, #tpu.memory_space<vmem>>
        %dma_start3A_289 = arith.constant 0 : i32
        %dma_start3A_290 = arith.constant 0 : i32
        %dma_start3A_291 = tpu.memref_slice %arg6[%dma_start3A_289, %dma_start3A_290] : memref<32784x1024xf32, #tpu.memory_space<hbm>> -> memref<32784x1024xf32, #tpu.memory_space<hbm>>
        tpu.enqueue_indirect_dma source(%dma_start3A_281 : memref<32x1024xf32, #tpu.memory_space<vmem>>) target(%dma_start3A_291 : memref<32784x1024xf32, #tpu.memory_space<hbm>>) offsets(%dma_start3A_288 : memref<32xi32, #tpu.memory_space<vmem>>) semaphore(%arg15 : memref<!tpu.dma_semaphore, #tpu.memory_space<semaphore_mem>>)
      } else {
      }
      %mul3A_201 = arith.constant 2 : i32
      %mul3A_202 = arith.muli %while3A_191, %mul3A_201 : i32
      %add3A_203 = arith.constant 1 : i32
      %add3A_204 = arith.addi %mul3A_202, %add3A_203 : i32
      %lt3A_205 = arith.cmpi slt, %add3A_204, %select_n3A_99 : i32
      %convert_element_type3A_206 = arith.extui %lt3A_205 : i1 to i32
      %cond3A_207 = arith.constant 0 : i32
      %cond3A_208 = arith.cmpi ne, %convert_element_type3A_206, %cond3A_207 : i32
      scf.if %cond3A_208 {
        %ge3A = arith.constant 1 : i32
        %ge3A_210 = arith.cmpi sge, %add3A_204, %ge3A : i32
        %convert_element_type3A_211 = arith.extui %ge3A_210 : i1 to i32
        %cond3A_212 = arith.constant 0 : i32
        %cond3A_213 = arith.cmpi ne, %convert_element_type3A_211, %cond3A_212 : i32
        scf.if %cond3A_213 {
          %dma_wait3A_292 = arith.constant 0 : i32
          %dma_wait3A_293 = arith.constant 0 : i32
          %dma_wait3A_294 = arith.constant 0 : i32
          %dma_wait3A_295 = arith.constant 0 : i32
          %dma_wait3A_296 = arith.constant 0 : i32
          %dma_wait3A_297 = tpu.memref_slice %arg12[%dma_wait3A_292, %dma_wait3A_295, %dma_wait3A_296] : memref<2x32x1024xf32, #tpu.memory_space<vmem>> -> memref<1x32x1024xf32, #tpu.memory_space<vmem>>
          %dma_wait3A_298 = tpu.memref_squeeze %dma_wait3A_297 : memref<1x32x1024xf32, #tpu.memory_space<vmem>> -> memref<32x1024xf32, #tpu.memory_space<vmem>>
          %dma_wait3A_299 = arith.constant 0 : i32
          %dma_wait3A_300 = arith.constant 0 : i32
          %dma_wait3A_301 = tpu.memref_slice %arg11[%dma_wait3A_293, %dma_wait3A_299, %dma_wait3A_300] : memref<2x1x32xi32, #tpu.memory_space<vmem>> -> memref<1x1x32xi32, #tpu.memory_space<vmem>>
          %dma_wait3A_302 = tpu.memref_squeeze %dma_wait3A_301 : memref<1x1x32xi32, #tpu.memory_space<vmem>> -> memref<1x32xi32, #tpu.memory_space<vmem>>
          %dma_wait3A_303 = arith.constant 0 : i32
          %dma_wait3A_304 = tpu.memref_slice %dma_wait3A_302[%dma_wait3A_294, %dma_wait3A_303] : memref<1x32xi32, #tpu.memory_space<vmem>> -> memref<1x32xi32, #tpu.memory_space<vmem>>
          %dma_wait3A_305 = tpu.memref_squeeze %dma_wait3A_304 : memref<1x32xi32, #tpu.memory_space<vmem>> -> memref<32xi32, #tpu.memory_space<vmem>>
          %dma_wait3A_306 = arith.constant 0 : i32
          %dma_wait3A_307 = arith.constant 0 : i32
          %dma_wait3A_308 = tpu.memref_slice %arg6[%dma_wait3A_306, %dma_wait3A_307] : memref<32784x1024xf32, #tpu.memory_space<hbm>> -> memref<32784x1024xf32, #tpu.memory_space<hbm>>
          tpu.wait_indirect_dma semaphore(%arg15 : memref<!tpu.dma_semaphore, #tpu.memory_space<semaphore_mem>>) src(%dma_wait3A_298 : memref<32x1024xf32, #tpu.memory_space<vmem>>) dst(%dma_wait3A_308 : memref<32784x1024xf32, #tpu.memory_space<hbm>>)
        } else {
        }
        %add3A_214 = arith.constant 1 : i32
        %add3A_215 = arith.addi %add3A_204, %add3A_214 : i32
        %lt3A_216 = arith.cmpi slt, %add3A_215, %select_n3A_99 : i32
        %convert_element_type3A_217 = arith.extui %lt3A_216 : i1 to i32
        %cond3A_218 = arith.constant 0 : i32
        %cond3A_219 = arith.cmpi ne, %convert_element_type3A_217, %cond3A_218 : i32
        scf.if %cond3A_219 {
          %add3A_292 = arith.constant 1 : i32
          %add3A_293 = arith.addi %add3A_204, %add3A_292 : i32
          %mul3A_294 = arith.constant 32 : i32
          %mul3A_295 = arith.muli %add3A_293, %mul3A_294 : i32
          %dma_start3A_296 = arith.constant 0 : i32
          %dma_start3A_297 = arith.constant 0 : i32
          %dma_start3A_298 = arith.constant 0 : i32
          %dma_start3A_299 = tpu.memref_slice %arg12[%dma_start3A_296, %dma_start3A_297, %dma_start3A_298] : memref<2x32x1024xf32, #tpu.memory_space<vmem>> -> memref<1x32x1024xf32, #tpu.memory_space<vmem>>
          %dma_start3A_300 = tpu.memref_squeeze %dma_start3A_299 : memref<1x32x1024xf32, #tpu.memory_space<vmem>> -> memref<32x1024xf32, #tpu.memory_space<vmem>>
          %dma_start3A_301 = tpu.memref_slice %arg9[%mul3A_295] : memref<1056xi32, #tpu.memory_space<vmem>> -> memref<32xi32, #tpu.memory_space<vmem>>
          %dma_start3A_302 = arith.constant 0 : i32
          %dma_start3A_303 = arith.constant 0 : i32
          %dma_start3A_304 = tpu.memref_slice %arg5[%dma_start3A_302, %dma_start3A_303] : memref<4096x1024xf32, #tpu.memory_space<hbm>> -> memref<4096x1024xf32, #tpu.memory_space<hbm>>
          tpu.enqueue_indirect_dma source(%dma_start3A_304 : memref<4096x1024xf32, #tpu.memory_space<hbm>>) target(%dma_start3A_300 : memref<32x1024xf32, #tpu.memory_space<vmem>>) offsets(%dma_start3A_301 : memref<32xi32, #tpu.memory_space<vmem>>) semaphore(%arg13 : memref<!tpu.dma_semaphore, #tpu.memory_space<semaphore_mem>>)
        } else {
        }
        %mul3A_220 = arith.constant 32 : i32
        %mul3A_221 = arith.muli %add3A_204, %mul3A_220 : i32
        %dma_wait3A = arith.constant 1 : i32
        %dma_wait3A_222 = arith.constant 0 : i32
        %dma_wait3A_223 = arith.constant 0 : i32
        %dma_wait3A_224 = tpu.memref_slice %arg12[%dma_wait3A, %dma_wait3A_222, %dma_wait3A_223] : memref<2x32x1024xf32, #tpu.memory_space<vmem>> -> memref<1x32x1024xf32, #tpu.memory_space<vmem>>
        %dma_wait3A_225 = tpu.memref_squeeze %dma_wait3A_224 : memref<1x32x1024xf32, #tpu.memory_space<vmem>> -> memref<32x1024xf32, #tpu.memory_space<vmem>>
        %dma_wait3A_226 = tpu.memref_slice %arg9[%mul3A_221] : memref<1056xi32, #tpu.memory_space<vmem>> -> memref<32xi32, #tpu.memory_space<vmem>>
        %dma_wait3A_227 = arith.constant 0 : i32
        %dma_wait3A_228 = arith.constant 0 : i32
        %dma_wait3A_229 = tpu.memref_slice %arg5[%dma_wait3A_227, %dma_wait3A_228] : memref<4096x1024xf32, #tpu.memory_space<hbm>> -> memref<4096x1024xf32, #tpu.memory_space<hbm>>
        tpu.wait_indirect_dma semaphore(%arg14 : memref<!tpu.dma_semaphore, #tpu.memory_space<semaphore_mem>>) src(%dma_wait3A_229 : memref<4096x1024xf32, #tpu.memory_space<hbm>>) dst(%dma_wait3A_225 : memref<32x1024xf32, #tpu.memory_space<vmem>>)
        %mul3A_230 = arith.constant 32 : i32
        %mul3A_231 = arith.muli %add3A_204, %mul3A_230 : i32
        %add3A_232 = arith.constant 0 : i32
        %add3A_233 = arith.addi %mul3A_231, %add3A_232 : i32
        %add3A_234 = vector.broadcast %add3A_233 : i32 to vector<16xi32>
        %add3A_235 = arith.addi %add3A_234, %iota3A : vector<16xi32>
        %lt3A_236 = vector.broadcast %sub3A_38 : i32 to vector<16xi32>
        %lt3A_237 = arith.cmpi slt, %add3A_235, %lt3A_236 : vector<16xi32>
        %mul3A_238 = arith.constant 4096 : i32
        %mul3A_239 = arith.muli %select_n3A_9, %mul3A_238 : i32
        %add3A_240 = arith.addi %mul3A_239, %squeeze3A : i32
        %add3A_241 = vector.broadcast %add3A_240 : i32 to vector<16xi32>
        %add3A_242 = arith.addi %add3A_241, %add3A_235 : vector<16xi32>
        %add3A_243 = arith.constant 32768 : i32
        %add3A_244 = vector.broadcast %add3A_243 : i32 to vector<16xi32>
        %add3A_245 = arith.addi %add3A_244, %iota3A : vector<16xi32>
        %select_n3A_246 = arith.select %lt3A_237, %add3A_242, %add3A_245 : vector<16xi1>, vector<16xi32>
        %swap3A_247 = arith.constant 1 : i32
        %swap3A_248 = arith.constant 0 : i32
        %swap3A_249 = arith.index_cast %swap3A_247 : i32 to index
        %swap3A_250 = arith.index_cast %swap3A_248 : i32 to index
        %swap3A_251 = arith.constant 0 : index
        %swap3A_252 = tpu.vector_load %arg11[%swap3A_249, %swap3A_250, %swap3A_251] {strides = array<i32>} : memref<2x1x32xi32, #tpu.memory_space<vmem>>, vector<16xi32>,
        tpu.vector_store %arg11[%swap3A_249, %swap3A_250, %swap3A_251], %select_n3A_246 {strides = array<i32>} : memref<2x1x32xi32, #tpu.memory_space<vmem>>, vector<16xi32>,
        %mul3A_253 = arith.constant 32 : i32
        %mul3A_254 = arith.muli %add3A_204, %mul3A_253 : i32
        %add3A_255 = arith.constant 16 : i32
        %add3A_256 = arith.addi %mul3A_254, %add3A_255 : i32
        %add3A_257 = vector.broadcast %add3A_256 : i32 to vector<16xi32>
        %add3A_258 = arith.addi %add3A_257, %iota3A : vector<16xi32>
        %lt3A_259 = vector.broadcast %sub3A_38 : i32 to vector<16xi32>
        %lt3A_260 = arith.cmpi slt, %add3A_258, %lt3A_259 : vector<16xi32>
        %mul3A_261 = arith.constant 4096 : i32
        %mul3A_262 = arith.muli %select_n3A_9, %mul3A_261 : i32
        %add3A_263 = arith.addi %mul3A_262, %squeeze3A : i32
        %add3A_264 = vector.broadcast %add3A_263 : i32 to vector<16xi32>
        %add3A_265 = arith.addi %add3A_264, %add3A_258 : vector<16xi32>
        %add3A_266 = arith.constant 32768 : i32
        %add3A_267 = vector.broadcast %add3A_266 : i32 to vector<16xi32>
        %add3A_268 = arith.addi %add3A_267, %iota3A : vector<16xi32>
        %select_n3A_269 = arith.select %lt3A_260, %add3A_265, %add3A_268 : vector<16xi1>, vector<16xi32>
        %swap3A_270 = arith.constant 1 : i32
        %swap3A_271 = arith.constant 0 : i32
        %swap3A_272 = arith.index_cast %swap3A_270 : i32 to index
        %swap3A_273 = arith.index_cast %swap3A_271 : i32 to index
        %swap3A_274 = arith.constant 16 : index
        %swap3A_275 = tpu.vector_load %arg11[%swap3A_272, %swap3A_273, %swap3A_274] {strides = array<i32>} : memref<2x1x32xi32, #tpu.memory_space<vmem>>, vector<16xi32>,
        tpu.vector_store %arg11[%swap3A_272, %swap3A_273, %swap3A_274], %select_n3A_269 {strides = array<i32>} : memref<2x1x32xi32, #tpu.memory_space<vmem>>, vector<16xi32>,
        %dma_start3A = arith.constant 1 : i32
        %dma_start3A_276 = arith.constant 1 : i32
        %dma_start3A_277 = arith.constant 0 : i32
        %dma_start3A_278 = arith.constant 0 : i32
        %dma_start3A_279 = arith.constant 0 : i32
        %dma_start3A_280 = tpu.memref_slice %arg12[%dma_start3A, %dma_start3A_278, %dma_start3A_279] : memref<2x32x1024xf32, #tpu.memory_space<vmem>> -> memref<1x32x1024xf32, #tpu.memory_space<vmem>>
        %dma_start3A_281 = tpu.memref_squeeze %dma_start3A_280 : memref<1x32x1024xf32, #tpu.memory_space<vmem>> -> memref<32x1024xf32, #tpu.memory_space<vmem>>
        %dma_start3A_282 = arith.constant 0 : i32
        %dma_start3A_283 = arith.constant 0 : i32
        %dma_start3A_284 = tpu.memref_slice %arg11[%dma_start3A_276, %dma_start3A_282, %dma_start3A_283] : memref<2x1x32xi32, #tpu.memory_space<vmem>> -> memref<1x1x32xi32, #tpu.memory_space<vmem>>
        %dma_start3A_285 = tpu.memref_squeeze %dma_start3A_284 : memref<1x1x32xi32, #tpu.memory_space<vmem>> -> memref<1x32xi32, #tpu.memory_space<vmem>>
        %dma_start3A_286 = arith.constant 0 : i32
        %dma_start3A_287 = tpu.memref_slice %dma_start3A_285[%dma_start3A_277, %dma_start3A_286] : memref<1x32xi32, #tpu.memory_space<vmem>> -> memref<1x32xi32, #tpu.memory_space<vmem>>
        %dma_start3A_288 = tpu.memref_squeeze %dma_start3A_287 : memref<1x32xi32, #tpu.memory_space<vmem>> -> memref<32xi32, #tpu.memory_space<vmem>>
        %dma_start3A_289 = arith.constant 0 : i32
        %dma_start3A_290 = arith.constant 0 : i32
        %dma_start3A_291 = tpu.memref_slice %arg6[%dma_start3A_289, %dma_start3A_290] : memref<32784x1024xf32, #tpu.memory_space<hbm>> -> memref<32784x1024xf32, #tpu.memory_space<hbm>>
        tpu.enqueue_indirect_dma source(%dma_start3A_281 : memref<32x1024xf32, #tpu.memory_space<vmem>>) target(%dma_start3A_291 : memref<32784x1024xf32, #tpu.memory_space<hbm>>) offsets(%dma_start3A_288 : memref<32xi32, #tpu.memory_space<vmem>>) semaphore(%arg16 : memref<!tpu.dma_semaphore, #tpu.memory_space<semaphore_mem>>)
      } else {
      }
      %while3A_209 = arith.constant 0 : i32
      scf.yield %while3A_209 : i32
    }
    %while3A_137 = arith.constant 1 : i32
    %while3A_138 = scf.for %while3A_191 = %while3A_134 to %while3A_130 step %while3A_137 iter_args(%while3A_192 = %while3A_136) -> (i32)  : i32 {
      %mul3A_193 = arith.constant 2 : i32
      %mul3A_194 = arith.muli %while3A_191, %mul3A_193 : i32
      %add3A_195 = arith.constant 0 : i32
      %add3A_196 = arith.addi %mul3A_194, %add3A_195 : i32
      %lt3A_197 = arith.cmpi slt, %add3A_196, %select_n3A_99 : i32
      %convert_element_type3A_198 = arith.extui %lt3A_197 : i1 to i32
      %cond3A_199 = arith.constant 0 : i32
      %cond3A_200 = arith.cmpi ne, %convert_element_type3A_198, %cond3A_199 : i32
      scf.if %cond3A_200 {
        %ge3A = arith.constant 1 : i32
        %ge3A_210 = arith.cmpi sge, %add3A_196, %ge3A : i32
        %convert_element_type3A_211 = arith.extui %ge3A_210 : i1 to i32
        %cond3A_212 = arith.constant 0 : i32
        %cond3A_213 = arith.cmpi ne, %convert_element_type3A_211, %cond3A_212 : i32
        scf.if %cond3A_213 {
          %dma_wait3A_292 = arith.constant 1 : i32
          %dma_wait3A_293 = arith.constant 1 : i32
          %dma_wait3A_294 = arith.constant 0 : i32
          %dma_wait3A_295 = arith.constant 0 : i32
          %dma_wait3A_296 = arith.constant 0 : i32
          %dma_wait3A_297 = tpu.memref_slice %arg12[%dma_wait3A_292, %dma_wait3A_295, %dma_wait3A_296] : memref<2x32x1024xf32, #tpu.memory_space<vmem>> -> memref<1x32x1024xf32, #tpu.memory_space<vmem>>
          %dma_wait3A_298 = tpu.memref_squeeze %dma_wait3A_297 : memref<1x32x1024xf32, #tpu.memory_space<vmem>> -> memref<32x1024xf32, #tpu.memory_space<vmem>>
          %dma_wait3A_299 = arith.constant 0 : i32
          %dma_wait3A_300 = arith.constant 0 : i32
          %dma_wait3A_301 = tpu.memref_slice %arg11[%dma_wait3A_293, %dma_wait3A_299, %dma_wait3A_300] : memref<2x1x32xi32, #tpu.memory_space<vmem>> -> memref<1x1x32xi32, #tpu.memory_space<vmem>>
          %dma_wait3A_302 = tpu.memref_squeeze %dma_wait3A_301 : memref<1x1x32xi32, #tpu.memory_space<vmem>> -> memref<1x32xi32, #tpu.memory_space<vmem>>
          %dma_wait3A_303 = arith.constant 0 : i32
          %dma_wait3A_304 = tpu.memref_slice %dma_wait3A_302[%dma_wait3A_294, %dma_wait3A_303] : memref<1x32xi32, #tpu.memory_space<vmem>> -> memref<1x32xi32, #tpu.memory_space<vmem>>
          %dma_wait3A_305 = tpu.memref_squeeze %dma_wait3A_304 : memref<1x32xi32, #tpu.memory_space<vmem>> -> memref<32xi32, #tpu.memory_space<vmem>>
          %dma_wait3A_306 = arith.constant 0 : i32
          %dma_wait3A_307 = arith.constant 0 : i32
          %dma_wait3A_308 = tpu.memref_slice %arg6[%dma_wait3A_306, %dma_wait3A_307] : memref<32784x1024xf32, #tpu.memory_space<hbm>> -> memref<32784x1024xf32, #tpu.memory_space<hbm>>
          tpu.wait_indirect_dma semaphore(%arg16 : memref<!tpu.dma_semaphore, #tpu.memory_space<semaphore_mem>>) src(%dma_wait3A_298 : memref<32x1024xf32, #tpu.memory_space<vmem>>) dst(%dma_wait3A_308 : memref<32784x1024xf32, #tpu.memory_space<hbm>>)
        } else {
        }
        %add3A_214 = arith.constant 1 : i32
        %add3A_215 = arith.addi %add3A_196, %add3A_214 : i32
        %lt3A_216 = arith.cmpi slt, %add3A_215, %select_n3A_99 : i32
        %convert_element_type3A_217 = arith.extui %lt3A_216 : i1 to i32
        %cond3A_218 = arith.constant 0 : i32
        %cond3A_219 = arith.cmpi ne, %convert_element_type3A_217, %cond3A_218 : i32
        scf.if %cond3A_219 {
          %add3A_292 = arith.constant 1 : i32
          %add3A_293 = arith.addi %add3A_196, %add3A_292 : i32
          %mul3A_294 = arith.constant 32 : i32
          %mul3A_295 = arith.muli %add3A_293, %mul3A_294 : i32
          %dma_start3A_296 = arith.constant 1 : i32
          %dma_start3A_297 = arith.constant 0 : i32
          %dma_start3A_298 = arith.constant 0 : i32
          %dma_start3A_299 = tpu.memref_slice %arg12[%dma_start3A_296, %dma_start3A_297, %dma_start3A_298] : memref<2x32x1024xf32, #tpu.memory_space<vmem>> -> memref<1x32x1024xf32, #tpu.memory_space<vmem>>
          %dma_start3A_300 = tpu.memref_squeeze %dma_start3A_299 : memref<1x32x1024xf32, #tpu.memory_space<vmem>> -> memref<32x1024xf32, #tpu.memory_space<vmem>>
          %dma_start3A_301 = tpu.memref_slice %arg9[%mul3A_295] : memref<1056xi32, #tpu.memory_space<vmem>> -> memref<32xi32, #tpu.memory_space<vmem>>
          %dma_start3A_302 = arith.constant 0 : i32
          %dma_start3A_303 = arith.constant 0 : i32
          %dma_start3A_304 = tpu.memref_slice %arg5[%dma_start3A_302, %dma_start3A_303] : memref<4096x1024xf32, #tpu.memory_space<hbm>> -> memref<4096x1024xf32, #tpu.memory_space<hbm>>
          tpu.enqueue_indirect_dma source(%dma_start3A_304 : memref<4096x1024xf32, #tpu.memory_space<hbm>>) target(%dma_start3A_300 : memref<32x1024xf32, #tpu.memory_space<vmem>>) offsets(%dma_start3A_301 : memref<32xi32, #tpu.memory_space<vmem>>) semaphore(%arg14 : memref<!tpu.dma_semaphore, #tpu.memory_space<semaphore_mem>>)
        } else {
        }
        %mul3A_220 = arith.constant 32 : i32
        %mul3A_221 = arith.muli %add3A_196, %mul3A_220 : i32
        %dma_wait3A = arith.constant 0 : i32
        %dma_wait3A_222 = arith.constant 0 : i32
        %dma_wait3A_223 = arith.constant 0 : i32
        %dma_wait3A_224 = tpu.memref_slice %arg12[%dma_wait3A, %dma_wait3A_222, %dma_wait3A_223] : memref<2x32x1024xf32, #tpu.memory_space<vmem>> -> memref<1x32x1024xf32, #tpu.memory_space<vmem>>
        %dma_wait3A_225 = tpu.memref_squeeze %dma_wait3A_224 : memref<1x32x1024xf32, #tpu.memory_space<vmem>> -> memref<32x1024xf32, #tpu.memory_space<vmem>>
        %dma_wait3A_226 = tpu.memref_slice %arg9[%mul3A_221] : memref<1056xi32, #tpu.memory_space<vmem>> -> memref<32xi32, #tpu.memory_space<vmem>>
        %dma_wait3A_227 = arith.constant 0 : i32
        %dma_wait3A_228 = arith.constant 0 : i32
        %dma_wait3A_229 = tpu.memref_slice %arg5[%dma_wait3A_227, %dma_wait3A_228] : memref<4096x1024xf32, #tpu.memory_space<hbm>> -> memref<4096x1024xf32, #tpu.memory_space<hbm>>
        tpu.wait_indirect_dma semaphore(%arg13 : memref<!tpu.dma_semaphore, #tpu.memory_space<semaphore_mem>>) src(%dma_wait3A_229 : memref<4096x1024xf32, #tpu.memory_space<hbm>>) dst(%dma_wait3A_225 : memref<32x1024xf32, #tpu.memory_space<vmem>>)
        %mul3A_230 = arith.constant 32 : i32
        %mul3A_231 = arith.muli %add3A_196, %mul3A_230 : i32
        %add3A_232 = arith.constant 0 : i32
        %add3A_233 = arith.addi %mul3A_231, %add3A_232 : i32
        %add3A_234 = vector.broadcast %add3A_233 : i32 to vector<16xi32>
        %add3A_235 = arith.addi %add3A_234, %iota3A : vector<16xi32>
        %lt3A_236 = vector.broadcast %sub3A_38 : i32 to vector<16xi32>
        %lt3A_237 = arith.cmpi slt, %add3A_235, %lt3A_236 : vector<16xi32>
        %mul3A_238 = arith.constant 4096 : i32
        %mul3A_239 = arith.muli %select_n3A_9, %mul3A_238 : i32
        %add3A_240 = arith.addi %mul3A_239, %squeeze3A : i32
        %add3A_241 = vector.broadcast %add3A_240 : i32 to vector<16xi32>
        %add3A_242 = arith.addi %add3A_241, %add3A_235 : vector<16xi32>
        %add3A_243 = arith.constant 32768 : i32
        %add3A_244 = vector.broadcast %add3A_243 : i32 to vector<16xi32>
        %add3A_245 = arith.addi %add3A_244, %iota3A : vector<16xi32>
        %select_n3A_246 = arith.select %lt3A_237, %add3A_242, %add3A_245 : vector<16xi1>, vector<16xi32>
        %swap3A_247 = arith.constant 0 : i32
        %swap3A_248 = arith.constant 0 : i32
        %swap3A_249 = arith.index_cast %swap3A_247 : i32 to index
        %swap3A_250 = arith.index_cast %swap3A_248 : i32 to index
        %swap3A_251 = arith.constant 0 : index
        %swap3A_252 = tpu.vector_load %arg11[%swap3A_249, %swap3A_250, %swap3A_251] {strides = array<i32>} : memref<2x1x32xi32, #tpu.memory_space<vmem>>, vector<16xi32>,
        tpu.vector_store %arg11[%swap3A_249, %swap3A_250, %swap3A_251], %select_n3A_246 {strides = array<i32>} : memref<2x1x32xi32, #tpu.memory_space<vmem>>, vector<16xi32>,
        %mul3A_253 = arith.constant 32 : i32
        %mul3A_254 = arith.muli %add3A_196, %mul3A_253 : i32
        %add3A_255 = arith.constant 16 : i32
        %add3A_256 = arith.addi %mul3A_254, %add3A_255 : i32
        %add3A_257 = vector.broadcast %add3A_256 : i32 to vector<16xi32>
        %add3A_258 = arith.addi %add3A_257, %iota3A : vector<16xi32>
        %lt3A_259 = vector.broadcast %sub3A_38 : i32 to vector<16xi32>
        %lt3A_260 = arith.cmpi slt, %add3A_258, %lt3A_259 : vector<16xi32>
        %mul3A_261 = arith.constant 4096 : i32
        %mul3A_262 = arith.muli %select_n3A_9, %mul3A_261 : i32
        %add3A_263 = arith.addi %mul3A_262, %squeeze3A : i32
        %add3A_264 = vector.broadcast %add3A_263 : i32 to vector<16xi32>
        %add3A_265 = arith.addi %add3A_264, %add3A_258 : vector<16xi32>
        %add3A_266 = arith.constant 32768 : i32
        %add3A_267 = vector.broadcast %add3A_266 : i32 to vector<16xi32>
        %add3A_268 = arith.addi %add3A_267, %iota3A : vector<16xi32>
        %select_n3A_269 = arith.select %lt3A_260, %add3A_265, %add3A_268 : vector<16xi1>, vector<16xi32>
        %swap3A_270 = arith.constant 0 : i32
        %swap3A_271 = arith.constant 0 : i32
        %swap3A_272 = arith.index_cast %swap3A_270 : i32 to index
        %swap3A_273 = arith.index_cast %swap3A_271 : i32 to index
        %swap3A_274 = arith.constant 16 : index
        %swap3A_275 = tpu.vector_load %arg11[%swap3A_272, %swap3A_273, %swap3A_274] {strides = array<i32>} : memref<2x1x32xi32, #tpu.memory_space<vmem>>, vector<16xi32>,
        tpu.vector_store %arg11[%swap3A_272, %swap3A_273, %swap3A_274], %select_n3A_269 {strides = array<i32>} : memref<2x1x32xi32, #tpu.memory_space<vmem>>, vector<16xi32>,
        %dma_start3A = arith.constant 0 : i32
        %dma_start3A_276 = arith.constant 0 : i32
        %dma_start3A_277 = arith.constant 0 : i32
        %dma_start3A_278 = arith.constant 0 : i32
        %dma_start3A_279 = arith.constant 0 : i32
        %dma_start3A_280 = tpu.memref_slice %arg12[%dma_start3A, %dma_start3A_278, %dma_start3A_279] : memref<2x32x1024xf32, #tpu.memory_space<vmem>> -> memref<1x32x1024xf32, #tpu.memory_space<vmem>>
        %dma_start3A_281 = tpu.memref_squeeze %dma_start3A_280 : memref<1x32x1024xf32, #tpu.memory_space<vmem>> -> memref<32x1024xf32, #tpu.memory_space<vmem>>
        %dma_start3A_282 = arith.constant 0 : i32
        %dma_start3A_283 = arith.constant 0 : i32
        %dma_start3A_284 = tpu.memref_slice %arg11[%dma_start3A_276, %dma_start3A_282, %dma_start3A_283] : memref<2x1x32xi32, #tpu.memory_space<vmem>> -> memref<1x1x32xi32, #tpu.memory_space<vmem>>
        %dma_start3A_285 = tpu.memref_squeeze %dma_start3A_284 : memref<1x1x32xi32, #tpu.memory_space<vmem>> -> memref<1x32xi32, #tpu.memory_space<vmem>>
        %dma_start3A_286 = arith.constant 0 : i32
        %dma_start3A_287 = tpu.memref_slice %dma_start3A_285[%dma_start3A_277, %dma_start3A_286] : memref<1x32xi32, #tpu.memory_space<vmem>> -> memref<1x32xi32, #tpu.memory_space<vmem>>
        %dma_start3A_288 = tpu.memref_squeeze %dma_start3A_287 : memref<1x32xi32, #tpu.memory_space<vmem>> -> memref<32xi32, #tpu.memory_space<vmem>>
        %dma_start3A_289 = arith.constant 0 : i32
        %dma_start3A_290 = arith.constant 0 : i32
        %dma_start3A_291 = tpu.memref_slice %arg6[%dma_start3A_289, %dma_start3A_290] : memref<32784x1024xf32, #tpu.memory_space<hbm>> -> memref<32784x1024xf32, #tpu.memory_space<hbm>>
        tpu.enqueue_indirect_dma source(%dma_start3A_281 : memref<32x1024xf32, #tpu.memory_space<vmem>>) target(%dma_start3A_291 : memref<32784x1024xf32, #tpu.memory_space<hbm>>) offsets(%dma_start3A_288 : memref<32xi32, #tpu.memory_space<vmem>>) semaphore(%arg15 : memref<!tpu.dma_semaphore, #tpu.memory_space<semaphore_mem>>)
      } else {
      }
      %mul3A_201 = arith.constant 2 : i32
      %mul3A_202 = arith.muli %while3A_191, %mul3A_201 : i32
      %add3A_203 = arith.constant 1 : i32
      %add3A_204 = arith.addi %mul3A_202, %add3A_203 : i32
      %lt3A_205 = arith.cmpi slt, %add3A_204, %select_n3A_99 : i32
      %convert_element_type3A_206 = arith.extui %lt3A_205 : i1 to i32
      %cond3A_207 = arith.constant 0 : i32
      %cond3A_208 = arith.cmpi ne, %convert_element_type3A_206, %cond3A_207 : i32
      scf.if %cond3A_208 {
        %ge3A = arith.constant 1 : i32
        %ge3A_210 = arith.cmpi sge, %add3A_204, %ge3A : i32
        %convert_element_type3A_211 = arith.extui %ge3A_210 : i1 to i32
        %cond3A_212 = arith.constant 0 : i32
        %cond3A_213 = arith.cmpi ne, %convert_element_type3A_211, %cond3A_212 : i32
        scf.if %cond3A_213 {
          %dma_wait3A_292 = arith.constant 0 : i32
          %dma_wait3A_293 = arith.constant 0 : i32
          %dma_wait3A_294 = arith.constant 0 : i32
          %dma_wait3A_295 = arith.constant 0 : i32
          %dma_wait3A_296 = arith.constant 0 : i32
          %dma_wait3A_297 = tpu.memref_slice %arg12[%dma_wait3A_292, %dma_wait3A_295, %dma_wait3A_296] : memref<2x32x1024xf32, #tpu.memory_space<vmem>> -> memref<1x32x1024xf32, #tpu.memory_space<vmem>>
          %dma_wait3A_298 = tpu.memref_squeeze %dma_wait3A_297 : memref<1x32x1024xf32, #tpu.memory_space<vmem>> -> memref<32x1024xf32, #tpu.memory_space<vmem>>
          %dma_wait3A_299 = arith.constant 0 : i32
          %dma_wait3A_300 = arith.constant 0 : i32
          %dma_wait3A_301 = tpu.memref_slice %arg11[%dma_wait3A_293, %dma_wait3A_299, %dma_wait3A_300] : memref<2x1x32xi32, #tpu.memory_space<vmem>> -> memref<1x1x32xi32, #tpu.memory_space<vmem>>
          %dma_wait3A_302 = tpu.memref_squeeze %dma_wait3A_301 : memref<1x1x32xi32, #tpu.memory_space<vmem>> -> memref<1x32xi32, #tpu.memory_space<vmem>>
          %dma_wait3A_303 = arith.constant 0 : i32
          %dma_wait3A_304 = tpu.memref_slice %dma_wait3A_302[%dma_wait3A_294, %dma_wait3A_303] : memref<1x32xi32, #tpu.memory_space<vmem>> -> memref<1x32xi32, #tpu.memory_space<vmem>>
          %dma_wait3A_305 = tpu.memref_squeeze %dma_wait3A_304 : memref<1x32xi32, #tpu.memory_space<vmem>> -> memref<32xi32, #tpu.memory_space<vmem>>
          %dma_wait3A_306 = arith.constant 0 : i32
          %dma_wait3A_307 = arith.constant 0 : i32
          %dma_wait3A_308 = tpu.memref_slice %arg6[%dma_wait3A_306, %dma_wait3A_307] : memref<32784x1024xf32, #tpu.memory_space<hbm>> -> memref<32784x1024xf32, #tpu.memory_space<hbm>>
          tpu.wait_indirect_dma semaphore(%arg15 : memref<!tpu.dma_semaphore, #tpu.memory_space<semaphore_mem>>) src(%dma_wait3A_298 : memref<32x1024xf32, #tpu.memory_space<vmem>>) dst(%dma_wait3A_308 : memref<32784x1024xf32, #tpu.memory_space<hbm>>)
        } else {
        }
        %add3A_214 = arith.constant 1 : i32
        %add3A_215 = arith.addi %add3A_204, %add3A_214 : i32
        %lt3A_216 = arith.cmpi slt, %add3A_215, %select_n3A_99 : i32
        %convert_element_type3A_217 = arith.extui %lt3A_216 : i1 to i32
        %cond3A_218 = arith.constant 0 : i32
        %cond3A_219 = arith.cmpi ne, %convert_element_type3A_217, %cond3A_218 : i32
        scf.if %cond3A_219 {
          %add3A_292 = arith.constant 1 : i32
          %add3A_293 = arith.addi %add3A_204, %add3A_292 : i32
          %mul3A_294 = arith.constant 32 : i32
          %mul3A_295 = arith.muli %add3A_293, %mul3A_294 : i32
          %dma_start3A_296 = arith.constant 0 : i32
          %dma_start3A_297 = arith.constant 0 : i32
          %dma_start3A_298 = arith.constant 0 : i32
          %dma_start3A_299 = tpu.memref_slice %arg12[%dma_start3A_296, %dma_start3A_297, %dma_start3A_298] : memref<2x32x1024xf32, #tpu.memory_space<vmem>> -> memref<1x32x1024xf32, #tpu.memory_space<vmem>>
          %dma_start3A_300 = tpu.memref_squeeze %dma_start3A_299 : memref<1x32x1024xf32, #tpu.memory_space<vmem>> -> memref<32x1024xf32, #tpu.memory_space<vmem>>
          %dma_start3A_301 = tpu.memref_slice %arg9[%mul3A_295] : memref<1056xi32, #tpu.memory_space<vmem>> -> memref<32xi32, #tpu.memory_space<vmem>>
          %dma_start3A_302 = arith.constant 0 : i32
          %dma_start3A_303 = arith.constant 0 : i32
          %dma_start3A_304 = tpu.memref_slice %arg5[%dma_start3A_302, %dma_start3A_303] : memref<4096x1024xf32, #tpu.memory_space<hbm>> -> memref<4096x1024xf32, #tpu.memory_space<hbm>>
          tpu.enqueue_indirect_dma source(%dma_start3A_304 : memref<4096x1024xf32, #tpu.memory_space<hbm>>) target(%dma_start3A_300 : memref<32x1024xf32, #tpu.memory_space<vmem>>) offsets(%dma_start3A_301 : memref<32xi32, #tpu.memory_space<vmem>>) semaphore(%arg13 : memref<!tpu.dma_semaphore, #tpu.memory_space<semaphore_mem>>)
        } else {
        }
        %mul3A_220 = arith.constant 32 : i32
        %mul3A_221 = arith.muli %add3A_204, %mul3A_220 : i32
        %dma_wait3A = arith.constant 1 : i32
        %dma_wait3A_222 = arith.constant 0 : i32
        %dma_wait3A_223 = arith.constant 0 : i32
        %dma_wait3A_224 = tpu.memref_slice %arg12[%dma_wait3A, %dma_wait3A_222, %dma_wait3A_223] : memref<2x32x1024xf32, #tpu.memory_space<vmem>> -> memref<1x32x1024xf32, #tpu.memory_space<vmem>>
        %dma_wait3A_225 = tpu.memref_squeeze %dma_wait3A_224 : memref<1x32x1024xf32, #tpu.memory_space<vmem>> -> memref<32x1024xf32, #tpu.memory_space<vmem>>
        %dma_wait3A_226 = tpu.memref_slice %arg9[%mul3A_221] : memref<1056xi32, #tpu.memory_space<vmem>> -> memref<32xi32, #tpu.memory_space<vmem>>
        %dma_wait3A_227 = arith.constant 0 : i32
        %dma_wait3A_228 = arith.constant 0 : i32
        %dma_wait3A_229 = tpu.memref_slice %arg5[%dma_wait3A_227, %dma_wait3A_228] : memref<4096x1024xf32, #tpu.memory_space<hbm>> -> memref<4096x1024xf32, #tpu.memory_space<hbm>>
        tpu.wait_indirect_dma semaphore(%arg14 : memref<!tpu.dma_semaphore, #tpu.memory_space<semaphore_mem>>) src(%dma_wait3A_229 : memref<4096x1024xf32, #tpu.memory_space<hbm>>) dst(%dma_wait3A_225 : memref<32x1024xf32, #tpu.memory_space<vmem>>)
        %mul3A_230 = arith.constant 32 : i32
        %mul3A_231 = arith.muli %add3A_204, %mul3A_230 : i32
        %add3A_232 = arith.constant 0 : i32
        %add3A_233 = arith.addi %mul3A_231, %add3A_232 : i32
        %add3A_234 = vector.broadcast %add3A_233 : i32 to vector<16xi32>
        %add3A_235 = arith.addi %add3A_234, %iota3A : vector<16xi32>
        %lt3A_236 = vector.broadcast %sub3A_38 : i32 to vector<16xi32>
        %lt3A_237 = arith.cmpi slt, %add3A_235, %lt3A_236 : vector<16xi32>
        %mul3A_238 = arith.constant 4096 : i32
        %mul3A_239 = arith.muli %select_n3A_9, %mul3A_238 : i32
        %add3A_240 = arith.addi %mul3A_239, %squeeze3A : i32
        %add3A_241 = vector.broadcast %add3A_240 : i32 to vector<16xi32>
        %add3A_242 = arith.addi %add3A_241, %add3A_235 : vector<16xi32>
        %add3A_243 = arith.constant 32768 : i32
        %add3A_244 = vector.broadcast %add3A_243 : i32 to vector<16xi32>
        %add3A_245 = arith.addi %add3A_244, %iota3A : vector<16xi32>
        %select_n3A_246 = arith.select %lt3A_237, %add3A_242, %add3A_245 : vector<16xi1>, vector<16xi32>
        %swap3A_247 = arith.constant 1 : i32
        %swap3A_248 = arith.constant 0 : i32
        %swap3A_249 = arith.index_cast %swap3A_247 : i32 to index
        %swap3A_250 = arith.index_cast %swap3A_248 : i32 to index
        %swap3A_251 = arith.constant 0 : index
        %swap3A_252 = tpu.vector_load %arg11[%swap3A_249, %swap3A_250, %swap3A_251] {strides = array<i32>} : memref<2x1x32xi32, #tpu.memory_space<vmem>>, vector<16xi32>,
        tpu.vector_store %arg11[%swap3A_249, %swap3A_250, %swap3A_251], %select_n3A_246 {strides = array<i32>} : memref<2x1x32xi32, #tpu.memory_space<vmem>>, vector<16xi32>,
        %mul3A_253 = arith.constant 32 : i32
        %mul3A_254 = arith.muli %add3A_204, %mul3A_253 : i32
        %add3A_255 = arith.constant 16 : i32
        %add3A_256 = arith.addi %mul3A_254, %add3A_255 : i32
        %add3A_257 = vector.broadcast %add3A_256 : i32 to vector<16xi32>
        %add3A_258 = arith.addi %add3A_257, %iota3A : vector<16xi32>
        %lt3A_259 = vector.broadcast %sub3A_38 : i32 to vector<16xi32>
        %lt3A_260 = arith.cmpi slt, %add3A_258, %lt3A_259 : vector<16xi32>
        %mul3A_261 = arith.constant 4096 : i32
        %mul3A_262 = arith.muli %select_n3A_9, %mul3A_261 : i32
        %add3A_263 = arith.addi %mul3A_262, %squeeze3A : i32
        %add3A_264 = vector.broadcast %add3A_263 : i32 to vector<16xi32>
        %add3A_265 = arith.addi %add3A_264, %add3A_258 : vector<16xi32>
        %add3A_266 = arith.constant 32768 : i32
        %add3A_267 = vector.broadcast %add3A_266 : i32 to vector<16xi32>
        %add3A_268 = arith.addi %add3A_267, %iota3A : vector<16xi32>
        %select_n3A_269 = arith.select %lt3A_260, %add3A_265, %add3A_268 : vector<16xi1>, vector<16xi32>
        %swap3A_270 = arith.constant 1 : i32
        %swap3A_271 = arith.constant 0 : i32
        %swap3A_272 = arith.index_cast %swap3A_270 : i32 to index
        %swap3A_273 = arith.index_cast %swap3A_271 : i32 to index
        %swap3A_274 = arith.constant 16 : index
        %swap3A_275 = tpu.vector_load %arg11[%swap3A_272, %swap3A_273, %swap3A_274] {strides = array<i32>} : memref<2x1x32xi32, #tpu.memory_space<vmem>>, vector<16xi32>,
        tpu.vector_store %arg11[%swap3A_272, %swap3A_273, %swap3A_274], %select_n3A_269 {strides = array<i32>} : memref<2x1x32xi32, #tpu.memory_space<vmem>>, vector<16xi32>,
        %dma_start3A = arith.constant 1 : i32
        %dma_start3A_276 = arith.constant 1 : i32
        %dma_start3A_277 = arith.constant 0 : i32
        %dma_start3A_278 = arith.constant 0 : i32
        %dma_start3A_279 = arith.constant 0 : i32
        %dma_start3A_280 = tpu.memref_slice %arg12[%dma_start3A, %dma_start3A_278, %dma_start3A_279] : memref<2x32x1024xf32, #tpu.memory_space<vmem>> -> memref<1x32x1024xf32, #tpu.memory_space<vmem>>
        %dma_start3A_281 = tpu.memref_squeeze %dma_start3A_280 : memref<1x32x1024xf32, #tpu.memory_space<vmem>> -> memref<32x1024xf32, #tpu.memory_space<vmem>>
        %dma_start3A_282 = arith.constant 0 : i32
        %dma_start3A_283 = arith.constant 0 : i32
        %dma_start3A_284 = tpu.memref_slice %arg11[%dma_start3A_276, %dma_start3A_282, %dma_start3A_283] : memref<2x1x32xi32, #tpu.memory_space<vmem>> -> memref<1x1x32xi32, #tpu.memory_space<vmem>>
        %dma_start3A_285 = tpu.memref_squeeze %dma_start3A_284 : memref<1x1x32xi32, #tpu.memory_space<vmem>> -> memref<1x32xi32, #tpu.memory_space<vmem>>
        %dma_start3A_286 = arith.constant 0 : i32
        %dma_start3A_287 = tpu.memref_slice %dma_start3A_285[%dma_start3A_277, %dma_start3A_286] : memref<1x32xi32, #tpu.memory_space<vmem>> -> memref<1x32xi32, #tpu.memory_space<vmem>>
        %dma_start3A_288 = tpu.memref_squeeze %dma_start3A_287 : memref<1x32xi32, #tpu.memory_space<vmem>> -> memref<32xi32, #tpu.memory_space<vmem>>
        %dma_start3A_289 = arith.constant 0 : i32
        %dma_start3A_290 = arith.constant 0 : i32
        %dma_start3A_291 = tpu.memref_slice %arg6[%dma_start3A_289, %dma_start3A_290] : memref<32784x1024xf32, #tpu.memory_space<hbm>> -> memref<32784x1024xf32, #tpu.memory_space<hbm>>
        tpu.enqueue_indirect_dma source(%dma_start3A_281 : memref<32x1024xf32, #tpu.memory_space<vmem>>) target(%dma_start3A_291 : memref<32784x1024xf32, #tpu.memory_space<hbm>>) offsets(%dma_start3A_288 : memref<32xi32, #tpu.memory_space<vmem>>) semaphore(%arg16 : memref<!tpu.dma_semaphore, #tpu.memory_space<semaphore_mem>>)
      } else {
      }
      %while3A_209 = arith.constant 0 : i32
      scf.yield %while3A_209 : i32
    }
    %gt3A_139 = arith.constant 0 : i32
    %gt3A_140 = arith.cmpi sgt, %select_n3A_99, %gt3A_139 : i32
    %sub3A_141 = arith.constant 1 : i32
    %sub3A_142 = arith.subi %select_n3A_99, %sub3A_141 : i32
    %jit3A_143 = arith.constant 2 : i32
    %eq3A_144 = arith.constant 0 : i32
    %eq3A_145 = arith.cmpi eq, %jit3A_143, %eq3A_144 : i32
    %jit3A_146 = arith.constant 1 : i32
    %select_n3A_147 = arith.select %eq3A_145, %jit3A_146, %jit3A_143 : i32
    %rem3A_148 = arith.remsi %sub3A_142, %select_n3A_147 : i32
    %ne3A_149 = arith.constant 0 : i32
    %ne3A_150 = arith.cmpi ne, %rem3A_148, %ne3A_149 : i32
    %lt3A_151 = arith.constant 0 : i32
    %lt3A_152 = arith.cmpi slt, %rem3A_148, %lt3A_151 : i32
    %lt3A_153 = arith.constant 0 : i32
    %lt3A_154 = arith.cmpi slt, %select_n3A_147, %lt3A_153 : i32
    %ne3A_155 = arith.xori %lt3A_152, %lt3A_154 : i1
    %and3A_156 = arith.andi %ne3A_155, %ne3A_150 : i1
    %add3A_157 = arith.addi %rem3A_148, %select_n3A_147 : i32
    %select_n3A_158 = arith.select %and3A_156, %add3A_157, %rem3A_148 : i32
    %eq3A_159 = arith.constant 0 : i32
    %eq3A_160 = arith.cmpi eq, %select_n3A_158, %eq3A_159 : i32
    %and3A_161 = arith.andi %gt3A_140, %eq3A_160 : i1
    %convert_element_type3A_162 = arith.extui %and3A_161 : i1 to i32
    %cond3A_163 = arith.constant 0 : i32
    %cond3A_164 = arith.cmpi ne, %convert_element_type3A_162, %cond3A_163 : i32
    scf.if %cond3A_164 {
      %dma_wait3A = arith.constant 0 : i32
      %dma_wait3A_191 = arith.constant 0 : i32
      %dma_wait3A_192 = arith.constant 0 : i32
      %dma_wait3A_193 = arith.constant 0 : i32
      %dma_wait3A_194 = arith.constant 0 : i32
      %dma_wait3A_195 = tpu.memref_slice %arg12[%dma_wait3A, %dma_wait3A_193, %dma_wait3A_194] : memref<2x32x1024xf32, #tpu.memory_space<vmem>> -> memref<1x32x1024xf32, #tpu.memory_space<vmem>>
      %dma_wait3A_196 = tpu.memref_squeeze %dma_wait3A_195 : memref<1x32x1024xf32, #tpu.memory_space<vmem>> -> memref<32x1024xf32, #tpu.memory_space<vmem>>
      %dma_wait3A_197 = arith.constant 0 : i32
      %dma_wait3A_198 = arith.constant 0 : i32
      %dma_wait3A_199 = tpu.memref_slice %arg11[%dma_wait3A_191, %dma_wait3A_197, %dma_wait3A_198] : memref<2x1x32xi32, #tpu.memory_space<vmem>> -> memref<1x1x32xi32, #tpu.memory_space<vmem>>
      %dma_wait3A_200 = tpu.memref_squeeze %dma_wait3A_199 : memref<1x1x32xi32, #tpu.memory_space<vmem>> -> memref<1x32xi32, #tpu.memory_space<vmem>>
      %dma_wait3A_201 = arith.constant 0 : i32
      %dma_wait3A_202 = tpu.memref_slice %dma_wait3A_200[%dma_wait3A_192, %dma_wait3A_201] : memref<1x32xi32, #tpu.memory_space<vmem>> -> memref<1x32xi32, #tpu.memory_space<vmem>>
      %dma_wait3A_203 = tpu.memref_squeeze %dma_wait3A_202 : memref<1x32xi32, #tpu.memory_space<vmem>> -> memref<32xi32, #tpu.memory_space<vmem>>
      %dma_wait3A_204 = arith.constant 0 : i32
      %dma_wait3A_205 = arith.constant 0 : i32
      %dma_wait3A_206 = tpu.memref_slice %arg6[%dma_wait3A_204, %dma_wait3A_205] : memref<32784x1024xf32, #tpu.memory_space<hbm>> -> memref<32784x1024xf32, #tpu.memory_space<hbm>>
      tpu.wait_indirect_dma semaphore(%arg15 : memref<!tpu.dma_semaphore, #tpu.memory_space<semaphore_mem>>) src(%dma_wait3A_196 : memref<32x1024xf32, #tpu.memory_space<vmem>>) dst(%dma_wait3A_206 : memref<32784x1024xf32, #tpu.memory_space<hbm>>)
    } else {
    }
    %gt3A_165 = arith.constant 0 : i32
    %gt3A_166 = arith.cmpi sgt, %select_n3A_99, %gt3A_165 : i32
    %sub3A_167 = arith.constant 1 : i32
    %sub3A_168 = arith.subi %select_n3A_99, %sub3A_167 : i32
    %jit3A_169 = arith.constant 2 : i32
    %eq3A_170 = arith.constant 0 : i32
    %eq3A_171 = arith.cmpi eq, %jit3A_169, %eq3A_170 : i32
    %jit3A_172 = arith.constant 1 : i32
    %select_n3A_173 = arith.select %eq3A_171, %jit3A_172, %jit3A_169 : i32
    %rem3A_174 = arith.remsi %sub3A_168, %select_n3A_173 : i32
    %ne3A_175 = arith.constant 0 : i32
    %ne3A_176 = arith.cmpi ne, %rem3A_174, %ne3A_175 : i32
    %lt3A_177 = arith.constant 0 : i32
    %lt3A_178 = arith.cmpi slt, %rem3A_174, %lt3A_177 : i32
    %lt3A_179 = arith.constant 0 : i32
    %lt3A_180 = arith.cmpi slt, %select_n3A_173, %lt3A_179 : i32
    %ne3A_181 = arith.xori %lt3A_178, %lt3A_180 : i1
    %and3A_182 = arith.andi %ne3A_181, %ne3A_176 : i1
    %add3A_183 = arith.addi %rem3A_174, %select_n3A_173 : i32
    %select_n3A_184 = arith.select %and3A_182, %add3A_183, %rem3A_174 : i32
    %eq3A_185 = arith.constant 1 : i32
    %eq3A_186 = arith.cmpi eq, %select_n3A_184, %eq3A_185 : i32
    %and3A_187 = arith.andi %gt3A_166, %eq3A_186 : i1
    %convert_element_type3A_188 = arith.extui %and3A_187 : i1 to i32
    %cond3A_189 = arith.constant 0 : i32
    %cond3A_190 = arith.cmpi ne, %convert_element_type3A_188, %cond3A_189 : i32
    scf.if %cond3A_190 {
      %dma_wait3A = arith.constant 1 : i32
      %dma_wait3A_191 = arith.constant 1 : i32
      %dma_wait3A_192 = arith.constant 0 : i32
      %dma_wait3A_193 = arith.constant 0 : i32
      %dma_wait3A_194 = arith.constant 0 : i32
      %dma_wait3A_195 = tpu.memref_slice %arg12[%dma_wait3A, %dma_wait3A_193, %dma_wait3A_194] : memref<2x32x1024xf32, #tpu.memory_space<vmem>> -> memref<1x32x1024xf32, #tpu.memory_space<vmem>>
      %dma_wait3A_196 = tpu.memref_squeeze %dma_wait3A_195 : memref<1x32x1024xf32, #tpu.memory_space<vmem>> -> memref<32x1024xf32, #tpu.memory_space<vmem>>
      %dma_wait3A_197 = arith.constant 0 : i32
      %dma_wait3A_198 = arith.constant 0 : i32
      %dma_wait3A_199 = tpu.memref_slice %arg11[%dma_wait3A_191, %dma_wait3A_197, %dma_wait3A_198] : memref<2x1x32xi32, #tpu.memory_space<vmem>> -> memref<1x1x32xi32, #tpu.memory_space<vmem>>
      %dma_wait3A_200 = tpu.memref_squeeze %dma_wait3A_199 : memref<1x1x32xi32, #tpu.memory_space<vmem>> -> memref<1x32xi32, #tpu.memory_space<vmem>>
      %dma_wait3A_201 = arith.constant 0 : i32
      %dma_wait3A_202 = tpu.memref_slice %dma_wait3A_200[%dma_wait3A_192, %dma_wait3A_201] : memref<1x32xi32, #tpu.memory_space<vmem>> -> memref<1x32xi32, #tpu.memory_space<vmem>>
      %dma_wait3A_203 = tpu.memref_squeeze %dma_wait3A_202 : memref<1x32xi32, #tpu.memory_space<vmem>> -> memref<32xi32, #tpu.memory_space<vmem>>
      %dma_wait3A_204 = arith.constant 0 : i32
      %dma_wait3A_205 = arith.constant 0 : i32
      %dma_wait3A_206 = tpu.memref_slice %arg6[%dma_wait3A_204, %dma_wait3A_205] : memref<32784x1024xf32, #tpu.memory_space<hbm>> -> memref<32784x1024xf32, #tpu.memory_space<hbm>>
      tpu.wait_indirect_dma semaphore(%arg16 : memref<!tpu.dma_semaphore, #tpu.memory_space<semaphore_mem>>) src(%dma_wait3A_196 : memref<32x1024xf32, #tpu.memory_space<vmem>>) dst(%dma_wait3A_206 : memref<32784x1024xf32, #tpu.memory_space<hbm>>)
    } else {
    }
    return
  }
}

module attributes {stable_mosaic.version = 14 : i64} {
  func.func @_router_body(%arg0: i32, %arg1: memref<1xf32, #tpu.memory_space<smem>>, %arg2: memref<512x1024xf32, #tpu.memory_space<vmem>>, %arg3: memref<1024x512xf32, #tpu.memory_space<vmem>>, %arg4: memref<1x512xf32, #tpu.memory_space<vmem>>, %arg5: memref<512x128xf32, #tpu.memory_space<vmem>>, %arg6: memref<1024x8xf32, #tpu.memory_space<vmem>>, %arg7: memref<1x8xf32, #tpu.memory_space<vmem>>, %arg8: memref<512x8xf32, #tpu.memory_space<vmem>>, %arg9: memref<512x8xi32, #tpu.memory_space<vmem>>, %arg10: memref<512x8xi32, #tpu.memory_space<vmem>>, %arg11: memref<1x8xf32, #tpu.memory_space<vmem>>) attributes {dimension_semantics = [#tpu.dimension_semantics<arbitrary>], iteration_bounds = array<i64: 8>, scalar_prefetch = 1 : i64, scratch_operands = 1 : i64, tpu.core_type = #tpu.core_type<tc>, window_params = [{transform_indices = @transform_0, window_bounds = array<i64: 512, 1024>}, {pipeline_mode = #tpu.pipeline_mode<synchronous>, transform_indices = @transform_1, window_bounds = array<i64: 1024, 512>}, {pipeline_mode = #tpu.pipeline_mode<synchronous>, transform_indices = @transform_2, window_bounds = array<i64: 1, 512>}, {pipeline_mode = #tpu.pipeline_mode<synchronous>, transform_indices = @transform_3, window_bounds = array<i64: 512, 128>}, {pipeline_mode = #tpu.pipeline_mode<synchronous>, transform_indices = @transform_4, window_bounds = array<i64: 1024, 8>}, {pipeline_mode = #tpu.pipeline_mode<synchronous>, transform_indices = @transform_5, window_bounds = array<i64: 1, 8>}, {transform_indices = @transform_6, window_bounds = array<i64: 512, 8>}, {transform_indices = @transform_7, window_bounds = array<i64: 512, 8>}, {transform_indices = @transform_8, window_bounds = array<i64: 512, 8>}]} {
    %eq3A = arith.constant 0 : i32
    %eq3A_0 = arith.cmpi eq, %arg0, %eq3A : i32
    %convert_element_type3A = arith.extui %eq3A_0 : i1 to i32
    %cond3A = arith.constant 0 : i32
    %cond3A_1 = arith.cmpi ne, %convert_element_type3A, %cond3A : i32
    scf.if %cond3A_1 {
      %broadcast_in_dim3A_226 = arith.constant 0.000000e+00 : f32
      %broadcast_in_dim3A_227 = vector.broadcast %broadcast_in_dim3A_226 : f32 to vector<1x8xf32>
      %swap3A_228 = arith.constant 0 : index
      %swap3A_229 = arith.constant 0 : index
      %swap3A_230 = vector.load %arg11[%swap3A_228, %swap3A_229] : memref<1x8xf32, #tpu.memory_space<vmem>>, vector<1x8xf32>
      tpu.vector_store %arg11[%swap3A_228, %swap3A_229], %broadcast_in_dim3A_227 {strides = array<i32>} : memref<1x8xf32, #tpu.memory_space<vmem>>, vector<1x8xf32>,
    } else {
    }
    %get3A = arith.constant 0 : index
    %get3A_2 = arith.constant 0 : index
    %get3A_3 = vector.load %arg2[%get3A, %get3A_2] : memref<512x1024xf32, #tpu.memory_space<vmem>>, vector<512x1024xf32>
    %get3A_4 = arith.constant 0 : index
    %get3A_5 = arith.constant 0 : index
    %get3A_6 = vector.load %arg3[%get3A_4, %get3A_5] : memref<1024x512xf32, #tpu.memory_space<vmem>>, vector<1024x512xf32>
    %dot_general3A = arith.constant dense<0.000000e+00> : vector<512x512xf32>
    %dot_general3A_7 = tpu.matmul %get3A_3, %get3A_6, %dot_general3A {dimension_numbers = #tpu.dot_dimension_numbers<[1], [0], [0], [1], [0, 0, 1, 1], [], []>, transpose_lhs_hint = false} : vector<512x1024xf32>, vector<1024x512xf32>, vector<512x512xf32> -> vector<512x512xf32>
    %get3A_8 = arith.constant 0 : index
    %get3A_9 = arith.constant 0 : index
    %get3A_10 = vector.load %arg4[%get3A_8, %get3A_9] : memref<1x512xf32, #tpu.memory_space<vmem>>, vector<1x512xf32>
    %add3A = vector.broadcast %get3A_10 : vector<1x512xf32> to vector<512x512xf32>
    %add3A_11 = arith.addf %dot_general3A_7, %add3A : vector<512x512xf32>
    %max3A = arith.constant 0.000000e+00 : f32
    %max3A_12 = vector.broadcast %max3A : f32 to vector<512x512xf32>
    %max3A_13 = arith.maximumf %add3A_11, %max3A_12 : vector<512x512xf32>
    %get3A_14 = arith.constant 0 : index
    %get3A_15 = arith.constant 0 : index
    %get3A_16 = vector.load %arg5[%get3A_14, %get3A_15] : memref<512x128xf32, #tpu.memory_space<vmem>>, vector<512x128xf32>
    %dot_general3A_17 = arith.constant dense<0.000000e+00> : vector<512x128xf32>
    %dot_general3A_18 = tpu.matmul %max3A_13, %get3A_16, %dot_general3A_17 {dimension_numbers = #tpu.dot_dimension_numbers<[1], [0], [0], [1], [0, 0, 1, 1], [], []>, transpose_lhs_hint = false} : vector<512x512xf32>, vector<512x128xf32>, vector<512x128xf32> -> vector<512x128xf32>
    %slice3A = vector.extract_strided_slice %dot_general3A_18 {offsets = [0, 0], sizes = [512, 1], strides = [1, 1]} : vector<512x128xf32> to vector<512x1xf32>
    %get3A_19 = arith.constant 0 : index
    %get3A_20 = memref.load %arg1[%get3A_19] : memref<1xf32, #tpu.memory_space<smem>>
    %add3A_21 = vector.broadcast %get3A_20 : f32 to vector<512x1xf32>
    %add3A_22 = arith.addf %slice3A, %add3A_21 : vector<512x1xf32>
    %max3A_23 = arith.constant 0.000000e+00 : f32
    %max3A_24 = vector.broadcast %max3A_23 : f32 to vector<512x1xf32>
    %max3A_25 = arith.maximumf %add3A_22, %max3A_24 : vector<512x1xf32>
    %abs3A = math.absf %add3A_22 : vector<512x1xf32>
    %neg3A = arith.constant 0.000000e+00 : f32
    %neg3A_26 = vector.broadcast %neg3A : f32 to vector<512x1xf32>
    %neg3A_27 = arith.subf %neg3A_26, %abs3A : vector<512x1xf32>
    %exp3A = math.exp %neg3A_27 : vector<512x1xf32>
    %log1p3A = math.log1p %exp3A : vector<512x1xf32>
    %add3A_28 = arith.addf %max3A_25, %log1p3A : vector<512x1xf32>
    %sub3A = arith.constant 5.000000e-01 : f32
    %sub3A_29 = vector.broadcast %sub3A : f32 to vector<512x1xf32>
    %sub3A_30 = arith.subf %add3A_28, %sub3A_29 : vector<512x1xf32>
    %div3A = arith.constant 1.500000e+00 : f32
    %div3A_31 = vector.broadcast %div3A : f32 to vector<512x1xf32>
    %div3A_32 = arith.divf %sub3A_30, %div3A_31 : vector<512x1xf32>
    %jit3A = arith.constant 0.000000e+00 : f32
    %jit3A_33 = arith.constant 1.000000e+00 : f32
    %max3A_34 = vector.broadcast %jit3A : f32 to vector<512x1xf32>
    %max3A_35 = arith.maximumf %max3A_34, %div3A_32 : vector<512x1xf32>
    %min3A = vector.broadcast %jit3A_33 : f32 to vector<512x1xf32>
    %min3A_36 = arith.minimumf %min3A, %max3A_35 : vector<512x1xf32>
    %mul3A = arith.constant 7.000000e+00 : f32
    %mul3A_37 = vector.broadcast %mul3A : f32 to vector<512x1xf32>
    %mul3A_38 = arith.mulf %min3A_36, %mul3A_37 : vector<512x1xf32>
    %add3A_39 = arith.constant 1.000000e+00 : f32
    %add3A_40 = vector.broadcast %add3A_39 : f32 to vector<512x1xf32>
    %add3A_41 = arith.addf %add3A_40, %mul3A_38 : vector<512x1xf32>
    %round3A = math.roundeven %add3A_41 : vector<512x1xf32>
    %jit3A_42 = arith.constant 1.000000e+00 : f32
    %jit3A_43 = arith.constant 8.000000e+00 : f32
    %max3A_44 = vector.broadcast %jit3A_42 : f32 to vector<512x1xf32>
    %max3A_45 = arith.maximumf %max3A_44, %round3A : vector<512x1xf32>
    %min3A_46 = vector.broadcast %jit3A_43 : f32 to vector<512x1xf32>
    %min3A_47 = arith.minimumf %min3A_46, %max3A_45 : vector<512x1xf32>
    %get3A_48 = arith.constant 0 : index
    %get3A_49 = arith.constant 0 : index
    %get3A_50 = vector.load %arg6[%get3A_48, %get3A_49] : memref<1024x8xf32, #tpu.memory_space<vmem>>, vector<1024x8xf32>
    %dot_general3A_51 = arith.constant dense<0.000000e+00> : vector<512x8xf32>
    %dot_general3A_52 = tpu.matmul %get3A_3, %get3A_50, %dot_general3A_51 {dimension_numbers = #tpu.dot_dimension_numbers<[1], [0], [0], [1], [0, 0, 1, 1], [], []>, transpose_lhs_hint = false} : vector<512x1024xf32>, vector<1024x8xf32>, vector<512x8xf32> -> vector<512x8xf32>
    %get3A_53 = arith.constant 0 : index
    %get3A_54 = arith.constant 0 : index
    %get3A_55 = vector.load %arg7[%get3A_53, %get3A_54] : memref<1x8xf32, #tpu.memory_space<vmem>>, vector<1x8xf32>
    %add3A_56 = vector.broadcast %get3A_55 : vector<1x8xf32> to vector<512x8xf32>
    %add3A_57 = arith.addf %dot_general3A_52, %add3A_56 : vector<512x8xf32>
    %iota3A = tpu.iota {dimensions = array<i32: 1>} : vector<512x8xi32>
    %broadcast_in_dim3A = arith.constant 0.000000e+00 : f32
    %broadcast_in_dim3A_58 = vector.broadcast %broadcast_in_dim3A : f32 to vector<512x8xf32>
    %slice3A_59 = vector.extract_strided_slice %add3A_57 {offsets = [0, 0], sizes = [512, 1], strides = [1, 1]} : vector<512x8xf32> to vector<512x1xf32>
    %gt3A = vector.broadcast %slice3A_59 : vector<512x1xf32> to vector<512x8xf32>
    %gt3A_60 = arith.cmpf ogt, %gt3A, %add3A_57 : vector<512x8xf32>
    %convert_element_type3A_61 = arith.extui %gt3A_60 : vector<512x8xi1> to vector<512x8xi32>
    %convert_element_type3A_62 = arith.sitofp %convert_element_type3A_61 : vector<512x8xi32> to vector<512x8xf32>
    %add3A_63 = arith.addf %broadcast_in_dim3A_58, %convert_element_type3A_62 : vector<512x8xf32>
    %eq3A_64 = vector.broadcast %slice3A_59 : vector<512x1xf32> to vector<512x8xf32>
    %eq3A_65 = arith.cmpf oeq, %eq3A_64, %add3A_57 : vector<512x8xf32>
    %gt3A_66 = arith.constant 0 : i32
    %gt3A_67 = vector.broadcast %gt3A_66 : i32 to vector<512x8xi32>
    %gt3A_68 = arith.cmpi sgt, %iota3A, %gt3A_67 : vector<512x8xi32>
    %and3A = arith.andi %eq3A_65, %gt3A_68 : vector<512x8xi1>
    %convert_element_type3A_69 = arith.extui %and3A : vector<512x8xi1> to vector<512x8xi32>
    %convert_element_type3A_70 = arith.sitofp %convert_element_type3A_69 : vector<512x8xi32> to vector<512x8xf32>
    %add3A_71 = arith.addf %add3A_63, %convert_element_type3A_70 : vector<512x8xf32>
    %slice3A_72 = vector.extract_strided_slice %add3A_57 {offsets = [0, 1], sizes = [512, 1], strides = [1, 1]} : vector<512x8xf32> to vector<512x1xf32>
    %gt3A_73 = vector.broadcast %slice3A_72 : vector<512x1xf32> to vector<512x8xf32>
    %gt3A_74 = arith.cmpf ogt, %gt3A_73, %add3A_57 : vector<512x8xf32>
    %convert_element_type3A_75 = arith.extui %gt3A_74 : vector<512x8xi1> to vector<512x8xi32>
    %convert_element_type3A_76 = arith.sitofp %convert_element_type3A_75 : vector<512x8xi32> to vector<512x8xf32>
    %add3A_77 = arith.addf %add3A_71, %convert_element_type3A_76 : vector<512x8xf32>
    %eq3A_78 = vector.broadcast %slice3A_72 : vector<512x1xf32> to vector<512x8xf32>
    %eq3A_79 = arith.cmpf oeq, %eq3A_78, %add3A_57 : vector<512x8xf32>
    %gt3A_80 = arith.constant 1 : i32
    %gt3A_81 = vector.broadcast %gt3A_80 : i32 to vector<512x8xi32>
    %gt3A_82 = arith.cmpi sgt, %iota3A, %gt3A_81 : vector<512x8xi32>
    %and3A_83 = arith.andi %eq3A_79, %gt3A_82 : vector<512x8xi1>
    %convert_element_type3A_84 = arith.extui %and3A_83 : vector<512x8xi1> to vector<512x8xi32>
    %convert_element_type3A_85 = arith.sitofp %convert_element_type3A_84 : vector<512x8xi32> to vector<512x8xf32>
    %add3A_86 = arith.addf %add3A_77, %convert_element_type3A_85 : vector<512x8xf32>
    %slice3A_87 = vector.extract_strided_slice %add3A_57 {offsets = [0, 2], sizes = [512, 1], strides = [1, 1]} : vector<512x8xf32> to vector<512x1xf32>
    %gt3A_88 = vector.broadcast %slice3A_87 : vector<512x1xf32> to vector<512x8xf32>
    %gt3A_89 = arith.cmpf ogt, %gt3A_88, %add3A_57 : vector<512x8xf32>
    %convert_element_type3A_90 = arith.extui %gt3A_89 : vector<512x8xi1> to vector<512x8xi32>
    %convert_element_type3A_91 = arith.sitofp %convert_element_type3A_90 : vector<512x8xi32> to vector<512x8xf32>
    %add3A_92 = arith.addf %add3A_86, %convert_element_type3A_91 : vector<512x8xf32>
    %eq3A_93 = vector.broadcast %slice3A_87 : vector<512x1xf32> to vector<512x8xf32>
    %eq3A_94 = arith.cmpf oeq, %eq3A_93, %add3A_57 : vector<512x8xf32>
    %gt3A_95 = arith.constant 2 : i32
    %gt3A_96 = vector.broadcast %gt3A_95 : i32 to vector<512x8xi32>
    %gt3A_97 = arith.cmpi sgt, %iota3A, %gt3A_96 : vector<512x8xi32>
    %and3A_98 = arith.andi %eq3A_94, %gt3A_97 : vector<512x8xi1>
    %convert_element_type3A_99 = arith.extui %and3A_98 : vector<512x8xi1> to vector<512x8xi32>
    %convert_element_type3A_100 = arith.sitofp %convert_element_type3A_99 : vector<512x8xi32> to vector<512x8xf32>
    %add3A_101 = arith.addf %add3A_92, %convert_element_type3A_100 : vector<512x8xf32>
    %slice3A_102 = vector.extract_strided_slice %add3A_57 {offsets = [0, 3], sizes = [512, 1], strides = [1, 1]} : vector<512x8xf32> to vector<512x1xf32>
    %gt3A_103 = vector.broadcast %slice3A_102 : vector<512x1xf32> to vector<512x8xf32>
    %gt3A_104 = arith.cmpf ogt, %gt3A_103, %add3A_57 : vector<512x8xf32>
    %convert_element_type3A_105 = arith.extui %gt3A_104 : vector<512x8xi1> to vector<512x8xi32>
    %convert_element_type3A_106 = arith.sitofp %convert_element_type3A_105 : vector<512x8xi32> to vector<512x8xf32>
    %add3A_107 = arith.addf %add3A_101, %convert_element_type3A_106 : vector<512x8xf32>
    %eq3A_108 = vector.broadcast %slice3A_102 : vector<512x1xf32> to vector<512x8xf32>
    %eq3A_109 = arith.cmpf oeq, %eq3A_108, %add3A_57 : vector<512x8xf32>
    %gt3A_110 = arith.constant 3 : i32
    %gt3A_111 = vector.broadcast %gt3A_110 : i32 to vector<512x8xi32>
    %gt3A_112 = arith.cmpi sgt, %iota3A, %gt3A_111 : vector<512x8xi32>
    %and3A_113 = arith.andi %eq3A_109, %gt3A_112 : vector<512x8xi1>
    %convert_element_type3A_114 = arith.extui %and3A_113 : vector<512x8xi1> to vector<512x8xi32>
    %convert_element_type3A_115 = arith.sitofp %convert_element_type3A_114 : vector<512x8xi32> to vector<512x8xf32>
    %add3A_116 = arith.addf %add3A_107, %convert_element_type3A_115 : vector<512x8xf32>
    %slice3A_117 = vector.extract_strided_slice %add3A_57 {offsets = [0, 4], sizes = [512, 1], strides = [1, 1]} : vector<512x8xf32> to vector<512x1xf32>
    %gt3A_118 = vector.broadcast %slice3A_117 : vector<512x1xf32> to vector<512x8xf32>
    %gt3A_119 = arith.cmpf ogt, %gt3A_118, %add3A_57 : vector<512x8xf32>
    %convert_element_type3A_120 = arith.extui %gt3A_119 : vector<512x8xi1> to vector<512x8xi32>
    %convert_element_type3A_121 = arith.sitofp %convert_element_type3A_120 : vector<512x8xi32> to vector<512x8xf32>
    %add3A_122 = arith.addf %add3A_116, %convert_element_type3A_121 : vector<512x8xf32>
    %eq3A_123 = vector.broadcast %slice3A_117 : vector<512x1xf32> to vector<512x8xf32>
    %eq3A_124 = arith.cmpf oeq, %eq3A_123, %add3A_57 : vector<512x8xf32>
    %gt3A_125 = arith.constant 4 : i32
    %gt3A_126 = vector.broadcast %gt3A_125 : i32 to vector<512x8xi32>
    %gt3A_127 = arith.cmpi sgt, %iota3A, %gt3A_126 : vector<512x8xi32>
    %and3A_128 = arith.andi %eq3A_124, %gt3A_127 : vector<512x8xi1>
    %convert_element_type3A_129 = arith.extui %and3A_128 : vector<512x8xi1> to vector<512x8xi32>
    %convert_element_type3A_130 = arith.sitofp %convert_element_type3A_129 : vector<512x8xi32> to vector<512x8xf32>
    %add3A_131 = arith.addf %add3A_122, %convert_element_type3A_130 : vector<512x8xf32>
    %slice3A_132 = vector.extract_strided_slice %add3A_57 {offsets = [0, 5], sizes = [512, 1], strides = [1, 1]} : vector<512x8xf32> to vector<512x1xf32>
    %gt3A_133 = vector.broadcast %slice3A_132 : vector<512x1xf32> to vector<512x8xf32>
    %gt3A_134 = arith.cmpf ogt, %gt3A_133, %add3A_57 : vector<512x8xf32>
    %convert_element_type3A_135 = arith.extui %gt3A_134 : vector<512x8xi1> to vector<512x8xi32>
    %convert_element_type3A_136 = arith.sitofp %convert_element_type3A_135 : vector<512x8xi32> to vector<512x8xf32>
    %add3A_137 = arith.addf %add3A_131, %convert_element_type3A_136 : vector<512x8xf32>
    %eq3A_138 = vector.broadcast %slice3A_132 : vector<512x1xf32> to vector<512x8xf32>
    %eq3A_139 = arith.cmpf oeq, %eq3A_138, %add3A_57 : vector<512x8xf32>
    %gt3A_140 = arith.constant 5 : i32
    %gt3A_141 = vector.broadcast %gt3A_140 : i32 to vector<512x8xi32>
    %gt3A_142 = arith.cmpi sgt, %iota3A, %gt3A_141 : vector<512x8xi32>
    %and3A_143 = arith.andi %eq3A_139, %gt3A_142 : vector<512x8xi1>
    %convert_element_type3A_144 = arith.extui %and3A_143 : vector<512x8xi1> to vector<512x8xi32>
    %convert_element_type3A_145 = arith.sitofp %convert_element_type3A_144 : vector<512x8xi32> to vector<512x8xf32>
    %add3A_146 = arith.addf %add3A_137, %convert_element_type3A_145 : vector<512x8xf32>
    %slice3A_147 = vector.extract_strided_slice %add3A_57 {offsets = [0, 6], sizes = [512, 1], strides = [1, 1]} : vector<512x8xf32> to vector<512x1xf32>
    %gt3A_148 = vector.broadcast %slice3A_147 : vector<512x1xf32> to vector<512x8xf32>
    %gt3A_149 = arith.cmpf ogt, %gt3A_148, %add3A_57 : vector<512x8xf32>
    %convert_element_type3A_150 = arith.extui %gt3A_149 : vector<512x8xi1> to vector<512x8xi32>
    %convert_element_type3A_151 = arith.sitofp %convert_element_type3A_150 : vector<512x8xi32> to vector<512x8xf32>
    %add3A_152 = arith.addf %add3A_146, %convert_element_type3A_151 : vector<512x8xf32>
    %eq3A_153 = vector.broadcast %slice3A_147 : vector<512x1xf32> to vector<512x8xf32>
    %eq3A_154 = arith.cmpf oeq, %eq3A_153, %add3A_57 : vector<512x8xf32>
    %gt3A_155 = arith.constant 6 : i32
    %gt3A_156 = vector.broadcast %gt3A_155 : i32 to vector<512x8xi32>
    %gt3A_157 = arith.cmpi sgt, %iota3A, %gt3A_156 : vector<512x8xi32>
    %and3A_158 = arith.andi %eq3A_154, %gt3A_157 : vector<512x8xi1>
    %convert_element_type3A_159 = arith.extui %and3A_158 : vector<512x8xi1> to vector<512x8xi32>
    %convert_element_type3A_160 = arith.sitofp %convert_element_type3A_159 : vector<512x8xi32> to vector<512x8xf32>
    %add3A_161 = arith.addf %add3A_152, %convert_element_type3A_160 : vector<512x8xf32>
    %slice3A_162 = vector.extract_strided_slice %add3A_57 {offsets = [0, 7], sizes = [512, 1], strides = [1, 1]} : vector<512x8xf32> to vector<512x1xf32>
    %gt3A_163 = vector.broadcast %slice3A_162 : vector<512x1xf32> to vector<512x8xf32>
    %gt3A_164 = arith.cmpf ogt, %gt3A_163, %add3A_57 : vector<512x8xf32>
    %convert_element_type3A_165 = arith.extui %gt3A_164 : vector<512x8xi1> to vector<512x8xi32>
    %convert_element_type3A_166 = arith.sitofp %convert_element_type3A_165 : vector<512x8xi32> to vector<512x8xf32>
    %add3A_167 = arith.addf %add3A_161, %convert_element_type3A_166 : vector<512x8xf32>
    %eq3A_168 = vector.broadcast %slice3A_162 : vector<512x1xf32> to vector<512x8xf32>
    %eq3A_169 = arith.cmpf oeq, %eq3A_168, %add3A_57 : vector<512x8xf32>
    %gt3A_170 = arith.constant 7 : i32
    %gt3A_171 = vector.broadcast %gt3A_170 : i32 to vector<512x8xi32>
    %gt3A_172 = arith.cmpi sgt, %iota3A, %gt3A_171 : vector<512x8xi32>
    %and3A_173 = arith.andi %eq3A_169, %gt3A_172 : vector<512x8xi1>
    %convert_element_type3A_174 = arith.extui %and3A_173 : vector<512x8xi1> to vector<512x8xi32>
    %convert_element_type3A_175 = arith.sitofp %convert_element_type3A_174 : vector<512x8xi32> to vector<512x8xf32>
    %add3A_176 = arith.addf %add3A_167, %convert_element_type3A_175 : vector<512x8xf32>
    %lt3A = vector.broadcast %min3A_47 : vector<512x1xf32> to vector<512x8xf32>
    %lt3A_177 = arith.cmpf olt, %add3A_176, %lt3A : vector<512x8xf32>
    %jit3A_178 = arith.constant -1.000000e+30 : f32
    %broadcast_in_dim3A_179 = vector.broadcast %jit3A_178 : f32 to vector<512x8xf32>
    %select_n3A = arith.select %lt3A_177, %add3A_57, %broadcast_in_dim3A_179 : vector<512x8xi1>, vector<512x8xf32>
    %reduce_max3A = arith.constant dense<0xFF800000> : vector<512xf32>
    %reduce_max3A_180 = vector.multi_reduction <maximumf>, %select_n3A, %reduce_max3A [1] : vector<512x8xf32> to vector<512xf32>
    %broadcast_in_dim3A_181 = vector.shape_cast %reduce_max3A_180 : vector<512xf32> to vector<512x1xf32>
    %sub3A_182 = vector.broadcast %broadcast_in_dim3A_181 : vector<512x1xf32> to vector<512x8xf32>
    %sub3A_183 = arith.subf %select_n3A, %sub3A_182 : vector<512x8xf32>
    %exp3A_184 = math.exp %sub3A_183 : vector<512x8xf32>
    %reduce_sum3A = arith.constant dense<0.000000e+00> : vector<512xf32>
    %reduce_sum3A_185 = vector.multi_reduction <add>, %exp3A_184, %reduce_sum3A [1] : vector<512x8xf32> to vector<512xf32>
    %broadcast_in_dim3A_186 = vector.shape_cast %reduce_sum3A_185 : vector<512xf32> to vector<512x1xf32>
    %div3A_187 = vector.broadcast %broadcast_in_dim3A_186 : vector<512x1xf32> to vector<512x8xf32>
    %div3A_188 = arith.divf %exp3A_184, %div3A_187 : vector<512x8xf32>
    %jit3A_189 = arith.constant 0.000000e+00 : f32
    %broadcast_in_dim3A_190 = vector.broadcast %jit3A_189 : f32 to vector<512x8xf32>
    %select_n3A_191 = arith.select %lt3A_177, %div3A_188, %broadcast_in_dim3A_190 : vector<512x8xi1>, vector<512x8xf32>
    %convert_element_type3A_192 = arith.extui %lt3A_177 : vector<512x8xi1> to vector<512x8xi32>
    %convert_element_type3A_193 = arith.sitofp %convert_element_type3A_192 : vector<512x8xi32> to vector<512x8xf32>
    %iota3A_194 = tpu.iota {dimensions = array<i32: 0>} : vector<512x512xi32>
    %iota3A_195 = tpu.iota {dimensions = array<i32: 1>} : vector<512x512xi32>
    %lt3A_196 = arith.cmpi slt, %iota3A_195, %iota3A_194 : vector<512x512xi32>
    %convert_element_type3A_197 = arith.extui %lt3A_196 : vector<512x512xi1> to vector<512x512xi32>
    %convert_element_type3A_198 = arith.sitofp %convert_element_type3A_197 : vector<512x512xi32> to vector<512x512xf32>
    %dot_general3A_199 = arith.constant dense<0.000000e+00> : vector<512x8xf32>
    %dot_general3A_200 = tpu.matmul %convert_element_type3A_198, %convert_element_type3A_193, %dot_general3A_199 {dimension_numbers = #tpu.dot_dimension_numbers<[1], [0], [0], [1], [0, 0, 1, 1], [], []>, transpose_lhs_hint = false} : vector<512x512xf32>, vector<512x8xf32>, vector<512x8xf32> -> vector<512x8xf32>
    %get3A_201 = arith.constant 0 : index
    %get3A_202 = arith.constant 0 : index
    %get3A_203 = vector.load %arg11[%get3A_201, %get3A_202] : memref<1x8xf32, #tpu.memory_space<vmem>>, vector<1x8xf32>
    %add3A_204 = vector.broadcast %get3A_203 : vector<1x8xf32> to vector<512x8xf32>
    %add3A_205 = arith.addf %add3A_204, %dot_general3A_200 : vector<512x8xf32>
    %get3A_206 = arith.constant 0 : index
    %get3A_207 = arith.constant 0 : index
    %get3A_208 = vector.load %arg11[%get3A_206, %get3A_207] : memref<1x8xf32, #tpu.memory_space<vmem>>, vector<1x8xf32>
    %reduce_sum3A_209 = arith.constant dense<0.000000e+00> : vector<8xf32>
    %reduce_sum3A_210 = vector.multi_reduction <add>, %convert_element_type3A_193, %reduce_sum3A_209 [0] : vector<512x8xf32> to vector<8xf32>
    %broadcast_in_dim3A_211 = vector.shape_cast %reduce_sum3A_210 : vector<8xf32> to vector<1x8xf32>
    %add3A_212 = arith.addf %get3A_208, %broadcast_in_dim3A_211 : vector<1x8xf32>
    %swap3A = arith.constant 0 : index
    %swap3A_213 = arith.constant 0 : index
    %swap3A_214 = vector.load %arg11[%swap3A, %swap3A_213] : memref<1x8xf32, #tpu.memory_space<vmem>>, vector<1x8xf32>
    tpu.vector_store %arg11[%swap3A, %swap3A_213], %add3A_212 {strides = array<i32>} : memref<1x8xf32, #tpu.memory_space<vmem>>, vector<1x8xf32>,
    %swap3A_215 = arith.constant 0 : index
    %swap3A_216 = arith.constant 0 : index
    %swap3A_217 = vector.load %arg8[%swap3A_215, %swap3A_216] : memref<512x8xf32, #tpu.memory_space<vmem>>, vector<512x8xf32>
    tpu.vector_store %arg8[%swap3A_215, %swap3A_216], %select_n3A_191 {strides = array<i32>} : memref<512x8xf32, #tpu.memory_space<vmem>>, vector<512x8xf32>,
    %convert_element_type3A_218 = arith.extui %lt3A_177 : vector<512x8xi1> to vector<512x8xi32>
    %swap3A_219 = arith.constant 0 : index
    %swap3A_220 = arith.constant 0 : index
    %swap3A_221 = vector.load %arg9[%swap3A_219, %swap3A_220] : memref<512x8xi32, #tpu.memory_space<vmem>>, vector<512x8xi32>
    tpu.vector_store %arg9[%swap3A_219, %swap3A_220], %convert_element_type3A_218 {strides = array<i32>} : memref<512x8xi32, #tpu.memory_space<vmem>>, vector<512x8xi32>,
    %convert_element_type3A_222 = arith.fptosi %add3A_205 : vector<512x8xf32> to vector<512x8xi32>
    %swap3A_223 = arith.constant 0 : index
    %swap3A_224 = arith.constant 0 : index
    %swap3A_225 = vector.load %arg10[%swap3A_223, %swap3A_224] : memref<512x8xi32, #tpu.memory_space<vmem>>, vector<512x8xi32>
    tpu.vector_store %arg10[%swap3A_223, %swap3A_224], %convert_element_type3A_222 {strides = array<i32>} : memref<512x8xi32, #tpu.memory_space<vmem>>, vector<512x8xi32>,
    return
  }
  func.func @transform_0(%arg0: i32, %arg1: memref<1xf32, #tpu.memory_space<smem>>) -> (i32, i32) {
    %c0_i32 = arith.constant 0 : i32
    %c0_i32_0 = arith.constant 0 : i32
    return %arg0, %c0_i32 : i32, i32
  }
  func.func @transform_1(%arg0: i32, %arg1: memref<1xf32, #tpu.memory_space<smem>>) -> (i32, i32) {
    %c0_i32 = arith.constant 0 : i32
    %c0_i32_0 = arith.constant 0 : i32
    %c0_i32_1 = arith.constant 0 : i32
    return %c0_i32, %c0_i32_0 : i32, i32
  }
  func.func @transform_2(%arg0: i32, %arg1: memref<1xf32, #tpu.memory_space<smem>>) -> (i32, i32) {
    %c0_i32 = arith.constant 0 : i32
    %c0_i32_0 = arith.constant 0 : i32
    %c0_i32_1 = arith.constant 0 : i32
    return %c0_i32, %c0_i32_0 : i32, i32
  }
  func.func @transform_3(%arg0: i32, %arg1: memref<1xf32, #tpu.memory_space<smem>>) -> (i32, i32) {
    %c0_i32 = arith.constant 0 : i32
    %c0_i32_0 = arith.constant 0 : i32
    %c0_i32_1 = arith.constant 0 : i32
    return %c0_i32, %c0_i32_0 : i32, i32
  }
  func.func @transform_4(%arg0: i32, %arg1: memref<1xf32, #tpu.memory_space<smem>>) -> (i32, i32) {
    %c0_i32 = arith.constant 0 : i32
    %c0_i32_0 = arith.constant 0 : i32
    %c0_i32_1 = arith.constant 0 : i32
    return %c0_i32, %c0_i32_0 : i32, i32
  }
  func.func @transform_5(%arg0: i32, %arg1: memref<1xf32, #tpu.memory_space<smem>>) -> (i32, i32) {
    %c0_i32 = arith.constant 0 : i32
    %c0_i32_0 = arith.constant 0 : i32
    %c0_i32_1 = arith.constant 0 : i32
    return %c0_i32, %c0_i32_0 : i32, i32
  }
  func.func @transform_6(%arg0: i32, %arg1: memref<1xf32, #tpu.memory_space<smem>>) -> (i32, i32) {
    %c0_i32 = arith.constant 0 : i32
    %c0_i32_0 = arith.constant 0 : i32
    return %arg0, %c0_i32 : i32, i32
  }
  func.func @transform_7(%arg0: i32, %arg1: memref<1xf32, #tpu.memory_space<smem>>) -> (i32, i32) {
    %c0_i32 = arith.constant 0 : i32
    %c0_i32_0 = arith.constant 0 : i32
    return %arg0, %c0_i32 : i32, i32
  }
  func.func @transform_8(%arg0: i32, %arg1: memref<1xf32, #tpu.memory_space<smem>>) -> (i32, i32) {
    %c0_i32 = arith.constant 0 : i32
    %c0_i32_0 = arith.constant 0 : i32
    return %arg0, %c0_i32 : i32, i32
  }
}

module attributes {stable_mosaic.version = 14 : i64} {
  func.func @_ffn_body(%arg0: i32, %arg1: i32, %arg2: memref<8xi32, #tpu.memory_space<smem>>, %arg3: memref<512x1024xf32, #tpu.memory_space<vmem>>, %arg4: memref<1x1024x2048xbf16, #tpu.memory_space<vmem>>, %arg5: memref<1x1x2048xf32, #tpu.memory_space<vmem>>, %arg6: memref<1x2048x1024xbf16, #tpu.memory_space<vmem>>, %arg7: memref<1x1x1024xf32, #tpu.memory_space<vmem>>, %arg8: memref<512x1024xf32, #tpu.memory_space<vmem>>) attributes {dimension_semantics = [#tpu.dimension_semantics<arbitrary>, #tpu.dimension_semantics<arbitrary>], iteration_bounds = array<i64: 8, 8>, scalar_prefetch = 1 : i64, scratch_operands = 0 : i64, tpu.core_type = #tpu.core_type<tc>, window_params = [{transform_indices = @transform_0, window_bounds = array<i64: 512, 1024>}, {transform_indices = @transform_1, window_bounds = array<i64: 1, 1024, 2048>}, {transform_indices = @transform_2, window_bounds = array<i64: 1, 1, 2048>}, {transform_indices = @transform_3, window_bounds = array<i64: 1, 2048, 1024>}, {transform_indices = @transform_4, window_bounds = array<i64: 1, 1, 1024>}, {transform_indices = @transform_5, window_bounds = array<i64: 512, 1024>}]} {
    %get3A = arith.index_cast %arg0 : i32 to index
    %get3A_0 = memref.load %arg2[%get3A] : memref<8xi32, #tpu.memory_space<smem>>
    %lt3A = arith.cmpi slt, %arg1, %get3A_0 : i32
    %convert_element_type3A = arith.extui %lt3A : i1 to i32
    %cond3A = arith.constant 0 : i32
    %cond3A_1 = arith.cmpi ne, %convert_element_type3A, %cond3A : i32
    scf.if %cond3A_1 {
      %get3A_2 = arith.constant 0 : index
      %get3A_3 = arith.constant 0 : index
      %get3A_4 = vector.load %arg3[%get3A_2, %get3A_3] : memref<512x1024xf32, #tpu.memory_space<vmem>>, vector<512x1024xf32>
      %convert_element_type3A_5 = arith.truncf %get3A_4 : vector<512x1024xf32> to vector<512x1024xbf16>
      %get3A_6 = arith.constant 0 : index
      %get3A_7 = arith.constant 0 : index
      %get3A_8 = arith.constant 0 : index
      %get3A_9 = vector.load %arg4[%get3A_6, %get3A_7, %get3A_8] : memref<1x1024x2048xbf16, #tpu.memory_space<vmem>>, vector<1x1024x2048xbf16>
      %get3A_10 = vector.shape_cast %get3A_9 : vector<1x1024x2048xbf16> to vector<1024x2048xbf16>
      %dot_general3A = arith.constant dense<0.000000e+00> : vector<512x2048xf32>
      %dot_general3A_11 = tpu.matmul %convert_element_type3A_5, %get3A_10, %dot_general3A {dimension_numbers = #tpu.dot_dimension_numbers<[1], [0], [0], [1], [0, 0, 1, 1], [], []>, transpose_lhs_hint = false} : vector<512x1024xbf16>, vector<1024x2048xbf16>, vector<512x2048xf32> -> vector<512x2048xf32>
      %get3A_12 = arith.constant 0 : index
      %get3A_13 = arith.constant 0 : index
      %get3A_14 = arith.constant 0 : index
      %get3A_15 = vector.load %arg5[%get3A_12, %get3A_13, %get3A_14] : memref<1x1x2048xf32, #tpu.memory_space<vmem>>, vector<1x1x2048xf32>
      %get3A_16 = vector.shape_cast %get3A_15 : vector<1x1x2048xf32> to vector<1x2048xf32>
      %add3A = vector.broadcast %get3A_16 : vector<1x2048xf32> to vector<512x2048xf32>
      %add3A_17 = arith.addf %dot_general3A_11, %add3A : vector<512x2048xf32>
      %max3A = arith.constant 0.000000e+00 : f32
      %max3A_18 = vector.broadcast %max3A : f32 to vector<512x2048xf32>
      %max3A_19 = arith.maximumf %add3A_17, %max3A_18 : vector<512x2048xf32>
      %convert_element_type3A_20 = arith.truncf %max3A_19 : vector<512x2048xf32> to vector<512x2048xbf16>
      %get3A_21 = arith.constant 0 : index
      %get3A_22 = arith.constant 0 : index
      %get3A_23 = arith.constant 0 : index
      %get3A_24 = vector.load %arg6[%get3A_21, %get3A_22, %get3A_23] : memref<1x2048x1024xbf16, #tpu.memory_space<vmem>>, vector<1x2048x1024xbf16>
      %get3A_25 = vector.shape_cast %get3A_24 : vector<1x2048x1024xbf16> to vector<2048x1024xbf16>
      %dot_general3A_26 = arith.constant dense<0.000000e+00> : vector<512x1024xf32>
      %dot_general3A_27 = tpu.matmul %convert_element_type3A_20, %get3A_25, %dot_general3A_26 {dimension_numbers = #tpu.dot_dimension_numbers<[1], [0], [0], [1], [0, 0, 1, 1], [], []>, transpose_lhs_hint = false} : vector<512x2048xbf16>, vector<2048x1024xbf16>, vector<512x1024xf32> -> vector<512x1024xf32>
      %get3A_28 = arith.constant 0 : index
      %get3A_29 = arith.constant 0 : index
      %get3A_30 = arith.constant 0 : index
      %get3A_31 = vector.load %arg7[%get3A_28, %get3A_29, %get3A_30] : memref<1x1x1024xf32, #tpu.memory_space<vmem>>, vector<1x1x1024xf32>
      %get3A_32 = vector.shape_cast %get3A_31 : vector<1x1x1024xf32> to vector<1x1024xf32>
      %add3A_33 = vector.broadcast %get3A_32 : vector<1x1024xf32> to vector<512x1024xf32>
      %add3A_34 = arith.addf %dot_general3A_27, %add3A_33 : vector<512x1024xf32>
      %swap3A = arith.constant 0 : index
      %swap3A_35 = arith.constant 0 : index
      %swap3A_36 = vector.load %arg8[%swap3A, %swap3A_35] : memref<512x1024xf32, #tpu.memory_space<vmem>>, vector<512x1024xf32>
      tpu.vector_store %arg8[%swap3A, %swap3A_35], %add3A_34 {strides = array<i32>} : memref<512x1024xf32, #tpu.memory_space<vmem>>, vector<512x1024xf32>,
    } else {
    }
    return
  }
  func.func @transform_0(%arg0: i32, %arg1: i32, %arg2: memref<8xi32, #tpu.memory_space<smem>>) -> (i32, i32) {
    %get3A = arith.index_cast %arg0 : i32 to index
    %get3A_0 = memref.load %arg2[%get3A] : memref<8xi32, #tpu.memory_space<smem>>
    %sub3A = arith.constant 1 : i32
    %sub3A_1 = arith.subi %get3A_0, %sub3A : i32
    %min3A = arith.minsi %arg1, %sub3A_1 : i32
    %max3A = arith.constant 0 : i32
    %max3A_2 = arith.maxsi %min3A, %max3A : i32
    %mul3A = arith.constant 8 : i32
    %mul3A_3 = arith.muli %arg0, %mul3A : i32
    %add3A = arith.addi %mul3A_3, %max3A_2 : i32
    %c0_i32 = arith.constant 0 : i32
    %c0_i32_4 = arith.constant 0 : i32
    return %add3A, %c0_i32 : i32, i32
  }
  func.func @transform_1(%arg0: i32, %arg1: i32, %arg2: memref<8xi32, #tpu.memory_space<smem>>) -> (i32, i32, i32) {
    %c0_i32 = arith.constant 0 : i32
    %c0_i32_0 = arith.constant 0 : i32
    %c0_i32_1 = arith.constant 0 : i32
    return %arg0, %c0_i32, %c0_i32_0 : i32, i32, i32
  }
  func.func @transform_2(%arg0: i32, %arg1: i32, %arg2: memref<8xi32, #tpu.memory_space<smem>>) -> (i32, i32, i32) {
    %c0_i32 = arith.constant 0 : i32
    %c0_i32_0 = arith.constant 0 : i32
    %c0_i32_1 = arith.constant 0 : i32
    return %arg0, %c0_i32, %c0_i32_0 : i32, i32, i32
  }
  func.func @transform_3(%arg0: i32, %arg1: i32, %arg2: memref<8xi32, #tpu.memory_space<smem>>) -> (i32, i32, i32) {
    %c0_i32 = arith.constant 0 : i32
    %c0_i32_0 = arith.constant 0 : i32
    %c0_i32_1 = arith.constant 0 : i32
    return %arg0, %c0_i32, %c0_i32_0 : i32, i32, i32
  }
  func.func @transform_4(%arg0: i32, %arg1: i32, %arg2: memref<8xi32, #tpu.memory_space<smem>>) -> (i32, i32, i32) {
    %c0_i32 = arith.constant 0 : i32
    %c0_i32_0 = arith.constant 0 : i32
    %c0_i32_1 = arith.constant 0 : i32
    return %arg0, %c0_i32, %c0_i32_0 : i32, i32, i32
  }
  func.func @transform_5(%arg0: i32, %arg1: i32, %arg2: memref<8xi32, #tpu.memory_space<smem>>) -> (i32, i32) {
    %get3A = arith.index_cast %arg0 : i32 to index
    %get3A_0 = memref.load %arg2[%get3A] : memref<8xi32, #tpu.memory_space<smem>>
    %sub3A = arith.constant 1 : i32
    %sub3A_1 = arith.subi %get3A_0, %sub3A : i32
    %min3A = arith.minsi %arg1, %sub3A_1 : i32
    %max3A = arith.constant 0 : i32
    %max3A_2 = arith.maxsi %min3A, %max3A : i32
    %mul3A = arith.constant 8 : i32
    %mul3A_3 = arith.muli %arg0, %mul3A : i32
    %add3A = arith.addi %mul3A_3, %max3A_2 : i32
    %c0_i32 = arith.constant 0 : i32
    %c0_i32_4 = arith.constant 0 : i32
    return %add3A, %c0_i32 : i32, i32
  }
}

</mosaic_0001>

<sc_bundles>
// kernel: kernel.6.cloned.1.call-start
scs
__scs_entry_jumppad:
0x0: {  	(pc) =	sbr.rel $0x88, $3  }
0x1: {  	(tag) =	ssettag $0x0;
	lr =	simm.s32 $0x1  }
0x2: {  	[smem:$0x3F96] =	sst lr;
	_ =	strace $0xD0000000  }
0x3: {  	_ = 	snop  }
0x4: {  	_ = 	snop  }
0x5: {  	_ = 	snop  }
0x6: {  	_ = 	snop  }
0x7: {  	_ = 	snop  }
__scs_overlays_trampoline_lowered:
0x8: {  	[smem:$0x3FA5] =	sst s0  }
0x9: {  	[smem:$0x3FA6] =	sst s1  }
0xa: {  	[smem:$0x3FA7] =	sst s2  }
0xb: {  	[smem:$0x3FA8] =	sst s3  }
0xc: {  	[smem:$0x3FA9] =	sst s4  }
0xd: {  	[smem:$0x3FAA] =	sst s5  }
0xe: {  	[smem:$0x3FAB] =	sst s6  }
0xf: {  	[smem:$0x3FAC] =	sst s7  }
0x10: {  	[smem:$0x3FAD] =	sst s8  }
0x11: {  	[smem:$0x3FAE] =	sst s9;
	s0 =	simm.s32 @!p0 $0x0  }
0x12: {  	s1 =	sld [smem:$0x3F94];
	s0 =	simm.s32 @p0 $0x1  }
0x13: {  	[smem:$0x3FAF] =	sst s0;
	s0 =	simm.s32 @!p1 $0x0  }
0x14: {  	s2 =	sld [smem:$0x3F93];
	s0 =	simm.s32 @p1 $0x1  }
0x15: {  	[smem:$0x3FB0] =	sst s0;
	s0 =	simm.s32 @!p2 $0x0  }
0x16: {  	s3 =	sld [smem:$0x3FDB];
	s0 =	simm.s32 @p2 $0x1  }
0x17: {  	s4 =	simm.s32 $0x1BF5;
	[smem:$0x3FB2] =	sst s0  }
0x18: {  	s0 =	sld [smem:$0x3F95];
	_ =	swait.ge [sflag:s4], $0x0  }
0x19: {  	s7 =	sld [smem:$0x3F96]  }
0x1a: {  	s8 =	sadd.s32 $0xFFFFE003, lr  }
0x1b: {  	s9 =	sadd.s32 $0xFFFFFEF7, lr;
	s5 =	simm.s32 $0xFFFFFFFF;
	p2 =	slt.u32 s8, $0xFFFFF086  }
0x1c: {  	p1 =	slt.u32 s9, $0xF7A;
	s5 =	simm.s32 @!p2 $0x0  }
0x1d: {  	s5 =	simm.s32 @p1 $0x1;
	p0 =	seq.s32 s7, s2  }
0x1e: {  	s7 =	smul.u32 @!p0 $0xF7A, s2;
	p2 =	seq.s32 @!p0 s5, $0x0  }
0x1f: {  	s9 =	smul.u32 $0xF7A, s1;
	s8 =	simm.s32 @!p0 $0x1BF5;
	p2 =	por !p2, p0  }
0x20: {  	[sflag:s8] =	ssyncset.s32 @!p0 $0xFFFFF086;
	s6 =	sadd.s32 @!p0 s3, s7;
	s7 =	simm.s32 @!p0 $0x108  }
0x21: {  	s3 =	sadd.s32 s3, s9;
	s6 =	sadd.s32 @!p0 $0x88, s6;
	s7 =	simm.s32 @p2 $0x1082  }
0x22: {  	[simem:s7], [sflag:s8] =	dma.local @!p0 [hbm:s6], $0xF7A  }
0x23: {  	s9 =	sor.u32 $0xD0000000, s2;
	s6 =	simm.s32 $0x108;
	_ =	swait.ge @!p0 [sflag:s8], $0x0  }
0x24: {  	s3 =	sadd.s32 $0x88, s3;
	s6 =	simm.s32 @!p1 $0x1082;
	[sflag:s4] =	ssyncset.s32 $0xFFFFF086  }
0x25: {  	[simem:s6], [sflag:s4] =	dma.local [hbm:s3], $0xF7A  }
0x26: {  	[smem:$0x3F96] =	sst s1;
	(tag) =	ssettag s2;
	_ =	strace s9  }
0x27: {  	s1 =	sld [smem:$0x3FA6]  }
0x28: {  	s2 =	sld [smem:$0x3FA7]  }
0x29: {  	s4 =	sld [smem:$0x3FA9]  }
0x2a: {  	p0 =	seq.s32 s5, $0x0;
	s5 =	sld [smem:$0x3FAA]  }
0x2b: {  	s6 =	sld [smem:$0x3FAB]  }
0x2c: {  	s7 =	sld [smem:$0x3FAC]  }
0x2d: {  	s3 =	simm.s32 $0x108;
	s8 =	sld [smem:$0x3FAD]  }
0x2e: {  	s3 =	simm.s32 @!p0 $0x1082;
	s9 =	sld [smem:$0x3FAE]  }
0x2f: {  	lr =	sadd.s32 s0, s3;
	s0 =	sld [smem:$0x3FA5]  }
0x30: {  	s3 =	sld [smem:$0x3FA8]  }
0x31: {  	[smem:$0x3FB1] =	sst s10  }
0x32: {  	s10 =	sld [smem:$0x3FAF];
	_ =	sdelay $0x3  }
0x33: {  	p0 =	seq.s32 s10, $0x1;
	s10 =	sld [smem:$0x3FB1];
	_ =	sdelay $0x3  }
0x34: {  	[smem:$0x3FB1] =	sst s10  }
0x35: {  	s10 =	sld [smem:$0x3FB0];
	_ =	sdelay $0x3  }
0x36: {  	p1 =	seq.s32 s10, $0x1;
	s10 =	sld [smem:$0x3FB1];
	_ =	sdelay $0x3  }
0x37: {  	[smem:$0x3FB1] =	sst s10  }
0x38: {  	s10 =	sld [smem:$0x3FB2]  }
0x39: {  	_ = 	snop;
	(pc) =	sbr.ind lr, $3  }
0x3a: {  	_ = 	snop  }
0x3b: {  	_ = 	snop  }
0x3c: {  	p2 =	seq.s32 s10, $0x1;
	s10 =	sld [smem:$0x3FB1]  }
0x3d: {  	_ =	shalt  }
0x3e: {  	_ =	shalt  }
0x3f: {  	_ =	shalt  }
0x40: {  	_ =	shalt  }
0x41: {  	_ =	shalt  }
0x42: {  	_ =	shalt  }
0x43: {  	_ =	shalt  }
0x44: {  	_ =	shalt  }
0x45: {  	_ =	shalt  }
0x46: {  	_ =	shalt  }
0x47: {  	_ =	shalt  }
0x48: {  	_ =	shalt  }
0x49: {  	_ =	shalt  }
0x4a: {  	_ =	shalt  }
0x4b: {  	_ =	shalt  }
0x4c: {  	_ =	shalt  }
0x4d: {  	_ =	shalt  }
0x4e: {  	_ =	shalt  }
0x4f: {  	_ =	shalt  }
0x50: {  	_ =	shalt  }
0x51: {  	_ =	shalt  }
0x52: {  	_ =	shalt  }
0x53: {  	_ =	shalt  }
0x54: {  	_ =	shalt  }
0x55: {  	_ =	shalt  }
0x56: {  	_ =	shalt  }
0x57: {  	_ =	shalt  }
0x58: {  	_ =	shalt  }
0x59: {  	_ =	shalt  }
0x5a: {  	_ =	shalt  }
0x5b: {  	_ =	shalt  }
0x5c: {  	_ =	shalt  }
0x5d: {  	_ =	shalt  }
0x5e: {  	_ =	shalt  }
0x5f: {  	_ =	shalt  }
0x60: {  	_ =	shalt  }
0x61: {  	_ =	shalt  }
0x62: {  	_ =	shalt  }
0x63: {  	_ =	shalt  }
0x64: {  	_ =	shalt  }
0x65: {  	_ =	shalt  }
0x66: {  	_ =	shalt  }
0x67: {  	_ =	shalt  }
0x68: {  	_ =	shalt  }
0x69: {  	_ =	shalt  }
0x6a: {  	_ =	shalt  }
0x6b: {  	_ =	shalt  }
0x6c: {  	_ =	shalt  }
0x6d: {  	_ =	shalt  }
0x6e: {  	_ =	shalt  }
0x6f: {  	_ =	shalt  }
0x70: {  	_ =	shalt  }
0x71: {  	_ =	shalt  }
0x72: {  	_ =	shalt  }
0x73: {  	_ =	shalt  }
0x74: {  	_ =	shalt  }
0x75: {  	_ =	shalt  }
0x76: {  	_ =	shalt  }
0x77: {  	_ =	shalt  }
0x78: {  	_ =	shalt  }
0x79: {  	_ =	shalt  }
0x7a: {  	_ =	shalt  }
0x7b: {  	_ =	shalt  }
0x7c: {  	_ =	shalt  }
0x7d: {  	_ =	shalt  }
0x7e: {  	_ =	shalt  }
0x7f: {  	_ =	shalt  }
0x80: {  	_ =	shalt  }
0x81: {  	_ =	shalt  }
0x82: {  	_ =	shalt  }
0x83: {  	_ =	shalt  }
0x84: {  	_ =	shalt  }
0x85: {  	_ =	shalt  }
0x86: {  	_ =	shalt  }
0x87: {  	_ =	shalt  }
.Lfunc_end0:
.L_simem_size_0:
called_computation_lowered:
.L_overlay_start_0:
0x88: {  	s2 =	sld [smem:$0x3FD9]  }
0x89: {  	s3 =	sld [smem:$0x3FFE];
	_ =	sdelay $0x1  }
0x8a: {  	s1 =	srdreg.scid  }
0x8b: {  	s0 =	sand.u32 $0x1, s1  }
0x8c: {  	s17 =	sshll.u32 s0, $0xA;
	s2 =	sadd.s32 s3, s2  }
0x8d: {  	s2 =	sadd.s32 s2, s17  }
0x8e: {  	[smem:$0x3FBD] =	sst s2  }
0x8f: {  	_ = 	snop  }
0x90: {  	s2 =	sld [smem:$0x3FC9];
	(tm) =	ssettm $0x1  }
0x91: {  	s18 =	sld [smem:$0x3FFB];
	_ =	sdelay $0x3  }
0x92: {  	_ =	strace s18  }
0x93: {  	s3 =	sld [smem:$0x3FFC];
	_ =	sdelay $0x3  }
0x94: {  	_ =	strace s3  }
0x95: {  	s3 =	sld [smem:$0x3FFD];
	_ =	sdelay $0x3  }
0x96: {  	_ =	strace s3  }
0x97: {  	_ =	strace $0x8FFFFFFF  }
0x98: {  	s19 =	sld [smem:$0x3FDB];
	_ =	sdelay $0x1  }
0x99: {  	s4 =	simm.s32 $_scs_section_size  }
0x9a: {  	s5 =	simm.s32 $_size__tile_overlayer_lowered;
	s6 =	simm.s32 $_tile_overlayer_lowered  }
0x9b: {  	s22 =	simm.s32 $0x1BFF;
	s21 =	sshll.u32 s6, $0x1;
	s3 =	sadd.s32 s4, s19  }
0x9c: {  	s7 =	simm.s32 $0x0;
	s20 =	sshll.u32 s5, $0x1;
	s5 =	sadd.s32 s21, s3  }
0x9d: {  	[timem:s7], [sflag:s22] =	dma.local [hbm:s5], s20  }
0x9e: {  	_ =	swait.ge [sflag:s22], s20  }
0x9f: {  	s4 =	ssub.s32 $0x0, s20;
	[sflag:s22] =	ssyncset.done $0x0  }
0xa0: {  	[sflag:s22] =	ssyncadd.s32 s4;
	_ =	sdelay $0x1  }
0xa1: {  	s23 =	simm.s32 $0x1B8B  }
0xa2: {  	_ =	swait.ge [sflag:s23], $0x1  }
0xa3: {  	[sflag:s23] =	ssyncset.done $0x0  }
0xa4: {  	s25 =	simm.s32 $0x1B8E;
	s24 =	sld [smem:$0x3FFE];
	[sflag:s23] =	ssyncadd.s32 $0xFFFFFFFF  }
0xa5: {  	s26 =	simm.s32 $execute0_lowered;
	[smem:$0x3FD2] =	sst s25  }
0xa6: {  	s5 =	sshll.u32 s26, $0x1;
	_ =	strace $0x80000046;
	[dreg:$0x1] =	wrdreg $0xFFFFFFFF  }
0xa7: {  	s28 =	simm.s32 $_size_execute0_lowered;
	s3 =	sadd.s32 s3, s5;
	[dreg:$0x0] =	wrdreg $0x0  }
0xa8: {  	s5 =	sshll.u32 s28, $0x1;
	[dreg:$0x2] =	wrdreg s3  }
0xa9: {  	[dreg:$0x3] =	wrdreg s5  }
0xaa: {  	[dreg:$0x4] =	wrdreg $0xC0  }
0xab: {  	_ =	task [dreg:s7], $0x5FFFF  }
0xac: {  	[dreg:$0x1] =	wrdreg $0xFFFFFFFF  }
0xad: {  	[dreg:$0x0] =	wrdreg $0x60  }
0xae: {  	[dreg:$0x2] =	wrdreg s24  }
0xaf: {  	[dreg:$0x3] =	wrdreg s2  }
0xb0: {  	[dreg:$0x4] =	wrdreg $0x9  }
0xb1: {  	_ =	task.clear_ibuf [dreg:s7], $0x5FFFF;
	_ =	strace $0x90000046  }
0xb2: {  	s29 =	simm.s32 $0x9;
	_ =	strace $0x80000048  }
0xb3: {  	_ =	swait.ge [sflag:s29], $0x1  }
0xb4: {  	[sflag:s29] =	ssyncadd.s32 $0xFFFFFFFF  }
0xb5: {  	_ =	strace $0x90000048  }
0xb6: {  	_ =	sfence  }
0xb7: {  	s30 =	sld [smem:$0x0];
	_ =	sdelay $0x2  }
0xb8: {  	s31 =	sshll.u32 s1, $0xD;
	s1 =	sshrl.u32 s1, $0x2  }
0xb9: {  	s3 =	sand.u32 $0x4000, s31;
	s1 =	sadd.s32 s1, s30  }
0xba: {  	s0 =	sor.u32 s3, s0;
	s1 =	sshll.u32 s1, $0x11  }
0xbb: {  	s0 =	sor.u32 s1, s0  }
0xbc: {  	s0 =	sadd.s32 $0x8F2B, s0  }
0xbd: {  	[sflag:s0] =	ssyncadd.remote.s32 $0x1  }
0xbe: {  	_ =	sfence.sel $0xFFFF  }
0xbf: {  	[dreg:$0x0] =	wrdreg $0xFFFFFFFF;
	(pc) =	sbr.abs _section_cstart, $3  }
0xc0: {  	[dreg:$0x1] =	wrdreg $0xFFFFFFFF  }
0xc1: {  	_ =	task.clear_ibuf [dreg:s7], $0x2FFFF;
	_ =	strace $0x9FFFFFFF  }
0xc2: {  	(tm) =	ssettm $0x7FFFFFFF  }
0xc3: {  	_ =	shalt  }
tec
execute0_lowered:
.L_overlay_start_1:
0x0: {  	(tag) =	ssettag $0x1  }
0x1: {  	s0 =	rddreg [dreg:$0x0]  }
0x2: {  	s2 =	rddreg [dreg:$0x1];
	s3 =	simm.s32 $0x0  }
0x3: {  	s7 =	stileid.u32;
	s5 =	srdreg.scid;
	s20 =	simm.s32 $0x2000  }
0x4: {  	s21 =	simm.s32 $0x4000;
	s19 =	simm.s32 $0x2;
	s18 =	simm.s32 $0x11600  }
0x5: {  	s13 =	simm.s32 $0x11E00;
	s17 =	simm.s32 $0x13E00;
	[smem:$0x7FF] =	sst s3  }
0x6: {  	s1 =	sshll.u32 s7, $0x8;
	s22 =	sand.u32 $0x1, s5;
	s7 =	sshll.u32 s7, $0x1  }
0x7: {  	s8 =	sadd.s32 $0x3C00, s0;
	s10 =	sadd.s32 $0x100, s2;
	s11 =	sadd.s32 $0x200, s2  }
0x8: {  	s12 =	sadd.s32 $0x300, s2;
	s14 =	sadd.s32 $0x3F00, s0;
	s15 =	sadd.s32 $0x4000, s0  }
0x9: {  	s16 =	sadd.s32 $0x4100, s0;
	_ =	strace $0x80000047;
	s4 =	sand.u32 $0xC00, s1  }
0xa: {  	s6 =	ssub.s32 $0x2, s22;
	[dreg:$0x3] =	wrdreg s8;
	s9 =	sor.u32 s22, s7  }
0xb: {  	s7 =	sadd.s32 $0x3E00, s0;
	s22 =	simm.s32 $0x1;
	s1 =	simm.s32 $0x10E00  }
0xc: {  	s8 =	simm.s32 $0x12E00;
	s23 =	sadd.s32 s4, s0;
	s24 =	sshrl.u32 s6, $0x1  }
0xd: {  	[dreg:$0x4] =	wrdreg s9;
	s26 =	sand.u32 $0x7, s9;
	s29 =	sor.u32 $0x10, s4  }
.Ltmp0:
0xe: {  	s0 =	simm.s32 $0x10600;
	s28 =	sadd.s32 $0x1A00, s23;
	(pc) =	sbr.rel .LBB2_1-.Ltmp0, $4  }
0xf: {  	v1 =	vlaneseq.u32;
	vm0 =	vmmov $0xffff;
	s9 =	simm.s32 $0x13600;
	s5 =	sadd.s32 $0x2C00, s23;
	[dreg:$0x5] =	wrdreg s28  }
0x10: {  	v4 =	vmul.u32 $0x8, v1;
	v5 =	vor.u32 $0x8000, v1;
	v7 =	vshrl.u32 v1, $0x3;
	s25 =	ssub.s32 s6, s24;
	s30 =	sshll.u32 s26, $0xC;
	[dreg:$0x6] =	wrdreg s5  }
0x11: {  	v6 =	vand.u32 $0x7, v1;
	v8 =	vor.u32 $0x8, v1;
	v7 =	vmul.u32 $0x8, v7;
	s6 =	simm.s32 $0x3;
	[dreg:$0x7] =	wrdreg s30;
	s31 =	smax.u32 s25, $0x1  }
0x12: {  	v3 =	vor.u32 s4, v1;
	v0 =	vmov s26;
	v2 =	vor.u32 s29, v1;
	s23 =	simm.s32 $0x0;
	s5 =	simm.s32 $0x12600;
	[dreg:$0x8] =	wrdreg s31  }
.LBB2_10:
0x13: {  	s24 =	sand.u32 $0x1, s24  }
0x14: {  	p1 =	seq.s32 s24, $0x1  }
0x15: {  	p1 =	por !p1, p0  }
0x16: {  	s25 =	simm.s32 @!p1 $0x3  }
0x17: {  	p2 =	sne.s32 @!p0 s24, $0x0;
	_ =	swait.ge @!p1 [sflag:s25], $0x8000  }
0x18: {  	p0 =	por p2, p0;
	[sflag:s25] =	ssyncset.done @!p1 $0x0  }
0x19: {  	s24 =	simm.s32 @!p0 $0x4;
	[sflag:s25] =	ssyncadd.s32 @!p1 $0xFFFF8000  }
0x1a: {  	_ =	swait.ge @!p0 [sflag:s24], $0x8000  }
0x1b: {  	s23 =	sadd.s32 $0x1, s23;
	s31 =	rddreg [dreg:$0x8]  }
0x1c: {  	p1 =	sne.s32 s23, s31  }
.Ltmp1:
0x1d: {  	_ = 	snop;
	(pc) =	sbr.rel @!p1 .LBB2_11-.Ltmp1, $3  }
0x1e: {  	_ =	sdelay $0x1  }
0x1f: {  	[sflag:s24] =	ssyncset.done @!p0 $0x0  }
0x20: {  	[sflag:s24] =	ssyncadd.s32 @!p0 $0xFFFF8000  }
.LBB2_1:
0x21: {  	s24 =	rddreg [dreg:$0x3];
	s25 =	simm.s32 $0x4480;
	s28 =	simm.s32 $0x5  }
0x22: {  	[tilespmem:s25], [sflag:$0x5] =	stream.linear.gather [hbm4b:s24+s3], $0x80, $0x38;
	[tilespmem:$0x14600] =	vst v63  }
0x23: {  	_ =	swait.ge [sflag:s28], $0x80  }
0x24: {  	[sflag:s28] =	ssyncset.done $0x0  }
0x25: {  	s29 =	rddreg [dreg:$0x4];
	[sflag:s28] =	ssyncadd.s32 $0xFFFFFF80  }
0x26: {  	s30 =	rddreg [dreg:$0x5];
	v9 =	vld [tilespmem:s29+$0x4480]  }
0x27: {  	v11 =	vmov s3;
	v10 =	vld [tilespmem:s29+$0x44A0];
	[tilespmem:s3], [sflag:$0x5] =	stream.linear.gather [hbm4b:s30+s3], $0x2000, $0x38  }
0x28: {  	v11 =	vshll.u32 v11, $0x3;
	_ =	swait.ge [sflag:s28], $0x2000  }
0x29: {  	v11 =	vor.u32 v4, v11;
	[sflag:s28] =	ssyncset.done $0x0  }
0x2a: {  	v12 =	vor.u32 v0, v11;
	s31 =	rddreg [dreg:$0x6];
	[sflag:s28] =	ssyncadd.s32 $0xFFFFE000  }
0x2b: {  	[tilespmem:s20], [sflag:$0x5] =	stream.linear.gather [hbm4b:s31+s3], $0x2000, $0x38;
	[tilespmem:$0x14600] =	vst v63  }
0x2c: {  	_ =	swait.ge [sflag:s28], $0x2000  }
0x2d: {  	[sflag:s28] =	ssyncset.done $0x0  }
0x2e: {  	[sflag:s28] =	ssyncadd.s32 $0xFFFFE000  }
0x2f: {  	v13 =	vld.idx.msk [tilespmem:v12+s3+$0x0], $0xffff  }
0x30: {  	v12 =	vld.idx.msk [tilespmem:v12+s20+$0x0], $0xffff;
	_ =	sdelay $0x1  }
0x31: {  	s24 =	simm.s32 $0x10  }
0x32: {  	s26 =	simm.s32 $0x20;
	s25 =	simm.s32 $0x0;
	v14 =	vmov s24;
	v11 =	vbroadcast v9, $0x0  }
.LBB2_2:
0x33: {  	p0 =	sne.s32 s26, $0x3F0;
	v14 =	vshll.u32 v14, $0x3;
	vm1 =	vne.s32 v13, $0x0  }
0x34: {  	v12 =	vsub.s32 v12, v11;
	v13 =	vor.u32 v4, v14  }
0x35: {  	v14 =	vor.u32 v0, v13;
	_ =	sdelay $0x1  }
0x36: {  	s28 =	sadd.s32 s25, s4;
	s25 =	smov.u32 s24;
	s24 =	smov.u32 s26  }
0x37: {  	v13 =	vor.u32 s28, v1  }
0x38: {  	[tilespmem:v12+s21+$0x0] =	vst.idx.msk vm1, v13  }
0x39: {  	v13 =	vld.idx.msk [tilespmem:v14+s3+$0x0], $0xffff  }
.Ltmp2:
0x3a: {  	v12 =	vld.idx.msk [tilespmem:v14+s20+$0x0], $0xffff;
	(pc) =	sbr.rel @p0 .LBB2_2-.Ltmp2, $2  }
0x3b: {  	_ =	sdelay $0x2  }
0x3c: {  	s26 =	sadd.s32 $0x10, s26;
	v14 =	vmov s24  }
0x3d: {  	(v2sf) =	vpush v9, $0x0  }
0x3e: {  	(v2sf) =	vpush v10, $0x0;
	_ =	sdelay $0x3  }
0x3f: {  	v9 =	vshll.u32 v14, $0x3;
	vm1 =	vne.s32 v13, $0x0  }
0x40: {  	v9 =	vor.u32 v4, v9;
	v10 =	vsub.s32 v12, v11  }
0x41: {  	v9 =	vor.u32 v0, v9;
	_ =	sdelay $0x1  }
0x42: {  	s25 =	sadd.s32 s25, s4  }
0x43: {  	v63 =	vor.u32 s25, v1  }
0x44: {  	[tilespmem:v10+s21+$0x0] =	vst.idx.msk vm1, v63  }
0x45: {  	v10 =	vld.idx.msk [tilespmem:v9+s3+$0x0], $0xffff  }
0x46: {  	v9 =	vld.idx.msk [tilespmem:v9+s20+$0x0], $0xffff;
	_ =	sdelay $0x1  }
0x47: {  	s26 =	spop (v2sf)  }
0x48: {  	s30 =	spop (v2sf)  }
0x49: {  	vm1 =	vne.s32 v10, $0x0;
	s28 =	ssub.s32 s30, s26  }
0x4a: {  	v9 =	vsub.s32 v9, v11;
	s25 =	sadd.s32 $0x1F, s28  }
0x4b: {  	s29 =	sand.u32 $0x1F, s25  }
0x4c: {  	s31 =	sshra.s32 s25, $0x1F;
	p1 =	slt.s32 s25, $0x1;
	p0 =	sne.s32 s29, $0x0  }
0x4d: {  	s24 =	sadd.s32 s24, s4;
	s29 =	sshrl.u32 s31, $0x1B;
	p0 =	por !p1, !p0  }
0x4e: {  	v10 =	vor.u32 s24, v1;
	s29 =	sadd.s32 s29, s25;
	s25 =	simm.s32 $0x1;
	p0 =	por !p0, !p0  }
0x4f: {  	[tilespmem:v9+s21+$0x0] =	vst.idx.msk vm1, v10;
	s24 =	sshra.s32 s29, $0x5;
	s25 =	simm.s32 @!p0 $0x0  }
0x50: {  	[tilespmem:s28+$0x4000] =	vst v3;
	s24 =	ssub.s32 s24, s25  }
0x51: {  	[tilespmem:s28+$0x4010] =	vst v2;
	p0 =	slt.s32 s24, $0x1  }
0x52: {  	v9 =	vld @!p0 [tilespmem:$0x4000];
	_ =	sdelay $0x4  }
0x53: {  	v10 =	vshll.u32 @!p0 v9, $0x3  }
0x54: {  	v11 =	vlaneseq.u32 @!p0;
	v9 =	vand.u32 @!p0 $0x7, v9;
	v10 =	vand.u32 @!p0 $0xFFFFFFC0, v10  }
0x55: {  	v12 =	vshrl.u32 @!p0 v11, $0x3;
	v9 =	vor.u32 @!p0 v9, v10;
	v10 =	vand.u32 @!p0 $0x7, v11  }
0x56: {  	v12 =	vmul.u32 @!p0 $0x8, v12;
	v13 =	vperm.xlane @!p0 v9, v10;
	_ =	sdelay $0x1  }
0x57: {  	v13 =	vadd.s32 @!p0 v12, v13;
	_ =	sdelay $0x3  }
0x58: {  	vm1 =	vmmov @!p0 $0xffff;
	s25 =	simm.s32 @!p0 $0x0;
	s29 =	simm.s32 @!p0 $0x4600  }
0x59: {  	v11 =	vor.u32 @!p0 $0x8, v11;
	[tilespmem:s29], [sflag:$0x1] =	stream.indirect_vreg.gather @!p0 [hbm4b:s2+s25], $0x80, v13, vm1, $0xb8;
	[tilespmem:$0x14600] =	vst v63  }
0x5a: {  	v9 =	vperm.xlane @!p0 v9, v11;
	s29 =	simm.s32 @!p0 $0x4E00  }
0x5b: {  	[tilespmem:s29], [sflag:$0x1] =	stream.indirect_vreg.gather @!p0 [hbm4b:s10+s25], $0x80, v13, vm1, $0xb8;
	[tilespmem:$0x14600] =	vst v63  }
0x5c: {  	v9 =	vadd.s32 @!p0 v12, v9;
	s29 =	simm.s32 @!p0 $0x5600  }
0x5d: {  	[tilespmem:s29], [sflag:$0x1] =	stream.indirect_vreg.gather @!p0 [hbm4b:s11+s25], $0x80, v13, vm1, $0xb8;
	[tilespmem:$0x14600] =	vst v63  }
0x5e: {  	s29 =	simm.s32 @!p0 $0x5E00  }
0x5f: {  	[tilespmem:s29], [sflag:$0x1] =	stream.indirect_vreg.gather @!p0 [hbm4b:s12+s25], $0x80, v13, vm1, $0xb8;
	[tilespmem:$0x14600] =	vst v63  }
0x60: {  	s29 =	simm.s32 @!p0 $0x6600  }
0x61: {  	[tilespmem:s29], [sflag:$0x1] =	stream.indirect_vreg.gather @!p0 [hbm4b:s2+s25], $0x80, v9, vm1, $0xb8;
	[tilespmem:$0x14600] =	vst v63  }
0x62: {  	s29 =	simm.s32 @!p0 $0x6E00  }
0x63: {  	[tilespmem:s29], [sflag:$0x1] =	stream.indirect_vreg.gather @!p0 [hbm4b:s10+s25], $0x80, v9, vm1, $0xb8;
	[tilespmem:$0x14600] =	vst v63  }
0x64: {  	s29 =	simm.s32 @!p0 $0x7600  }
0x65: {  	[tilespmem:s29], [sflag:$0x1] =	stream.indirect_vreg.gather @!p0 [hbm4b:s11+s25], $0x80, v9, vm1, $0xb8;
	[tilespmem:$0x14600] =	vst v63  }
0x66: {  	s29 =	simm.s32 @!p0 $0x7E00  }
0x67: {  	[tilespmem:s29], [sflag:$0x1] =	stream.indirect_vreg.gather @!p0 [hbm4b:s12+s25], $0x80, v9, vm1, $0xb8;
	[tilespmem:$0x14600] =	vst v63  }
0x68: {  	v9 =	vld @!p0 [tilespmem:$0x4010];
	_ =	sdelay $0x4  }
0x69: {  	v13 =	vshll.u32 @!p0 v9, $0x3  }
0x6a: {  	v9 =	vand.u32 @!p0 $0x7, v9;
	v13 =	vand.u32 @!p0 $0xFFFFFFC0, v13  }
0x6b: {  	v9 =	vor.u32 @!p0 v9, v13  }
0x6c: {  	v10 =	vperm.xlane @!p0 v9, v10;
	_ =	sdelay $0x1  }
0x6d: {  	v10 =	vadd.s32 @!p0 v12, v10;
	_ =	sdelay $0x3  }
0x6e: {  	s29 =	simm.s32 @!p0 $0x8600  }
0x6f: {  	[tilespmem:s29], [sflag:$0x1] =	stream.indirect_vreg.gather @!p0 [hbm4b:s2+s25], $0x80, v10, vm1, $0xb8;
	[tilespmem:$0x14600] =	vst v63  }
0x70: {  	v9 =	vperm.xlane @!p0 v9, v11;
	s29 =	simm.s32 @!p0 $0x8E00  }
0x71: {  	[tilespmem:s29], [sflag:$0x1] =	stream.indirect_vreg.gather @!p0 [hbm4b:s10+s25], $0x80, v10, vm1, $0xb8;
	[tilespmem:$0x14600] =	vst v63  }
0x72: {  	v9 =	vadd.s32 @!p0 v12, v9;
	s29 =	simm.s32 @!p0 $0x9600  }
0x73: {  	[tilespmem:s29], [sflag:$0x1] =	stream.indirect_vreg.gather @!p0 [hbm4b:s11+s25], $0x80, v10, vm1, $0xb8;
	[tilespmem:$0x14600] =	vst v63  }
0x74: {  	s29 =	simm.s32 @!p0 $0x9E00  }
0x75: {  	[tilespmem:s29], [sflag:$0x1] =	stream.indirect_vreg.gather @!p0 [hbm4b:s12+s25], $0x80, v10, vm1, $0xb8;
	[tilespmem:$0x14600] =	vst v63  }
0x76: {  	s29 =	simm.s32 @!p0 $0xA600  }
0x77: {  	[tilespmem:s29], [sflag:$0x1] =	stream.indirect_vreg.gather @!p0 [hbm4b:s2+s25], $0x80, v9, vm1, $0xb8;
	[tilespmem:$0x14600] =	vst v63  }
0x78: {  	s29 =	simm.s32 @!p0 $0xAE00  }
0x79: {  	[tilespmem:s29], [sflag:$0x1] =	stream.indirect_vreg.gather @!p0 [hbm4b:s10+s25], $0x80, v9, vm1, $0xb8;
	[tilespmem:$0x14600] =	vst v63  }
0x7a: {  	s29 =	simm.s32 @!p0 $0xB600  }
0x7b: {  	[tilespmem:s29], [sflag:$0x1] =	stream.indirect_vreg.gather @!p0 [hbm4b:s11+s25], $0x80, v9, vm1, $0xb8;
	[tilespmem:$0x14600] =	vst v63  }
0x7c: {  	s29 =	simm.s32 @!p0 $0xBE00  }
0x7d: {  	[tilespmem:s29], [sflag:$0x1] =	stream.indirect_vreg.gather @!p0 [hbm4b:s12+s25], $0x80, v9, vm1, $0xb8;
	[tilespmem:$0x14600] =	vst v63  }
0x7e: {  	s25 =	sadd.s32 $0x1, s24  }
0x7f: {  	s30 =	sand.u32 $0x1, s25  }
0x80: {  	p6 =	slt.s32 s24, $0x0;
	p2 =	seq.s32 s30, $0x1  }
0x81: {  	s31 =	sshrl.u32 s25, $0x1F;
	p1 =	por !p6, !p2  }
0x82: {  	s29 =	simm.s32 $0x1;
	s25 =	sadd.s32 s31, s25;
	p1 =	por !p1, !p1  }
0x83: {  	s25 =	sshra.s32 s25, $0x1;
	s29 =	simm.s32 @!p1 $0x0  }
0x84: {  	s25 =	ssub.s32 s25, s29  }
0x85: {  	p1 =	slt.s32 s25, $0x1  }
.Ltmp3:
0x86: {  	_ = 	snop;
	(pc) =	sbr.rel @p1 .LBB2_10-.Ltmp3, $1  }
0x87: {  	_ =	sdelay $0x3  }
.Ltmp4:
0x88: {  	(pc) =	sbr.rel .LBB2_5-.Ltmp4, $4  }
0x89: {  	_ = 	snop  }
0x8a: {  	s29 =	rddreg [dreg:$0x7]  }
0x8b: {  	s26 =	sadd.s32 s29, s26  }
0x8c: {  	v9 =	vmov s28;
	s28 =	simm.s32 $0x0;
	s29 =	simm.s32 $0x0;
	v10 =	vmov s26;
	s26 =	simm.s32 $0x4050  }
.LBB2_9:
0x8d: {  	s25 =	sadd.s32 $0xFFFFFFFF, s25  }
0x8e: {  	p1 =	sne.s32 s25, $0x0  }
.Ltmp5:
0x8f: {  	_ = 	snop;
	(pc) =	sbr.rel @!p1 .LBB2_10-.Ltmp5, $2  }
0x90: {  	_ =	sdelay $0x2  }
0x91: {  	s28 =	sadd.s32 $0x40, s28;
	s26 =	sadd.s32 $0x40, s26;
	s29 =	smov.u32 s30  }
.LBB2_5:
0x92: {  	p1 =	sge.s32 s29, s24  }
.Ltmp6:
0x93: {  	_ = 	snop;
	(pc) =	sbr.rel @p1 .LBB2_7-.Ltmp6, $1  }
0x94: {  	_ =	sdelay $0x3  }
0x95: {  	p1 =	seq.s32 s29, $0x0  }
0x96: {  	s30 =	simm.s32 @!p1 $0x4  }
0x97: {  	_ =	swait.ge @!p1 [sflag:s30], $0x8000  }
0x98: {  	s31 =	sadd.s32 $0x1, s29;
	[sflag:s30] =	ssyncset.done @!p1 $0x0  }
0x99: {  	[sflag:s30] =	ssyncadd.s32 @!p1 $0xFFFF8000;
	p1 =	sge.s32 s31, s24  }
0x9a: {  	v11 =	vld @!p1 [tilespmem:s26+$0xFFFFFFD0];
	_ =	sdelay $0x4  }
0x9b: {  	v12 =	vshll.u32 @!p1 v11, $0x3  }
0x9c: {  	v13 =	vlaneseq.u32 @!p1;
	v11 =	vand.u32 @!p1 $0x7, v11;
	v12 =	vand.u32 @!p1 $0xFFFFFFC0, v12  }
0x9d: {  	v14 =	vshrl.u32 @!p1 v13, $0x3;
	v11 =	vor.u32 @!p1 v11, v12;
	v12 =	vand.u32 @!p1 $0x7, v13  }
0x9e: {  	v14 =	vmul.u32 @!p1 $0x8, v14;
	v15 =	vperm.xlane @!p1 v11, v12;
	_ =	sdelay $0x1  }
0x9f: {  	v15 =	vadd.s32 @!p1 v14, v15;
	_ =	sdelay $0x3  }
0xa0: {  	vm1 =	vmmov @!p1 $0xffff;
	s30 =	simm.s32 @!p1 $0x0;
	s31 =	simm.s32 @!p1 $0xC600  }
0xa1: {  	v13 =	vor.u32 @!p1 $0x8, v13;
	[tilespmem:s31], [sflag:$0x2] =	stream.indirect_vreg.gather @!p1 [hbm4b:s2+s30], $0x80, v15, vm1, $0xb8;
	[tilespmem:$0x14600] =	vst v63  }
0xa2: {  	v11 =	vperm.xlane @!p1 v11, v13;
	s31 =	simm.s32 @!p1 $0xCE00  }
0xa3: {  	[tilespmem:s31], [sflag:$0x2] =	stream.indirect_vreg.gather @!p1 [hbm4b:s10+s30], $0x80, v15, vm1, $0xb8;
	[tilespmem:$0x14600] =	vst v63  }
0xa4: {  	v11 =	vadd.s32 @!p1 v14, v11;
	s31 =	simm.s32 @!p1 $0xD600  }
0xa5: {  	[tilespmem:s31], [sflag:$0x2] =	stream.indirect_vreg.gather @!p1 [hbm4b:s11+s30], $0x80, v15, vm1, $0xb8;
	[tilespmem:$0x14600] =	vst v63  }
0xa6: {  	s31 =	simm.s32 @!p1 $0xDE00  }
0xa7: {  	[tilespmem:s31], [sflag:$0x2] =	stream.indirect_vreg.gather @!p1 [hbm4b:s12+s30], $0x80, v15, vm1, $0xb8;
	[tilespmem:$0x14600] =	vst v63  }
0xa8: {  	s31 =	simm.s32 @!p1 $0xE600  }
0xa9: {  	[tilespmem:s31], [sflag:$0x2] =	stream.indirect_vreg.gather @!p1 [hbm4b:s2+s30], $0x80, v11, vm1, $0xb8;
	[tilespmem:$0x14600] =	vst v63  }
0xaa: {  	s31 =	simm.s32 @!p1 $0xEE00  }
0xab: {  	[tilespmem:s31], [sflag:$0x2] =	stream.indirect_vreg.gather @!p1 [hbm4b:s10+s30], $0x80, v11, vm1, $0xb8;
	[tilespmem:$0x14600] =	vst v63  }
0xac: {  	s31 =	simm.s32 @!p1 $0xF600  }
0xad: {  	[tilespmem:s31], [sflag:$0x2] =	stream.indirect_vreg.gather @!p1 [hbm4b:s11+s30], $0x80, v11, vm1, $0xb8;
	[tilespmem:$0x14600] =	vst v63  }
0xae: {  	s31 =	simm.s32 @!p1 $0xFE00  }
0xaf: {  	[tilespmem:s31], [sflag:$0x2] =	stream.indirect_vreg.gather @!p1 [hbm4b:s12+s30], $0x80, v11, vm1, $0xb8;
	[tilespmem:$0x14600] =	vst v63  }
0xb0: {  	v11 =	vld @!p1 [tilespmem:s26+$0xFFFFFFE0];
	_ =	sdelay $0x4  }
0xb1: {  	v15 =	vshll.u32 @!p1 v11, $0x3  }
0xb2: {  	v11 =	vand.u32 @!p1 $0x7, v11;
	v15 =	vand.u32 @!p1 $0xFFFFFFC0, v15  }
0xb3: {  	v11 =	vor.u32 @!p1 v11, v15  }
0xb4: {  	v12 =	vperm.xlane @!p1 v11, v12;
	_ =	sdelay $0x1  }
0xb5: {  	v12 =	vadd.s32 @!p1 v14, v12;
	_ =	sdelay $0x3  }
0xb6: {  	s31 =	simm.s32 @!p1 $0x10600  }
0xb7: {  	[tilespmem:s31], [sflag:$0x2] =	stream.indirect_vreg.gather @!p1 [hbm4b:s2+s30], $0x80, v12, vm1, $0xb8;
	[tilespmem:$0x14600] =	vst v63  }
0xb8: {  	v11 =	vperm.xlane @!p1 v11, v13;
	s31 =	simm.s32 @!p1 $0x10E00  }
0xb9: {  	[tilespmem:s31], [sflag:$0x2] =	stream.indirect_vreg.gather @!p1 [hbm4b:s10+s30], $0x80, v12, vm1, $0xb8;
	[tilespmem:$0x14600] =	vst v63  }
0xba: {  	v11 =	vadd.s32 @!p1 v14, v11;
	s31 =	simm.s32 @!p1 $0x11600  }
0xbb: {  	[tilespmem:s31], [sflag:$0x2] =	stream.indirect_vreg.gather @!p1 [hbm4b:s11+s30], $0x80, v12, vm1, $0xb8;
	[tilespmem:$0x14600] =	vst v63  }
0xbc: {  	s31 =	simm.s32 @!p1 $0x11E00  }
0xbd: {  	[tilespmem:s31], [sflag:$0x2] =	stream.indirect_vreg.gather @!p1 [hbm4b:s12+s30], $0x80, v12, vm1, $0xb8;
	[tilespmem:$0x14600] =	vst v63  }
0xbe: {  	v57 =	vor.u32 s28, v1;
	s31 =	simm.s32 @!p1 $0x12600  }
0xbf: {  	vm2 =	vlt.s32 v57, v9;
	v12 =	vadd.s32 v10, v57;
	[tilespmem:s31], [sflag:$0x2] =	stream.indirect_vreg.gather @!p1 [hbm4b:s2+s30], $0x80, v11, vm1, $0xb8;
	[tilespmem:$0x14600] =	vst v63  }
0xc0: {  	v12 =	vsel vm2, v12, v5;
	s31 =	simm.s32 @!p1 $0x12E00  }
0xc1: {  	v58 =	vshll.u32 v12, $0x3;
	[tilespmem:s31], [sflag:$0x2] =	stream.indirect_vreg.gather @!p1 [hbm4b:s10+s30], $0x80, v11, vm1, $0xb8;
	[tilespmem:$0x14600] =	vst v63  }
0xc2: {  	v59 =	vand.u32 $0x7, v12;
	v13 =	vand.u32 $0xFFFFFFC0, v58;
	s31 =	simm.s32 @!p1 $0x13600  }
0xc3: {  	v13 =	vor.u32 v59, v13;
	[tilespmem:s31], [sflag:$0x2] =	stream.indirect_vreg.gather @!p1 [hbm4b:s11+s30], $0x80, v11, vm1, $0xb8;
	[tilespmem:$0x14600] =	vst v63  }
0xc4: {  	v14 =	vperm.xlane v13, v6;
	s31 =	simm.s32 @!p1 $0x13E00  }
0xc5: {  	[tilespmem:s31], [sflag:$0x2] =	stream.indirect_vreg.gather @!p1 [hbm4b:s12+s30], $0x80, v11, vm1, $0xb8;
	[tilespmem:$0x14600] =	vst v63  }
0xc6: {  	s31 =	sadd.s32 $0x10, s28;
	v11 =	vadd.s32 v7, v14;
	_ =	swait.ge [sflag:s22], $0x8000  }
0xc7: {  	v60 =	vor.u32 s31, v1;
	[sflag:s22] =	ssyncset.done $0x0  }
0xc8: {  	vm1 =	vlt.s32 v60, v9;
	v14 =	vadd.s32 v10, v60;
	[sflag:s22] =	ssyncadd.s32 $0xFFFF8000  }
0xc9: {  	v61 =	vsel vm1, v14, v5;
	[tilespmem:$0x4500] =	vst v12  }
0xca: {  	s31 =	simm.s32 $0x4600;
	[tilespmem:$0x4510] =	vst v61  }
0xcb: {  	[hbm4b:s7+s3] =	stream.indirect_vreg.scatter [tilespmem:s31], [sflag:$0x3], $0x80, v11, vm0, $0xb8;
	[tilespmem:$0x14600] =	vst v63  }
0xcc: {  	v62 =	vperm.xlane v13, v8;
	s31 =	simm.s32 $0x4E00  }
0xcd: {  	[hbm4b:s14+s3] =	stream.indirect_vreg.scatter [tilespmem:s31], [sflag:$0x3], $0x80, v11, vm0, $0xb8;
	[tilespmem:$0x14600] =	vst v63  }
0xce: {  	v12 =	vadd.s32 v7, v62;
	s31 =	simm.s32 $0x5600  }
0xcf: {  	[hbm4b:s15+s3] =	stream.indirect_vreg.scatter [tilespmem:s31], [sflag:$0x3], $0x80, v11, vm0, $0xb8;
	[tilespmem:$0x14600] =	vst v63  }
0xd0: {  	s31 =	simm.s32 $0x5E00  }
0xd1: {  	[hbm4b:s16+s3] =	stream.indirect_vreg.scatter [tilespmem:s31], [sflag:$0x3], $0x80, v11, vm0, $0xb8;
	[tilespmem:$0x14600] =	vst v63  }
0xd2: {  	s31 =	simm.s32 $0x6600  }
0xd3: {  	[hbm4b:s7+s3] =	stream.indirect_vreg.scatter [tilespmem:s31], [sflag:$0x3], $0x80, v12, vm0, $0xb8;
	[tilespmem:$0x14600] =	vst v63  }
0xd4: {  	s31 =	simm.s32 $0x6E00  }
0xd5: {  	[hbm4b:s14+s3] =	stream.indirect_vreg.scatter [tilespmem:s31], [sflag:$0x3], $0x80, v12, vm0, $0xb8;
	[tilespmem:$0x14600] =	vst v63  }
0xd6: {  	s31 =	simm.s32 $0x7600  }
0xd7: {  	[hbm4b:s15+s3] =	stream.indirect_vreg.scatter [tilespmem:s31], [sflag:$0x3], $0x80, v12, vm0, $0xb8;
	[tilespmem:$0x14600] =	vst v63  }
0xd8: {  	s31 =	simm.s32 $0x7E00  }
0xd9: {  	[hbm4b:s16+s3] =	stream.indirect_vreg.scatter [tilespmem:s31], [sflag:$0x3], $0x80, v12, vm0, $0xb8;
	[tilespmem:$0x14600] =	vst v63  }
0xda: {  	v11 =	vld [tilespmem:$0x4510];
	_ =	sdelay $0x4  }
0xdb: {  	v63 =	vshll.u32 v11, $0x3  }
0xdc: {  	v11 =	vand.u32 $0x7, v11;
	v12 =	vand.u32 $0xFFFFFFC0, v63  }
0xdd: {  	v11 =	vor.u32 v11, v12  }
0xde: {  	v12 =	vperm.xlane v11, v6;
	_ =	sdelay $0x1  }
0xdf: {  	v12 =	vadd.s32 v7, v12;
	_ =	sdelay $0x3  }
0xe0: {  	s31 =	simm.s32 $0x8600  }
0xe1: {  	[hbm4b:s7+s3] =	stream.indirect_vreg.scatter [tilespmem:s31], [sflag:$0x3], $0x80, v12, vm0, $0xb8;
	[tilespmem:$0x14600] =	vst v63  }
0xe2: {  	v11 =	vperm.xlane v11, v8;
	s31 =	simm.s32 $0x8E00  }
0xe3: {  	[hbm4b:s14+s3] =	stream.indirect_vreg.scatter [tilespmem:s31], [sflag:$0x3], $0x80, v12, vm0, $0xb8;
	[tilespmem:$0x14600] =	vst v63  }
0xe4: {  	v11 =	vadd.s32 v7, v11;
	s31 =	simm.s32 $0x9600  }
0xe5: {  	[hbm4b:s15+s3] =	stream.indirect_vreg.scatter [tilespmem:s31], [sflag:$0x3], $0x80, v12, vm0, $0xb8;
	[tilespmem:$0x14600] =	vst v63  }
0xe6: {  	s31 =	simm.s32 $0x9E00  }
0xe7: {  	[hbm4b:s16+s3] =	stream.indirect_vreg.scatter [tilespmem:s31], [sflag:$0x3], $0x80, v12, vm0, $0xb8;
	[tilespmem:$0x14600] =	vst v63  }
0xe8: {  	s31 =	simm.s32 $0xA600  }
0xe9: {  	[hbm4b:s7+s3] =	stream.indirect_vreg.scatter [tilespmem:s31], [sflag:$0x3], $0x80, v11, vm0, $0xb8;
	[tilespmem:$0x14600] =	vst v63  }
0xea: {  	s31 =	simm.s32 $0xAE00  }
0xeb: {  	[hbm4b:s14+s3] =	stream.indirect_vreg.scatter [tilespmem:s31], [sflag:$0x3], $0x80, v11, vm0, $0xb8;
	[tilespmem:$0x14600] =	vst v63  }
0xec: {  	s31 =	simm.s32 $0xB600  }
0xed: {  	[hbm4b:s15+s3] =	stream.indirect_vreg.scatter [tilespmem:s31], [sflag:$0x3], $0x80, v11, vm0, $0xb8;
	[tilespmem:$0x14600] =	vst v63  }
0xee: {  	s31 =	simm.s32 $0xBE00  }
0xef: {  	[hbm4b:s16+s3] =	stream.indirect_vreg.scatter [tilespmem:s31], [sflag:$0x3], $0x80, v11, vm0, $0xb8;
	[tilespmem:$0x14600] =	vst v63  }
.LBB2_7:
0xf0: {  	s30 =	sadd.s32 $0x1, s29  }
0xf1: {  	p1 =	sge.s32 s30, s24  }
.Ltmp7:
0xf2: {  	_ = 	snop;
	(pc) =	sbr.rel @p1 .LBB2_9-.Ltmp7, $2  }
0xf3: {  	_ =	sdelay $0x2  }
0xf4: {  	s30 =	sadd.s32 $0x2, s29  }
0xf5: {  	_ =	swait.ge [sflag:s6], $0x8000  }
0xf6: {  	s29 =	sadd.s32 $0x2, s29;
	[sflag:s6] =	ssyncset.done $0x0  }
0xf7: {  	p1 =	sge.s32 s29, s24;
	[sflag:s6] =	ssyncadd.s32 $0xFFFF8000  }
0xf8: {  	v11 =	vld @!p1 [tilespmem:s26+$0xFFFFFFF0];
	_ =	sdelay $0x4  }
0xf9: {  	v12 =	vshll.u32 @!p1 v11, $0x3  }
0xfa: {  	v13 =	vlaneseq.u32 @!p1;
	v11 =	vand.u32 @!p1 $0x7, v11;
	v12 =	vand.u32 @!p1 $0xFFFFFFC0, v12  }
0xfb: {  	v14 =	vshrl.u32 @!p1 v13, $0x3;
	v11 =	vor.u32 @!p1 v11, v12;
	v12 =	vand.u32 @!p1 $0x7, v13  }
0xfc: {  	v14 =	vmul.u32 @!p1 $0x8, v14;
	v15 =	vperm.xlane @!p1 v11, v12;
	_ =	sdelay $0x1  }
0xfd: {  	v15 =	vadd.s32 @!p1 v14, v15;
	_ =	sdelay $0x3  }
0xfe: {  	vm1 =	vmmov @!p1 $0xffff;
	s29 =	simm.s32 @!p1 $0x0;
	s31 =	simm.s32 @!p1 $0x4600  }
0xff: {  	v13 =	vor.u32 @!p1 $0x8, v13;
	[tilespmem:s31], [sflag:$0x1] =	stream.indirect_vreg.gather @!p1 [hbm4b:s2+s29], $0x80, v15, vm1, $0xb8;
	[tilespmem:$0x14600] =	vst v63  }
0x100: {  	v11 =	vperm.xlane @!p1 v11, v13;
	s31 =	simm.s32 @!p1 $0x4E00  }
0x101: {  	[tilespmem:s31], [sflag:$0x1] =	stream.indirect_vreg.gather @!p1 [hbm4b:s10+s29], $0x80, v15, vm1, $0xb8;
	[tilespmem:$0x14600] =	vst v63  }
0x102: {  	v11 =	vadd.s32 @!p1 v14, v11;
	s31 =	simm.s32 @!p1 $0x5600  }
0x103: {  	[tilespmem:s31], [sflag:$0x1] =	stream.indirect_vreg.gather @!p1 [hbm4b:s11+s29], $0x80, v15, vm1, $0xb8;
	[tilespmem:$0x14600] =	vst v63  }
0x104: {  	s31 =	simm.s32 @!p1 $0x5E00  }
0x105: {  	[tilespmem:s31], [sflag:$0x1] =	stream.indirect_vreg.gather @!p1 [hbm4b:s12+s29], $0x80, v15, vm1, $0xb8;
	[tilespmem:$0x14600] =	vst v63  }
0x106: {  	s31 =	simm.s32 @!p1 $0x6600  }
0x107: {  	[tilespmem:s31], [sflag:$0x1] =	stream.indirect_vreg.gather @!p1 [hbm4b:s2+s29], $0x80, v11, vm1, $0xb8;
	[tilespmem:$0x14600] =	vst v63  }
0x108: {  	s31 =	simm.s32 @!p1 $0x6E00  }
0x109: {  	[tilespmem:s31], [sflag:$0x1] =	stream.indirect_vreg.gather @!p1 [hbm4b:s10+s29], $0x80, v11, vm1, $0xb8;
	[tilespmem:$0x14600] =	vst v63  }
0x10a: {  	s31 =	simm.s32 @!p1 $0x7600  }
0x10b: {  	[tilespmem:s31], [sflag:$0x1] =	stream.indirect_vreg.gather @!p1 [hbm4b:s11+s29], $0x80, v11, vm1, $0xb8;
	[tilespmem:$0x14600] =	vst v63  }
0x10c: {  	s31 =	simm.s32 @!p1 $0x7E00  }
0x10d: {  	[tilespmem:s31], [sflag:$0x1] =	stream.indirect_vreg.gather @!p1 [hbm4b:s12+s29], $0x80, v11, vm1, $0xb8;
	[tilespmem:$0x14600] =	vst v63  }
0x10e: {  	v11 =	vld @!p1 [tilespmem:s26+$0x0];
	_ =	sdelay $0x4  }
0x10f: {  	v15 =	vshll.u32 @!p1 v11, $0x3  }
0x110: {  	v11 =	vand.u32 @!p1 $0x7, v11;
	v15 =	vand.u32 @!p1 $0xFFFFFFC0, v15  }
0x111: {  	v11 =	vor.u32 @!p1 v11, v15  }
0x112: {  	v12 =	vperm.xlane @!p1 v11, v12;
	_ =	sdelay $0x1  }
0x113: {  	v12 =	vadd.s32 @!p1 v14, v12;
	_ =	sdelay $0x3  }
0x114: {  	s31 =	simm.s32 @!p1 $0x8600  }
0x115: {  	[tilespmem:s31], [sflag:$0x1] =	stream.indirect_vreg.gather @!p1 [hbm4b:s2+s29], $0x80, v12, vm1, $0xb8;
	[tilespmem:$0x14600] =	vst v63  }
0x116: {  	s31 =	simm.s32 @!p1 $0x8E00  }
0x117: {  	v11 =	vperm.xlane @!p1 v11, v13;
	[tilespmem:s31], [sflag:$0x1] =	stream.indirect_vreg.gather @!p1 [hbm4b:s10+s29], $0x80, v12, vm1, $0xb8;
	[tilespmem:$0x14600] =	vst v63  }
0x118: {  	s31 =	simm.s32 @!p1 $0x9600  }
0x119: {  	v11 =	vadd.s32 @!p1 v14, v11;
	[tilespmem:s31], [sflag:$0x1] =	stream.indirect_vreg.gather @!p1 [hbm4b:s11+s29], $0x80, v12, vm1, $0xb8;
	[tilespmem:$0x14600] =	vst v63  }
0x11a: {  	s31 =	simm.s32 @!p1 $0x9E00  }
0x11b: {  	[tilespmem:s31], [sflag:$0x1] =	stream.indirect_vreg.gather @!p1 [hbm4b:s12+s29], $0x80, v12, vm1, $0xb8;
	[tilespmem:$0x14600] =	vst v63  }
0x11c: {  	s31 =	sadd.s32 $0x20, s28  }
0x11d: {  	v57 =	vor.u32 s31, v1;
	s31 =	simm.s32 @!p1 $0xA600  }
0x11e: {  	[tilespmem:s31], [sflag:$0x1] =	stream.indirect_vreg.gather @!p1 [hbm4b:s2+s29], $0x80, v11, vm1, $0xb8;
	vm2 =	vlt.s32 v57, v9;
	v12 =	vadd.s32 v10, v57;
	[tilespmem:$0x14600] =	vst v63  }
0x11f: {  	s31 =	simm.s32 @!p1 $0xAE00;
	v12 =	vsel vm2, v12, v5  }
0x120: {  	[tilespmem:s31], [sflag:$0x1] =	stream.indirect_vreg.gather @!p1 [hbm4b:s10+s29], $0x80, v11, vm1, $0xb8;
	v58 =	vshll.u32 v12, $0x3;
	[tilespmem:$0x14600] =	vst v63  }
0x121: {  	s31 =	simm.s32 @!p1 $0xB600;
	v59 =	vand.u32 $0x7, v12;
	v13 =	vand.u32 $0xFFFFFFC0, v58  }
0x122: {  	[tilespmem:s31], [sflag:$0x1] =	stream.indirect_vreg.gather @!p1 [hbm4b:s11+s29], $0x80, v11, vm1, $0xb8;
	v13 =	vor.u32 v59, v13;
	[tilespmem:$0x14600] =	vst v63  }
0x123: {  	s31 =	simm.s32 @!p1 $0xBE00;
	v14 =	vperm.xlane v13, v6  }
0x124: {  	[tilespmem:s31], [sflag:$0x1] =	stream.indirect_vreg.gather @!p1 [hbm4b:s12+s29], $0x80, v11, vm1, $0xb8;
	[tilespmem:$0x14600] =	vst v63  }
0x125: {  	s31 =	sadd.s32 $0x30, s28;
	_ =	swait.ge [sflag:s19], $0x8000;
	v11 =	vadd.s32 v7, v14  }
0x126: {  	v60 =	vor.u32 s31, v1;
	[sflag:s19] =	ssyncset.done $0x0  }
0x127: {  	vm1 =	vlt.s32 v60, v9;
	v14 =	vadd.s32 v10, v60;
	[sflag:s19] =	ssyncadd.s32 $0xFFFF8000  }
0x128: {  	v61 =	vsel vm1, v14, v5;
	[tilespmem:$0x4580] =	vst v12  }
0x129: {  	s31 =	simm.s32 $0xC600;
	[tilespmem:$0x4590] =	vst v61  }
0x12a: {  	[hbm4b:s7+s3] =	stream.indirect_vreg.scatter [tilespmem:s31], [sflag:$0x4], $0x80, v11, vm0, $0xb8;
	[tilespmem:$0x14600] =	vst v63  }
0x12b: {  	v62 =	vperm.xlane v13, v8;
	s31 =	simm.s32 $0xCE00  }
0x12c: {  	[hbm4b:s14+s3] =	stream.indirect_vreg.scatter [tilespmem:s31], [sflag:$0x4], $0x80, v11, vm0, $0xb8;
	[tilespmem:$0x14600] =	vst v63  }
0x12d: {  	v12 =	vadd.s32 v7, v62;
	s31 =	simm.s32 $0xD600  }
0x12e: {  	[hbm4b:s15+s3] =	stream.indirect_vreg.scatter [tilespmem:s31], [sflag:$0x4], $0x80, v11, vm0, $0xb8;
	[tilespmem:$0x14600] =	vst v63  }
0x12f: {  	s31 =	simm.s32 $0xDE00  }
0x130: {  	[hbm4b:s16+s3] =	stream.indirect_vreg.scatter [tilespmem:s31], [sflag:$0x4], $0x80, v11, vm0, $0xb8;
	[tilespmem:$0x14600] =	vst v63  }
0x131: {  	s31 =	simm.s32 $0xE600  }
0x132: {  	[hbm4b:s7+s3] =	stream.indirect_vreg.scatter [tilespmem:s31], [sflag:$0x4], $0x80, v12, vm0, $0xb8;
	[tilespmem:$0x14600] =	vst v63  }
0x133: {  	s31 =	simm.s32 $0xEE00  }
0x134: {  	[hbm4b:s14+s3] =	stream.indirect_vreg.scatter [tilespmem:s31], [sflag:$0x4], $0x80, v12, vm0, $0xb8;
	[tilespmem:$0x14600] =	vst v63  }
0x135: {  	s31 =	simm.s32 $0xF600  }
0x136: {  	[hbm4b:s15+s3] =	stream.indirect_vreg.scatter [tilespmem:s31], [sflag:$0x4], $0x80, v12, vm0, $0xb8;
	[tilespmem:$0x14600] =	vst v63  }
0x137: {  	s31 =	simm.s32 $0xFE00  }
0x138: {  	[hbm4b:s16+s3] =	stream.indirect_vreg.scatter [tilespmem:s31], [sflag:$0x4], $0x80, v12, vm0, $0xb8;
	[tilespmem:$0x14600] =	vst v63  }
0x139: {  	v11 =	vld [tilespmem:$0x4590];
	_ =	sdelay $0x4  }
0x13a: {  	v63 =	vshll.u32 v11, $0x3  }
0x13b: {  	v11 =	vand.u32 $0x7, v11;
	v12 =	vand.u32 $0xFFFFFFC0, v63  }
0x13c: {  	v11 =	vor.u32 v11, v12  }
0x13d: {  	v12 =	vperm.xlane v11, v6;
	_ =	sdelay $0x1  }
0x13e: {  	v12 =	vadd.s32 v7, v12;
	_ =	sdelay $0x4  }
0x13f: {  	[hbm4b:s7+s3] =	stream.indirect_vreg.scatter [tilespmem:s0], [sflag:$0x4], $0x80, v12, vm0, $0xb8;
	[tilespmem:$0x14600] =	vst v63  }
0x140: {  	v11 =	vperm.xlane v11, v8  }
0x141: {  	[hbm4b:s14+s3] =	stream.indirect_vreg.scatter [tilespmem:s1], [sflag:$0x4], $0x80, v12, vm0, $0xb8;
	[tilespmem:$0x14600] =	vst v63  }
0x142: {  	v11 =	vadd.s32 v7, v11  }
0x143: {  	[hbm4b:s15+s3] =	stream.indirect_vreg.scatter [tilespmem:s18], [sflag:$0x4], $0x80, v12, vm0, $0xb8;
	[tilespmem:$0x14600] =	vst v63  }
0x144: {  	_ = 	snop  }
0x145: {  	[hbm4b:s16+s3] =	stream.indirect_vreg.scatter [tilespmem:s13], [sflag:$0x4], $0x80, v12, vm0, $0xb8;
	[tilespmem:$0x14600] =	vst v63  }
0x146: {  	_ = 	snop  }
0x147: {  	[hbm4b:s7+s3] =	stream.indirect_vreg.scatter [tilespmem:s5], [sflag:$0x4], $0x80, v11, vm0, $0xb8;
	[tilespmem:$0x14600] =	vst v63  }
0x148: {  	_ = 	snop  }
0x149: {  	[hbm4b:s14+s3] =	stream.indirect_vreg.scatter [tilespmem:s8], [sflag:$0x4], $0x80, v11, vm0, $0xb8;
	[tilespmem:$0x14600] =	vst v63  }
.Ltmp8:
0x14a: {  	_ = 	snop;
	(pc) =	sbr.rel .LBB2_9-.Ltmp8, $4  }
0x14b: {  	_ = 	snop  }
0x14c: {  	[hbm4b:s15+s3] =	stream.indirect_vreg.scatter [tilespmem:s9], [sflag:$0x4], $0x80, v11, vm0, $0xb8;
	[tilespmem:$0x14600] =	vst v63  }
0x14d: {  	_ = 	snop  }
0x14e: {  	[hbm4b:s16+s3] =	stream.indirect_vreg.scatter [tilespmem:s17], [sflag:$0x4], $0x80, v11, vm0, $0xb8;
	[tilespmem:$0x14600] =	vst v63  }
.LBB2_11:
0x14f: {  	_ =	sfence.sel $0x180000  }
0x150: {  	[bflag:$0x0] =	sbarrier.arrive $0xFFFF  }
0x151: {  	_ =	strace $0x90000047  }
0x152: {  	s0 =	stileid.u32;
	[bflag:$0x2] =	sbarrier.arrive $0xFFFF  }
0x153: {  	p0 =	sne.s32 s0, $0x0;
	s0 =	rddreg [dreg:$0x2]  }
0x154: {  	s0 =	sadd.s32 @!p0 $0x100000, s0  }
0x155: {  	[sflag:s0] =	ssyncadd.tile.s32 @!p0 $0x1;
	_ =	shalt  }
.Lfunc_end2:
_tile_overlayer_lowered:
.L_overlay_start_2:
0x156: {  	(tag) =	ssettag $0x2  }
0x157: {  	s0 =	rddreg [dreg:$0x0];
	s2 =	stileid.u32  }
0x158: {  	s1 =	rddreg [dreg:$0x1];
	p0 =	sne.s32 s2, $0x0  }
0x159: {  	s3 =	rddreg [dreg:$0x2];
	[bflag:$0x3] =	sbarrier.arrive $0xFFFF;
	s2 =	simm.s32 @!p0 $0x1C05  }
0x15a: {  	[timem:s3], [sflag:s2] =	dma.local @!p0 [hbm:s0], s1  }
0x15b: {  	s0 =	simm.s32 @!p0 $0x5  }
0x15c: {  	_ =	swait.ge @!p0 [sflag:s0], s1  }
0x15d: {  	s1 =	ssub.s32 @!p0 $0x0, s1;
	[sflag:s0] =	ssyncset.done @!p0 $0x0  }
0x15e: {  	[sflag:s0] =	ssyncadd.s32 @!p0 s1  }
0x15f: {  	[bflag:$0x3] =	sbarrier.arrive $0xFFFF  }
0x160: {  	_ =	shalt  }

// kernel: kernel.9.cloned.1.call-start
scs
__scs_entry_jumppad:
0x0: {  	(pc) =	sbr.rel $0x88, $3  }
0x1: {  	(tag) =	ssettag $0x0;
	lr =	simm.s32 $0x1  }
0x2: {  	[smem:$0x3F96] =	sst lr;
	_ =	strace $0xD0000000  }
0x3: {  	_ = 	snop  }
0x4: {  	_ = 	snop  }
0x5: {  	_ = 	snop  }
0x6: {  	_ = 	snop  }
0x7: {  	_ = 	snop  }
__scs_overlays_trampoline_lowered:
0x8: {  	[smem:$0x3FA5] =	sst s0  }
0x9: {  	[smem:$0x3FA6] =	sst s1  }
0xa: {  	[smem:$0x3FA7] =	sst s2  }
0xb: {  	[smem:$0x3FA8] =	sst s3  }
0xc: {  	[smem:$0x3FA9] =	sst s4  }
0xd: {  	[smem:$0x3FAA] =	sst s5  }
0xe: {  	[smem:$0x3FAB] =	sst s6  }
0xf: {  	[smem:$0x3FAC] =	sst s7  }
0x10: {  	[smem:$0x3FAD] =	sst s8  }
0x11: {  	[smem:$0x3FAE] =	sst s9;
	s0 =	simm.s32 @!p0 $0x0  }
0x12: {  	s1 =	sld [smem:$0x3F94];
	s0 =	simm.s32 @p0 $0x1  }
0x13: {  	[smem:$0x3FAF] =	sst s0;
	s0 =	simm.s32 @!p1 $0x0  }
0x14: {  	s2 =	sld [smem:$0x3F93];
	s0 =	simm.s32 @p1 $0x1  }
0x15: {  	[smem:$0x3FB0] =	sst s0;
	s0 =	simm.s32 @!p2 $0x0  }
0x16: {  	s3 =	sld [smem:$0x3FDB];
	s0 =	simm.s32 @p2 $0x1  }
0x17: {  	s4 =	simm.s32 $0x1BF5;
	[smem:$0x3FB2] =	sst s0  }
0x18: {  	s0 =	sld [smem:$0x3F95];
	_ =	swait.ge [sflag:s4], $0x0  }
0x19: {  	s7 =	sld [smem:$0x3F96]  }
0x1a: {  	s8 =	sadd.s32 $0xFFFFE003, lr  }
0x1b: {  	s9 =	sadd.s32 $0xFFFFFEF7, lr;
	s5 =	simm.s32 $0xFFFFFFFF;
	p2 =	slt.u32 s8, $0xFFFFF086  }
0x1c: {  	p1 =	slt.u32 s9, $0xF7A;
	s5 =	simm.s32 @!p2 $0x0  }
0x1d: {  	s5 =	simm.s32 @p1 $0x1;
	p0 =	seq.s32 s7, s2  }
0x1e: {  	s7 =	smul.u32 @!p0 $0xF7A, s2;
	p2 =	seq.s32 @!p0 s5, $0x0  }
0x1f: {  	s9 =	smul.u32 $0xF7A, s1;
	s8 =	simm.s32 @!p0 $0x1BF5;
	p2 =	por !p2, p0  }
0x20: {  	[sflag:s8] =	ssyncset.s32 @!p0 $0xFFFFF086;
	s6 =	sadd.s32 @!p0 s3, s7;
	s7 =	simm.s32 @!p0 $0x108  }
0x21: {  	s3 =	sadd.s32 s3, s9;
	s6 =	sadd.s32 @!p0 $0x88, s6;
	s7 =	simm.s32 @p2 $0x1082  }
0x22: {  	[simem:s7], [sflag:s8] =	dma.local @!p0 [hbm:s6], $0xF7A  }
0x23: {  	s9 =	sor.u32 $0xD0000000, s2;
	s6 =	simm.s32 $0x108;
	_ =	swait.ge @!p0 [sflag:s8], $0x0  }
0x24: {  	s3 =	sadd.s32 $0x88, s3;
	s6 =	simm.s32 @!p1 $0x1082;
	[sflag:s4] =	ssyncset.s32 $0xFFFFF086  }
0x25: {  	[simem:s6], [sflag:s4] =	dma.local [hbm:s3], $0xF7A  }
0x26: {  	[smem:$0x3F96] =	sst s1;
	(tag) =	ssettag s2;
	_ =	strace s9  }
0x27: {  	s1 =	sld [smem:$0x3FA6]  }
0x28: {  	s2 =	sld [smem:$0x3FA7]  }
0x29: {  	s4 =	sld [smem:$0x3FA9]  }
0x2a: {  	p0 =	seq.s32 s5, $0x0;
	s5 =	sld [smem:$0x3FAA]  }
0x2b: {  	s6 =	sld [smem:$0x3FAB]  }
0x2c: {  	s7 =	sld [smem:$0x3FAC]  }
0x2d: {  	s3 =	simm.s32 $0x108;
	s8 =	sld [smem:$0x3FAD]  }
0x2e: {  	s3 =	simm.s32 @!p0 $0x1082;
	s9 =	sld [smem:$0x3FAE]  }
0x2f: {  	lr =	sadd.s32 s0, s3;
	s0 =	sld [smem:$0x3FA5]  }
0x30: {  	s3 =	sld [smem:$0x3FA8]  }
0x31: {  	[smem:$0x3FB1] =	sst s10  }
0x32: {  	s10 =	sld [smem:$0x3FAF];
	_ =	sdelay $0x3  }
0x33: {  	p0 =	seq.s32 s10, $0x1;
	s10 =	sld [smem:$0x3FB1];
	_ =	sdelay $0x3  }
0x34: {  	[smem:$0x3FB1] =	sst s10  }
0x35: {  	s10 =	sld [smem:$0x3FB0];
	_ =	sdelay $0x3  }
0x36: {  	p1 =	seq.s32 s10, $0x1;
	s10 =	sld [smem:$0x3FB1];
	_ =	sdelay $0x3  }
0x37: {  	[smem:$0x3FB1] =	sst s10  }
0x38: {  	s10 =	sld [smem:$0x3FB2]  }
0x39: {  	_ = 	snop;
	(pc) =	sbr.ind lr, $3  }
0x3a: {  	_ = 	snop  }
0x3b: {  	_ = 	snop  }
0x3c: {  	p2 =	seq.s32 s10, $0x1;
	s10 =	sld [smem:$0x3FB1]  }
0x3d: {  	_ =	shalt  }
0x3e: {  	_ =	shalt  }
0x3f: {  	_ =	shalt  }
0x40: {  	_ =	shalt  }
0x41: {  	_ =	shalt  }
0x42: {  	_ =	shalt  }
0x43: {  	_ =	shalt  }
0x44: {  	_ =	shalt  }
0x45: {  	_ =	shalt  }
0x46: {  	_ =	shalt  }
0x47: {  	_ =	shalt  }
0x48: {  	_ =	shalt  }
0x49: {  	_ =	shalt  }
0x4a: {  	_ =	shalt  }
0x4b: {  	_ =	shalt  }
0x4c: {  	_ =	shalt  }
0x4d: {  	_ =	shalt  }
0x4e: {  	_ =	shalt  }
0x4f: {  	_ =	shalt  }
0x50: {  	_ =	shalt  }
0x51: {  	_ =	shalt  }
0x52: {  	_ =	shalt  }
0x53: {  	_ =	shalt  }
0x54: {  	_ =	shalt  }
0x55: {  	_ =	shalt  }
0x56: {  	_ =	shalt  }
0x57: {  	_ =	shalt  }
0x58: {  	_ =	shalt  }
0x59: {  	_ =	shalt  }
0x5a: {  	_ =	shalt  }
0x5b: {  	_ =	shalt  }
0x5c: {  	_ =	shalt  }
0x5d: {  	_ =	shalt  }
0x5e: {  	_ =	shalt  }
0x5f: {  	_ =	shalt  }
0x60: {  	_ =	shalt  }
0x61: {  	_ =	shalt  }
0x62: {  	_ =	shalt  }
0x63: {  	_ =	shalt  }
0x64: {  	_ =	shalt  }
0x65: {  	_ =	shalt  }
0x66: {  	_ =	shalt  }
0x67: {  	_ =	shalt  }
0x68: {  	_ =	shalt  }
0x69: {  	_ =	shalt  }
0x6a: {  	_ =	shalt  }
0x6b: {  	_ =	shalt  }
0x6c: {  	_ =	shalt  }
0x6d: {  	_ =	shalt  }
0x6e: {  	_ =	shalt  }
0x6f: {  	_ =	shalt  }
0x70: {  	_ =	shalt  }
0x71: {  	_ =	shalt  }
0x72: {  	_ =	shalt  }
0x73: {  	_ =	shalt  }
0x74: {  	_ =	shalt  }
0x75: {  	_ =	shalt  }
0x76: {  	_ =	shalt  }
0x77: {  	_ =	shalt  }
0x78: {  	_ =	shalt  }
0x79: {  	_ =	shalt  }
0x7a: {  	_ =	shalt  }
0x7b: {  	_ =	shalt  }
0x7c: {  	_ =	shalt  }
0x7d: {  	_ =	shalt  }
0x7e: {  	_ =	shalt  }
0x7f: {  	_ =	shalt  }
0x80: {  	_ =	shalt  }
0x81: {  	_ =	shalt  }
0x82: {  	_ =	shalt  }
0x83: {  	_ =	shalt  }
0x84: {  	_ =	shalt  }
0x85: {  	_ =	shalt  }
0x86: {  	_ =	shalt  }
0x87: {  	_ =	shalt  }
.Lfunc_end0:
.L_simem_size_0:
called_computation.1_lowered:
.L_overlay_start_0:
0x88: {  	s2 =	sld [smem:$0x3FD9]  }
0x89: {  	s3 =	sld [smem:$0x3FFE];
	_ =	sdelay $0x1  }
0x8a: {  	s1 =	srdreg.scid  }
0x8b: {  	s0 =	sand.u32 $0x1, s1  }
0x8c: {  	s17 =	sshll.u32 s0, $0xA;
	s2 =	sadd.s32 s3, s2  }
0x8d: {  	s2 =	sadd.s32 s2, s17  }
0x8e: {  	[smem:$0x3FBD] =	sst s2  }
0x8f: {  	_ = 	snop  }
0x90: {  	s2 =	sld [smem:$0x3FD0];
	(tm) =	ssettm $0x1  }
0x91: {  	s18 =	sld [smem:$0x3FFB];
	_ =	sdelay $0x3  }
0x92: {  	_ =	strace s18  }
0x93: {  	s3 =	sld [smem:$0x3FFC];
	_ =	sdelay $0x3  }
0x94: {  	_ =	strace s3  }
0x95: {  	s3 =	sld [smem:$0x3FFD];
	_ =	sdelay $0x3  }
0x96: {  	_ =	strace s3  }
0x97: {  	_ =	strace $0x8FFFFFFF  }
0x98: {  	s19 =	sld [smem:$0x3FDB];
	_ =	sdelay $0x1  }
0x99: {  	s4 =	simm.s32 $_scs_section_size  }
0x9a: {  	s5 =	simm.s32 $_size__tile_overlayer_lowered;
	s6 =	simm.s32 $_tile_overlayer_lowered  }
0x9b: {  	s22 =	simm.s32 $0x1BFF;
	s21 =	sshll.u32 s6, $0x1;
	s3 =	sadd.s32 s4, s19  }
0x9c: {  	s7 =	simm.s32 $0x0;
	s20 =	sshll.u32 s5, $0x1;
	s5 =	sadd.s32 s21, s3  }
0x9d: {  	[timem:s7], [sflag:s22] =	dma.local [hbm:s5], s20  }
0x9e: {  	_ =	swait.ge [sflag:s22], s20  }
0x9f: {  	s4 =	ssub.s32 $0x0, s20;
	[sflag:s22] =	ssyncset.done $0x0  }
0xa0: {  	[sflag:s22] =	ssyncadd.s32 s4;
	_ =	sdelay $0x1  }
0xa1: {  	s23 =	simm.s32 $0x1B8B  }
0xa2: {  	_ =	swait.ge [sflag:s23], $0x1  }
0xa3: {  	[sflag:s23] =	ssyncset.done $0x0  }
0xa4: {  	s25 =	simm.s32 $0x1B8E;
	s24 =	sld [smem:$0x3FFE];
	[sflag:s23] =	ssyncadd.s32 $0xFFFFFFFF  }
0xa5: {  	s26 =	simm.s32 $execute0_lowered;
	[smem:$0x3FD2] =	sst s25  }
0xa6: {  	s5 =	sshll.u32 s26, $0x1;
	_ =	strace $0x80000049;
	[dreg:$0x1] =	wrdreg $0xFFFFFFFF  }
0xa7: {  	s28 =	simm.s32 $_size_execute0_lowered;
	s3 =	sadd.s32 s3, s5;
	[dreg:$0x0] =	wrdreg $0x0  }
0xa8: {  	s5 =	sshll.u32 s28, $0x1;
	[dreg:$0x2] =	wrdreg s3  }
0xa9: {  	[dreg:$0x3] =	wrdreg s5  }
0xaa: {  	[dreg:$0x4] =	wrdreg $0xC0  }
0xab: {  	_ =	task [dreg:s7], $0x5FFFF  }
0xac: {  	[dreg:$0x1] =	wrdreg $0xFFFFFFFF  }
0xad: {  	[dreg:$0x0] =	wrdreg $0x60  }
0xae: {  	[dreg:$0x2] =	wrdreg s24  }
0xaf: {  	[dreg:$0x3] =	wrdreg s2  }
0xb0: {  	[dreg:$0x4] =	wrdreg $0x9  }
0xb1: {  	_ =	task.clear_ibuf [dreg:s7], $0x5FFFF;
	_ =	strace $0x90000049  }
0xb2: {  	s29 =	simm.s32 $0x9;
	_ =	strace $0x8000004B  }
0xb3: {  	_ =	swait.ge [sflag:s29], $0x1  }
0xb4: {  	[sflag:s29] =	ssyncadd.s32 $0xFFFFFFFF  }
0xb5: {  	_ =	strace $0x9000004B  }
0xb6: {  	_ =	sfence  }
0xb7: {  	s30 =	sld [smem:$0x0];
	_ =	sdelay $0x2  }
0xb8: {  	s31 =	sshll.u32 s1, $0xD;
	s1 =	sshrl.u32 s1, $0x2  }
0xb9: {  	s3 =	sand.u32 $0x4000, s31;
	s1 =	sadd.s32 s1, s30  }
0xba: {  	s0 =	sor.u32 s3, s0;
	s1 =	sshll.u32 s1, $0x11  }
0xbb: {  	s0 =	sor.u32 s1, s0  }
0xbc: {  	s0 =	sadd.s32 $0x8F2B, s0  }
0xbd: {  	[sflag:s0] =	ssyncadd.remote.s32 $0x1  }
0xbe: {  	_ =	sfence.sel $0xFFFF  }
0xbf: {  	[dreg:$0x0] =	wrdreg $0xFFFFFFFF;
	(pc) =	sbr.abs _section_cstart, $3  }
0xc0: {  	[dreg:$0x1] =	wrdreg $0xFFFFFFFF  }
0xc1: {  	_ =	task.clear_ibuf [dreg:s7], $0x2FFFF;
	_ =	strace $0x9FFFFFFF  }
0xc2: {  	(tm) =	ssettm $0x7FFFFFFF  }
0xc3: {  	_ =	shalt  }
tec
execute0_lowered:
.L_overlay_start_1:
0x0: {  	(tag) =	ssettag $0x1  }
0x1: {  	s0 =	rddreg [dreg:$0x0]  }
0x2: {  	s7 =	rddreg [dreg:$0x1]  }
0x3: {  	s1 =	srdreg.scid;
	s2 =	stileid.u32;
	s3 =	simm.s32 $0x0  }
0x4: {  	s14 =	simm.s32 $0x3;
	s15 =	simm.s32 $0x400;
	s21 =	simm.s32 $0xD500  }
0x5: {  	s22 =	simm.s32 $0xDD00;
	s23 =	simm.s32 $0xE500;
	s24 =	simm.s32 $0xED00  }
0x6: {  	s28 =	simm.s32 $0x10500;
	s29 =	simm.s32 $0x1;
	s30 =	simm.s32 $0x200  }
0x7: {  	s31 =	simm.s32 $0x10D00;
	s1 =	sand.u32 $0x1, s1;
	s2 =	sshll.u32 s2, $0x1  }
0x8: {  	[smem:$0x7FF] =	sst s3;
	s4 =	sadd.s32 $0x605600, s0;
	s2 =	sor.u32 s1, s2  }
0x9: {  	s9 =	sadd.s32 $0x605800, s0;
	s10 =	sadd.s32 $0x605900, s0;
	s5 =	sshll.u32 s2, $0x7  }
0xa: {  	s12 =	sadd.s32 $0x40, s7;
	s1 =	ssub.s32 $0x2, s1;
	s5 =	sadd.s32 s5, s0  }
0xb: {  	_ =	strace $0x8000004A;
	s6 =	sshrl.u32 s1, $0x1;
	s8 =	sadd.s32 $0x404600, s5  }
0xc: {  	s11 =	sshll.u32 s2, $0xE;
	s25 =	sadd.s32 $0x1A00, s5;
	[dreg:$0x3] =	wrdreg s8  }
0xd: {  	s1 =	ssub.s32 s1, s6;
	s5 =	sadd.s32 $0x2C00, s5;
	[dreg:$0x4] =	wrdreg s25  }
0xe: {  	v3 =	vlaneseq.u32;
	s26 =	smax.u32 s1, $0x1;
	s1 =	simm.s32 $0x2;
	[dreg:$0x5] =	wrdreg s5  }
0xf: {  	vm0 =	vmmov $0xffff;
	v0 =	vand.u32 $0x7, v3;
	v2 =	vshrl.u32 v3, $0x3;
	s8 =	sadd.s32 $0x605700, s0;
	[dreg:$0x6] =	wrdreg s26;
	s25 =	simm.s32 $0xF500  }
0x10: {  	v3 =	vor.u32 $0x8, v3;
	v1 =	vmul.u32 $0x1000, v0;
	v2 =	vmul.u32 $0x8, v2;
	s26 =	simm.s32 $0xFD00;
	s0 =	simm.s32 $0x4;
	s5 =	simm.s32 $0x0  }
.LBB2_1:
0x11: {  	[dreg:$0x7] =	wrdreg s5  }
0x12: {  	s2 =	rddreg [dreg:$0x3]  }
0x13: {  	[tilespmem:s3], [sflag:$0x3] =	stream.linear.gather [hbm4b:s2+s3], $0x400, $0x38;
	[tilespmem:$0x11D00] =	vst v63  }
0x14: {  	_ =	swait.ge [sflag:s14], $0x400  }
0x15: {  	[sflag:s14] =	ssyncset.done $0x0  }
0x16: {  	s20 =	rddreg [dreg:$0x4];
	[sflag:s14] =	ssyncadd.s32 $0xFFFFFC00  }
0x17: {  	[tilespmem:s15], [sflag:$0x3] =	stream.linear.gather [hbm4b:s20+s3], $0x400, $0x38;
	[tilespmem:$0x11D00] =	vst v63  }
0x18: {  	_ =	swait.ge [sflag:s14], $0x400  }
0x19: {  	[sflag:s14] =	ssyncset.done $0x0  }
0x1a: {  	s6 =	simm.s32 $0x800;
	s5 =	rddreg [dreg:$0x5];
	[sflag:s14] =	ssyncadd.s32 $0xFFFFFC00  }
0x1b: {  	[tilespmem:s6], [sflag:$0x3] =	stream.linear.gather [hbm4b:s5+s3], $0x400, $0x38;
	[tilespmem:$0x11D00] =	vst v63  }
0x1c: {  	_ =	swait.ge [sflag:s14], $0x400  }
0x1d: {  	[sflag:s14] =	ssyncset.done $0x0  }
0x1e: {  	[sflag:s14] =	ssyncadd.s32 $0xFFFFFC00  }
0x1f: {  	v4 =	vld [tilespmem:$0x800];
	_ =	sdelay $0x4  }
0x20: {  	vm1 =	vlt.s32 v4, $0xFFF  }
0x21: {  	v4 =	vnsel vm1, $0xFFF, v4  }
0x22: {  	v5 =	vadd.s32 v1, v4  }
0x23: {  	v6 =	vshll.u32 v5, $0x3  }
0x24: {  	v7 =	vld [tilespmem:$0x810];
	v4 =	vand.u32 $0x7, v4;
	v6 =	vand.u32 $0xFFFFFFC0, v6  }
0x25: {  	v4 =	vor.u32 v4, v6  }
0x26: {  	v6 =	vperm.xlane v4, v0;
	_ =	sdelay $0x1  }
0x27: {  	v6 =	vadd.s32 v2, v6  }
0x28: {  	vm1 =	vlt.s32 v7, $0xFFF  }
0x29: {  	v7 =	vnsel vm1, $0xFFF, v7  }
0x2a: {  	[tilespmem:$0xC00] =	vst v5;
	v5 =	vadd.s32 v1, v7  }
0x2b: {  	s7 =	simm.s32 $0xD00;
	[tilespmem:$0xC10] =	vst v5  }
0x2c: {  	[tilespmem:s7], [sflag:$0x1] =	stream.indirect_vreg.gather [hbm4b:s4+s3], $0x80, v6, vm0, $0xb8;
	[tilespmem:$0x11D00] =	vst v63  }
0x2d: {  	s13 =	simm.s32 $0x1500;
	v4 =	vperm.xlane v4, v3  }
0x2e: {  	[tilespmem:s13], [sflag:$0x1] =	stream.indirect_vreg.gather [hbm4b:s8+s3], $0x80, v6, vm0, $0xb8;
	[tilespmem:$0x11D00] =	vst v63  }
0x2f: {  	s16 =	simm.s32 $0x1D00;
	v4 =	vadd.s32 v2, v4  }
0x30: {  	[tilespmem:s16], [sflag:$0x1] =	stream.indirect_vreg.gather [hbm4b:s9+s3], $0x80, v6, vm0, $0xb8;
	[tilespmem:$0x11D00] =	vst v63  }
0x31: {  	s17 =	simm.s32 $0x2500  }
0x32: {  	[tilespmem:s17], [sflag:$0x1] =	stream.indirect_vreg.gather [hbm4b:s10+s3], $0x80, v6, vm0, $0xb8;
	[tilespmem:$0x11D00] =	vst v63  }
0x33: {  	s18 =	simm.s32 $0x2D00  }
0x34: {  	[tilespmem:s18], [sflag:$0x1] =	stream.indirect_vreg.gather [hbm4b:s4+s3], $0x80, v4, vm0, $0xb8;
	[tilespmem:$0x11D00] =	vst v63  }
0x35: {  	s19 =	simm.s32 $0x3500  }
0x36: {  	[tilespmem:s19], [sflag:$0x1] =	stream.indirect_vreg.gather [hbm4b:s8+s3], $0x80, v4, vm0, $0xb8;
	[tilespmem:$0x11D00] =	vst v63  }
0x37: {  	s20 =	simm.s32 $0x3D00  }
0x38: {  	[tilespmem:s20], [sflag:$0x1] =	stream.indirect_vreg.gather [hbm4b:s9+s3], $0x80, v4, vm0, $0xb8;
	[tilespmem:$0x11D00] =	vst v63  }
0x39: {  	s5 =	simm.s32 $0x4500  }
0x3a: {  	[tilespmem:s5], [sflag:$0x1] =	stream.indirect_vreg.gather [hbm4b:s10+s3], $0x80, v4, vm0, $0xb8;
	[tilespmem:$0x11D00] =	vst v63  }
0x3b: {  	v4 =	vld [tilespmem:$0xC10];
	_ =	sdelay $0x4  }
0x3c: {  	v5 =	vshll.u32 v4, $0x3  }
0x3d: {  	v4 =	vand.u32 $0x7, v4;
	v5 =	vand.u32 $0xFFFFFFC0, v5  }
0x3e: {  	v4 =	vor.u32 v4, v5  }
0x3f: {  	v5 =	vperm.xlane v4, v0;
	_ =	sdelay $0x1  }
0x40: {  	v5 =	vadd.s32 v2, v5;
	_ =	sdelay $0x3  }
0x41: {  	s6 =	simm.s32 $0x4D00  }
0x42: {  	[tilespmem:s6], [sflag:$0x1] =	stream.indirect_vreg.gather [hbm4b:s4+s3], $0x80, v5, vm0, $0xb8;
	[tilespmem:$0x11D00] =	vst v63  }
0x43: {  	s7 =	simm.s32 $0x5500;
	v4 =	vperm.xlane v4, v3  }
0x44: {  	[tilespmem:s7], [sflag:$0x1] =	stream.indirect_vreg.gather [hbm4b:s8+s3], $0x80, v5, vm0, $0xb8;
	[tilespmem:$0x11D00] =	vst v63  }
0x45: {  	s13 =	simm.s32 $0x5D00;
	v4 =	vadd.s32 v2, v4  }
0x46: {  	[tilespmem:s13], [sflag:$0x1] =	stream.indirect_vreg.gather [hbm4b:s9+s3], $0x80, v5, vm0, $0xb8;
	[tilespmem:$0x11D00] =	vst v63  }
0x47: {  	s16 =	simm.s32 $0x6500  }
0x48: {  	[tilespmem:s16], [sflag:$0x1] =	stream.indirect_vreg.gather [hbm4b:s10+s3], $0x80, v5, vm0, $0xb8;
	[tilespmem:$0x11D00] =	vst v63  }
0x49: {  	s17 =	simm.s32 $0x6D00  }
0x4a: {  	[tilespmem:s17], [sflag:$0x1] =	stream.indirect_vreg.gather [hbm4b:s4+s3], $0x80, v4, vm0, $0xb8;
	[tilespmem:$0x11D00] =	vst v63  }
0x4b: {  	s18 =	simm.s32 $0x7500  }
0x4c: {  	[tilespmem:s18], [sflag:$0x1] =	stream.indirect_vreg.gather [hbm4b:s8+s3], $0x80, v4, vm0, $0xb8;
	[tilespmem:$0x11D00] =	vst v63  }
0x4d: {  	s19 =	simm.s32 $0x7D00  }
0x4e: {  	[tilespmem:s19], [sflag:$0x1] =	stream.indirect_vreg.gather [hbm4b:s9+s3], $0x80, v4, vm0, $0xb8;
	[tilespmem:$0x11D00] =	vst v63  }
0x4f: {  	s2 =	simm.s32 $0x0;
	s20 =	simm.s32 $0x8500  }
0x50: {  	[tilespmem:s20], [sflag:$0x1] =	stream.indirect_vreg.gather [hbm4b:s10+s3], $0x80, v4, vm0, $0xb8;
	[tilespmem:$0x11D00] =	vst v63  }
.LBB2_2:
0x51: {  	s16 =	sshll.u32 s2, $0x6  }
0x52: {  	v4 =	vld [tilespmem:s16+$0x820];
	_ =	sdelay $0x4  }
0x53: {  	vm1 =	vlt.s32 v4, $0xFFF  }
0x54: {  	v4 =	vnsel vm1, $0xFFF, v4  }
0x55: {  	v5 =	vadd.s32 v1, v4  }
0x56: {  	[tilespmem:$0xC80] =	vst v5;
	v5 =	vshll.u32 v5, $0x3  }
0x57: {  	v4 =	vand.u32 $0x7, v4;
	v6 =	vld [tilespmem:s16+$0x830];
	v5 =	vand.u32 $0xFFFFFFC0, v5  }
0x58: {  	v4 =	vor.u32 v4, v5  }
0x59: {  	v5 =	vperm.xlane v4, v0;
	_ =	sdelay $0x1  }
0x5a: {  	v5 =	vadd.s32 v2, v5  }
0x5b: {  	vm1 =	vlt.s32 v6, $0xFFF  }
0x5c: {  	v6 =	vnsel vm1, $0xFFF, v6  }
0x5d: {  	v6 =	vadd.s32 v1, v6  }
0x5e: {  	s5 =	simm.s32 $0x0;
	s6 =	simm.s32 $0x8D00;
	[tilespmem:$0xC90] =	vst v6  }
0x5f: {  	[tilespmem:s6], [sflag:$0x2] =	stream.indirect_vreg.gather [hbm4b:s4+s5], $0x80, v5, vm0, $0xb8;
	[tilespmem:$0x11D00] =	vst v63  }
0x60: {  	s7 =	simm.s32 $0x9500;
	v4 =	vperm.xlane v4, v3  }
0x61: {  	[tilespmem:s7], [sflag:$0x2] =	stream.indirect_vreg.gather [hbm4b:s8+s5], $0x80, v5, vm0, $0xb8;
	[tilespmem:$0x11D00] =	vst v63  }
0x62: {  	s13 =	simm.s32 $0x9D00;
	v4 =	vadd.s32 v2, v4  }
0x63: {  	[tilespmem:s13], [sflag:$0x2] =	stream.indirect_vreg.gather [hbm4b:s9+s5], $0x80, v5, vm0, $0xb8;
	[tilespmem:$0x11D00] =	vst v63  }
0x64: {  	s17 =	simm.s32 $0xA500  }
0x65: {  	[tilespmem:s17], [sflag:$0x2] =	stream.indirect_vreg.gather [hbm4b:s10+s5], $0x80, v5, vm0, $0xb8;
	[tilespmem:$0x11D00] =	vst v63  }
0x66: {  	s18 =	simm.s32 $0xAD00  }
0x67: {  	[tilespmem:s18], [sflag:$0x2] =	stream.indirect_vreg.gather [hbm4b:s4+s5], $0x80, v4, vm0, $0xb8;
	[tilespmem:$0x11D00] =	vst v63  }
0x68: {  	s19 =	simm.s32 $0xB500  }
0x69: {  	[tilespmem:s19], [sflag:$0x2] =	stream.indirect_vreg.gather [hbm4b:s8+s5], $0x80, v4, vm0, $0xb8;
	[tilespmem:$0x11D00] =	vst v63  }
0x6a: {  	s20 =	simm.s32 $0xBD00  }
0x6b: {  	[tilespmem:s20], [sflag:$0x2] =	stream.indirect_vreg.gather [hbm4b:s9+s5], $0x80, v4, vm0, $0xb8;
	[tilespmem:$0x11D00] =	vst v63  }
0x6c: {  	s7 =	simm.s32 $0xC500  }
0x6d: {  	[tilespmem:s7], [sflag:$0x2] =	stream.indirect_vreg.gather [hbm4b:s10+s5], $0x80, v4, vm0, $0xb8;
	[tilespmem:$0x11D00] =	vst v63  }
0x6e: {  	v4 =	vld [tilespmem:$0xC90];
	_ =	sdelay $0x4  }
0x6f: {  	v5 =	vshll.u32 v4, $0x3  }
0x70: {  	v4 =	vand.u32 $0x7, v4;
	v5 =	vand.u32 $0xFFFFFFC0, v5  }
0x71: {  	v4 =	vor.u32 v4, v5  }
0x72: {  	v5 =	vperm.xlane v4, v0;
	_ =	sdelay $0x1  }
0x73: {  	v5 =	vadd.s32 v2, v5;
	_ =	sdelay $0x3  }
0x74: {  	s13 =	simm.s32 $0xCD00  }
0x75: {  	[tilespmem:s13], [sflag:$0x2] =	stream.indirect_vreg.gather [hbm4b:s4+s5], $0x80, v5, vm0, $0xb8;
	[tilespmem:$0x11D00] =	vst v63  }
0x76: {  	v4 =	vperm.xlane v4, v3  }
0x77: {  	[tilespmem:s21], [sflag:$0x2] =	stream.indirect_vreg.gather [hbm4b:s8+s5], $0x80, v5, vm0, $0xb8;
	[tilespmem:$0x11D00] =	vst v63  }
0x78: {  	v4 =	vadd.s32 v2, v4  }
0x79: {  	[tilespmem:s22], [sflag:$0x2] =	stream.indirect_vreg.gather [hbm4b:s9+s5], $0x80, v5, vm0, $0xb8;
	[tilespmem:$0x11D00] =	vst v63  }
0x7a: {  	_ = 	snop  }
0x7b: {  	[tilespmem:s23], [sflag:$0x2] =	stream.indirect_vreg.gather [hbm4b:s10+s5], $0x80, v5, vm0, $0xb8;
	[tilespmem:$0x11D00] =	vst v63  }
0x7c: {  	_ = 	snop  }
0x7d: {  	[tilespmem:s24], [sflag:$0x2] =	stream.indirect_vreg.gather [hbm4b:s4+s5], $0x80, v4, vm0, $0xb8;
	[tilespmem:$0x11D00] =	vst v63  }
0x7e: {  	_ = 	snop  }
0x7f: {  	[tilespmem:s25], [sflag:$0x2] =	stream.indirect_vreg.gather [hbm4b:s8+s5], $0x80, v4, vm0, $0xb8;
	[tilespmem:$0x11D00] =	vst v63  }
0x80: {  	_ = 	snop  }
0x81: {  	[tilespmem:s26], [sflag:$0x2] =	stream.indirect_vreg.gather [hbm4b:s9+s5], $0x80, v4, vm0, $0xb8;
	[tilespmem:$0x11D00] =	vst v63  }
0x82: {  	_ = 	snop  }
0x83: {  	[tilespmem:s28], [sflag:$0x2] =	stream.indirect_vreg.gather [hbm4b:s10+s5], $0x80, v4, vm0, $0xb8;
	[tilespmem:$0x11D00] =	vst v63  }
0x84: {  	_ =	swait.ge [sflag:s29], $0x8000  }
0x85: {  	[sflag:s29] =	ssyncset.done $0x0  }
0x86: {  	[sflag:s29] =	ssyncadd.s32 $0xFFFF8000  }
0x87: {  	v4 =	vld [tilespmem:s16+$0x400]  }
0x88: {  	v5 =	vld [tilespmem:s16+$0x401];
	_ =	sdelay $0x1  }
0x89: {  	v6 =	vld [tilespmem:s16+$0x402];
	_ =	sdelay $0x1  }
0x8a: {  	(v2sf) =	vpush v4, $0x0;
	v4 =	vld [tilespmem:s16+$0x403]  }
0x8b: {  	(v2sf) =	vpush v5, $0x0  }
0x8c: {  	v5 =	vld [tilespmem:s16+$0x404]  }
0x8d: {  	(v2sf) =	vpush v6, $0x0  }
0x8e: {  	v6 =	vld [tilespmem:s16+$0x405]  }
0x8f: {  	s17 =	simm.s32 $0x0;
	(v2sf) =	vpush v4, $0x0  }
0x90: {  	s6 =	sand.u32 $0x3FFFFC00, s17;
	s5 =	sand.u32 $0x70, s5;
	v7 =	vld [tilespmem:s16+$0x406]  }
0x91: {  	s6 =	sor.u32 s5, s6;
	v8 =	vld [tilespmem:s16+$0x407];
	(v2sf) =	vpush v5, $0x0  }
0x92: {  	v9 =	vld [tilespmem:s6+$0xD00]  }
0x93: {  	v4 =	vld.msk [tilespmem:s16+$0x0 ss:$0x0], $0xffff;
	(v2sf) =	vpush v6, $0x0  }
0x94: {  	s7 =	sor.u32 $0x1, s16;
	v10 =	vld [tilespmem:s6+$0xD80]  }
0x95: {  	v5 =	vld.msk [tilespmem:s7+$0x0 ss:$0x0], $0xffff;
	(v2sf) =	vpush v7, $0x0  }
0x96: {  	s18 =	sor.u32 $0x2, s16;
	v11 =	vld [tilespmem:s6+$0xE00]  }
0x97: {  	v6 =	vld.msk [tilespmem:s18+$0x0 ss:$0x0], $0xffff;
	(v2sf) =	vpush v8, $0x0  }
0x98: {  	s19 =	sor.u32 $0x3, s16;
	v12 =	vld [tilespmem:s6+$0xE80];
	v9 =	vmul.f32 v9, v4  }
0x99: {  	v7 =	vld.msk [tilespmem:s19+$0x0 ss:$0x0], $0xffff;
	s20 =	spop (v2sf)  }
0x9a: {  	s13 =	sor.u32 $0x4, s16;
	v14 =	vld [tilespmem:s6+$0xF00];
	v10 =	vmul.f32 v10, v5;
	v13 =	vadd.f32 $0.0e+00, v9;
	s17 =	spop (v2sf)  }
0x9b: {  	v8 =	vld.msk [tilespmem:s13+$0x0 ss:$0x0], $0xffff;
	p0 =	sne.s32 s20, $0x0;
	p1 =	sne.s32 s17, $0x0  }
0x9c: {  	v15 =	vld [tilespmem:s6+$0xF80];
	v11 =	vmul.f32 v11, v6;
	s17 =	sor.u32 $0x5, s16;
	s18 =	spop (v2sf);
	s7 =	simm.s32 @!p0 $0x0;
	v13 =	vpsel !p0, $0x0, v13;
	v10 =	vpsel !p1, $0x0, v10  }
0x9d: {  	v9 =	vld.msk [tilespmem:s17+$0x0 ss:$0x0], $0xffff;
	s7 =	simm.s32 @p0 $0x1;
	p0 =	sne.s32 s18, $0x0;
	v13 =	vadd.f32 v10, v13  }
0x9e: {  	v16 =	vld [tilespmem:s6+$0x1000];
	s19 =	sor.u32 $0x6, s16;
	v12 =	vmul.f32 v12, v7;
	v11 =	vpsel !p0, $0x0, v11;
	s20 =	spop (v2sf)  }
0x9f: {  	s13 =	sor.u32 $0x7, s16;
	v10 =	vld.msk [tilespmem:s19+$0x0 ss:$0x0], $0xffff;
	p6 =	sne.s32 s20, $0x0;
	v13 =	vadd.f32 v11, v13  }
0xa0: {  	v14 =	vmul.f32 v14, v8;
	s17 =	spop (v2sf);
	v11 =	vld.msk [tilespmem:s13+$0x0 ss:$0x0], $0xffff;
	v12 =	vpsel !p6, $0x0, v12  }
0xa1: {  	p4 =	sne.s32 s17, $0x0;
	v12 =	vadd.f32 v12, v13;
	v13 =	vld [tilespmem:s6+$0x1080]  }
0xa2: {  	[smem:$0x7FB] =	sst s7;
	s7 =	simm.s32 @!p1 $0x0;
	s18 =	spop (v2sf);
	v14 =	vpsel !p4, $0x0, v14;
	v15 =	vmul.f32 v15, v9  }
0xa3: {  	s7 =	simm.s32 @p1 $0x1;
	p5 =	sne.s32 s18, $0x0;
	v12 =	vadd.f32 v14, v12  }
0xa4: {  	[smem:$0x7FC] =	sst s7;
	s19 =	spop (v2sf);
	v14 =	vpsel !p5, $0x0, v15;
	v15 =	vmul.f32 v16, v10  }
0xa5: {  	s7 =	simm.s32 @!p0 $0x0;
	p3 =	por p6, p6;
	p6 =	sne.s32 s19, $0x0;
	v12 =	vadd.f32 v14, v12  }
0xa6: {  	s13 =	simm.s32 $0x10;
	s7 =	simm.s32 @p0 $0x1;
	s20 =	spop (v2sf);
	v14 =	vpsel !p6, $0x0, v15;
	v13 =	vmul.f32 v13, v11  }
0xa7: {  	s17 =	simm.s32 $0x2;
	[smem:$0x7FD] =	sst s7;
	p0 =	sne.s32 s20, $0x0;
	v12 =	vadd.f32 v14, v12  }
0xa8: {  	s6 =	sor.u32 $0x20, s16;
	s7 =	simm.s32 $0x1;
	s20 =	simm.s32 $0x0;
	v13 =	vpsel !p0, $0x0, v13  }
0xa9: {  	s18 =	sand.u32 $0x70, s13;
	s19 =	simm.s32 $0x80;
	s20 =	sand.u32 $0x3FFFFE00, s20;
	v12 =	vadd.f32 v13, v12  }
.LBB2_3:
0xaa: {  	s19 =	sand.u32 $0x3FFFFC00, s19;
	s5 =	sor.u32 s5, s20  }
0xab: {  	s19 =	sor.u32 s18, s19;
	[tilespmem:s5+$0x10D00] =	vst v12  }
0xac: {  	v12 =	vld [tilespmem:s19+$0xD00];
	_ =	sdelay $0x2  }
0xad: {  	s20 =	sld [smem:$0x7FB]  }
0xae: {  	v13 =	vld [tilespmem:s19+$0xD80]  }
0xaf: {  	v12 =	vmul.f32 v12, v4  }
0xb0: {  	v14 =	vld [tilespmem:s19+$0xE00];
	p2 =	seq.s32 s20, $0x1;
	s20 =	sld [smem:$0x7FC]  }
0xb1: {  	v12 =	vadd.f32 $0.0e+00, v12  }
0xb2: {  	v15 =	vld [tilespmem:s19+$0xE80]  }
0xb3: {  	v13 =	vmul.f32 v13, v5;
	v12 =	vpsel !p2, $0x0, v12;
	p2 =	seq.s32 s20, $0x1;
	s20 =	sld [smem:$0x7FD]  }
0xb4: {  	v16 =	vld [tilespmem:s19+$0xF00]  }
0xb5: {  	v14 =	vmul.f32 v14, v6;
	v13 =	vpsel !p2, $0x0, v13  }
0xb6: {  	v12 =	vadd.f32 v13, v12;
	v13 =	vld [tilespmem:s19+$0xF80];
	p2 =	seq.s32 s20, $0x1  }
0xb7: {  	v15 =	vmul.f32 v15, v7;
	v14 =	vpsel !p2, $0x0, v14  }
0xb8: {  	v12 =	vadd.f32 v14, v12;
	v14 =	vld [tilespmem:s19+$0x1000]  }
0xb9: {  	v16 =	vmul.f32 v16, v8;
	v15 =	vpsel !p3, $0x0, v15  }
0xba: {  	v12 =	vadd.f32 v15, v12;
	v15 =	vld [tilespmem:s19+$0x1080]  }
0xbb: {  	v16 =	vpsel !p4, $0x0, v16;
	v13 =	vmul.f32 v13, v9  }
0xbc: {  	v12 =	vadd.f32 v16, v12  }
0xbd: {  	p1 =	sne.s32 s17, $0x3F;
	v13 =	vpsel !p5, $0x0, v13;
	v14 =	vmul.f32 v14, v10  }
.Ltmp0:
0xbe: {  	v12 =	vadd.f32 v13, v12;
	(pc) =	sbr.rel @p1 .LBB2_3-.Ltmp0, $4  }
0xbf: {  	v13 =	vpsel !p6, $0x0, v14;
	v14 =	vmul.f32 v15, v11  }
0xc0: {  	s13 =	sadd.s32 $0x10, s13;
	s5 =	smov.u32 s18;
	s18 =	smov.u32 s7;
	v12 =	vadd.f32 v13, v12  }
0xc1: {  	s7 =	smov.u32 s17;
	s20 =	sshll.u32 s18, $0x6;
	s18 =	sand.u32 $0x70, s13;
	v13 =	vpsel !p0, $0x0, v14  }
0xc2: {  	s20 =	sand.u32 $0x3FFFFE00, s20;
	s19 =	sshll.u32 s17, $0x7;
	s17 =	sadd.s32 $0x1, s17;
	v12 =	vadd.f32 v13, v12  }
0xc3: {  	s13 =	sand.u32 $0x3FFFFC00, s19;
	s5 =	sor.u32 s5, s20  }
0xc4: {  	s13 =	sor.u32 s18, s13;
	[tilespmem:s5+$0x10D00] =	vst v12  }
0xc5: {  	v12 =	vld [tilespmem:s13+$0xD00];
	_ =	sdelay $0x1  }
0xc6: {  	v13 =	vld [tilespmem:s13+$0xD80];
	_ =	sdelay $0x1  }
0xc7: {  	s17 =	sld [smem:$0x7FB];
	v14 =	vld [tilespmem:s13+$0xE00]  }
0xc8: {  	s19 =	sld [smem:$0x7FC];
	v4 =	vmul.f32 v12, v4  }
0xc9: {  	v12 =	vld [tilespmem:s13+$0xE80]  }
0xca: {  	s20 =	sld [smem:$0x7FD];
	v5 =	vmul.f32 v13, v5;
	v4 =	vadd.f32 $0.0e+00, v4  }
0xcb: {  	p1 =	seq.s32 s17, $0x1;
	p2 =	seq.s32 s19, $0x1;
	v13 =	vld [tilespmem:s13+$0xF00]  }
0xcc: {  	v6 =	vmul.f32 v14, v6;
	v5 =	vpsel !p2, $0x0, v5;
	v4 =	vpsel !p1, $0x0, v4  }
0xcd: {  	p2 =	seq.s32 s20, $0x1;
	v4 =	vadd.f32 v5, v4;
	v5 =	vld [tilespmem:s13+$0xF80]  }
0xce: {  	v6 =	vpsel !p2, $0x0, v6;
	v7 =	vmul.f32 v12, v7  }
0xcf: {  	v4 =	vadd.f32 v6, v4;
	v6 =	vld [tilespmem:s13+$0x1000]  }
0xd0: {  	v8 =	vmul.f32 v13, v8;
	v7 =	vpsel !p3, $0x0, v7  }
0xd1: {  	v4 =	vadd.f32 v7, v4;
	v7 =	vld [tilespmem:s13+$0x1080]  }
0xd2: {  	v8 =	vpsel !p4, $0x0, v8;
	v5 =	vmul.f32 v5, v9  }
0xd3: {  	v4 =	vadd.f32 v8, v4  }
0xd4: {  	v5 =	vpsel !p5, $0x0, v5;
	v6 =	vmul.f32 v6, v10  }
0xd5: {  	v4 =	vadd.f32 v5, v4  }
0xd6: {  	v5 =	vpsel !p6, $0x0, v6;
	v6 =	vmul.f32 v7, v11  }
0xd7: {  	v4 =	vadd.f32 v5, v4  }
0xd8: {  	s13 =	sshll.u32 s7, $0x6;
	v5 =	vpsel !p0, $0x0, v6  }
0xd9: {  	s5 =	sand.u32 $0x3FFFFE00, s13;
	v4 =	vadd.f32 v5, v4  }
0xda: {  	s5 =	sor.u32 s18, s5  }
0xdb: {  	[tilespmem:s5+$0x10D00] =	vst v4  }
0xdc: {  	v4 =	vld [tilespmem:s16+$0x408]  }
0xdd: {  	v5 =	vld [tilespmem:s16+$0x409];
	_ =	sdelay $0x1  }
0xde: {  	v6 =	vld [tilespmem:s16+$0x40A];
	_ =	sdelay $0x1  }
0xdf: {  	(v2sf) =	vpush v4, $0x0;
	v4 =	vld [tilespmem:s16+$0x40B]  }
0xe0: {  	(v2sf) =	vpush v5, $0x0  }
0xe1: {  	v5 =	vld [tilespmem:s16+$0x40C]  }
0xe2: {  	(v2sf) =	vpush v6, $0x0  }
0xe3: {  	v6 =	vld [tilespmem:s16+$0x40D]  }
0xe4: {  	s17 =	simm.s32 $0x0;
	s18 =	simm.s32 $0x0;
	(v2sf) =	vpush v4, $0x0  }
0xe5: {  	s7 =	sand.u32 $0x3FFFFC00, s18;
	s5 =	sand.u32 $0x70, s17;
	v7 =	vld [tilespmem:s16+$0x40E]  }
0xe6: {  	v8 =	vld [tilespmem:s16+$0x40F];
	s7 =	sor.u32 s5, s7;
	(v2sf) =	vpush v5, $0x0  }
0xe7: {  	s19 =	sor.u32 $0x8, s16;
	v9 =	vld [tilespmem:s7+$0x2D00]  }
0xe8: {  	v4 =	vld.msk [tilespmem:s19+$0x0 ss:$0x0], $0xffff;
	(v2sf) =	vpush v6, $0x0  }
0xe9: {  	s20 =	sor.u32 $0x9, s16;
	v10 =	vld [tilespmem:s7+$0x2D80]  }
0xea: {  	v5 =	vld.msk [tilespmem:s20+$0x0 ss:$0x0], $0xffff;
	(v2sf) =	vpush v7, $0x0  }
0xeb: {  	s17 =	sor.u32 $0xA, s16;
	v11 =	vld [tilespmem:s7+$0x2E00]  }
0xec: {  	v6 =	vld.msk [tilespmem:s17+$0x0 ss:$0x0], $0xffff;
	(v2sf) =	vpush v8, $0x0  }
0xed: {  	s18 =	sor.u32 $0xB, s16;
	v12 =	vld [tilespmem:s7+$0x2E80];
	v9 =	vmul.f32 v9, v4  }
0xee: {  	v7 =	vld.msk [tilespmem:s18+$0x0 ss:$0x0], $0xffff;
	s19 =	spop (v2sf)  }
0xef: {  	v14 =	vld [tilespmem:s7+$0x2F00];
	s17 =	sor.u32 $0xC, s16;
	v10 =	vmul.f32 v10, v5;
	v13 =	vadd.f32 $0.0e+00, v9;
	s20 =	spop (v2sf)  }
0xf0: {  	v8 =	vld.msk [tilespmem:s17+$0x0 ss:$0x0], $0xffff;
	p0 =	sne.s32 s19, $0x0;
	p1 =	sne.s32 s20, $0x0  }
0xf1: {  	v15 =	vld [tilespmem:s7+$0x2F80];
	v11 =	vmul.f32 v11, v6;
	s19 =	sor.u32 $0xD, s16;
	s20 =	spop (v2sf);
	s13 =	simm.s32 @!p0 $0x0;
	v13 =	vpsel !p0, $0x0, v13;
	v10 =	vpsel !p1, $0x0, v10  }
0xf2: {  	v9 =	vld.msk [tilespmem:s19+$0x0 ss:$0x0], $0xffff;
	s13 =	simm.s32 @p0 $0x1;
	p0 =	sne.s32 s20, $0x0;
	v13 =	vadd.f32 v10, v13  }
0xf3: {  	v16 =	vld [tilespmem:s7+$0x3000];
	s17 =	sor.u32 $0xE, s16;
	v12 =	vmul.f32 v12, v7;
	v11 =	vpsel !p0, $0x0, v11;
	s18 =	spop (v2sf)  }
0xf4: {  	s19 =	sor.u32 $0xF, s16;
	v10 =	vld.msk [tilespmem:s17+$0x0 ss:$0x0], $0xffff;
	p6 =	sne.s32 s18, $0x0;
	v13 =	vadd.f32 v11, v13  }
0xf5: {  	v14 =	vmul.f32 v14, v8;
	s20 =	spop (v2sf);
	v11 =	vld.msk [tilespmem:s19+$0x0 ss:$0x0], $0xffff;
	v12 =	vpsel !p6, $0x0, v12  }
0xf6: {  	p4 =	sne.s32 s20, $0x0;
	v12 =	vadd.f32 v12, v13;
	v13 =	vld [tilespmem:s7+$0x3080]  }
0xf7: {  	[smem:$0x7F8] =	sst s13;
	s13 =	simm.s32 @!p1 $0x0;
	s18 =	spop (v2sf);
	v15 =	vmul.f32 v15, v9;
	v14 =	vpsel !p4, $0x0, v14  }
0xf8: {  	s13 =	simm.s32 @p1 $0x1;
	p5 =	sne.s32 s18, $0x0;
	v12 =	vadd.f32 v14, v12  }
0xf9: {  	[smem:$0x7F9] =	sst s13;
	s19 =	spop (v2sf);
	v14 =	vpsel !p5, $0x0, v15;
	v15 =	vmul.f32 v16, v10  }
0xfa: {  	s13 =	simm.s32 @!p0 $0x0;
	p3 =	por p6, p6;
	p6 =	sne.s32 s19, $0x0;
	v12 =	vadd.f32 v14, v12  }
0xfb: {  	s13 =	simm.s32 @p0 $0x1;
	s20 =	spop (v2sf);
	v14 =	vpsel !p6, $0x0, v15;
	v13 =	vmul.f32 v13, v11  }
0xfc: {  	s17 =	simm.s32 $0x2;
	[smem:$0x7FA] =	sst s13;
	p0 =	sne.s32 s20, $0x0;
	v12 =	vadd.f32 v14, v12  }
0xfd: {  	s7 =	simm.s32 $0x1;
	s13 =	simm.s32 $0x10;
	s20 =	simm.s32 $0x0;
	v13 =	vpsel !p0, $0x0, v13  }
0xfe: {  	s19 =	simm.s32 $0x80;
	s18 =	sand.u32 $0x70, s13;
	s20 =	sand.u32 $0x3FFFFE00, s20;
	v12 =	vadd.f32 v13, v12  }
.LBB2_5:
0xff: {  	s19 =	sand.u32 $0x3FFFFC00, s19;
	s5 =	sor.u32 s5, s20  }
0x100: {  	s19 =	sor.u32 s18, s19;
	[tilespmem:s5+$0x10D80] =	vst v12  }
0x101: {  	v12 =	vld [tilespmem:s19+$0x2D00];
	_ =	sdelay $0x2  }
0x102: {  	s20 =	sld [smem:$0x7F8]  }
0x103: {  	v13 =	vld [tilespmem:s19+$0x2D80]  }
0x104: {  	v12 =	vmul.f32 v12, v4  }
0x105: {  	v14 =	vld [tilespmem:s19+$0x2E00];
	p2 =	seq.s32 s20, $0x1;
	s20 =	sld [smem:$0x7F9]  }
0x106: {  	v12 =	vadd.f32 $0.0e+00, v12  }
0x107: {  	v15 =	vld [tilespmem:s19+$0x2E80]  }
0x108: {  	v13 =	vmul.f32 v13, v5;
	v12 =	vpsel !p2, $0x0, v12;
	p2 =	seq.s32 s20, $0x1;
	s20 =	sld [smem:$0x7FA]  }
0x109: {  	v16 =	vld [tilespmem:s19+$0x2F00]  }
0x10a: {  	v14 =	vmul.f32 v14, v6;
	v13 =	vpsel !p2, $0x0, v13  }
0x10b: {  	v12 =	vadd.f32 v13, v12;
	v13 =	vld [tilespmem:s19+$0x2F80];
	p2 =	seq.s32 s20, $0x1  }
0x10c: {  	v15 =	vmul.f32 v15, v7;
	v14 =	vpsel !p2, $0x0, v14  }
0x10d: {  	v12 =	vadd.f32 v14, v12;
	v14 =	vld [tilespmem:s19+$0x3000]  }
0x10e: {  	v16 =	vmul.f32 v16, v8;
	v15 =	vpsel !p3, $0x0, v15  }
0x10f: {  	v12 =	vadd.f32 v15, v12;
	v15 =	vld [tilespmem:s19+$0x3080]  }
0x110: {  	v16 =	vpsel !p4, $0x0, v16;
	v13 =	vmul.f32 v13, v9  }
0x111: {  	v12 =	vadd.f32 v16, v12  }
0x112: {  	p1 =	sne.s32 s17, $0x3F;
	v13 =	vpsel !p5, $0x0, v13;
	v14 =	vmul.f32 v14, v10  }
.Ltmp1:
0x113: {  	v12 =	vadd.f32 v13, v12;
	(pc) =	sbr.rel @p1 .LBB2_5-.Ltmp1, $4  }
0x114: {  	v13 =	vpsel !p6, $0x0, v14;
	v14 =	vmul.f32 v15, v11  }
0x115: {  	s13 =	sadd.s32 $0x10, s13;
	s5 =	smov.u32 s18;
	s18 =	smov.u32 s7;
	v12 =	vadd.f32 v13, v12  }
0x116: {  	s7 =	smov.u32 s17;
	s20 =	sshll.u32 s18, $0x6;
	s18 =	sand.u32 $0x70, s13;
	v13 =	vpsel !p0, $0x0, v14  }
0x117: {  	s20 =	sand.u32 $0x3FFFFE00, s20;
	s19 =	sshll.u32 s17, $0x7;
	s17 =	sadd.s32 $0x1, s17;
	v12 =	vadd.f32 v13, v12  }
0x118: {  	s13 =	sand.u32 $0x3FFFFC00, s19;
	s5 =	sor.u32 s5, s20  }
0x119: {  	s13 =	sor.u32 s18, s13;
	[tilespmem:s5+$0x10D80] =	vst v12  }
0x11a: {  	v12 =	vld [tilespmem:s13+$0x2D00];
	_ =	sdelay $0x1  }
0x11b: {  	v13 =	vld [tilespmem:s13+$0x2D80];
	_ =	sdelay $0x1  }
0x11c: {  	s17 =	sld [smem:$0x7F8];
	v14 =	vld [tilespmem:s13+$0x2E00]  }
0x11d: {  	s19 =	sld [smem:$0x7F9];
	v4 =	vmul.f32 v12, v4  }
0x11e: {  	v12 =	vld [tilespmem:s13+$0x2E80]  }
0x11f: {  	s20 =	sld [smem:$0x7FA];
	v5 =	vmul.f32 v13, v5;
	v4 =	vadd.f32 $0.0e+00, v4  }
0x120: {  	p1 =	seq.s32 s17, $0x1;
	p2 =	seq.s32 s19, $0x1;
	v13 =	vld [tilespmem:s13+$0x2F00]  }
0x121: {  	v6 =	vmul.f32 v14, v6;
	v5 =	vpsel !p2, $0x0, v5;
	v4 =	vpsel !p1, $0x0, v4  }
0x122: {  	p2 =	seq.s32 s20, $0x1;
	v4 =	vadd.f32 v5, v4;
	v5 =	vld [tilespmem:s13+$0x2F80]  }
0x123: {  	v6 =	vpsel !p2, $0x0, v6;
	v7 =	vmul.f32 v12, v7  }
0x124: {  	v4 =	vadd.f32 v6, v4;
	v6 =	vld [tilespmem:s13+$0x3000]  }
0x125: {  	v8 =	vmul.f32 v13, v8;
	v7 =	vpsel !p3, $0x0, v7  }
0x126: {  	v4 =	vadd.f32 v7, v4;
	v7 =	vld [tilespmem:s13+$0x3080]  }
0x127: {  	v8 =	vpsel !p4, $0x0, v8;
	v5 =	vmul.f32 v5, v9  }
0x128: {  	v4 =	vadd.f32 v8, v4  }
0x129: {  	v5 =	vpsel !p5, $0x0, v5;
	v6 =	vmul.f32 v6, v10  }
0x12a: {  	v4 =	vadd.f32 v5, v4  }
0x12b: {  	v5 =	vpsel !p6, $0x0, v6;
	v6 =	vmul.f32 v7, v11  }
0x12c: {  	v4 =	vadd.f32 v5, v4  }
0x12d: {  	s13 =	sshll.u32 s7, $0x6;
	v5 =	vpsel !p0, $0x0, v6  }
0x12e: {  	s5 =	sand.u32 $0x3FFFFE00, s13;
	v4 =	vadd.f32 v5, v4  }
0x12f: {  	s5 =	sor.u32 s18, s5  }
0x130: {  	[tilespmem:s5+$0x10D80] =	vst v4  }
0x131: {  	v4 =	vld [tilespmem:s16+$0x410]  }
0x132: {  	v5 =	vld [tilespmem:s16+$0x411];
	_ =	sdelay $0x1  }
0x133: {  	v6 =	vld [tilespmem:s16+$0x412];
	_ =	sdelay $0x1  }
0x134: {  	(v2sf) =	vpush v4, $0x0;
	v4 =	vld [tilespmem:s16+$0x413]  }
0x135: {  	(v2sf) =	vpush v5, $0x0  }
0x136: {  	v5 =	vld [tilespmem:s16+$0x414]  }
0x137: {  	(v2sf) =	vpush v6, $0x0  }
0x138: {  	v6 =	vld [tilespmem:s16+$0x415]  }
0x139: {  	s17 =	simm.s32 $0x0;
	s18 =	simm.s32 $0x0;
	(v2sf) =	vpush v4, $0x0  }
0x13a: {  	s7 =	sand.u32 $0x3FFFFC00, s18;
	s5 =	sand.u32 $0x70, s17;
	v7 =	vld [tilespmem:s16+$0x416]  }
0x13b: {  	v8 =	vld [tilespmem:s16+$0x417];
	s7 =	sor.u32 s5, s7;
	(v2sf) =	vpush v5, $0x0  }
0x13c: {  	s19 =	sor.u32 $0x10, s16;
	v9 =	vld [tilespmem:s7+$0x4D00]  }
0x13d: {  	v4 =	vld.msk [tilespmem:s19+$0x0 ss:$0x0], $0xffff;
	(v2sf) =	vpush v6, $0x0  }
0x13e: {  	s20 =	sor.u32 $0x11, s16;
	v10 =	vld [tilespmem:s7+$0x4D80]  }
0x13f: {  	v5 =	vld.msk [tilespmem:s20+$0x0 ss:$0x0], $0xffff;
	(v2sf) =	vpush v7, $0x0  }
0x140: {  	s17 =	sor.u32 $0x12, s16;
	v11 =	vld [tilespmem:s7+$0x4E00]  }
0x141: {  	v6 =	vld.msk [tilespmem:s17+$0x0 ss:$0x0], $0xffff;
	(v2sf) =	vpush v8, $0x0  }
0x142: {  	s18 =	sor.u32 $0x13, s16;
	v12 =	vld [tilespmem:s7+$0x4E80];
	v9 =	vmul.f32 v9, v4  }
0x143: {  	v7 =	vld.msk [tilespmem:s18+$0x0 ss:$0x0], $0xffff;
	s19 =	spop (v2sf)  }
0x144: {  	v14 =	vld [tilespmem:s7+$0x4F00];
	s17 =	sor.u32 $0x14, s16;
	v10 =	vmul.f32 v10, v5;
	v13 =	vadd.f32 $0.0e+00, v9;
	s20 =	spop (v2sf)  }
0x145: {  	v8 =	vld.msk [tilespmem:s17+$0x0 ss:$0x0], $0xffff;
	p0 =	sne.s32 s19, $0x0;
	p1 =	sne.s32 s20, $0x0  }
0x146: {  	v15 =	vld [tilespmem:s7+$0x4F80];
	v11 =	vmul.f32 v11, v6;
	s19 =	sor.u32 $0x15, s16;
	s20 =	spop (v2sf);
	s13 =	simm.s32 @!p0 $0x0;
	v13 =	vpsel !p0, $0x0, v13;
	v10 =	vpsel !p1, $0x0, v10  }
0x147: {  	v9 =	vld.msk [tilespmem:s19+$0x0 ss:$0x0], $0xffff;
	s13 =	simm.s32 @p0 $0x1;
	p0 =	sne.s32 s20, $0x0;
	v13 =	vadd.f32 v10, v13  }
0x148: {  	v16 =	vld [tilespmem:s7+$0x5000];
	s17 =	sor.u32 $0x16, s16;
	v12 =	vmul.f32 v12, v7;
	v11 =	vpsel !p0, $0x0, v11;
	s18 =	spop (v2sf)  }
0x149: {  	s19 =	sor.u32 $0x17, s16;
	v10 =	vld.msk [tilespmem:s17+$0x0 ss:$0x0], $0xffff;
	p6 =	sne.s32 s18, $0x0;
	v13 =	vadd.f32 v11, v13  }
0x14a: {  	v14 =	vmul.f32 v14, v8;
	s20 =	spop (v2sf);
	v11 =	vld.msk [tilespmem:s19+$0x0 ss:$0x0], $0xffff;
	v12 =	vpsel !p6, $0x0, v12  }
0x14b: {  	p4 =	sne.s32 s20, $0x0;
	v12 =	vadd.f32 v12, v13;
	v13 =	vld [tilespmem:s7+$0x5080]  }
0x14c: {  	[smem:$0x7F5] =	sst s13;
	s13 =	simm.s32 @!p1 $0x0;
	s18 =	spop (v2sf);
	v15 =	vmul.f32 v15, v9;
	v14 =	vpsel !p4, $0x0, v14  }
0x14d: {  	s13 =	simm.s32 @p1 $0x1;
	p5 =	sne.s32 s18, $0x0;
	v12 =	vadd.f32 v14, v12  }
0x14e: {  	[smem:$0x7F6] =	sst s13;
	s19 =	spop (v2sf);
	v14 =	vpsel !p5, $0x0, v15;
	v15 =	vmul.f32 v16, v10  }
0x14f: {  	s13 =	simm.s32 @!p0 $0x0;
	p3 =	por p6, p6;
	p6 =	sne.s32 s19, $0x0;
	v12 =	vadd.f32 v14, v12  }
0x150: {  	s13 =	simm.s32 @p0 $0x1;
	s20 =	spop (v2sf);
	v14 =	vpsel !p6, $0x0, v15;
	v13 =	vmul.f32 v13, v11  }
0x151: {  	s17 =	simm.s32 $0x2;
	[smem:$0x7F7] =	sst s13;
	p0 =	sne.s32 s20, $0x0;
	v12 =	vadd.f32 v14, v12  }
0x152: {  	s7 =	simm.s32 $0x1;
	s13 =	simm.s32 $0x10;
	s20 =	simm.s32 $0x0;
	v13 =	vpsel !p0, $0x0, v13  }
0x153: {  	s19 =	simm.s32 $0x80;
	s18 =	sand.u32 $0x70, s13;
	s20 =	sand.u32 $0x3FFFFE00, s20;
	v12 =	vadd.f32 v13, v12  }
.LBB2_7:
0x154: {  	s19 =	sand.u32 $0x3FFFFC00, s19;
	s5 =	sor.u32 s5, s20  }
0x155: {  	s19 =	sor.u32 s18, s19;
	[tilespmem:s5+$0x10E00] =	vst v12  }
0x156: {  	v12 =	vld [tilespmem:s19+$0x4D00];
	_ =	sdelay $0x2  }
0x157: {  	s20 =	sld [smem:$0x7F5]  }
0x158: {  	v13 =	vld [tilespmem:s19+$0x4D80]  }
0x159: {  	v12 =	vmul.f32 v12, v4  }
0x15a: {  	v14 =	vld [tilespmem:s19+$0x4E00];
	p2 =	seq.s32 s20, $0x1;
	s20 =	sld [smem:$0x7F6]  }
0x15b: {  	v12 =	vadd.f32 $0.0e+00, v12  }
0x15c: {  	v15 =	vld [tilespmem:s19+$0x4E80]  }
0x15d: {  	v13 =	vmul.f32 v13, v5;
	v12 =	vpsel !p2, $0x0, v12;
	p2 =	seq.s32 s20, $0x1;
	s20 =	sld [smem:$0x7F7]  }
0x15e: {  	v16 =	vld [tilespmem:s19+$0x4F00]  }
0x15f: {  	v14 =	vmul.f32 v14, v6;
	v13 =	vpsel !p2, $0x0, v13  }
0x160: {  	v12 =	vadd.f32 v13, v12;
	v13 =	vld [tilespmem:s19+$0x4F80];
	p2 =	seq.s32 s20, $0x1  }
0x161: {  	v15 =	vmul.f32 v15, v7;
	v14 =	vpsel !p2, $0x0, v14  }
0x162: {  	v12 =	vadd.f32 v14, v12;
	v14 =	vld [tilespmem:s19+$0x5000]  }
0x163: {  	v16 =	vmul.f32 v16, v8;
	v15 =	vpsel !p3, $0x0, v15  }
0x164: {  	v12 =	vadd.f32 v15, v12;
	v15 =	vld [tilespmem:s19+$0x5080]  }
0x165: {  	v16 =	vpsel !p4, $0x0, v16;
	v13 =	vmul.f32 v13, v9  }
0x166: {  	v12 =	vadd.f32 v16, v12  }
0x167: {  	p1 =	sne.s32 s17, $0x3F;
	v13 =	vpsel !p5, $0x0, v13;
	v14 =	vmul.f32 v14, v10  }
.Ltmp2:
0x168: {  	v12 =	vadd.f32 v13, v12;
	(pc) =	sbr.rel @p1 .LBB2_7-.Ltmp2, $4  }
0x169: {  	v13 =	vpsel !p6, $0x0, v14;
	v14 =	vmul.f32 v15, v11  }
0x16a: {  	s13 =	sadd.s32 $0x10, s13;
	s5 =	smov.u32 s18;
	s18 =	smov.u32 s7;
	v12 =	vadd.f32 v13, v12  }
0x16b: {  	s7 =	smov.u32 s17;
	s20 =	sshll.u32 s18, $0x6;
	s18 =	sand.u32 $0x70, s13;
	v13 =	vpsel !p0, $0x0, v14  }
0x16c: {  	s20 =	sand.u32 $0x3FFFFE00, s20;
	s19 =	sshll.u32 s17, $0x7;
	s17 =	sadd.s32 $0x1, s17;
	v12 =	vadd.f32 v13, v12  }
0x16d: {  	s13 =	sand.u32 $0x3FFFFC00, s19;
	s5 =	sor.u32 s5, s20  }
0x16e: {  	s13 =	sor.u32 s18, s13;
	[tilespmem:s5+$0x10E00] =	vst v12  }
0x16f: {  	v12 =	vld [tilespmem:s13+$0x4D00];
	_ =	sdelay $0x1  }
0x170: {  	v13 =	vld [tilespmem:s13+$0x4D80];
	_ =	sdelay $0x1  }
0x171: {  	s17 =	sld [smem:$0x7F5];
	v14 =	vld [tilespmem:s13+$0x4E00]  }
0x172: {  	s19 =	sld [smem:$0x7F6];
	v4 =	vmul.f32 v12, v4  }
0x173: {  	v12 =	vld [tilespmem:s13+$0x4E80]  }
0x174: {  	s20 =	sld [smem:$0x7F7];
	v5 =	vmul.f32 v13, v5;
	v4 =	vadd.f32 $0.0e+00, v4  }
0x175: {  	p1 =	seq.s32 s17, $0x1;
	p2 =	seq.s32 s19, $0x1;
	v13 =	vld [tilespmem:s13+$0x4F00]  }
0x176: {  	v6 =	vmul.f32 v14, v6;
	v5 =	vpsel !p2, $0x0, v5;
	v4 =	vpsel !p1, $0x0, v4  }
0x177: {  	p2 =	seq.s32 s20, $0x1;
	v4 =	vadd.f32 v5, v4;
	v5 =	vld [tilespmem:s13+$0x4F80]  }
0x178: {  	v6 =	vpsel !p2, $0x0, v6;
	v7 =	vmul.f32 v12, v7  }
0x179: {  	v4 =	vadd.f32 v6, v4;
	v6 =	vld [tilespmem:s13+$0x5000]  }
0x17a: {  	v8 =	vmul.f32 v13, v8;
	v7 =	vpsel !p3, $0x0, v7  }
0x17b: {  	v4 =	vadd.f32 v7, v4;
	v7 =	vld [tilespmem:s13+$0x5080]  }
0x17c: {  	v8 =	vpsel !p4, $0x0, v8;
	v5 =	vmul.f32 v5, v9  }
0x17d: {  	v4 =	vadd.f32 v8, v4  }
0x17e: {  	v5 =	vpsel !p5, $0x0, v5;
	v6 =	vmul.f32 v6, v10  }
0x17f: {  	v4 =	vadd.f32 v5, v4  }
0x180: {  	v5 =	vpsel !p6, $0x0, v6;
	v6 =	vmul.f32 v7, v11  }
0x181: {  	v4 =	vadd.f32 v5, v4  }
0x182: {  	s13 =	sshll.u32 s7, $0x6;
	v5 =	vpsel !p0, $0x0, v6  }
0x183: {  	s5 =	sand.u32 $0x3FFFFE00, s13;
	v4 =	vadd.f32 v5, v4  }
0x184: {  	s5 =	sor.u32 s18, s5  }
0x185: {  	[tilespmem:s5+$0x10E00] =	vst v4  }
0x186: {  	v4 =	vld [tilespmem:s16+$0x418]  }
0x187: {  	v5 =	vld [tilespmem:s16+$0x419];
	_ =	sdelay $0x1  }
0x188: {  	v6 =	vld [tilespmem:s16+$0x41A];
	_ =	sdelay $0x1  }
0x189: {  	(v2sf) =	vpush v4, $0x0;
	v4 =	vld [tilespmem:s16+$0x41B]  }
0x18a: {  	(v2sf) =	vpush v5, $0x0  }
0x18b: {  	v5 =	vld [tilespmem:s16+$0x41C]  }
0x18c: {  	(v2sf) =	vpush v6, $0x0  }
0x18d: {  	v6 =	vld [tilespmem:s16+$0x41D]  }
0x18e: {  	s17 =	simm.s32 $0x0;
	s18 =	simm.s32 $0x0;
	(v2sf) =	vpush v4, $0x0  }
0x18f: {  	s7 =	sand.u32 $0x3FFFFC00, s18;
	s5 =	sand.u32 $0x70, s17;
	v7 =	vld [tilespmem:s16+$0x41E]  }
0x190: {  	v8 =	vld [tilespmem:s16+$0x41F];
	s7 =	sor.u32 s5, s7;
	(v2sf) =	vpush v5, $0x0  }
0x191: {  	s19 =	sor.u32 $0x18, s16;
	v9 =	vld [tilespmem:s7+$0x6D00]  }
0x192: {  	v4 =	vld.msk [tilespmem:s19+$0x0 ss:$0x0], $0xffff;
	(v2sf) =	vpush v6, $0x0  }
0x193: {  	s20 =	sor.u32 $0x19, s16;
	v10 =	vld [tilespmem:s7+$0x6D80]  }
0x194: {  	v5 =	vld.msk [tilespmem:s20+$0x0 ss:$0x0], $0xffff;
	(v2sf) =	vpush v7, $0x0  }
0x195: {  	s17 =	sor.u32 $0x1A, s16;
	v11 =	vld [tilespmem:s7+$0x6E00]  }
0x196: {  	v6 =	vld.msk [tilespmem:s17+$0x0 ss:$0x0], $0xffff;
	(v2sf) =	vpush v8, $0x0  }
0x197: {  	s18 =	sor.u32 $0x1B, s16;
	v12 =	vld [tilespmem:s7+$0x6E80];
	v9 =	vmul.f32 v9, v4  }
0x198: {  	v7 =	vld.msk [tilespmem:s18+$0x0 ss:$0x0], $0xffff;
	s19 =	spop (v2sf)  }
0x199: {  	v14 =	vld [tilespmem:s7+$0x6F00];
	s17 =	sor.u32 $0x1C, s16;
	v10 =	vmul.f32 v10, v5;
	v13 =	vadd.f32 $0.0e+00, v9;
	s20 =	spop (v2sf)  }
0x19a: {  	v8 =	vld.msk [tilespmem:s17+$0x0 ss:$0x0], $0xffff;
	p0 =	sne.s32 s19, $0x0;
	p1 =	sne.s32 s20, $0x0  }
0x19b: {  	v15 =	vld [tilespmem:s7+$0x6F80];
	v11 =	vmul.f32 v11, v6;
	s19 =	sor.u32 $0x1D, s16;
	s20 =	spop (v2sf);
	s13 =	simm.s32 @!p0 $0x0;
	v13 =	vpsel !p0, $0x0, v13;
	v10 =	vpsel !p1, $0x0, v10  }
0x19c: {  	v9 =	vld.msk [tilespmem:s19+$0x0 ss:$0x0], $0xffff;
	s13 =	simm.s32 @p0 $0x1;
	p0 =	sne.s32 s20, $0x0;
	v13 =	vadd.f32 v10, v13  }
0x19d: {  	v16 =	vld [tilespmem:s7+$0x7000];
	s17 =	sor.u32 $0x1E, s16;
	v12 =	vmul.f32 v12, v7;
	v11 =	vpsel !p0, $0x0, v11;
	s18 =	spop (v2sf)  }
0x19e: {  	s19 =	sor.u32 $0x1F, s16;
	v10 =	vld.msk [tilespmem:s17+$0x0 ss:$0x0], $0xffff;
	p6 =	sne.s32 s18, $0x0;
	v13 =	vadd.f32 v11, v13  }
0x19f: {  	v14 =	vmul.f32 v14, v8;
	s20 =	spop (v2sf);
	v11 =	vld.msk [tilespmem:s19+$0x0 ss:$0x0], $0xffff;
	v12 =	vpsel !p6, $0x0, v12  }
0x1a0: {  	p4 =	sne.s32 s20, $0x0;
	v12 =	vadd.f32 v12, v13;
	v13 =	vld [tilespmem:s7+$0x7080]  }
0x1a1: {  	[smem:$0x7F2] =	sst s13;
	s13 =	simm.s32 @!p1 $0x0;
	s18 =	spop (v2sf);
	v15 =	vmul.f32 v15, v9;
	v14 =	vpsel !p4, $0x0, v14  }
0x1a2: {  	s13 =	simm.s32 @p1 $0x1;
	p5 =	sne.s32 s18, $0x0;
	v12 =	vadd.f32 v14, v12  }
0x1a3: {  	[smem:$0x7F3] =	sst s13;
	s19 =	spop (v2sf);
	v14 =	vpsel !p5, $0x0, v15;
	v15 =	vmul.f32 v16, v10  }
0x1a4: {  	s13 =	simm.s32 @!p0 $0x0;
	p3 =	por p6, p6;
	p6 =	sne.s32 s19, $0x0;
	v12 =	vadd.f32 v14, v12  }
0x1a5: {  	s13 =	simm.s32 @p0 $0x1;
	s20 =	spop (v2sf);
	v14 =	vpsel !p6, $0x0, v15;
	v13 =	vmul.f32 v13, v11  }
0x1a6: {  	s17 =	simm.s32 $0x2;
	[smem:$0x7F4] =	sst s13;
	p0 =	sne.s32 s20, $0x0;
	v12 =	vadd.f32 v14, v12  }
0x1a7: {  	s7 =	simm.s32 $0x1;
	s13 =	simm.s32 $0x10;
	s20 =	simm.s32 $0x0;
	v13 =	vpsel !p0, $0x0, v13  }
0x1a8: {  	s19 =	simm.s32 $0x80;
	s18 =	sand.u32 $0x70, s13;
	s20 =	sand.u32 $0x3FFFFE00, s20;
	v12 =	vadd.f32 v13, v12  }
.LBB2_9:
0x1a9: {  	s19 =	sand.u32 $0x3FFFFC00, s19;
	s5 =	sor.u32 s5, s20  }
0x1aa: {  	s19 =	sor.u32 s18, s19;
	[tilespmem:s5+$0x10E80] =	vst v12  }
0x1ab: {  	v12 =	vld [tilespmem:s19+$0x6D00];
	_ =	sdelay $0x2  }
0x1ac: {  	s20 =	sld [smem:$0x7F2]  }
0x1ad: {  	v13 =	vld [tilespmem:s19+$0x6D80]  }
0x1ae: {  	v12 =	vmul.f32 v12, v4  }
0x1af: {  	v14 =	vld [tilespmem:s19+$0x6E00];
	p2 =	seq.s32 s20, $0x1;
	s20 =	sld [smem:$0x7F3]  }
0x1b0: {  	v12 =	vadd.f32 $0.0e+00, v12  }
0x1b1: {  	v15 =	vld [tilespmem:s19+$0x6E80]  }
0x1b2: {  	v13 =	vmul.f32 v13, v5;
	v12 =	vpsel !p2, $0x0, v12;
	p2 =	seq.s32 s20, $0x1;
	s20 =	sld [smem:$0x7F4]  }
0x1b3: {  	v16 =	vld [tilespmem:s19+$0x6F00]  }
0x1b4: {  	v14 =	vmul.f32 v14, v6;
	v13 =	vpsel !p2, $0x0, v13  }
0x1b5: {  	v12 =	vadd.f32 v13, v12;
	v13 =	vld [tilespmem:s19+$0x6F80];
	p2 =	seq.s32 s20, $0x1  }
0x1b6: {  	v15 =	vmul.f32 v15, v7;
	v14 =	vpsel !p2, $0x0, v14  }
0x1b7: {  	v12 =	vadd.f32 v14, v12;
	v14 =	vld [tilespmem:s19+$0x7000]  }
0x1b8: {  	v16 =	vmul.f32 v16, v8;
	v15 =	vpsel !p3, $0x0, v15  }
0x1b9: {  	v12 =	vadd.f32 v15, v12;
	v15 =	vld [tilespmem:s19+$0x7080]  }
0x1ba: {  	v16 =	vpsel !p4, $0x0, v16;
	v13 =	vmul.f32 v13, v9  }
0x1bb: {  	v12 =	vadd.f32 v16, v12  }
0x1bc: {  	p1 =	sne.s32 s17, $0x3F;
	v13 =	vpsel !p5, $0x0, v13;
	v14 =	vmul.f32 v14, v10  }
.Ltmp3:
0x1bd: {  	v12 =	vadd.f32 v13, v12;
	(pc) =	sbr.rel @p1 .LBB2_9-.Ltmp3, $4  }
0x1be: {  	v13 =	vpsel !p6, $0x0, v14;
	v14 =	vmul.f32 v15, v11  }
0x1bf: {  	s13 =	sadd.s32 $0x10, s13;
	s5 =	smov.u32 s18;
	s18 =	smov.u32 s7;
	v12 =	vadd.f32 v13, v12  }
0x1c0: {  	s7 =	smov.u32 s17;
	s20 =	sshll.u32 s18, $0x6;
	s18 =	sand.u32 $0x70, s13;
	v13 =	vpsel !p0, $0x0, v14  }
0x1c1: {  	s20 =	sand.u32 $0x3FFFFE00, s20;
	s19 =	sshll.u32 s17, $0x7;
	s17 =	sadd.s32 $0x1, s17;
	v12 =	vadd.f32 v13, v12  }
0x1c2: {  	s13 =	sand.u32 $0x3FFFFC00, s19;
	s5 =	sor.u32 s5, s20  }
0x1c3: {  	s13 =	sor.u32 s18, s13;
	[tilespmem:s5+$0x10E80] =	vst v12  }
0x1c4: {  	v12 =	vld [tilespmem:s13+$0x6D00];
	_ =	sdelay $0x1  }
0x1c5: {  	v13 =	vld [tilespmem:s13+$0x6D80];
	_ =	sdelay $0x1  }
0x1c6: {  	s17 =	sld [smem:$0x7F2];
	v14 =	vld [tilespmem:s13+$0x6E00]  }
0x1c7: {  	s19 =	sld [smem:$0x7F3];
	v4 =	vmul.f32 v12, v4  }
0x1c8: {  	v59 =	vld [tilespmem:s13+$0x6E80]  }
0x1c9: {  	s20 =	sld [smem:$0x7F4];
	v5 =	vmul.f32 v13, v5;
	v4 =	vadd.f32 $0.0e+00, v4  }
0x1ca: {  	v60 =	vld [tilespmem:s13+$0x6F00];
	p1 =	seq.s32 s17, $0x1;
	p2 =	seq.s32 s19, $0x1  }
0x1cb: {  	v6 =	vmul.f32 v14, v6;
	v5 =	vpsel !p2, $0x0, v5;
	v4 =	vpsel !p1, $0x0, v4  }
0x1cc: {  	p2 =	seq.s32 s20, $0x1;
	v4 =	vadd.f32 v5, v4;
	v5 =	vld [tilespmem:s13+$0x6F80]  }
0x1cd: {  	v7 =	vmul.f32 v59, v7;
	v6 =	vpsel !p2, $0x0, v6  }
0x1ce: {  	v61 =	vld [tilespmem:s13+$0x7000];
	v4 =	vadd.f32 v6, v4  }
0x1cf: {  	v8 =	vmul.f32 v60, v8;
	v7 =	vpsel !p3, $0x0, v7  }
0x1d0: {  	v62 =	vld [tilespmem:s13+$0x7080];
	v4 =	vadd.f32 v7, v4  }
0x1d1: {  	v8 =	vpsel !p4, $0x0, v8;
	v5 =	vmul.f32 v5, v9  }
0x1d2: {  	v4 =	vadd.f32 v8, v4  }
0x1d3: {  	v6 =	vmul.f32 v61, v10;
	v5 =	vpsel !p5, $0x0, v5  }
0x1d4: {  	v4 =	vadd.f32 v5, v4  }
0x1d5: {  	v63 =	vmul.f32 v62, v11;
	v5 =	vpsel !p6, $0x0, v6  }
0x1d6: {  	v4 =	vadd.f32 v5, v4  }
0x1d7: {  	s13 =	sshll.u32 s7, $0x6;
	v5 =	vpsel !p0, $0x0, v63  }
0x1d8: {  	s17 =	sshll.u32 s2, $0xA;
	s20 =	rddreg [dreg:$0x1];
	s5 =	sand.u32 $0x3FFFFE00, s13;
	v4 =	vadd.f32 v5, v4  }
0x1d9: {  	s19 =	sor.u32 s18, s5;
	s5 =	sadd.s32 s11, s17;
	p0 =	seq.s32 s2, $0xF  }
.Ltmp4:
0x1da: {  	s7 =	sadd.s32 s20, s5;
	[tilespmem:s19+$0x10E80] =	vst v4;
	(pc) =	sbr.rel @p0 .LBB2_12-.Ltmp4, $4  }
0x1db: {  	[hbm4b:s7+s30] =	stream.strided.scatter [tilespmem:s31], [sflag:$0x4], $0x1000, s15, s30, $0x38;
	[tilespmem:$0x11D00] =	vst v63  }
0x1dc: {  	_ =	swait.ge [sflag:s0], $0x1000  }
0x1dd: {  	[sflag:s0] =	ssyncset.done $0x0  }
0x1de: {  	[sflag:s0] =	ssyncadd.s32 $0xFFFFF000  }
0x1df: {  	v4 =	vld [tilespmem:s16+$0x840];
	_ =	sdelay $0x4  }
0x1e0: {  	vm1 =	vlt.s32 v4, $0xFFF  }
0x1e1: {  	v4 =	vnsel vm1, $0xFFF, v4  }
0x1e2: {  	v5 =	vadd.s32 v1, v4  }
0x1e3: {  	[tilespmem:$0xC00] =	vst v5;
	v5 =	vshll.u32 v5, $0x3  }
0x1e4: {  	v4 =	vand.u32 $0x7, v4;
	v6 =	vld [tilespmem:s16+$0x850];
	v5 =	vand.u32 $0xFFFFFFC0, v5  }
0x1e5: {  	v4 =	vor.u32 v4, v5  }
0x1e6: {  	v5 =	vperm.xlane v4, v0;
	_ =	sdelay $0x1  }
0x1e7: {  	v5 =	vadd.s32 v2, v5  }
0x1e8: {  	vm1 =	vlt.s32 v6, $0xFFF  }
0x1e9: {  	v6 =	vnsel vm1, $0xFFF, v6  }
0x1ea: {  	v6 =	vadd.s32 v1, v6  }
0x1eb: {  	s7 =	simm.s32 $0xD00;
	[tilespmem:$0xC10] =	vst v6  }
0x1ec: {  	[tilespmem:s7], [sflag:$0x1] =	stream.indirect_vreg.gather [hbm4b:s4+s3], $0x80, v5, vm0, $0xb8;
	[tilespmem:$0x11D00] =	vst v63  }
0x1ed: {  	s13 =	simm.s32 $0x1500;
	v4 =	vperm.xlane v4, v3  }
0x1ee: {  	[tilespmem:s13], [sflag:$0x1] =	stream.indirect_vreg.gather [hbm4b:s8+s3], $0x80, v5, vm0, $0xb8;
	[tilespmem:$0x11D00] =	vst v63  }
0x1ef: {  	s17 =	simm.s32 $0x1D00;
	v4 =	vadd.s32 v2, v4  }
0x1f0: {  	[tilespmem:s17], [sflag:$0x1] =	stream.indirect_vreg.gather [hbm4b:s9+s3], $0x80, v5, vm0, $0xb8;
	[tilespmem:$0x11D00] =	vst v63  }
0x1f1: {  	s18 =	simm.s32 $0x2500  }
0x1f2: {  	[tilespmem:s18], [sflag:$0x1] =	stream.indirect_vreg.gather [hbm4b:s10+s3], $0x80, v5, vm0, $0xb8;
	[tilespmem:$0x11D00] =	vst v63  }
0x1f3: {  	s19 =	simm.s32 $0x2D00  }
0x1f4: {  	[tilespmem:s19], [sflag:$0x1] =	stream.indirect_vreg.gather [hbm4b:s4+s3], $0x80, v4, vm0, $0xb8;
	[tilespmem:$0x11D00] =	vst v63  }
0x1f5: {  	s20 =	simm.s32 $0x3500  }
0x1f6: {  	[tilespmem:s20], [sflag:$0x1] =	stream.indirect_vreg.gather [hbm4b:s8+s3], $0x80, v4, vm0, $0xb8;
	[tilespmem:$0x11D00] =	vst v63  }
0x1f7: {  	s13 =	simm.s32 $0x3D00  }
0x1f8: {  	[tilespmem:s13], [sflag:$0x1] =	stream.indirect_vreg.gather [hbm4b:s9+s3], $0x80, v4, vm0, $0xb8;
	[tilespmem:$0x11D00] =	vst v63  }
0x1f9: {  	s17 =	simm.s32 $0x4500  }
0x1fa: {  	[tilespmem:s17], [sflag:$0x1] =	stream.indirect_vreg.gather [hbm4b:s10+s3], $0x80, v4, vm0, $0xb8;
	[tilespmem:$0x11D00] =	vst v63  }
0x1fb: {  	v4 =	vld [tilespmem:$0xC10];
	_ =	sdelay $0x4  }
0x1fc: {  	v5 =	vshll.u32 v4, $0x3  }
0x1fd: {  	v4 =	vand.u32 $0x7, v4;
	v5 =	vand.u32 $0xFFFFFFC0, v5  }
0x1fe: {  	v4 =	vor.u32 v4, v5  }
0x1ff: {  	v5 =	vperm.xlane v4, v0;
	_ =	sdelay $0x1  }
0x200: {  	v5 =	vadd.s32 v2, v5;
	_ =	sdelay $0x3  }
0x201: {  	s18 =	simm.s32 $0x4D00  }
0x202: {  	[tilespmem:s18], [sflag:$0x1] =	stream.indirect_vreg.gather [hbm4b:s4+s3], $0x80, v5, vm0, $0xb8;
	[tilespmem:$0x11D00] =	vst v63  }
0x203: {  	s19 =	simm.s32 $0x5500;
	v4 =	vperm.xlane v4, v3  }
0x204: {  	[tilespmem:s19], [sflag:$0x1] =	stream.indirect_vreg.gather [hbm4b:s8+s3], $0x80, v5, vm0, $0xb8;
	[tilespmem:$0x11D00] =	vst v63  }
0x205: {  	s20 =	simm.s32 $0x5D00;
	v4 =	vadd.s32 v2, v4  }
0x206: {  	[tilespmem:s20], [sflag:$0x1] =	stream.indirect_vreg.gather [hbm4b:s9+s3], $0x80, v5, vm0, $0xb8;
	[tilespmem:$0x11D00] =	vst v63  }
0x207: {  	s13 =	simm.s32 $0x6500  }
0x208: {  	[tilespmem:s13], [sflag:$0x1] =	stream.indirect_vreg.gather [hbm4b:s10+s3], $0x80, v5, vm0, $0xb8;
	[tilespmem:$0x11D00] =	vst v63  }
0x209: {  	s17 =	simm.s32 $0x6D00  }
0x20a: {  	[tilespmem:s17], [sflag:$0x1] =	stream.indirect_vreg.gather [hbm4b:s4+s3], $0x80, v4, vm0, $0xb8;
	[tilespmem:$0x11D00] =	vst v63  }
0x20b: {  	s18 =	simm.s32 $0x7500  }
0x20c: {  	[tilespmem:s18], [sflag:$0x1] =	stream.indirect_vreg.gather [hbm4b:s8+s3], $0x80, v4, vm0, $0xb8;
	[tilespmem:$0x11D00] =	vst v63  }
0x20d: {  	s19 =	simm.s32 $0x7D00  }
0x20e: {  	[tilespmem:s19], [sflag:$0x1] =	stream.indirect_vreg.gather [hbm4b:s9+s3], $0x80, v4, vm0, $0xb8;
	[tilespmem:$0x11D00] =	vst v63  }
0x20f: {  	s20 =	simm.s32 $0x8500  }
0x210: {  	[tilespmem:s20], [sflag:$0x1] =	stream.indirect_vreg.gather [hbm4b:s10+s3], $0x80, v4, vm0, $0xb8;
	[tilespmem:$0x11D00] =	vst v63  }
.LBB2_12:
0x211: {  	_ =	swait.ge [sflag:s1], $0x8000  }
0x212: {  	[sflag:s1] =	ssyncset.done $0x0  }
0x213: {  	[sflag:s1] =	ssyncadd.s32 $0xFFFF8000  }
0x214: {  	v4 =	vld [tilespmem:s6+$0x400]  }
0x215: {  	v5 =	vld [tilespmem:s16+$0x421];
	_ =	sdelay $0x1  }
0x216: {  	v6 =	vld [tilespmem:s16+$0x422];
	_ =	sdelay $0x1  }
0x217: {  	(v2sf) =	vpush v4, $0x0;
	v4 =	vld [tilespmem:s16+$0x423]  }
0x218: {  	(v2sf) =	vpush v5, $0x0  }
0x219: {  	v5 =	vld [tilespmem:s16+$0x424]  }
0x21a: {  	(v2sf) =	vpush v6, $0x0  }
0x21b: {  	v6 =	vld [tilespmem:s16+$0x425]  }
0x21c: {  	(v2sf) =	vpush v4, $0x0  }
0x21d: {  	s7 =	simm.s32 $0x0;
	s13 =	simm.s32 $0x0;
	v7 =	vld [tilespmem:s16+$0x426]  }
0x21e: {  	s7 =	sand.u32 $0x70, s7;
	s13 =	sand.u32 $0x3FFFFC00, s13;
	v8 =	vld [tilespmem:s16+$0x427];
	(v2sf) =	vpush v5, $0x0  }
0x21f: {  	v4 =	vld.msk [tilespmem:s6+$0x0 ss:$0x0], $0xffff;
	s6 =	sor.u32 s7, s13  }
0x220: {  	s17 =	sor.u32 $0x21, s16;
	v9 =	vld [tilespmem:s6+$0x8D00];
	(v2sf) =	vpush v6, $0x0  }
0x221: {  	v5 =	vld.msk [tilespmem:s17+$0x0 ss:$0x0], $0xffff  }
0x222: {  	v10 =	vld [tilespmem:s6+$0x8D80];
	(v2sf) =	vpush v7, $0x0  }
0x223: {  	s18 =	sor.u32 $0x22, s16;
	v11 =	vld [tilespmem:s6+$0x8E00]  }
0x224: {  	v6 =	vld.msk [tilespmem:s18+$0x0 ss:$0x0], $0xffff;
	(v2sf) =	vpush v8, $0x0  }
0x225: {  	s19 =	sor.u32 $0x23, s16;
	v12 =	vld [tilespmem:s6+$0x8E80];
	v9 =	vmul.f32 v9, v4  }
0x226: {  	v7 =	vld.msk [tilespmem:s19+$0x0 ss:$0x0], $0xffff;
	s20 =	spop (v2sf)  }
0x227: {  	s17 =	sor.u32 $0x24, s16;
	v14 =	vld [tilespmem:s6+$0x8F00];
	v10 =	vmul.f32 v10, v5;
	v13 =	vadd.f32 $0.0e+00, v9;
	s18 =	spop (v2sf)  }
0x228: {  	v8 =	vld.msk [tilespmem:s17+$0x0 ss:$0x0], $0xffff;
	p0 =	sne.s32 s20, $0x0;
	p1 =	sne.s32 s18, $0x0  }
0x229: {  	v15 =	vld [tilespmem:s6+$0x8F80];
	s19 =	sor.u32 $0x25, s16;
	v11 =	vmul.f32 v11, v6;
	s20 =	spop (v2sf);
	s13 =	simm.s32 @!p0 $0x0;
	v13 =	vpsel !p0, $0x0, v13;
	v10 =	vpsel !p1, $0x0, v10  }
0x22a: {  	v9 =	vld.msk [tilespmem:s19+$0x0 ss:$0x0], $0xffff;
	s13 =	simm.s32 @p0 $0x1;
	p0 =	sne.s32 s20, $0x0;
	v13 =	vadd.f32 v10, v13  }
0x22b: {  	v16 =	vld [tilespmem:s6+$0x9000];
	s17 =	sor.u32 $0x26, s16;
	v12 =	vmul.f32 v12, v7;
	v11 =	vpsel !p0, $0x0, v11;
	s18 =	spop (v2sf)  }
0x22c: {  	s19 =	sor.u32 $0x27, s16;
	v10 =	vld.msk [tilespmem:s17+$0x0 ss:$0x0], $0xffff;
	p6 =	sne.s32 s18, $0x0;
	v13 =	vadd.f32 v11, v13  }
0x22d: {  	v14 =	vmul.f32 v14, v8;
	s20 =	spop (v2sf);
	v11 =	vld.msk [tilespmem:s19+$0x0 ss:$0x0], $0xffff;
	v12 =	vpsel !p6, $0x0, v12  }
0x22e: {  	p4 =	sne.s32 s20, $0x0;
	v12 =	vadd.f32 v12, v13;
	v13 =	vld [tilespmem:s6+$0x9080]  }
0x22f: {  	v15 =	vmul.f32 v15, v9;
	[smem:$0x7EF] =	sst s13;
	s13 =	simm.s32 @!p1 $0x0;
	s18 =	spop (v2sf);
	v14 =	vpsel !p4, $0x0, v14  }
0x230: {  	s13 =	simm.s32 @p1 $0x1;
	p5 =	sne.s32 s18, $0x0;
	v12 =	vadd.f32 v14, v12  }
0x231: {  	[smem:$0x7F0] =	sst s13;
	s19 =	spop (v2sf);
	v14 =	vpsel !p5, $0x0, v15;
	v15 =	vmul.f32 v16, v10  }
0x232: {  	s13 =	simm.s32 @!p0 $0x0;
	p3 =	por p6, p6;
	p6 =	sne.s32 s19, $0x0;
	v12 =	vadd.f32 v14, v12  }
0x233: {  	s13 =	simm.s32 @p0 $0x1;
	s20 =	spop (v2sf);
	v14 =	vpsel !p6, $0x0, v15;
	v13 =	vmul.f32 v13, v11  }
0x234: {  	s17 =	simm.s32 $0x2;
	[smem:$0x7F1] =	sst s13;
	p0 =	sne.s32 s20, $0x0;
	v12 =	vadd.f32 v14, v12  }
0x235: {  	s6 =	simm.s32 $0x1;
	s13 =	simm.s32 $0x10;
	s20 =	simm.s32 $0x0;
	v13 =	vpsel !p0, $0x0, v13  }
0x236: {  	s19 =	simm.s32 $0x80;
	s18 =	sand.u32 $0x70, s13;
	s20 =	sand.u32 $0x3FFFFE00, s20;
	v12 =	vadd.f32 v13, v12  }
.LBB2_13:
0x237: {  	s19 =	sand.u32 $0x3FFFFC00, s19;
	s7 =	sor.u32 s7, s20  }
0x238: {  	s19 =	sor.u32 s18, s19;
	[tilespmem:s7+$0x10D00] =	vst v12  }
0x239: {  	v12 =	vld [tilespmem:s19+$0x8D00];
	_ =	sdelay $0x2  }
0x23a: {  	s20 =	sld [smem:$0x7EF]  }
0x23b: {  	v13 =	vld [tilespmem:s19+$0x8D80]  }
0x23c: {  	v12 =	vmul.f32 v12, v4  }
0x23d: {  	v14 =	vld [tilespmem:s19+$0x8E00];
	p2 =	seq.s32 s20, $0x1;
	s20 =	sld [smem:$0x7F0]  }
0x23e: {  	v12 =	vadd.f32 $0.0e+00, v12  }
0x23f: {  	v15 =	vld [tilespmem:s19+$0x8E80]  }
0x240: {  	v13 =	vmul.f32 v13, v5;
	v12 =	vpsel !p2, $0x0, v12;
	p2 =	seq.s32 s20, $0x1;
	s20 =	sld [smem:$0x7F1]  }
0x241: {  	v16 =	vld [tilespmem:s19+$0x8F00]  }
0x242: {  	v14 =	vmul.f32 v14, v6;
	v13 =	vpsel !p2, $0x0, v13  }
0x243: {  	v12 =	vadd.f32 v13, v12;
	v13 =	vld [tilespmem:s19+$0x8F80];
	p2 =	seq.s32 s20, $0x1  }
0x244: {  	v15 =	vmul.f32 v15, v7;
	v14 =	vpsel !p2, $0x0, v14  }
0x245: {  	v12 =	vadd.f32 v14, v12;
	v14 =	vld [tilespmem:s19+$0x9000]  }
0x246: {  	v16 =	vmul.f32 v16, v8;
	v15 =	vpsel !p3, $0x0, v15  }
0x247: {  	v12 =	vadd.f32 v15, v12;
	v15 =	vld [tilespmem:s19+$0x9080]  }
0x248: {  	v16 =	vpsel !p4, $0x0, v16;
	v13 =	vmul.f32 v13, v9  }
0x249: {  	v12 =	vadd.f32 v16, v12  }
0x24a: {  	p1 =	sne.s32 s17, $0x3F;
	v13 =	vpsel !p5, $0x0, v13;
	v14 =	vmul.f32 v14, v10  }
.Ltmp5:
0x24b: {  	v12 =	vadd.f32 v13, v12;
	(pc) =	sbr.rel @p1 .LBB2_13-.Ltmp5, $4  }
0x24c: {  	v13 =	vpsel !p6, $0x0, v14;
	v14 =	vmul.f32 v15, v11  }
0x24d: {  	s13 =	sadd.s32 $0x10, s13;
	s7 =	smov.u32 s18;
	s18 =	smov.u32 s6;
	v12 =	vadd.f32 v13, v12  }
0x24e: {  	s6 =	smov.u32 s17;
	s20 =	sshll.u32 s18, $0x6;
	s18 =	sand.u32 $0x70, s13;
	v13 =	vpsel !p0, $0x0, v14  }
0x24f: {  	s20 =	sand.u32 $0x3FFFFE00, s20;
	s19 =	sshll.u32 s17, $0x7;
	s17 =	sadd.s32 $0x1, s17;
	v12 =	vadd.f32 v13, v12  }
0x250: {  	s13 =	sand.u32 $0x3FFFFC00, s19;
	s7 =	sor.u32 s7, s20  }
0x251: {  	s13 =	sor.u32 s18, s13;
	[tilespmem:s7+$0x10D00] =	vst v12  }
0x252: {  	v12 =	vld [tilespmem:s13+$0x8D00];
	_ =	sdelay $0x1  }
0x253: {  	v13 =	vld [tilespmem:s13+$0x8D80];
	_ =	sdelay $0x1  }
0x254: {  	s17 =	sld [smem:$0x7EF];
	v14 =	vld [tilespmem:s13+$0x8E00]  }
0x255: {  	s19 =	sld [smem:$0x7F0];
	v4 =	vmul.f32 v12, v4  }
0x256: {  	v12 =	vld [tilespmem:s13+$0x8E80]  }
0x257: {  	s20 =	sld [smem:$0x7F1];
	v5 =	vmul.f32 v13, v5;
	v4 =	vadd.f32 $0.0e+00, v4  }
0x258: {  	p1 =	seq.s32 s17, $0x1;
	p2 =	seq.s32 s19, $0x1;
	v13 =	vld [tilespmem:s13+$0x8F00]  }
0x259: {  	v6 =	vmul.f32 v14, v6;
	v5 =	vpsel !p2, $0x0, v5;
	v4 =	vpsel !p1, $0x0, v4  }
0x25a: {  	p2 =	seq.s32 s20, $0x1;
	v4 =	vadd.f32 v5, v4;
	v5 =	vld [tilespmem:s13+$0x8F80]  }
0x25b: {  	v6 =	vpsel !p2, $0x0, v6;
	v7 =	vmul.f32 v12, v7  }
0x25c: {  	v4 =	vadd.f32 v6, v4;
	v6 =	vld [tilespmem:s13+$0x9000]  }
0x25d: {  	v8 =	vmul.f32 v13, v8;
	v7 =	vpsel !p3, $0x0, v7  }
0x25e: {  	v4 =	vadd.f32 v7, v4;
	v7 =	vld [tilespmem:s13+$0x9080]  }
0x25f: {  	v8 =	vpsel !p4, $0x0, v8;
	v5 =	vmul.f32 v5, v9  }
0x260: {  	v4 =	vadd.f32 v8, v4  }
0x261: {  	v5 =	vpsel !p5, $0x0, v5;
	v6 =	vmul.f32 v6, v10  }
0x262: {  	v4 =	vadd.f32 v5, v4  }
0x263: {  	v5 =	vpsel !p6, $0x0, v6;
	v6 =	vmul.f32 v7, v11  }
0x264: {  	v4 =	vadd.f32 v5, v4  }
0x265: {  	s6 =	sshll.u32 s6, $0x6;
	v5 =	vpsel !p0, $0x0, v6  }
0x266: {  	s6 =	sand.u32 $0x3FFFFE00, s6;
	v4 =	vadd.f32 v5, v4  }
0x267: {  	s6 =	sor.u32 s18, s6  }
0x268: {  	[tilespmem:s6+$0x10D00] =	vst v4  }
0x269: {  	v4 =	vld [tilespmem:s16+$0x428]  }
0x26a: {  	v5 =	vld [tilespmem:s16+$0x429];
	_ =	sdelay $0x1  }
0x26b: {  	v6 =	vld [tilespmem:s16+$0x42A];
	_ =	sdelay $0x1  }
0x26c: {  	(v2sf) =	vpush v4, $0x0;
	v4 =	vld [tilespmem:s16+$0x42B]  }
0x26d: {  	(v2sf) =	vpush v5, $0x0  }
0x26e: {  	v5 =	vld [tilespmem:s16+$0x42C]  }
0x26f: {  	(v2sf) =	vpush v6, $0x0  }
0x270: {  	v6 =	vld [tilespmem:s16+$0x42D]  }
0x271: {  	s18 =	simm.s32 $0x0;
	s17 =	simm.s32 $0x0;
	(v2sf) =	vpush v4, $0x0  }
0x272: {  	s7 =	sand.u32 $0x3FFFFC00, s18;
	s6 =	sand.u32 $0x70, s17;
	v7 =	vld [tilespmem:s16+$0x42E]  }
0x273: {  	v8 =	vld [tilespmem:s16+$0x42F];
	s7 =	sor.u32 s6, s7;
	(v2sf) =	vpush v5, $0x0  }
0x274: {  	s19 =	sor.u32 $0x28, s16;
	v9 =	vld [tilespmem:s7+$0xAD00]  }
0x275: {  	v4 =	vld.msk [tilespmem:s19+$0x0 ss:$0x0], $0xffff;
	(v2sf) =	vpush v6, $0x0  }
0x276: {  	s20 =	sor.u32 $0x29, s16;
	v10 =	vld [tilespmem:s7+$0xAD80]  }
0x277: {  	v5 =	vld.msk [tilespmem:s20+$0x0 ss:$0x0], $0xffff;
	(v2sf) =	vpush v7, $0x0  }
0x278: {  	s17 =	sor.u32 $0x2A, s16;
	v11 =	vld [tilespmem:s7+$0xAE00]  }
0x279: {  	v6 =	vld.msk [tilespmem:s17+$0x0 ss:$0x0], $0xffff;
	(v2sf) =	vpush v8, $0x0  }
0x27a: {  	s18 =	sor.u32 $0x2B, s16;
	v12 =	vld [tilespmem:s7+$0xAE80];
	v9 =	vmul.f32 v9, v4  }
0x27b: {  	v7 =	vld.msk [tilespmem:s18+$0x0 ss:$0x0], $0xffff;
	s19 =	spop (v2sf)  }
0x27c: {  	v14 =	vld [tilespmem:s7+$0xAF00];
	s17 =	sor.u32 $0x2C, s16;
	v10 =	vmul.f32 v10, v5;
	v13 =	vadd.f32 $0.0e+00, v9;
	s20 =	spop (v2sf)  }
0x27d: {  	v8 =	vld.msk [tilespmem:s17+$0x0 ss:$0x0], $0xffff;
	p0 =	sne.s32 s19, $0x0;
	p1 =	sne.s32 s20, $0x0  }
0x27e: {  	v15 =	vld [tilespmem:s7+$0xAF80];
	v11 =	vmul.f32 v11, v6;
	s19 =	sor.u32 $0x2D, s16;
	s20 =	spop (v2sf);
	s13 =	simm.s32 @!p0 $0x0;
	v13 =	vpsel !p0, $0x0, v13;
	v10 =	vpsel !p1, $0x0, v10  }
0x27f: {  	v9 =	vld.msk [tilespmem:s19+$0x0 ss:$0x0], $0xffff;
	s13 =	simm.s32 @p0 $0x1;
	p0 =	sne.s32 s20, $0x0;
	v13 =	vadd.f32 v10, v13  }
0x280: {  	v16 =	vld [tilespmem:s7+$0xB000];
	s17 =	sor.u32 $0x2E, s16;
	v12 =	vmul.f32 v12, v7;
	v11 =	vpsel !p0, $0x0, v11;
	s18 =	spop (v2sf)  }
0x281: {  	s19 =	sor.u32 $0x2F, s16;
	v10 =	vld.msk [tilespmem:s17+$0x0 ss:$0x0], $0xffff;
	p6 =	sne.s32 s18, $0x0;
	v13 =	vadd.f32 v11, v13  }
0x282: {  	v14 =	vmul.f32 v14, v8;
	s20 =	spop (v2sf);
	v11 =	vld.msk [tilespmem:s19+$0x0 ss:$0x0], $0xffff;
	v12 =	vpsel !p6, $0x0, v12  }
0x283: {  	p4 =	sne.s32 s20, $0x0;
	v12 =	vadd.f32 v12, v13;
	v13 =	vld [tilespmem:s7+$0xB080]  }
0x284: {  	[smem:$0x7EC] =	sst s13;
	s13 =	simm.s32 @!p1 $0x0;
	s18 =	spop (v2sf);
	v15 =	vmul.f32 v15, v9;
	v14 =	vpsel !p4, $0x0, v14  }
0x285: {  	s13 =	simm.s32 @p1 $0x1;
	p5 =	sne.s32 s18, $0x0;
	v12 =	vadd.f32 v14, v12  }
0x286: {  	[smem:$0x7ED] =	sst s13;
	s19 =	spop (v2sf);
	v14 =	vpsel !p5, $0x0, v15;
	v15 =	vmul.f32 v16, v10  }
0x287: {  	s13 =	simm.s32 @!p0 $0x0;
	p3 =	por p6, p6;
	p6 =	sne.s32 s19, $0x0;
	v12 =	vadd.f32 v14, v12  }
0x288: {  	s13 =	simm.s32 @p0 $0x1;
	s20 =	spop (v2sf);
	v14 =	vpsel !p6, $0x0, v15;
	v13 =	vmul.f32 v13, v11  }
0x289: {  	s17 =	simm.s32 $0x2;
	[smem:$0x7EE] =	sst s13;
	p0 =	sne.s32 s20, $0x0;
	v12 =	vadd.f32 v14, v12  }
0x28a: {  	s7 =	simm.s32 $0x1;
	s13 =	simm.s32 $0x10;
	s20 =	simm.s32 $0x0;
	v13 =	vpsel !p0, $0x0, v13  }
0x28b: {  	s19 =	simm.s32 $0x80;
	s18 =	sand.u32 $0x70, s13;
	s20 =	sand.u32 $0x3FFFFE00, s20;
	v12 =	vadd.f32 v13, v12  }
.LBB2_15:
0x28c: {  	s19 =	sand.u32 $0x3FFFFC00, s19;
	s6 =	sor.u32 s6, s20  }
0x28d: {  	s19 =	sor.u32 s18, s19;
	[tilespmem:s6+$0x10D80] =	vst v12  }
0x28e: {  	v12 =	vld [tilespmem:s19+$0xAD00];
	_ =	sdelay $0x2  }
0x28f: {  	s20 =	sld [smem:$0x7EC]  }
0x290: {  	v13 =	vld [tilespmem:s19+$0xAD80]  }
0x291: {  	v12 =	vmul.f32 v12, v4  }
0x292: {  	v14 =	vld [tilespmem:s19+$0xAE00];
	p2 =	seq.s32 s20, $0x1;
	s20 =	sld [smem:$0x7ED]  }
0x293: {  	v12 =	vadd.f32 $0.0e+00, v12  }
0x294: {  	v15 =	vld [tilespmem:s19+$0xAE80]  }
0x295: {  	v13 =	vmul.f32 v13, v5;
	v12 =	vpsel !p2, $0x0, v12;
	p2 =	seq.s32 s20, $0x1;
	s20 =	sld [smem:$0x7EE]  }
0x296: {  	v16 =	vld [tilespmem:s19+$0xAF00]  }
0x297: {  	v14 =	vmul.f32 v14, v6;
	v13 =	vpsel !p2, $0x0, v13  }
0x298: {  	v12 =	vadd.f32 v13, v12;
	v13 =	vld [tilespmem:s19+$0xAF80];
	p2 =	seq.s32 s20, $0x1  }
0x299: {  	v15 =	vmul.f32 v15, v7;
	v14 =	vpsel !p2, $0x0, v14  }
0x29a: {  	v12 =	vadd.f32 v14, v12;
	v14 =	vld [tilespmem:s19+$0xB000]  }
0x29b: {  	v16 =	vmul.f32 v16, v8;
	v15 =	vpsel !p3, $0x0, v15  }
0x29c: {  	v12 =	vadd.f32 v15, v12;
	v15 =	vld [tilespmem:s19+$0xB080]  }
0x29d: {  	v16 =	vpsel !p4, $0x0, v16;
	v13 =	vmul.f32 v13, v9  }
0x29e: {  	v12 =	vadd.f32 v16, v12  }
0x29f: {  	p1 =	sne.s32 s17, $0x3F;
	v13 =	vpsel !p5, $0x0, v13;
	v14 =	vmul.f32 v14, v10  }
.Ltmp6:
0x2a0: {  	v12 =	vadd.f32 v13, v12;
	(pc) =	sbr.rel @p1 .LBB2_15-.Ltmp6, $4  }
0x2a1: {  	v13 =	vpsel !p6, $0x0, v14;
	v14 =	vmul.f32 v15, v11  }
0x2a2: {  	s13 =	sadd.s32 $0x10, s13;
	s6 =	smov.u32 s18;
	s18 =	smov.u32 s7;
	v12 =	vadd.f32 v13, v12  }
0x2a3: {  	s7 =	smov.u32 s17;
	s20 =	sshll.u32 s18, $0x6;
	s18 =	sand.u32 $0x70, s13;
	v13 =	vpsel !p0, $0x0, v14  }
0x2a4: {  	s20 =	sand.u32 $0x3FFFFE00, s20;
	s19 =	sshll.u32 s17, $0x7;
	s17 =	sadd.s32 $0x1, s17;
	v12 =	vadd.f32 v13, v12  }
0x2a5: {  	s13 =	sand.u32 $0x3FFFFC00, s19;
	s6 =	sor.u32 s6, s20  }
0x2a6: {  	s13 =	sor.u32 s18, s13;
	[tilespmem:s6+$0x10D80] =	vst v12  }
0x2a7: {  	v12 =	vld [tilespmem:s13+$0xAD00];
	_ =	sdelay $0x1  }
0x2a8: {  	v13 =	vld [tilespmem:s13+$0xAD80];
	_ =	sdelay $0x1  }
0x2a9: {  	s17 =	sld [smem:$0x7EC];
	v14 =	vld [tilespmem:s13+$0xAE00]  }
0x2aa: {  	s19 =	sld [smem:$0x7ED];
	v4 =	vmul.f32 v12, v4  }
0x2ab: {  	v12 =	vld [tilespmem:s13+$0xAE80]  }
0x2ac: {  	s20 =	sld [smem:$0x7EE];
	v5 =	vmul.f32 v13, v5;
	v4 =	vadd.f32 $0.0e+00, v4  }
0x2ad: {  	p1 =	seq.s32 s17, $0x1;
	p2 =	seq.s32 s19, $0x1;
	v13 =	vld [tilespmem:s13+$0xAF00]  }
0x2ae: {  	v6 =	vmul.f32 v14, v6;
	v5 =	vpsel !p2, $0x0, v5;
	v4 =	vpsel !p1, $0x0, v4  }
0x2af: {  	p2 =	seq.s32 s20, $0x1;
	v4 =	vadd.f32 v5, v4;
	v5 =	vld [tilespmem:s13+$0xAF80]  }
0x2b0: {  	v6 =	vpsel !p2, $0x0, v6;
	v7 =	vmul.f32 v12, v7  }
0x2b1: {  	v4 =	vadd.f32 v6, v4;
	v6 =	vld [tilespmem:s13+$0xB000]  }
0x2b2: {  	v8 =	vmul.f32 v13, v8;
	v7 =	vpsel !p3, $0x0, v7  }
0x2b3: {  	v4 =	vadd.f32 v7, v4;
	v7 =	vld [tilespmem:s13+$0xB080]  }
0x2b4: {  	v8 =	vpsel !p4, $0x0, v8;
	v5 =	vmul.f32 v5, v9  }
0x2b5: {  	v4 =	vadd.f32 v8, v4  }
0x2b6: {  	v5 =	vpsel !p5, $0x0, v5;
	v6 =	vmul.f32 v6, v10  }
0x2b7: {  	v4 =	vadd.f32 v5, v4  }
0x2b8: {  	v5 =	vpsel !p6, $0x0, v6;
	v6 =	vmul.f32 v7, v11  }
0x2b9: {  	v4 =	vadd.f32 v5, v4  }
0x2ba: {  	s13 =	sshll.u32 s7, $0x6;
	v5 =	vpsel !p0, $0x0, v6  }
0x2bb: {  	s6 =	sand.u32 $0x3FFFFE00, s13;
	v4 =	vadd.f32 v5, v4  }
0x2bc: {  	s6 =	sor.u32 s18, s6  }
0x2bd: {  	[tilespmem:s6+$0x10D80] =	vst v4  }
0x2be: {  	v4 =	vld [tilespmem:s16+$0x430]  }
0x2bf: {  	v5 =	vld [tilespmem:s16+$0x431];
	_ =	sdelay $0x1  }
0x2c0: {  	v6 =	vld [tilespmem:s16+$0x432];
	_ =	sdelay $0x1  }
0x2c1: {  	(v2sf) =	vpush v4, $0x0;
	v4 =	vld [tilespmem:s16+$0x433]  }
0x2c2: {  	(v2sf) =	vpush v5, $0x0  }
0x2c3: {  	v5 =	vld [tilespmem:s16+$0x434]  }
0x2c4: {  	(v2sf) =	vpush v6, $0x0  }
0x2c5: {  	v6 =	vld [tilespmem:s16+$0x435]  }
0x2c6: {  	s17 =	simm.s32 $0x0;
	s18 =	simm.s32 $0x0;
	(v2sf) =	vpush v4, $0x0  }
0x2c7: {  	s7 =	sand.u32 $0x3FFFFC00, s18;
	s6 =	sand.u32 $0x70, s17;
	v7 =	vld [tilespmem:s16+$0x436]  }
0x2c8: {  	v8 =	vld [tilespmem:s16+$0x437];
	s7 =	sor.u32 s6, s7;
	(v2sf) =	vpush v5, $0x0  }
0x2c9: {  	s19 =	sor.u32 $0x30, s16;
	v9 =	vld [tilespmem:s7+$0xCD00]  }
0x2ca: {  	v4 =	vld.msk [tilespmem:s19+$0x0 ss:$0x0], $0xffff;
	(v2sf) =	vpush v6, $0x0  }
0x2cb: {  	s20 =	sor.u32 $0x31, s16;
	v10 =	vld [tilespmem:s7+$0xCD80]  }
0x2cc: {  	v5 =	vld.msk [tilespmem:s20+$0x0 ss:$0x0], $0xffff;
	(v2sf) =	vpush v7, $0x0  }
0x2cd: {  	s17 =	sor.u32 $0x32, s16;
	v11 =	vld [tilespmem:s7+$0xCE00]  }
0x2ce: {  	v6 =	vld.msk [tilespmem:s17+$0x0 ss:$0x0], $0xffff;
	(v2sf) =	vpush v8, $0x0  }
0x2cf: {  	s18 =	sor.u32 $0x33, s16;
	v12 =	vld [tilespmem:s7+$0xCE80];
	v9 =	vmul.f32 v9, v4  }
0x2d0: {  	v7 =	vld.msk [tilespmem:s18+$0x0 ss:$0x0], $0xffff;
	s19 =	spop (v2sf)  }
0x2d1: {  	v14 =	vld [tilespmem:s7+$0xCF00];
	s17 =	sor.u32 $0x34, s16;
	v10 =	vmul.f32 v10, v5;
	v13 =	vadd.f32 $0.0e+00, v9;
	s20 =	spop (v2sf)  }
0x2d2: {  	v8 =	vld.msk [tilespmem:s17+$0x0 ss:$0x0], $0xffff;
	p0 =	sne.s32 s19, $0x0;
	p1 =	sne.s32 s20, $0x0  }
0x2d3: {  	v15 =	vld [tilespmem:s7+$0xCF80];
	v11 =	vmul.f32 v11, v6;
	s19 =	sor.u32 $0x35, s16;
	s20 =	spop (v2sf);
	s13 =	simm.s32 @!p0 $0x0;
	v13 =	vpsel !p0, $0x0, v13;
	v10 =	vpsel !p1, $0x0, v10  }
0x2d4: {  	v9 =	vld.msk [tilespmem:s19+$0x0 ss:$0x0], $0xffff;
	s13 =	simm.s32 @p0 $0x1;
	p0 =	sne.s32 s20, $0x0;
	v13 =	vadd.f32 v10, v13  }
0x2d5: {  	v16 =	vld [tilespmem:s7+$0xD000];
	s17 =	sor.u32 $0x36, s16;
	v12 =	vmul.f32 v12, v7;
	v11 =	vpsel !p0, $0x0, v11;
	s18 =	spop (v2sf)  }
0x2d6: {  	s19 =	sor.u32 $0x37, s16;
	v10 =	vld.msk [tilespmem:s17+$0x0 ss:$0x0], $0xffff;
	p6 =	sne.s32 s18, $0x0;
	v13 =	vadd.f32 v11, v13  }
0x2d7: {  	v14 =	vmul.f32 v14, v8;
	s20 =	spop (v2sf);
	v11 =	vld.msk [tilespmem:s19+$0x0 ss:$0x0], $0xffff;
	v12 =	vpsel !p6, $0x0, v12  }
0x2d8: {  	p4 =	sne.s32 s20, $0x0;
	v12 =	vadd.f32 v12, v13;
	v13 =	vld [tilespmem:s7+$0xD080]  }
0x2d9: {  	[smem:$0x7E9] =	sst s13;
	s13 =	simm.s32 @!p1 $0x0;
	s18 =	spop (v2sf);
	v15 =	vmul.f32 v15, v9;
	v14 =	vpsel !p4, $0x0, v14  }
0x2da: {  	s13 =	simm.s32 @p1 $0x1;
	p5 =	sne.s32 s18, $0x0;
	v12 =	vadd.f32 v14, v12  }
0x2db: {  	[smem:$0x7EA] =	sst s13;
	s19 =	spop (v2sf);
	v14 =	vpsel !p5, $0x0, v15;
	v15 =	vmul.f32 v16, v10  }
0x2dc: {  	s13 =	simm.s32 @!p0 $0x0;
	p3 =	por p6, p6;
	p6 =	sne.s32 s19, $0x0;
	v12 =	vadd.f32 v14, v12  }
0x2dd: {  	s13 =	simm.s32 @p0 $0x1;
	s20 =	spop (v2sf);
	v14 =	vpsel !p6, $0x0, v15;
	v13 =	vmul.f32 v13, v11  }
0x2de: {  	s17 =	simm.s32 $0x2;
	[smem:$0x7EB] =	sst s13;
	p0 =	sne.s32 s20, $0x0;
	v12 =	vadd.f32 v14, v12  }
0x2df: {  	s7 =	simm.s32 $0x1;
	s13 =	simm.s32 $0x10;
	s20 =	simm.s32 $0x0;
	v13 =	vpsel !p0, $0x0, v13  }
0x2e0: {  	s19 =	simm.s32 $0x80;
	s18 =	sand.u32 $0x70, s13;
	s20 =	sand.u32 $0x3FFFFE00, s20;
	v12 =	vadd.f32 v13, v12  }
.LBB2_17:
0x2e1: {  	s19 =	sand.u32 $0x3FFFFC00, s19;
	s6 =	sor.u32 s6, s20  }
0x2e2: {  	s19 =	sor.u32 s18, s19;
	[tilespmem:s6+$0x10E00] =	vst v12  }
0x2e3: {  	v12 =	vld [tilespmem:s19+$0xCD00];
	_ =	sdelay $0x2  }
0x2e4: {  	s20 =	sld [smem:$0x7E9]  }
0x2e5: {  	v13 =	vld [tilespmem:s19+$0xCD80]  }
0x2e6: {  	v12 =	vmul.f32 v12, v4  }
0x2e7: {  	v14 =	vld [tilespmem:s19+$0xCE00];
	p2 =	seq.s32 s20, $0x1;
	s20 =	sld [smem:$0x7EA]  }
0x2e8: {  	v12 =	vadd.f32 $0.0e+00, v12  }
0x2e9: {  	v15 =	vld [tilespmem:s19+$0xCE80]  }
0x2ea: {  	v13 =	vmul.f32 v13, v5;
	v12 =	vpsel !p2, $0x0, v12;
	p2 =	seq.s32 s20, $0x1;
	s20 =	sld [smem:$0x7EB]  }
0x2eb: {  	v16 =	vld [tilespmem:s19+$0xCF00]  }
0x2ec: {  	v14 =	vmul.f32 v14, v6;
	v13 =	vpsel !p2, $0x0, v13  }
0x2ed: {  	v12 =	vadd.f32 v13, v12;
	v13 =	vld [tilespmem:s19+$0xCF80];
	p2 =	seq.s32 s20, $0x1  }
0x2ee: {  	v15 =	vmul.f32 v15, v7;
	v14 =	vpsel !p2, $0x0, v14  }
0x2ef: {  	v12 =	vadd.f32 v14, v12;
	v14 =	vld [tilespmem:s19+$0xD000]  }
0x2f0: {  	v16 =	vmul.f32 v16, v8;
	v15 =	vpsel !p3, $0x0, v15  }
0x2f1: {  	v12 =	vadd.f32 v15, v12;
	v15 =	vld [tilespmem:s19+$0xD080]  }
0x2f2: {  	v16 =	vpsel !p4, $0x0, v16;
	v13 =	vmul.f32 v13, v9  }
0x2f3: {  	v12 =	vadd.f32 v16, v12  }
0x2f4: {  	p1 =	sne.s32 s17, $0x3F;
	v13 =	vpsel !p5, $0x0, v13;
	v14 =	vmul.f32 v14, v10  }
.Ltmp7:
0x2f5: {  	v12 =	vadd.f32 v13, v12;
	(pc) =	sbr.rel @p1 .LBB2_17-.Ltmp7, $4  }
0x2f6: {  	v13 =	vpsel !p6, $0x0, v14;
	v14 =	vmul.f32 v15, v11  }
0x2f7: {  	s13 =	sadd.s32 $0x10, s13;
	s6 =	smov.u32 s18;
	s18 =	smov.u32 s7;
	v12 =	vadd.f32 v13, v12  }
0x2f8: {  	s7 =	smov.u32 s17;
	s20 =	sshll.u32 s18, $0x6;
	s18 =	sand.u32 $0x70, s13;
	v13 =	vpsel !p0, $0x0, v14  }
0x2f9: {  	s20 =	sand.u32 $0x3FFFFE00, s20;
	s19 =	sshll.u32 s17, $0x7;
	s17 =	sadd.s32 $0x1, s17;
	v12 =	vadd.f32 v13, v12  }
0x2fa: {  	s13 =	sand.u32 $0x3FFFFC00, s19;
	s6 =	sor.u32 s6, s20  }
0x2fb: {  	s13 =	sor.u32 s18, s13;
	[tilespmem:s6+$0x10E00] =	vst v12  }
0x2fc: {  	v12 =	vld [tilespmem:s13+$0xCD00];
	_ =	sdelay $0x1  }
0x2fd: {  	v13 =	vld [tilespmem:s13+$0xCD80];
	_ =	sdelay $0x1  }
0x2fe: {  	s17 =	sld [smem:$0x7E9];
	v14 =	vld [tilespmem:s13+$0xCE00]  }
0x2ff: {  	s19 =	sld [smem:$0x7EA];
	v4 =	vmul.f32 v12, v4  }
0x300: {  	v12 =	vld [tilespmem:s13+$0xCE80]  }
0x301: {  	s20 =	sld [smem:$0x7EB];
	v5 =	vmul.f32 v13, v5;
	v4 =	vadd.f32 $0.0e+00, v4  }
0x302: {  	p1 =	seq.s32 s17, $0x1;
	p2 =	seq.s32 s19, $0x1;
	v13 =	vld [tilespmem:s13+$0xCF00]  }
0x303: {  	v6 =	vmul.f32 v14, v6;
	v5 =	vpsel !p2, $0x0, v5;
	v4 =	vpsel !p1, $0x0, v4  }
0x304: {  	p2 =	seq.s32 s20, $0x1;
	v4 =	vadd.f32 v5, v4;
	v5 =	vld [tilespmem:s13+$0xCF80]  }
0x305: {  	v6 =	vpsel !p2, $0x0, v6;
	v7 =	vmul.f32 v12, v7  }
0x306: {  	v4 =	vadd.f32 v6, v4;
	v6 =	vld [tilespmem:s13+$0xD000]  }
0x307: {  	v8 =	vmul.f32 v13, v8;
	v7 =	vpsel !p3, $0x0, v7  }
0x308: {  	v4 =	vadd.f32 v7, v4;
	v7 =	vld [tilespmem:s13+$0xD080]  }
0x309: {  	v8 =	vpsel !p4, $0x0, v8;
	v5 =	vmul.f32 v5, v9  }
0x30a: {  	v4 =	vadd.f32 v8, v4  }
0x30b: {  	v5 =	vpsel !p5, $0x0, v5;
	v6 =	vmul.f32 v6, v10  }
0x30c: {  	v4 =	vadd.f32 v5, v4  }
0x30d: {  	v5 =	vpsel !p6, $0x0, v6;
	v6 =	vmul.f32 v7, v11  }
0x30e: {  	v4 =	vadd.f32 v5, v4  }
0x30f: {  	s13 =	sshll.u32 s7, $0x6;
	v5 =	vpsel !p0, $0x0, v6  }
0x310: {  	s6 =	sand.u32 $0x3FFFFE00, s13;
	v4 =	vadd.f32 v5, v4  }
0x311: {  	s6 =	sor.u32 s18, s6  }
0x312: {  	[tilespmem:s6+$0x10E00] =	vst v4  }
0x313: {  	v4 =	vld [tilespmem:s16+$0x438]  }
0x314: {  	v5 =	vld [tilespmem:s16+$0x439];
	_ =	sdelay $0x1  }
0x315: {  	v6 =	vld [tilespmem:s16+$0x43A];
	_ =	sdelay $0x1  }
0x316: {  	(v2sf) =	vpush v4, $0x0;
	v4 =	vld [tilespmem:s16+$0x43B]  }
0x317: {  	(v2sf) =	vpush v5, $0x0  }
0x318: {  	v5 =	vld [tilespmem:s16+$0x43C]  }
0x319: {  	(v2sf) =	vpush v6, $0x0  }
0x31a: {  	v6 =	vld [tilespmem:s16+$0x43D]  }
0x31b: {  	s17 =	simm.s32 $0x0;
	s18 =	simm.s32 $0x0;
	(v2sf) =	vpush v4, $0x0  }
0x31c: {  	s7 =	sand.u32 $0x3FFFFC00, s18;
	s6 =	sand.u32 $0x70, s17;
	v7 =	vld [tilespmem:s16+$0x43E]  }
0x31d: {  	v8 =	vld [tilespmem:s16+$0x43F];
	s7 =	sor.u32 s6, s7;
	(v2sf) =	vpush v5, $0x0  }
0x31e: {  	s19 =	sor.u32 $0x38, s16;
	v9 =	vld [tilespmem:s7+$0xED00]  }
0x31f: {  	v4 =	vld.msk [tilespmem:s19+$0x0 ss:$0x0], $0xffff;
	(v2sf) =	vpush v6, $0x0  }
0x320: {  	s20 =	sor.u32 $0x39, s16;
	v10 =	vld [tilespmem:s7+$0xED80]  }
0x321: {  	v5 =	vld.msk [tilespmem:s20+$0x0 ss:$0x0], $0xffff;
	(v2sf) =	vpush v7, $0x0  }
0x322: {  	s17 =	sor.u32 $0x3A, s16;
	v11 =	vld [tilespmem:s7+$0xEE00]  }
0x323: {  	v6 =	vld.msk [tilespmem:s17+$0x0 ss:$0x0], $0xffff;
	(v2sf) =	vpush v8, $0x0  }
0x324: {  	s18 =	sor.u32 $0x3B, s16;
	v12 =	vld [tilespmem:s7+$0xEE80];
	v9 =	vmul.f32 v9, v4  }
0x325: {  	v7 =	vld.msk [tilespmem:s18+$0x0 ss:$0x0], $0xffff;
	s19 =	spop (v2sf)  }
0x326: {  	v14 =	vld [tilespmem:s7+$0xEF00];
	s17 =	sor.u32 $0x3C, s16;
	v10 =	vmul.f32 v10, v5;
	v13 =	vadd.f32 $0.0e+00, v9;
	s20 =	spop (v2sf)  }
0x327: {  	v8 =	vld.msk [tilespmem:s17+$0x0 ss:$0x0], $0xffff;
	p0 =	sne.s32 s19, $0x0;
	p1 =	sne.s32 s20, $0x0  }
0x328: {  	v15 =	vld [tilespmem:s7+$0xEF80];
	v11 =	vmul.f32 v11, v6;
	s19 =	sor.u32 $0x3D, s16;
	s20 =	spop (v2sf);
	s13 =	simm.s32 @!p0 $0x0;
	v13 =	vpsel !p0, $0x0, v13;
	v10 =	vpsel !p1, $0x0, v10  }
0x329: {  	v9 =	vld.msk [tilespmem:s19+$0x0 ss:$0x0], $0xffff;
	s13 =	simm.s32 @p0 $0x1;
	p0 =	sne.s32 s20, $0x0;
	v13 =	vadd.f32 v10, v13  }
0x32a: {  	v16 =	vld [tilespmem:s7+$0xF000];
	s17 =	sor.u32 $0x3E, s16;
	v12 =	vmul.f32 v12, v7;
	v11 =	vpsel !p0, $0x0, v11;
	s18 =	spop (v2sf)  }
0x32b: {  	s19 =	sor.u32 $0x3F, s16;
	v10 =	vld.msk [tilespmem:s17+$0x0 ss:$0x0], $0xffff;
	p6 =	sne.s32 s18, $0x0;
	v13 =	vadd.f32 v11, v13  }
0x32c: {  	v14 =	vmul.f32 v14, v8;
	s20 =	spop (v2sf);
	v11 =	vld.msk [tilespmem:s19+$0x0 ss:$0x0], $0xffff;
	v12 =	vpsel !p6, $0x0, v12  }
0x32d: {  	p4 =	sne.s32 s20, $0x0;
	v12 =	vadd.f32 v12, v13;
	v13 =	vld [tilespmem:s7+$0xF080]  }
0x32e: {  	s17 =	spop (v2sf);
	v15 =	vmul.f32 v15, v9;
	v14 =	vpsel !p4, $0x0, v14  }
0x32f: {  	s16 =	simm.s32 $0x2;
	p5 =	sne.s32 s17, $0x0;
	v12 =	vadd.f32 v14, v12  }
0x330: {  	[smem:$0x7E6] =	sst s13;
	s13 =	simm.s32 @!p1 $0x0;
	s18 =	spop (v2sf);
	v14 =	vpsel !p5, $0x0, v15;
	v15 =	vmul.f32 v16, v10  }
0x331: {  	s13 =	simm.s32 @p1 $0x1;
	p3 =	por p6, p6;
	p6 =	sne.s32 s18, $0x0;
	v12 =	vadd.f32 v14, v12  }
0x332: {  	[smem:$0x7E7] =	sst s13;
	s13 =	simm.s32 @!p0 $0x0;
	s19 =	spop (v2sf);
	v14 =	vpsel !p6, $0x0, v15;
	v13 =	vmul.f32 v13, v11  }
0x333: {  	s13 =	simm.s32 @p0 $0x1;
	s20 =	simm.s32 $0x0;
	p0 =	sne.s32 s19, $0x0;
	v12 =	vadd.f32 v14, v12  }
0x334: {  	[smem:$0x7E8] =	sst s13;
	s7 =	simm.s32 $0x1;
	s13 =	simm.s32 $0x10;
	v13 =	vpsel !p0, $0x0, v13  }
0x335: {  	s18 =	simm.s32 $0x80;
	s17 =	sand.u32 $0x70, s13;
	s19 =	sand.u32 $0x3FFFFE00, s20;
	v12 =	vadd.f32 v13, v12  }
.LBB2_19:
0x336: {  	s18 =	sand.u32 $0x3FFFFC00, s18;
	s6 =	sor.u32 s6, s19  }
0x337: {  	s18 =	sor.u32 s17, s18;
	[tilespmem:s6+$0x10E80] =	vst v12  }
0x338: {  	v12 =	vld [tilespmem:s18+$0xED00];
	_ =	sdelay $0x2  }
0x339: {  	s20 =	sld [smem:$0x7E6]  }
0x33a: {  	v13 =	vld [tilespmem:s18+$0xED80]  }
0x33b: {  	v12 =	vmul.f32 v12, v4  }
0x33c: {  	v14 =	vld [tilespmem:s18+$0xEE00];
	p2 =	seq.s32 s20, $0x1;
	s20 =	sld [smem:$0x7E7]  }
0x33d: {  	v12 =	vadd.f32 $0.0e+00, v12  }
0x33e: {  	v15 =	vld [tilespmem:s18+$0xEE80]  }
0x33f: {  	v13 =	vmul.f32 v13, v5;
	v12 =	vpsel !p2, $0x0, v12;
	p2 =	seq.s32 s20, $0x1;
	s20 =	sld [smem:$0x7E8]  }
0x340: {  	v16 =	vld [tilespmem:s18+$0xEF00]  }
0x341: {  	v14 =	vmul.f32 v14, v6;
	v13 =	vpsel !p2, $0x0, v13  }
0x342: {  	v12 =	vadd.f32 v13, v12;
	v13 =	vld [tilespmem:s18+$0xEF80];
	p2 =	seq.s32 s20, $0x1  }
0x343: {  	v15 =	vmul.f32 v15, v7;
	v14 =	vpsel !p2, $0x0, v14  }
0x344: {  	v12 =	vadd.f32 v14, v12;
	v14 =	vld [tilespmem:s18+$0xF000]  }
0x345: {  	v16 =	vmul.f32 v16, v8;
	v15 =	vpsel !p3, $0x0, v15  }
0x346: {  	v12 =	vadd.f32 v15, v12;
	v15 =	vld [tilespmem:s18+$0xF080]  }
0x347: {  	v16 =	vpsel !p4, $0x0, v16;
	v13 =	vmul.f32 v13, v9  }
0x348: {  	v12 =	vadd.f32 v16, v12  }
0x349: {  	p1 =	sne.s32 s16, $0x3F;
	v13 =	vpsel !p5, $0x0, v13;
	v14 =	vmul.f32 v14, v10  }
.Ltmp8:
0x34a: {  	v12 =	vadd.f32 v13, v12;
	(pc) =	sbr.rel @p1 .LBB2_19-.Ltmp8, $4  }
0x34b: {  	v13 =	vpsel !p6, $0x0, v14;
	v14 =	vmul.f32 v15, v11  }
0x34c: {  	s13 =	sadd.s32 $0x10, s13;
	s6 =	smov.u32 s17;
	s17 =	smov.u32 s7;
	v12 =	vadd.f32 v13, v12  }
0x34d: {  	s7 =	smov.u32 s16;
	s20 =	sshll.u32 s17, $0x6;
	s17 =	sand.u32 $0x70, s13;
	v13 =	vpsel !p0, $0x0, v14  }
0x34e: {  	s19 =	sand.u32 $0x3FFFFE00, s20;
	s18 =	sshll.u32 s16, $0x7;
	s16 =	sadd.s32 $0x1, s16;
	v12 =	vadd.f32 v13, v12  }
0x34f: {  	s13 =	sand.u32 $0x3FFFFC00, s18;
	s6 =	sor.u32 s6, s19  }
0x350: {  	s13 =	sor.u32 s17, s13;
	[tilespmem:s6+$0x10E80] =	vst v12  }
0x351: {  	v12 =	vld [tilespmem:s13+$0xED00];
	_ =	sdelay $0x1  }
0x352: {  	v13 =	vld [tilespmem:s13+$0xED80];
	_ =	sdelay $0x1  }
0x353: {  	s16 =	sld [smem:$0x7E6];
	v14 =	vld [tilespmem:s13+$0xEE00]  }
0x354: {  	s18 =	sld [smem:$0x7E7];
	v4 =	vmul.f32 v12, v4  }
0x355: {  	v59 =	vld [tilespmem:s13+$0xEE80]  }
0x356: {  	s19 =	sld [smem:$0x7E8];
	v5 =	vmul.f32 v13, v5;
	v4 =	vadd.f32 $0.0e+00, v4  }
0x357: {  	v60 =	vld [tilespmem:s13+$0xEF00];
	p1 =	seq.s32 s16, $0x1;
	p2 =	seq.s32 s18, $0x1  }
0x358: {  	v6 =	vmul.f32 v14, v6;
	v5 =	vpsel !p2, $0x0, v5;
	v4 =	vpsel !p1, $0x0, v4  }
0x359: {  	p2 =	seq.s32 s19, $0x1;
	v4 =	vadd.f32 v5, v4;
	v5 =	vld [tilespmem:s13+$0xEF80]  }
0x35a: {  	v7 =	vmul.f32 v59, v7;
	v6 =	vpsel !p2, $0x0, v6  }
0x35b: {  	v61 =	vld [tilespmem:s13+$0xF000];
	v4 =	vadd.f32 v6, v4  }
0x35c: {  	v8 =	vmul.f32 v60, v8;
	v7 =	vpsel !p3, $0x0, v7  }
0x35d: {  	v62 =	vld [tilespmem:s13+$0xF080];
	v4 =	vadd.f32 v7, v4  }
0x35e: {  	v8 =	vpsel !p4, $0x0, v8;
	v5 =	vmul.f32 v5, v9  }
0x35f: {  	v4 =	vadd.f32 v8, v4  }
0x360: {  	v6 =	vmul.f32 v61, v10;
	v5 =	vpsel !p5, $0x0, v5  }
0x361: {  	v4 =	vadd.f32 v5, v4  }
0x362: {  	v63 =	vmul.f32 v62, v11;
	v5 =	vpsel !p6, $0x0, v6  }
0x363: {  	v4 =	vadd.f32 v5, v4  }
0x364: {  	s20 =	sshll.u32 s7, $0x6;
	v5 =	vpsel !p0, $0x0, v63  }
0x365: {  	s2 =	sadd.s32 $0x1, s2;
	s6 =	sand.u32 $0x3FFFFE00, s20;
	v4 =	vadd.f32 v5, v4  }
0x366: {  	s6 =	sor.u32 s17, s6;
	p0 =	sne.s32 s2, $0x10  }
.Ltmp9:
0x367: {  	s5 =	sadd.s32 s5, s12;
	[tilespmem:s6+$0x10E80] =	vst v4;
	(pc) =	sbr.rel @p0 .LBB2_2-.Ltmp9, $4  }
0x368: {  	[hbm4b:s5+s30] =	stream.strided.scatter [tilespmem:s31], [sflag:$0x3], $0x1000, s15, s30, $0x38;
	[tilespmem:$0x11D00] =	vst v63  }
0x369: {  	_ =	swait.ge [sflag:s14], $0x1000  }
0x36a: {  	[sflag:s14] =	ssyncset.done $0x0  }
0x36b: {  	[sflag:s14] =	ssyncadd.s32 $0xFFFFF000  }
0x36c: {  	s5 =	rddreg [dreg:$0x7]  }
0x36d: {  	s2 =	rddreg [dreg:$0x6];
	s5 =	sadd.s32 $0x1, s5  }
0x36e: {  	p0 =	sne.s32 s5, s2  }
.Ltmp10:
0x36f: {  	_ = 	snop;
	(pc) =	sbr.rel @p0 .LBB2_1-.Ltmp10, $1  }
0x370: {  	_ =	sdelay $0x3  }
0x371: {  	_ =	sfence.sel $0x180000  }
0x372: {  	[bflag:$0x0] =	sbarrier.arrive $0xFFFF  }
0x373: {  	_ =	strace $0x9000004A  }
0x374: {  	s0 =	stileid.u32;
	[bflag:$0x2] =	sbarrier.arrive $0xFFFF  }
0x375: {  	p0 =	sne.s32 s0, $0x0;
	s0 =	rddreg [dreg:$0x2]  }
0x376: {  	s0 =	sadd.s32 @!p0 $0x100000, s0  }
0x377: {  	[sflag:s0] =	ssyncadd.tile.s32 @!p0 $0x1;
	_ =	shalt  }
.Lfunc_end2:
_tile_overlayer_lowered:
.L_overlay_start_2:
0x378: {  	(tag) =	ssettag $0x2  }
0x379: {  	s0 =	rddreg [dreg:$0x0];
	s2 =	stileid.u32  }
0x37a: {  	s1 =	rddreg [dreg:$0x1];
	p0 =	sne.s32 s2, $0x0  }
0x37b: {  	s3 =	rddreg [dreg:$0x2];
	[bflag:$0x3] =	sbarrier.arrive $0xFFFF;
	s2 =	simm.s32 @!p0 $0x1C03  }
0x37c: {  	[timem:s3], [sflag:s2] =	dma.local @!p0 [hbm:s0], s1  }
0x37d: {  	s0 =	simm.s32 @!p0 $0x3  }
0x37e: {  	_ =	swait.ge @!p0 [sflag:s0], s1  }
0x37f: {  	s1 =	ssub.s32 @!p0 $0x0, s1;
	[sflag:s0] =	ssyncset.done @!p0 $0x0  }
0x380: {  	[sflag:s0] =	ssyncadd.s32 @!p0 s1  }
0x381: {  	[bflag:$0x3] =	sbarrier.arrive $0xFFFF  }
0x382: {  	_ =	shalt  }

</sc_bundles>
